<compile_context>
chip_gen: v7x
topology: tpu7x:2x2x1
jax: 0.10.2.dev20260603
libtpu: 0.0.44.dev20260713+nightly
codegen_flags: <defaults>
</compile_context>

<pallas_src>
import functools

import jax
import jax.numpy as jnp
from jax import lax
from jax.experimental import pallas as pl
from jax.experimental.pallas import tpu as pltpu
from jax.experimental.pallas import tpu_sc as plsc

N = 10000
NP = 10240
E = 160000
EP = 163840
D = 256
DO = 128
NBLK = NP // 256
DUMMY = NP
CHUNK = 128
NCHUNK = EP // (16 * CHUNK)
HALF = NP // 2
MACC = HALF + 128
MROWS = MACC // 16

_f32 = jnp.float32
_i32 = jnp.int32



def _rinv(deg_ref):
    deg = deg_ref[...][:, 0:1]
    return lax.rsqrt(jnp.maximum(deg, 1.0))


def _enc_body(x_ref, we_ref, be_ref, w1_ref, b1_ref, dego_ref, ix_ref, sup_ref):
    ix = jnp.maximum(
        jnp.dot(x_ref[...], we_ref[...], preferred_element_type=_f32) + be_ref[...],
        0.0)
    sup = (jnp.dot(ix, w1_ref[...], preferred_element_type=_f32) + b1_ref[...]) * _rinv(dego_ref)
    ix_ref[...] = ix
    sup_ref[...] = sup


def _gate_body(self_ref, alo_ref, ahi_ref, degi_ref,
               wga_ref, wgb_ref, bg_ref,
               w2_ref, b2_ref, dego_ref, self2_ref, sup2_ref):
    conv = jnp.concatenate(
        [jnp.reshape(alo_ref[...], (256, 128)),
         jnp.reshape(ahi_ref[...], (256, 128))],
        axis=1) * _rinv(degi_ref)
    s = self_ref[...]
    z = (jnp.sum(s * wga_ref[...], axis=1, keepdims=True)
         + jnp.sum(conv * wgb_ref[...], axis=1, keepdims=True) + bg_ref[0, 0])
    a = jax.nn.sigmoid(z)
    self2 = a * s + (1.0 - a) * conv
    sup2 = (jnp.dot(conv, w2_ref[...], preferred_element_type=_f32) + b2_ref[...]) * _rinv(dego_ref)
    self2_ref[...] = self2
    sup2_ref[...] = sup2


def _final_body(self_ref, alo_ref, ahi_ref, degi_ref,
                wga_ref, wgb_ref, bg_ref, wd_ref, bd_ref, o_ref):
    conv = jnp.concatenate(
        [jnp.reshape(alo_ref[...], (256, 128)),
         jnp.reshape(ahi_ref[...], (256, 128))],
        axis=1) * _rinv(degi_ref)
    s = self_ref[...]
    z = (jnp.sum(s * wga_ref[...], axis=1, keepdims=True)
         + jnp.sum(conv * wgb_ref[...], axis=1, keepdims=True) + bg_ref[0, 0])
    a = jax.nn.sigmoid(z)
    sx = a * s + (1.0 - a) * conv
    o_ref[...] = jnp.dot(sx, wd_ref[...], preferred_element_type=_f32) + bd_ref[...]


def _row_spec(w):
    return pl.BlockSpec((256, w), lambda i: (i, 0))


def _full_spec(r, c):
    return pl.BlockSpec((r, c), lambda i: (0, 0))


_DEG_SPEC = pl.BlockSpec((256, 128), lambda i: (i, 0))
_AGG_LO = pl.BlockSpec((1, 1, 256, 128), lambda i: (0, i // 20, i % 20, 0))
_AGG_HI = pl.BlockSpec((1, 1, 256, 128), lambda i: (1, i // 20, i % 20, 0))


def _enc_call(xp, we, be, w1, b1, dego3):
    return pl.pallas_call(
        _enc_body,
        grid=(NBLK,),
        in_specs=[_row_spec(256), _full_spec(256, 256), _full_spec(1, 256),
                  _full_spec(256, 256), _full_spec(1, 256), _DEG_SPEC],
        out_specs=[_row_spec(256), _row_spec(256)],
        out_shape=[jax.ShapeDtypeStruct((NP, D), _f32),
                   jax.ShapeDtypeStruct((NP, D), _f32)],
    )(xp, we, be, w1, b1, dego3)


def _gate_call(self_x, agg, degi3, wga, wgb, bg, w2, b2, dego3):
    return pl.pallas_call(
        _gate_body,
        grid=(NBLK,),
        in_specs=[_row_spec(256), _AGG_LO, _AGG_HI, _DEG_SPEC,
                  _full_spec(1, 256), _full_spec(1, 256), _full_spec(1, 128),
                  _full_spec(256, 256), _full_spec(1, 256), _DEG_SPEC],
        out_specs=[_row_spec(256), _row_spec(256)],
        out_shape=[jax.ShapeDtypeStruct((NP, D), _f32),
                   jax.ShapeDtypeStruct((NP, D), _f32)],
    )(self_x, agg, agg, degi3, wga, wgb, bg, w2, b2, dego3)


def _final_call(self_x, agg, degi3, wga, wgb, bg, wd, bd):
    return pl.pallas_call(
        _final_body,
        grid=(NBLK,),
        in_specs=[_row_spec(256), _AGG_LO, _AGG_HI, _DEG_SPEC,
                  _full_spec(1, 256), _full_spec(1, 256), _full_spec(1, 128),
                  _full_spec(256, 128), _full_spec(1, 128)],
        out_specs=[_row_spec(128)],
        out_shape=[jax.ShapeDtypeStruct((NP, DO), _f32)],
    )(self_x, agg, agg, degi3, wga, wgb, bg, wd, bd)



def _histo_body(src_hbm, dst_hbm, out_hbm,
                srcv, dstv, dstl, buf0, buf1, acc, sem0, sem1):
    del sem0, sem1
    c = lax.axis_index("c")
    t = lax.axis_index("s")
    zero16 = jnp.zeros((16,), _f32)
    one16 = jnp.ones((16,), _f32)
    base = t * MROWS

    pltpu.sync_copy(src_hbm.at[t], srcv)
    pltpu.sync_copy(dst_hbm.at[t], dstv)

    def ofill(i, _):
        for k in range(8):
            buf0[i, pl.ds(k * 16, 16)] = one16
            buf1[i, pl.ds(k * 16, 16)] = zero16
        return _
    lax.fori_loop(0, CHUNK, ofill, 0)

    for p in range(2):
        def locx(i, _):
            for k in range(8):
                v = jnp.where(c == 0,
                              dstv[i, pl.ds(k * 16, 16)],
                              srcv[i, pl.ds(k * 16, 16)]) - p * HALF
                ok = (v >= 0) & (v < HALF)
                dstl[i, pl.ds(k * 16, 16)] = jnp.where(ok, v, HALF)
            return _
        lax.fori_loop(0, NCHUNK, locx, 0)

        pltpu.sync_copy(buf1, acc.at[pl.ds(base, 128)])
        pltpu.sync_copy(buf1, acc.at[pl.ds(base + 128, 128)])
        pltpu.sync_copy(buf1.at[pl.ds(0, 72)], acc.at[pl.ds(base + 256, 72)])
        plsc.subcore_barrier()

        def step(j, _):
            pltpu.sync_copy(buf0, acc.at[dstl.at[j]], add=True)
            return _
        lax.fori_loop(0, NCHUNK, step, 0)
        plsc.subcore_barrier()

        pltpu.sync_copy(acc.at[pl.ds(base, MROWS)],
                        out_hbm.at[c, p, pl.ds(base, MROWS)])
        if p == 0:
            plsc.subcore_barrier()


def _msgpass_body(sup_hbm, src_hbm, dst_hbm, out_hbm,
                  srcv, dstv, dstl, buf0, buf1, acc, sem0, sem1):
    c = lax.axis_index("c")
    t = lax.axis_index("s")
    zero16 = jnp.zeros((16,), _f32)
    base = t * MROWS

    pltpu.sync_copy(src_hbm.at[t], srcv)
    pltpu.sync_copy(dst_hbm.at[t], dstv)

    def zfill(i, _):
        for k in range(8):
            buf0[i, pl.ds(k * 16, 16)] = zero16
        return _
    lax.fori_loop(0, CHUNK, zfill, 0)

    def xform(i, _):
        for k in range(8):
            v = srcv[i, pl.ds(k * 16, 16)]
            srcv[i, pl.ds(k * 16, 16)] = v * 2 + c
        return _
    lax.fori_loop(0, NCHUNK, xform, 0)

    for p in range(2):
        def locx(i, _):
            for k in range(8):
                v = dstv[i, pl.ds(k * 16, 16)] - p * HALF
                ok = (v >= 0) & (v < HALF)
                dstl[i, pl.ds(k * 16, 16)] = jnp.where(ok, v, HALF)
            return _
        lax.fori_loop(0, NCHUNK, locx, 0)

        pltpu.sync_copy(buf0, acc.at[pl.ds(base, 128)])
        pltpu.sync_copy(buf0, acc.at[pl.ds(base + 128, 128)])
        pltpu.sync_copy(buf0.at[pl.ds(0, 72)], acc.at[pl.ds(base + 256, 72)])
        plsc.subcore_barrier()

        pltpu.async_copy(sup_hbm.at[srcv.at[0]], buf0, sem0)

        def step(g, _):
            j0 = 2 * g
            j1 = 2 * g + 1
            pltpu.make_async_copy(sup_hbm.at[srcv.at[j0]], buf0, sem0).wait()
            pltpu.async_copy(sup_hbm.at[srcv.at[j1]], buf1, sem1)
            pltpu.sync_copy(buf0, acc.at[dstl.at[j0]], add=True)
            jn = jnp.minimum(j0 + 2, NCHUNK - 1)
            pltpu.async_copy(sup_hbm.at[srcv.at[jn]], buf0, sem0)
            pltpu.make_async_copy(sup_hbm.at[srcv.at[j1]], buf1, sem1).wait()
            pltpu.sync_copy(buf1, acc.at[dstl.at[j1]], add=True)
            return _
        lax.fori_loop(0, NCHUNK // 2, step, 0)
        pltpu.make_async_copy(sup_hbm.at[srcv.at[NCHUNK - 1]], buf0, sem0).wait()
        plsc.subcore_barrier()

        pltpu.sync_copy(acc.at[pl.ds(base, MROWS)],
                        out_hbm.at[c, p, pl.ds(base, MROWS)])
        if p == 0:
            plsc.subcore_barrier()
            lax.fori_loop(0, CHUNK, zfill, 0)


@functools.cache
def _sc_kernels():
    mesh = plsc.VectorSubcoreMesh(core_axis_name="c", subcore_axis_name="s",
                                  num_cores=2, num_subcores=16)
    msgpass = pl.kernel(
        _msgpass_body,
        out_type=jax.ShapeDtypeStruct((2, 2, MACC, 128), _f32),
        mesh=mesh,
        scratch_types=[
            pltpu.VMEM((NCHUNK, CHUNK), _i32),
            pltpu.VMEM((NCHUNK, CHUNK), _i32),
            pltpu.VMEM((NCHUNK, CHUNK), _i32),
            pltpu.VMEM((CHUNK, 128), _f32),
            pltpu.VMEM((CHUNK, 128), _f32),
            pltpu.VMEM_SHARED((MACC, 128), _f32),
            pltpu.SemaphoreType.DMA,
            pltpu.SemaphoreType.DMA,
        ],
    )
    histo = pl.kernel(
        _histo_body,
        out_type=jax.ShapeDtypeStruct((2, 2, MACC, 128), _f32),
        mesh=mesh,
        scratch_types=[
            pltpu.VMEM((NCHUNK, CHUNK), _i32),
            pltpu.VMEM((NCHUNK, CHUNK), _i32),
            pltpu.VMEM((NCHUNK, CHUNK), _i32),
            pltpu.VMEM((CHUNK, 128), _f32),
            pltpu.VMEM((CHUNK, 128), _f32),
            pltpu.VMEM_SHARED((MACC, 128), _f32),
            pltpu.SemaphoreType.DMA,
            pltpu.SemaphoreType.DMA,
        ],
    )
    return msgpass, histo



def kernel(x, edge_index, W_enc, b_enc, W_g1, b_g1, W_g2, b_g2,
           W_gate, b_gate, W_dec, b_dec):
    src = edge_index[0].astype(_i32)
    dst = edge_index[1].astype(_i32)
    npad = EP - E
    srcp = jnp.concatenate([src, jnp.zeros((npad,), _i32)])
    dstp = jnp.concatenate([dst, jnp.full((npad,), DUMMY, _i32)])
    srcd = jnp.concatenate([src, jnp.full((npad,), DUMMY, _i32)])
    srcd_m = srcd.reshape(16, NCHUNK, CHUNK)
    src_m = srcp.reshape(16, NCHUNK, CHUNK)
    dst_m = dstp.reshape(16, NCHUNK, CHUNK)

    msgpass_k, histo_k = _sc_kernels()

    hraw = histo_k(srcd_m, dst_m)

    def _deg(cc):
        return jnp.concatenate([hraw[cc, 0, :HALF, 0], hraw[cc, 1, :HALF, 0]])

    dego3 = jnp.broadcast_to(_deg(1)[:, None], (NP, 128))
    degi3 = jnp.broadcast_to(_deg(0)[:, None], (NP, 128))

    xp = jnp.pad(x, ((0, NP - N), (0, 0)))
    be = b_enc[None, :]
    b1 = b_g1[None, :]
    b2 = b_g2[None, :]
    bd = b_dec[None, :]
    wga = W_gate[:D, 0][None, :]
    wgb = W_gate[D:, 0][None, :]
    bg = jnp.broadcast_to(b_gate.reshape(1, 1), (1, 128))


    init_x, sup1 = _enc_call(xp, W_enc, be, W_g1, b1, dego3)
    agg1 = msgpass_k(sup1.reshape(2 * NP, 128), src_m, dst_m)
    self2, sup2 = _gate_call(init_x, agg1, degi3,
                             wga, wgb, bg, W_g2, b2, dego3)
    agg2 = msgpass_k(sup2.reshape(2 * NP, 128), src_m, dst_m)
    o, = _final_call(self2, agg2, degi3,
                     wga, wgb, bg, W_dec, bd)
    return o[:N]

# --- scband reference (transcript-rebuilt; emitter-appended) ---
"""Pipeline reference for scband-cagnn-80711025426960 (READ-ONLY COPY).

The authoritative reference and input builder live on the scoring server;
editing this copy changes nothing except your own understanding.
"""

import jax, jax.numpy as jnp
import numpy as np

N_NODES = 10000
N_EDGES = 160000
D_IN = 256
D_HID = 256
D_OUT = 128


def setup_inputs(seed: int = 0) -> dict:
    key = jax.random.key(seed)
    ks = jax.random.split(key, 16)
    x = jax.random.normal(ks[0], (N_NODES, D_IN), dtype=jnp.float32)
    edge_index = jax.random.randint(ks[1], (2, N_EDGES), 0, N_NODES, dtype=jnp.int32)
    def lin(k, fan_in, fan_out):
        return jax.random.normal(k, (fan_in, fan_out), dtype=jnp.float32) * (1.0 / np.sqrt(fan_in))
    W_enc = lin(ks[2], D_IN, D_HID)
    b_enc = jnp.zeros((D_HID,), dtype=jnp.float32)
    W_g1 = lin(ks[3], D_HID, D_HID)
    b_g1 = jnp.zeros((D_HID,), dtype=jnp.float32)
    W_g2 = lin(ks[4], D_HID, D_HID)
    b_g2 = jnp.zeros((D_HID,), dtype=jnp.float32)
    W_gate = lin(ks[5], 2 * D_HID, 1)
    b_gate = jnp.zeros((1,), dtype=jnp.float32)
    W_dec = lin(ks[6], D_HID, D_OUT)
    b_dec = jnp.zeros((D_OUT,), dtype=jnp.float32)
    return {
        'x': x, 'edge_index': edge_index,
        'W_enc': W_enc, 'b_enc': b_enc,
        'W_g1': W_g1, 'b_g1': b_g1,
        'W_g2': W_g2, 'b_g2': b_g2,
        'W_gate': W_gate, 'b_gate': b_gate,
        'W_dec': W_dec, 'b_dec': b_dec,
    }


def reference(x, edge_index, W_enc, b_enc, W_g1, b_g1, W_g2, b_g2, W_gate, b_gate, W_dec, b_dec):
    # CAGNN forward, eval mode (dropout = identity), norm_type='None', conv_type='gcn', gate_type='convex'
    N = x.shape[0]
    src = edge_index[0]
    dst = edge_index[1]
    ones = jnp.ones_like(src, dtype=x.dtype)
    deg_out = jax.ops.segment_sum(ones, src, num_segments=N)
    deg_in = jax.ops.segment_sum(ones, dst, num_segments=N)
    norm = jax.lax.rsqrt(jnp.maximum(deg_out, 1.0)[src] * jnp.maximum(deg_in, 1.0)[dst])

    def gcn_conv(h, W, b):
        support = h @ W + b
        msg = support[src] * norm[:, None]
        return jax.ops.segment_sum(msg, dst, num_segments=N)

    init_x = jax.nn.relu(x @ W_enc + b_enc)
    self_x = init_x
    conv_x = init_x
    for (W, b) in ((W_g1, b_g1), (W_g2, b_g2)):
        conv_x = gcn_conv(conv_x, W, b)
        a = jax.nn.sigmoid(jnp.concatenate([self_x, conv_x], axis=1) @ W_gate + b_gate)
        self_x = a * self_x + (1.0 - a) * conv_x
    o = self_x @ W_dec + b_dec
    return o

if __name__ == "__main__":
    import jax
    _d = setup_inputs()
    print(jax.jit(kernel)(*tuple(_d.values())))

</pallas_src>

<mosaic_0001>
#map = affine_map<(d0, d1) -> (0, 0, 0)>
#map1 = affine_map<(d0, d1) -> (0, 0, 0, 0)>
module attributes {stable_mosaic.version = 14 : i64} {
  func.func @_histo_body(%arg0: i32, %arg1: i32, %arg2: memref<16x80x128xi32, #tpu.memory_space<hbm>>, %arg3: memref<16x80x128xi32, #tpu.memory_space<hbm>>, %arg4: memref<2x2x5248x128xf32, #tpu.memory_space<hbm>>, %arg5: memref<80x128xi32, #tpu.memory_space<vmem>>, %arg6: memref<80x128xi32, #tpu.memory_space<vmem>>, %arg7: memref<80x128xi32, #tpu.memory_space<vmem>>, %arg8: memref<128x128xf32, #tpu.memory_space<vmem>>, %arg9: memref<128x128xf32, #tpu.memory_space<vmem>>, %arg10: memref<5248x128xf32, #tpu.memory_space<vmem_shared>>, %arg11: memref<!tpu.dma_semaphore, #tpu.memory_space<semaphore_mem>>, %arg12: memref<!tpu.dma_semaphore, #tpu.memory_space<semaphore_mem>>) attributes {dimension_semantics = [#tpu.dimension_semantics<core_parallel>, #tpu.dimension_semantics<subcore_parallel>], iteration_bounds = array<i64: 2, 16>, scalar_prefetch = 0 : i64, scratch_operands = 8 : i64, tpu.core_type = #tpu.core_type<sc_vector_subcore>, window_params = [{transform_indices = #map}, {transform_indices = #map}, {transform_indices = #map1}]} {
    %broadcast_in_dim3A = arith.constant 0.000000e+00 : f32
    %broadcast_in_dim3A_0 = vector.broadcast %broadcast_in_dim3A : f32 to vector<16xf32>
    %broadcast_in_dim3A_1 = arith.constant 1.000000e+00 : f32
    %broadcast_in_dim3A_2 = vector.broadcast %broadcast_in_dim3A_1 : f32 to vector<16xf32>
    %mul3A = arith.constant 328 : i32
    %mul3A_3 = arith.muli %arg1, %mul3A : i32
    "tpu.region"() ({
      %run_scoped3A_45 = tpu.sem_alloc : memref<!tpu.dma_semaphore, #tpu.memory_space<semaphore_mem>>
      %dma_start3A = arith.constant 0 : i32
      %dma_start3A_46 = arith.constant 0 : i32
      %dma_start3A_47 = tpu.memref_slice %arg2[%arg1, %dma_start3A, %dma_start3A_46] : memref<16x80x128xi32, #tpu.memory_space<hbm>> -> memref<1x80x128xi32, #tpu.memory_space<hbm>>
      %dma_start3A_48 = tpu.memref_squeeze %dma_start3A_47 : memref<1x80x128xi32, #tpu.memory_space<hbm>> -> memref<80x128xi32, #tpu.memory_space<hbm>>
      %dma_start3A_49 = arith.constant 0 : i32
      %dma_start3A_50 = arith.constant 0 : i32
      %dma_start3A_51 = tpu.memref_slice %arg2[%arg1, %dma_start3A_49, %dma_start3A_50] : memref<16x80x128xi32, #tpu.memory_space<hbm>> -> memref<1x80x128xi32, #tpu.memory_space<hbm>>
      %dma_start3A_52 = tpu.memref_squeeze %dma_start3A_51 : memref<1x80x128xi32, #tpu.memory_space<hbm>> -> memref<80x128xi32, #tpu.memory_space<hbm>>
      tpu.enqueue_dma source(%dma_start3A_52 : memref<80x128xi32, #tpu.memory_space<hbm>>) target(%arg5 : memref<80x128xi32, #tpu.memory_space<vmem>>) target_semaphore(%run_scoped3A_45 : memref<!tpu.dma_semaphore, #tpu.memory_space<semaphore_mem>>)
      %dma_wait3A = arith.constant 0 : i32
      %dma_wait3A_53 = arith.constant 0 : i32
      %dma_wait3A_54 = tpu.memref_slice %arg2[%arg1, %dma_wait3A, %dma_wait3A_53] : memref<16x80x128xi32, #tpu.memory_space<hbm>> -> memref<1x80x128xi32, #tpu.memory_space<hbm>>
      %dma_wait3A_55 = tpu.memref_squeeze %dma_wait3A_54 : memref<1x80x128xi32, #tpu.memory_space<hbm>> -> memref<80x128xi32, #tpu.memory_space<hbm>>
      %dma_wait3A_56 = arith.constant 0 : i32
      %dma_wait3A_57 = arith.constant 0 : i32
      %dma_wait3A_58 = tpu.memref_slice %arg2[%arg1, %dma_wait3A_56, %dma_wait3A_57] : memref<16x80x128xi32, #tpu.memory_space<hbm>> -> memref<1x80x128xi32, #tpu.memory_space<hbm>>
      %dma_wait3A_59 = tpu.memref_squeeze %dma_wait3A_58 : memref<1x80x128xi32, #tpu.memory_space<hbm>> -> memref<80x128xi32, #tpu.memory_space<hbm>>
      tpu.wait_dma2 semaphore(%run_scoped3A_45 : memref<!tpu.dma_semaphore, #tpu.memory_space<semaphore_mem>>) src(%dma_wait3A_59 : memref<80x128xi32, #tpu.memory_space<hbm>>) dst(%arg5 : memref<80x128xi32, #tpu.memory_space<vmem>>)
      tpu.yield
    }) : () -> ()
    "tpu.region"() ({
      %run_scoped3A_45 = tpu.sem_alloc : memref<!tpu.dma_semaphore, #tpu.memory_space<semaphore_mem>>
      %dma_start3A = arith.constant 0 : i32
      %dma_start3A_46 = arith.constant 0 : i32
      %dma_start3A_47 = tpu.memref_slice %arg3[%arg1, %dma_start3A, %dma_start3A_46] : memref<16x80x128xi32, #tpu.memory_space<hbm>> -> memref<1x80x128xi32, #tpu.memory_space<hbm>>
      %dma_start3A_48 = tpu.memref_squeeze %dma_start3A_47 : memref<1x80x128xi32, #tpu.memory_space<hbm>> -> memref<80x128xi32, #tpu.memory_space<hbm>>
      %dma_start3A_49 = arith.constant 0 : i32
      %dma_start3A_50 = arith.constant 0 : i32
      %dma_start3A_51 = tpu.memref_slice %arg3[%arg1, %dma_start3A_49, %dma_start3A_50] : memref<16x80x128xi32, #tpu.memory_space<hbm>> -> memref<1x80x128xi32, #tpu.memory_space<hbm>>
      %dma_start3A_52 = tpu.memref_squeeze %dma_start3A_51 : memref<1x80x128xi32, #tpu.memory_space<hbm>> -> memref<80x128xi32, #tpu.memory_space<hbm>>
      tpu.enqueue_dma source(%dma_start3A_52 : memref<80x128xi32, #tpu.memory_space<hbm>>) target(%arg6 : memref<80x128xi32, #tpu.memory_space<vmem>>) target_semaphore(%run_scoped3A_45 : memref<!tpu.dma_semaphore, #tpu.memory_space<semaphore_mem>>)
      %dma_wait3A = arith.constant 0 : i32
      %dma_wait3A_53 = arith.constant 0 : i32
      %dma_wait3A_54 = tpu.memref_slice %arg3[%arg1, %dma_wait3A, %dma_wait3A_53] : memref<16x80x128xi32, #tpu.memory_space<hbm>> -> memref<1x80x128xi32, #tpu.memory_space<hbm>>
      %dma_wait3A_55 = tpu.memref_squeeze %dma_wait3A_54 : memref<1x80x128xi32, #tpu.memory_space<hbm>> -> memref<80x128xi32, #tpu.memory_space<hbm>>
      %dma_wait3A_56 = arith.constant 0 : i32
      %dma_wait3A_57 = arith.constant 0 : i32
      %dma_wait3A_58 = tpu.memref_slice %arg3[%arg1, %dma_wait3A_56, %dma_wait3A_57] : memref<16x80x128xi32, #tpu.memory_space<hbm>> -> memref<1x80x128xi32, #tpu.memory_space<hbm>>
      %dma_wait3A_59 = tpu.memref_squeeze %dma_wait3A_58 : memref<1x80x128xi32, #tpu.memory_space<hbm>> -> memref<80x128xi32, #tpu.memory_space<hbm>>
      tpu.wait_dma2 semaphore(%run_scoped3A_45 : memref<!tpu.dma_semaphore, #tpu.memory_space<semaphore_mem>>) src(%dma_wait3A_59 : memref<80x128xi32, #tpu.memory_space<hbm>>) dst(%arg6 : memref<80x128xi32, #tpu.memory_space<vmem>>)
      tpu.yield
    }) : () -> ()
    %scan3A = arith.constant 0 : i32
    %scan3A_4 = arith.constant 0 : i32
    %scan3A_5 = arith.constant 128 : i32
    %scan3A_6 = arith.addi %scan3A_4, %scan3A_5 : i32
    %scan3A_7 = arith.constant 1 : i32
    scf.for %scan3A_45 = %scan3A_4 to %scan3A_6 step %scan3A_7  : i32 {
      %swap3A = arith.index_cast %scan3A_45 : i32 to index
      %swap3A_46 = arith.constant 0 : index
      %swap3A_47 = tpu.vector_load %arg8[%swap3A, %swap3A_46] {strides = array<i32>} : memref<128x128xf32, #tpu.memory_space<vmem>>, vector<1x16xf32>,
      %swap3A_48 = vector.shape_cast %swap3A_47 : vector<1x16xf32> to vector<16xf32>
      %swap3A_49 = vector.shape_cast %broadcast_in_dim3A_2 : vector<16xf32> to vector<1x16xf32>
      tpu.vector_store %arg8[%swap3A, %swap3A_46], %swap3A_49 {strides = array<i32>} : memref<128x128xf32, #tpu.memory_space<vmem>>, vector<1x16xf32>,
      %swap3A_50 = arith.index_cast %scan3A_45 : i32 to index
      %swap3A_51 = arith.constant 0 : index
      %swap3A_52 = tpu.vector_load %arg9[%swap3A_50, %swap3A_51] {strides = array<i32>} : memref<128x128xf32, #tpu.memory_space<vmem>>, vector<1x16xf32>,
      %swap3A_53 = vector.shape_cast %swap3A_52 : vector<1x16xf32> to vector<16xf32>
      %swap3A_54 = vector.shape_cast %broadcast_in_dim3A_0 : vector<16xf32> to vector<1x16xf32>
      tpu.vector_store %arg9[%swap3A_50, %swap3A_51], %swap3A_54 {strides = array<i32>} : memref<128x128xf32, #tpu.memory_space<vmem>>, vector<1x16xf32>,
      %swap3A_55 = arith.index_cast %scan3A_45 : i32 to index
      %swap3A_56 = arith.constant 16 : index
      %swap3A_57 = tpu.vector_load %arg8[%swap3A_55, %swap3A_56] {strides = array<i32>} : memref<128x128xf32, #tpu.memory_space<vmem>>, vector<1x16xf32>,
      %swap3A_58 = vector.shape_cast %swap3A_57 : vector<1x16xf32> to vector<16xf32>
      %swap3A_59 = vector.shape_cast %broadcast_in_dim3A_2 : vector<16xf32> to vector<1x16xf32>
      tpu.vector_store %arg8[%swap3A_55, %swap3A_56], %swap3A_59 {strides = array<i32>} : memref<128x128xf32, #tpu.memory_space<vmem>>, vector<1x16xf32>,
      %swap3A_60 = arith.index_cast %scan3A_45 : i32 to index
      %swap3A_61 = arith.constant 16 : index
      %swap3A_62 = tpu.vector_load %arg9[%swap3A_60, %swap3A_61] {strides = array<i32>} : memref<128x128xf32, #tpu.memory_space<vmem>>, vector<1x16xf32>,
      %swap3A_63 = vector.shape_cast %swap3A_62 : vector<1x16xf32> to vector<16xf32>
      %swap3A_64 = vector.shape_cast %broadcast_in_dim3A_0 : vector<16xf32> to vector<1x16xf32>
      tpu.vector_store %arg9[%swap3A_60, %swap3A_61], %swap3A_64 {strides = array<i32>} : memref<128x128xf32, #tpu.memory_space<vmem>>, vector<1x16xf32>,
      %swap3A_65 = arith.index_cast %scan3A_45 : i32 to index
      %swap3A_66 = arith.constant 32 : index
      %swap3A_67 = tpu.vector_load %arg8[%swap3A_65, %swap3A_66] {strides = array<i32>} : memref<128x128xf32, #tpu.memory_space<vmem>>, vector<1x16xf32>,
      %swap3A_68 = vector.shape_cast %swap3A_67 : vector<1x16xf32> to vector<16xf32>
      %swap3A_69 = vector.shape_cast %broadcast_in_dim3A_2 : vector<16xf32> to vector<1x16xf32>
      tpu.vector_store %arg8[%swap3A_65, %swap3A_66], %swap3A_69 {strides = array<i32>} : memref<128x128xf32, #tpu.memory_space<vmem>>, vector<1x16xf32>,
      %swap3A_70 = arith.index_cast %scan3A_45 : i32 to index
      %swap3A_71 = arith.constant 32 : index
      %swap3A_72 = tpu.vector_load %arg9[%swap3A_70, %swap3A_71] {strides = array<i32>} : memref<128x128xf32, #tpu.memory_space<vmem>>, vector<1x16xf32>,
      %swap3A_73 = vector.shape_cast %swap3A_72 : vector<1x16xf32> to vector<16xf32>
      %swap3A_74 = vector.shape_cast %broadcast_in_dim3A_0 : vector<16xf32> to vector<1x16xf32>
      tpu.vector_store %arg9[%swap3A_70, %swap3A_71], %swap3A_74 {strides = array<i32>} : memref<128x128xf32, #tpu.memory_space<vmem>>, vector<1x16xf32>,
      %swap3A_75 = arith.index_cast %scan3A_45 : i32 to index
      %swap3A_76 = arith.constant 48 : index
      %swap3A_77 = tpu.vector_load %arg8[%swap3A_75, %swap3A_76] {strides = array<i32>} : memref<128x128xf32, #tpu.memory_space<vmem>>, vector<1x16xf32>,
      %swap3A_78 = vector.shape_cast %swap3A_77 : vector<1x16xf32> to vector<16xf32>
      %swap3A_79 = vector.shape_cast %broadcast_in_dim3A_2 : vector<16xf32> to vector<1x16xf32>
      tpu.vector_store %arg8[%swap3A_75, %swap3A_76], %swap3A_79 {strides = array<i32>} : memref<128x128xf32, #tpu.memory_space<vmem>>, vector<1x16xf32>,
      %swap3A_80 = arith.index_cast %scan3A_45 : i32 to index
      %swap3A_81 = arith.constant 48 : index
      %swap3A_82 = tpu.vector_load %arg9[%swap3A_80, %swap3A_81] {strides = array<i32>} : memref<128x128xf32, #tpu.memory_space<vmem>>, vector<1x16xf32>,
      %swap3A_83 = vector.shape_cast %swap3A_82 : vector<1x16xf32> to vector<16xf32>
      %swap3A_84 = vector.shape_cast %broadcast_in_dim3A_0 : vector<16xf32> to vector<1x16xf32>
      tpu.vector_store %arg9[%swap3A_80, %swap3A_81], %swap3A_84 {strides = array<i32>} : memref<128x128xf32, #tpu.memory_space<vmem>>, vector<1x16xf32>,
      %swap3A_85 = arith.index_cast %scan3A_45 : i32 to index
      %swap3A_86 = arith.constant 64 : index
      %swap3A_87 = tpu.vector_load %arg8[%swap3A_85, %swap3A_86] {strides = array<i32>} : memref<128x128xf32, #tpu.memory_space<vmem>>, vector<1x16xf32>,
      %swap3A_88 = vector.shape_cast %swap3A_87 : vector<1x16xf32> to vector<16xf32>
      %swap3A_89 = vector.shape_cast %broadcast_in_dim3A_2 : vector<16xf32> to vector<1x16xf32>
      tpu.vector_store %arg8[%swap3A_85, %swap3A_86], %swap3A_89 {strides = array<i32>} : memref<128x128xf32, #tpu.memory_space<vmem>>, vector<1x16xf32>,
      %swap3A_90 = arith.index_cast %scan3A_45 : i32 to index
      %swap3A_91 = arith.constant 64 : index
      %swap3A_92 = tpu.vector_load %arg9[%swap3A_90, %swap3A_91] {strides = array<i32>} : memref<128x128xf32, #tpu.memory_space<vmem>>, vector<1x16xf32>,
      %swap3A_93 = vector.shape_cast %swap3A_92 : vector<1x16xf32> to vector<16xf32>
      %swap3A_94 = vector.shape_cast %broadcast_in_dim3A_0 : vector<16xf32> to vector<1x16xf32>
      tpu.vector_store %arg9[%swap3A_90, %swap3A_91], %swap3A_94 {strides = array<i32>} : memref<128x128xf32, #tpu.memory_space<vmem>>, vector<1x16xf32>,
      %swap3A_95 = arith.index_cast %scan3A_45 : i32 to index
      %swap3A_96 = arith.constant 80 : index
      %swap3A_97 = tpu.vector_load %arg8[%swap3A_95, %swap3A_96] {strides = array<i32>} : memref<128x128xf32, #tpu.memory_space<vmem>>, vector<1x16xf32>,
      %swap3A_98 = vector.shape_cast %swap3A_97 : vector<1x16xf32> to vector<16xf32>
      %swap3A_99 = vector.shape_cast %broadcast_in_dim3A_2 : vector<16xf32> to vector<1x16xf32>
      tpu.vector_store %arg8[%swap3A_95, %swap3A_96], %swap3A_99 {strides = array<i32>} : memref<128x128xf32, #tpu.memory_space<vmem>>, vector<1x16xf32>,
      %swap3A_100 = arith.index_cast %scan3A_45 : i32 to index
      %swap3A_101 = arith.constant 80 : index
      %swap3A_102 = tpu.vector_load %arg9[%swap3A_100, %swap3A_101] {strides = array<i32>} : memref<128x128xf32, #tpu.memory_space<vmem>>, vector<1x16xf32>,
      %swap3A_103 = vector.shape_cast %swap3A_102 : vector<1x16xf32> to vector<16xf32>
      %swap3A_104 = vector.shape_cast %broadcast_in_dim3A_0 : vector<16xf32> to vector<1x16xf32>
      tpu.vector_store %arg9[%swap3A_100, %swap3A_101], %swap3A_104 {strides = array<i32>} : memref<128x128xf32, #tpu.memory_space<vmem>>, vector<1x16xf32>,
      %swap3A_105 = arith.index_cast %scan3A_45 : i32 to index
      %swap3A_106 = arith.constant 96 : index
      %swap3A_107 = tpu.vector_load %arg8[%swap3A_105, %swap3A_106] {strides = array<i32>} : memref<128x128xf32, #tpu.memory_space<vmem>>, vector<1x16xf32>,
      %swap3A_108 = vector.shape_cast %swap3A_107 : vector<1x16xf32> to vector<16xf32>
      %swap3A_109 = vector.shape_cast %broadcast_in_dim3A_2 : vector<16xf32> to vector<1x16xf32>
      tpu.vector_store %arg8[%swap3A_105, %swap3A_106], %swap3A_109 {strides = array<i32>} : memref<128x128xf32, #tpu.memory_space<vmem>>, vector<1x16xf32>,
      %swap3A_110 = arith.index_cast %scan3A_45 : i32 to index
      %swap3A_111 = arith.constant 96 : index
      %swap3A_112 = tpu.vector_load %arg9[%swap3A_110, %swap3A_111] {strides = array<i32>} : memref<128x128xf32, #tpu.memory_space<vmem>>, vector<1x16xf32>,
      %swap3A_113 = vector.shape_cast %swap3A_112 : vector<1x16xf32> to vector<16xf32>
      %swap3A_114 = vector.shape_cast %broadcast_in_dim3A_0 : vector<16xf32> to vector<1x16xf32>
      tpu.vector_store %arg9[%swap3A_110, %swap3A_111], %swap3A_114 {strides = array<i32>} : memref<128x128xf32, #tpu.memory_space<vmem>>, vector<1x16xf32>,
      %swap3A_115 = arith.index_cast %scan3A_45 : i32 to index
      %swap3A_116 = arith.constant 112 : index
      %swap3A_117 = tpu.vector_load %arg8[%swap3A_115, %swap3A_116] {strides = array<i32>} : memref<128x128xf32, #tpu.memory_space<vmem>>, vector<1x16xf32>,
      %swap3A_118 = vector.shape_cast %swap3A_117 : vector<1x16xf32> to vector<16xf32>
      %swap3A_119 = vector.shape_cast %broadcast_in_dim3A_2 : vector<16xf32> to vector<1x16xf32>
      tpu.vector_store %arg8[%swap3A_115, %swap3A_116], %swap3A_119 {strides = array<i32>} : memref<128x128xf32, #tpu.memory_space<vmem>>, vector<1x16xf32>,
      %swap3A_120 = arith.index_cast %scan3A_45 : i32 to index
      %swap3A_121 = arith.constant 112 : index
      %swap3A_122 = tpu.vector_load %arg9[%swap3A_120, %swap3A_121] {strides = array<i32>} : memref<128x128xf32, #tpu.memory_space<vmem>>, vector<1x16xf32>,
      %swap3A_123 = vector.shape_cast %swap3A_122 : vector<1x16xf32> to vector<16xf32>
      %swap3A_124 = vector.shape_cast %broadcast_in_dim3A_0 : vector<16xf32> to vector<1x16xf32>
      tpu.vector_store %arg9[%swap3A_120, %swap3A_121], %swap3A_124 {strides = array<i32>} : memref<128x128xf32, #tpu.memory_space<vmem>>, vector<1x16xf32>,
    }
    %scan3A_8 = arith.constant 128 : i32
    %scan3A_9 = arith.constant 0 : i32
    %scan3A_10 = arith.constant 0 : i32
    %scan3A_11 = arith.constant 80 : i32
    %scan3A_12 = arith.addi %scan3A_10, %scan3A_11 : i32
    %scan3A_13 = arith.constant 1 : i32
    scf.for %scan3A_45 = %scan3A_10 to %scan3A_12 step %scan3A_13  : i32 {
      %eq3A = arith.constant 0 : i32
      %eq3A_46 = arith.cmpi eq, %arg0, %eq3A : i32
      %get3A = arith.index_cast %scan3A_45 : i32 to index
      %get3A_47 = arith.constant 0 : index
      %get3A_48 = tpu.vector_load %arg6[%get3A, %get3A_47] {strides = array<i32>} : memref<80x128xi32, #tpu.memory_space<vmem>>, vector<1x16xi32>,
      %get3A_49 = vector.shape_cast %get3A_48 : vector<1x16xi32> to vector<16xi32>
      %get3A_50 = arith.index_cast %scan3A_45 : i32 to index
      %get3A_51 = arith.constant 0 : index
      %get3A_52 = tpu.vector_load %arg5[%get3A_50, %get3A_51] {strides = array<i32>} : memref<80x128xi32, #tpu.memory_space<vmem>>, vector<1x16xi32>,
      %get3A_53 = vector.shape_cast %get3A_52 : vector<1x16xi32> to vector<16xi32>
      %select_n3A = arith.select %eq3A_46, %get3A_49, %get3A_53 : vector<16xi32>
      %sub3A = arith.constant 0 : i32
      %sub3A_54 = vector.broadcast %sub3A : i32 to vector<16xi32>
      %sub3A_55 = arith.subi %select_n3A, %sub3A_54 : vector<16xi32>
      %ge3A = arith.constant 0 : i32
      %ge3A_56 = vector.broadcast %ge3A : i32 to vector<16xi32>
      %ge3A_57 = arith.cmpi sge, %sub3A_55, %ge3A_56 : vector<16xi32>
      %lt3A = arith.constant 5120 : i32
      %lt3A_58 = vector.broadcast %lt3A : i32 to vector<16xi32>
      %lt3A_59 = arith.cmpi slt, %sub3A_55, %lt3A_58 : vector<16xi32>
      %and3A = arith.andi %ge3A_57, %lt3A_59 : vector<16xi1>
      %jit3A = arith.constant 5120 : i32
      %broadcast_in_dim3A_60 = vector.broadcast %jit3A : i32 to vector<16xi32>
      %select_n3A_61 = arith.select %and3A, %sub3A_55, %broadcast_in_dim3A_60 : vector<16xi1>, vector<16xi32>
      %swap3A = arith.index_cast %scan3A_45 : i32 to index
      %swap3A_62 = arith.constant 0 : index
      %swap3A_63 = tpu.vector_load %arg7[%swap3A, %swap3A_62] {strides = array<i32>} : memref<80x128xi32, #tpu.memory_space<vmem>>, vector<1x16xi32>,
      %swap3A_64 = vector.shape_cast %swap3A_63 : vector<1x16xi32> to vector<16xi32>
      %swap3A_65 = vector.shape_cast %select_n3A_61 : vector<16xi32> to vector<1x16xi32>
      tpu.vector_store %arg7[%swap3A, %swap3A_62], %swap3A_65 {strides = array<i32>} : memref<80x128xi32, #tpu.memory_space<vmem>>, vector<1x16xi32>,
      %eq3A_66 = arith.constant 0 : i32
      %eq3A_67 = arith.cmpi eq, %arg0, %eq3A_66 : i32
      %get3A_68 = arith.index_cast %scan3A_45 : i32 to index
      %get3A_69 = arith.constant 16 : index
      %get3A_70 = tpu.vector_load %arg6[%get3A_68, %get3A_69] {strides = array<i32>} : memref<80x128xi32, #tpu.memory_space<vmem>>, vector<1x16xi32>,
      %get3A_71 = vector.shape_cast %get3A_70 : vector<1x16xi32> to vector<16xi32>
      %get3A_72 = arith.index_cast %scan3A_45 : i32 to index
      %get3A_73 = arith.constant 16 : index
      %get3A_74 = tpu.vector_load %arg5[%get3A_72, %get3A_73] {strides = array<i32>} : memref<80x128xi32, #tpu.memory_space<vmem>>, vector<1x16xi32>,
      %get3A_75 = vector.shape_cast %get3A_74 : vector<1x16xi32> to vector<16xi32>
      %select_n3A_76 = arith.select %eq3A_67, %get3A_71, %get3A_75 : vector<16xi32>
      %sub3A_77 = arith.constant 0 : i32
      %sub3A_78 = vector.broadcast %sub3A_77 : i32 to vector<16xi32>
      %sub3A_79 = arith.subi %select_n3A_76, %sub3A_78 : vector<16xi32>
      %ge3A_80 = arith.constant 0 : i32
      %ge3A_81 = vector.broadcast %ge3A_80 : i32 to vector<16xi32>
      %ge3A_82 = arith.cmpi sge, %sub3A_79, %ge3A_81 : vector<16xi32>
      %lt3A_83 = arith.constant 5120 : i32
      %lt3A_84 = vector.broadcast %lt3A_83 : i32 to vector<16xi32>
      %lt3A_85 = arith.cmpi slt, %sub3A_79, %lt3A_84 : vector<16xi32>
      %and3A_86 = arith.andi %ge3A_82, %lt3A_85 : vector<16xi1>
      %jit3A_87 = arith.constant 5120 : i32
      %broadcast_in_dim3A_88 = vector.broadcast %jit3A_87 : i32 to vector<16xi32>
      %select_n3A_89 = arith.select %and3A_86, %sub3A_79, %broadcast_in_dim3A_88 : vector<16xi1>, vector<16xi32>
      %swap3A_90 = arith.index_cast %scan3A_45 : i32 to index
      %swap3A_91 = arith.constant 16 : index
      %swap3A_92 = tpu.vector_load %arg7[%swap3A_90, %swap3A_91] {strides = array<i32>} : memref<80x128xi32, #tpu.memory_space<vmem>>, vector<1x16xi32>,
      %swap3A_93 = vector.shape_cast %swap3A_92 : vector<1x16xi32> to vector<16xi32>
      %swap3A_94 = vector.shape_cast %select_n3A_89 : vector<16xi32> to vector<1x16xi32>
      tpu.vector_store %arg7[%swap3A_90, %swap3A_91], %swap3A_94 {strides = array<i32>} : memref<80x128xi32, #tpu.memory_space<vmem>>, vector<1x16xi32>,
      %eq3A_95 = arith.constant 0 : i32
      %eq3A_96 = arith.cmpi eq, %arg0, %eq3A_95 : i32
      %get3A_97 = arith.index_cast %scan3A_45 : i32 to index
      %get3A_98 = arith.constant 32 : index
      %get3A_99 = tpu.vector_load %arg6[%get3A_97, %get3A_98] {strides = array<i32>} : memref<80x128xi32, #tpu.memory_space<vmem>>, vector<1x16xi32>,
      %get3A_100 = vector.shape_cast %get3A_99 : vector<1x16xi32> to vector<16xi32>
      %get3A_101 = arith.index_cast %scan3A_45 : i32 to index
      %get3A_102 = arith.constant 32 : index
      %get3A_103 = tpu.vector_load %arg5[%get3A_101, %get3A_102] {strides = array<i32>} : memref<80x128xi32, #tpu.memory_space<vmem>>, vector<1x16xi32>,
      %get3A_104 = vector.shape_cast %get3A_103 : vector<1x16xi32> to vector<16xi32>
      %select_n3A_105 = arith.select %eq3A_96, %get3A_100, %get3A_104 : vector<16xi32>
      %sub3A_106 = arith.constant 0 : i32
      %sub3A_107 = vector.broadcast %sub3A_106 : i32 to vector<16xi32>
      %sub3A_108 = arith.subi %select_n3A_105, %sub3A_107 : vector<16xi32>
      %ge3A_109 = arith.constant 0 : i32
      %ge3A_110 = vector.broadcast %ge3A_109 : i32 to vector<16xi32>
      %ge3A_111 = arith.cmpi sge, %sub3A_108, %ge3A_110 : vector<16xi32>
      %lt3A_112 = arith.constant 5120 : i32
      %lt3A_113 = vector.broadcast %lt3A_112 : i32 to vector<16xi32>
      %lt3A_114 = arith.cmpi slt, %sub3A_108, %lt3A_113 : vector<16xi32>
      %and3A_115 = arith.andi %ge3A_111, %lt3A_114 : vector<16xi1>
      %jit3A_116 = arith.constant 5120 : i32
      %broadcast_in_dim3A_117 = vector.broadcast %jit3A_116 : i32 to vector<16xi32>
      %select_n3A_118 = arith.select %and3A_115, %sub3A_108, %broadcast_in_dim3A_117 : vector<16xi1>, vector<16xi32>
      %swap3A_119 = arith.index_cast %scan3A_45 : i32 to index
      %swap3A_120 = arith.constant 32 : index
      %swap3A_121 = tpu.vector_load %arg7[%swap3A_119, %swap3A_120] {strides = array<i32>} : memref<80x128xi32, #tpu.memory_space<vmem>>, vector<1x16xi32>,
      %swap3A_122 = vector.shape_cast %swap3A_121 : vector<1x16xi32> to vector<16xi32>
      %swap3A_123 = vector.shape_cast %select_n3A_118 : vector<16xi32> to vector<1x16xi32>
      tpu.vector_store %arg7[%swap3A_119, %swap3A_120], %swap3A_123 {strides = array<i32>} : memref<80x128xi32, #tpu.memory_space<vmem>>, vector<1x16xi32>,
      %eq3A_124 = arith.constant 0 : i32
      %eq3A_125 = arith.cmpi eq, %arg0, %eq3A_124 : i32
      %get3A_126 = arith.index_cast %scan3A_45 : i32 to index
      %get3A_127 = arith.constant 48 : index
      %get3A_128 = tpu.vector_load %arg6[%get3A_126, %get3A_127] {strides = array<i32>} : memref<80x128xi32, #tpu.memory_space<vmem>>, vector<1x16xi32>,
      %get3A_129 = vector.shape_cast %get3A_128 : vector<1x16xi32> to vector<16xi32>
      %get3A_130 = arith.index_cast %scan3A_45 : i32 to index
      %get3A_131 = arith.constant 48 : index
      %get3A_132 = tpu.vector_load %arg5[%get3A_130, %get3A_131] {strides = array<i32>} : memref<80x128xi32, #tpu.memory_space<vmem>>, vector<1x16xi32>,
      %get3A_133 = vector.shape_cast %get3A_132 : vector<1x16xi32> to vector<16xi32>
      %select_n3A_134 = arith.select %eq3A_125, %get3A_129, %get3A_133 : vector<16xi32>
      %sub3A_135 = arith.constant 0 : i32
      %sub3A_136 = vector.broadcast %sub3A_135 : i32 to vector<16xi32>
      %sub3A_137 = arith.subi %select_n3A_134, %sub3A_136 : vector<16xi32>
      %ge3A_138 = arith.constant 0 : i32
      %ge3A_139 = vector.broadcast %ge3A_138 : i32 to vector<16xi32>
      %ge3A_140 = arith.cmpi sge, %sub3A_137, %ge3A_139 : vector<16xi32>
      %lt3A_141 = arith.constant 5120 : i32
      %lt3A_142 = vector.broadcast %lt3A_141 : i32 to vector<16xi32>
      %lt3A_143 = arith.cmpi slt, %sub3A_137, %lt3A_142 : vector<16xi32>
      %and3A_144 = arith.andi %ge3A_140, %lt3A_143 : vector<16xi1>
      %jit3A_145 = arith.constant 5120 : i32
      %broadcast_in_dim3A_146 = vector.broadcast %jit3A_145 : i32 to vector<16xi32>
      %select_n3A_147 = arith.select %and3A_144, %sub3A_137, %broadcast_in_dim3A_146 : vector<16xi1>, vector<16xi32>
      %swap3A_148 = arith.index_cast %scan3A_45 : i32 to index
      %swap3A_149 = arith.constant 48 : index
      %swap3A_150 = tpu.vector_load %arg7[%swap3A_148, %swap3A_149] {strides = array<i32>} : memref<80x128xi32, #tpu.memory_space<vmem>>, vector<1x16xi32>,
      %swap3A_151 = vector.shape_cast %swap3A_150 : vector<1x16xi32> to vector<16xi32>
      %swap3A_152 = vector.shape_cast %select_n3A_147 : vector<16xi32> to vector<1x16xi32>
      tpu.vector_store %arg7[%swap3A_148, %swap3A_149], %swap3A_152 {strides = array<i32>} : memref<80x128xi32, #tpu.memory_space<vmem>>, vector<1x16xi32>,
      %eq3A_153 = arith.constant 0 : i32
      %eq3A_154 = arith.cmpi eq, %arg0, %eq3A_153 : i32
      %get3A_155 = arith.index_cast %scan3A_45 : i32 to index
      %get3A_156 = arith.constant 64 : index
      %get3A_157 = tpu.vector_load %arg6[%get3A_155, %get3A_156] {strides = array<i32>} : memref<80x128xi32, #tpu.memory_space<vmem>>, vector<1x16xi32>,
      %get3A_158 = vector.shape_cast %get3A_157 : vector<1x16xi32> to vector<16xi32>
      %get3A_159 = arith.index_cast %scan3A_45 : i32 to index
      %get3A_160 = arith.constant 64 : index
      %get3A_161 = tpu.vector_load %arg5[%get3A_159, %get3A_160] {strides = array<i32>} : memref<80x128xi32, #tpu.memory_space<vmem>>, vector<1x16xi32>,
      %get3A_162 = vector.shape_cast %get3A_161 : vector<1x16xi32> to vector<16xi32>
      %select_n3A_163 = arith.select %eq3A_154, %get3A_158, %get3A_162 : vector<16xi32>
      %sub3A_164 = arith.constant 0 : i32
      %sub3A_165 = vector.broadcast %sub3A_164 : i32 to vector<16xi32>
      %sub3A_166 = arith.subi %select_n3A_163, %sub3A_165 : vector<16xi32>
      %ge3A_167 = arith.constant 0 : i32
      %ge3A_168 = vector.broadcast %ge3A_167 : i32 to vector<16xi32>
      %ge3A_169 = arith.cmpi sge, %sub3A_166, %ge3A_168 : vector<16xi32>
      %lt3A_170 = arith.constant 5120 : i32
      %lt3A_171 = vector.broadcast %lt3A_170 : i32 to vector<16xi32>
      %lt3A_172 = arith.cmpi slt, %sub3A_166, %lt3A_171 : vector<16xi32>
      %and3A_173 = arith.andi %ge3A_169, %lt3A_172 : vector<16xi1>
      %jit3A_174 = arith.constant 5120 : i32
      %broadcast_in_dim3A_175 = vector.broadcast %jit3A_174 : i32 to vector<16xi32>
      %select_n3A_176 = arith.select %and3A_173, %sub3A_166, %broadcast_in_dim3A_175 : vector<16xi1>, vector<16xi32>
      %swap3A_177 = arith.index_cast %scan3A_45 : i32 to index
      %swap3A_178 = arith.constant 64 : index
      %swap3A_179 = tpu.vector_load %arg7[%swap3A_177, %swap3A_178] {strides = array<i32>} : memref<80x128xi32, #tpu.memory_space<vmem>>, vector<1x16xi32>,
      %swap3A_180 = vector.shape_cast %swap3A_179 : vector<1x16xi32> to vector<16xi32>
      %swap3A_181 = vector.shape_cast %select_n3A_176 : vector<16xi32> to vector<1x16xi32>
      tpu.vector_store %arg7[%swap3A_177, %swap3A_178], %swap3A_181 {strides = array<i32>} : memref<80x128xi32, #tpu.memory_space<vmem>>, vector<1x16xi32>,
      %eq3A_182 = arith.constant 0 : i32
      %eq3A_183 = arith.cmpi eq, %arg0, %eq3A_182 : i32
      %get3A_184 = arith.index_cast %scan3A_45 : i32 to index
      %get3A_185 = arith.constant 80 : index
      %get3A_186 = tpu.vector_load %arg6[%get3A_184, %get3A_185] {strides = array<i32>} : memref<80x128xi32, #tpu.memory_space<vmem>>, vector<1x16xi32>,
      %get3A_187 = vector.shape_cast %get3A_186 : vector<1x16xi32> to vector<16xi32>
      %get3A_188 = arith.index_cast %scan3A_45 : i32 to index
      %get3A_189 = arith.constant 80 : index
      %get3A_190 = tpu.vector_load %arg5[%get3A_188, %get3A_189] {strides = array<i32>} : memref<80x128xi32, #tpu.memory_space<vmem>>, vector<1x16xi32>,
      %get3A_191 = vector.shape_cast %get3A_190 : vector<1x16xi32> to vector<16xi32>
      %select_n3A_192 = arith.select %eq3A_183, %get3A_187, %get3A_191 : vector<16xi32>
      %sub3A_193 = arith.constant 0 : i32
      %sub3A_194 = vector.broadcast %sub3A_193 : i32 to vector<16xi32>
      %sub3A_195 = arith.subi %select_n3A_192, %sub3A_194 : vector<16xi32>
      %ge3A_196 = arith.constant 0 : i32
      %ge3A_197 = vector.broadcast %ge3A_196 : i32 to vector<16xi32>
      %ge3A_198 = arith.cmpi sge, %sub3A_195, %ge3A_197 : vector<16xi32>
      %lt3A_199 = arith.constant 5120 : i32
      %lt3A_200 = vector.broadcast %lt3A_199 : i32 to vector<16xi32>
      %lt3A_201 = arith.cmpi slt, %sub3A_195, %lt3A_200 : vector<16xi32>
      %and3A_202 = arith.andi %ge3A_198, %lt3A_201 : vector<16xi1>
      %jit3A_203 = arith.constant 5120 : i32
      %broadcast_in_dim3A_204 = vector.broadcast %jit3A_203 : i32 to vector<16xi32>
      %select_n3A_205 = arith.select %and3A_202, %sub3A_195, %broadcast_in_dim3A_204 : vector<16xi1>, vector<16xi32>
      %swap3A_206 = arith.index_cast %scan3A_45 : i32 to index
      %swap3A_207 = arith.constant 80 : index
      %swap3A_208 = tpu.vector_load %arg7[%swap3A_206, %swap3A_207] {strides = array<i32>} : memref<80x128xi32, #tpu.memory_space<vmem>>, vector<1x16xi32>,
      %swap3A_209 = vector.shape_cast %swap3A_208 : vector<1x16xi32> to vector<16xi32>
      %swap3A_210 = vector.shape_cast %select_n3A_205 : vector<16xi32> to vector<1x16xi32>
      tpu.vector_store %arg7[%swap3A_206, %swap3A_207], %swap3A_210 {strides = array<i32>} : memref<80x128xi32, #tpu.memory_space<vmem>>, vector<1x16xi32>,
      %eq3A_211 = arith.constant 0 : i32
      %eq3A_212 = arith.cmpi eq, %arg0, %eq3A_211 : i32
      %get3A_213 = arith.index_cast %scan3A_45 : i32 to index
      %get3A_214 = arith.constant 96 : index
      %get3A_215 = tpu.vector_load %arg6[%get3A_213, %get3A_214] {strides = array<i32>} : memref<80x128xi32, #tpu.memory_space<vmem>>, vector<1x16xi32>,
      %get3A_216 = vector.shape_cast %get3A_215 : vector<1x16xi32> to vector<16xi32>
      %get3A_217 = arith.index_cast %scan3A_45 : i32 to index
      %get3A_218 = arith.constant 96 : index
      %get3A_219 = tpu.vector_load %arg5[%get3A_217, %get3A_218] {strides = array<i32>} : memref<80x128xi32, #tpu.memory_space<vmem>>, vector<1x16xi32>,
      %get3A_220 = vector.shape_cast %get3A_219 : vector<1x16xi32> to vector<16xi32>
      %select_n3A_221 = arith.select %eq3A_212, %get3A_216, %get3A_220 : vector<16xi32>
      %sub3A_222 = arith.constant 0 : i32
      %sub3A_223 = vector.broadcast %sub3A_222 : i32 to vector<16xi32>
      %sub3A_224 = arith.subi %select_n3A_221, %sub3A_223 : vector<16xi32>
      %ge3A_225 = arith.constant 0 : i32
      %ge3A_226 = vector.broadcast %ge3A_225 : i32 to vector<16xi32>
      %ge3A_227 = arith.cmpi sge, %sub3A_224, %ge3A_226 : vector<16xi32>
      %lt3A_228 = arith.constant 5120 : i32
      %lt3A_229 = vector.broadcast %lt3A_228 : i32 to vector<16xi32>
      %lt3A_230 = arith.cmpi slt, %sub3A_224, %lt3A_229 : vector<16xi32>
      %and3A_231 = arith.andi %ge3A_227, %lt3A_230 : vector<16xi1>
      %jit3A_232 = arith.constant 5120 : i32
      %broadcast_in_dim3A_233 = vector.broadcast %jit3A_232 : i32 to vector<16xi32>
      %select_n3A_234 = arith.select %and3A_231, %sub3A_224, %broadcast_in_dim3A_233 : vector<16xi1>, vector<16xi32>
      %swap3A_235 = arith.index_cast %scan3A_45 : i32 to index
      %swap3A_236 = arith.constant 96 : index
      %swap3A_237 = tpu.vector_load %arg7[%swap3A_235, %swap3A_236] {strides = array<i32>} : memref<80x128xi32, #tpu.memory_space<vmem>>, vector<1x16xi32>,
      %swap3A_238 = vector.shape_cast %swap3A_237 : vector<1x16xi32> to vector<16xi32>
      %swap3A_239 = vector.shape_cast %select_n3A_234 : vector<16xi32> to vector<1x16xi32>
      tpu.vector_store %arg7[%swap3A_235, %swap3A_236], %swap3A_239 {strides = array<i32>} : memref<80x128xi32, #tpu.memory_space<vmem>>, vector<1x16xi32>,
      %eq3A_240 = arith.constant 0 : i32
      %eq3A_241 = arith.cmpi eq, %arg0, %eq3A_240 : i32
      %get3A_242 = arith.index_cast %scan3A_45 : i32 to index
      %get3A_243 = arith.constant 112 : index
      %get3A_244 = tpu.vector_load %arg6[%get3A_242, %get3A_243] {strides = array<i32>} : memref<80x128xi32, #tpu.memory_space<vmem>>, vector<1x16xi32>,
      %get3A_245 = vector.shape_cast %get3A_244 : vector<1x16xi32> to vector<16xi32>
      %get3A_246 = arith.index_cast %scan3A_45 : i32 to index
      %get3A_247 = arith.constant 112 : index
      %get3A_248 = tpu.vector_load %arg5[%get3A_246, %get3A_247] {strides = array<i32>} : memref<80x128xi32, #tpu.memory_space<vmem>>, vector<1x16xi32>,
      %get3A_249 = vector.shape_cast %get3A_248 : vector<1x16xi32> to vector<16xi32>
      %select_n3A_250 = arith.select %eq3A_241, %get3A_245, %get3A_249 : vector<16xi32>
      %sub3A_251 = arith.constant 0 : i32
      %sub3A_252 = vector.broadcast %sub3A_251 : i32 to vector<16xi32>
      %sub3A_253 = arith.subi %select_n3A_250, %sub3A_252 : vector<16xi32>
      %ge3A_254 = arith.constant 0 : i32
      %ge3A_255 = vector.broadcast %ge3A_254 : i32 to vector<16xi32>
      %ge3A_256 = arith.cmpi sge, %sub3A_253, %ge3A_255 : vector<16xi32>
      %lt3A_257 = arith.constant 5120 : i32
      %lt3A_258 = vector.broadcast %lt3A_257 : i32 to vector<16xi32>
      %lt3A_259 = arith.cmpi slt, %sub3A_253, %lt3A_258 : vector<16xi32>
      %and3A_260 = arith.andi %ge3A_256, %lt3A_259 : vector<16xi1>
      %jit3A_261 = arith.constant 5120 : i32
      %broadcast_in_dim3A_262 = vector.broadcast %jit3A_261 : i32 to vector<16xi32>
      %select_n3A_263 = arith.select %and3A_260, %sub3A_253, %broadcast_in_dim3A_262 : vector<16xi1>, vector<16xi32>
      %swap3A_264 = arith.index_cast %scan3A_45 : i32 to index
      %swap3A_265 = arith.constant 112 : index
      %swap3A_266 = tpu.vector_load %arg7[%swap3A_264, %swap3A_265] {strides = array<i32>} : memref<80x128xi32, #tpu.memory_space<vmem>>, vector<1x16xi32>,
      %swap3A_267 = vector.shape_cast %swap3A_266 : vector<1x16xi32> to vector<16xi32>
      %swap3A_268 = vector.shape_cast %select_n3A_263 : vector<16xi32> to vector<1x16xi32>
      tpu.vector_store %arg7[%swap3A_264, %swap3A_265], %swap3A_268 {strides = array<i32>} : memref<80x128xi32, #tpu.memory_space<vmem>>, vector<1x16xi32>,
    }
    %scan3A_14 = arith.constant 80 : i32
    "tpu.region"() ({
      %run_scoped3A_45 = tpu.sem_alloc : memref<!tpu.dma_semaphore, #tpu.memory_space<semaphore_mem>>
      %dma_start3A = arith.constant 0 : i32
      %dma_start3A_46 = tpu.memref_slice %arg10[%mul3A_3, %dma_start3A] : memref<5248x128xf32, #tpu.memory_space<vmem_shared>> -> memref<128x128xf32, #tpu.memory_space<vmem_shared>>
      %dma_start3A_47 = arith.constant 0 : i32
      %dma_start3A_48 = tpu.memref_slice %arg10[%mul3A_3, %dma_start3A_47] : memref<5248x128xf32, #tpu.memory_space<vmem_shared>> -> memref<128x128xf32, #tpu.memory_space<vmem_shared>>
      tpu.enqueue_dma source(%arg9 : memref<128x128xf32, #tpu.memory_space<vmem>>) target(%dma_start3A_48 : memref<128x128xf32, #tpu.memory_space<vmem_shared>>) target_semaphore(%run_scoped3A_45 : memref<!tpu.dma_semaphore, #tpu.memory_space<semaphore_mem>>)
      %dma_wait3A = arith.constant 0 : i32
      %dma_wait3A_49 = tpu.memref_slice %arg10[%mul3A_3, %dma_wait3A] : memref<5248x128xf32, #tpu.memory_space<vmem_shared>> -> memref<128x128xf32, #tpu.memory_space<vmem_shared>>
      %dma_wait3A_50 = arith.constant 0 : i32
      %dma_wait3A_51 = tpu.memref_slice %arg10[%mul3A_3, %dma_wait3A_50] : memref<5248x128xf32, #tpu.memory_space<vmem_shared>> -> memref<128x128xf32, #tpu.memory_space<vmem_shared>>
      tpu.wait_dma2 semaphore(%run_scoped3A_45 : memref<!tpu.dma_semaphore, #tpu.memory_space<semaphore_mem>>) src(%arg9 : memref<128x128xf32, #tpu.memory_space<vmem>>) dst(%dma_wait3A_51 : memref<128x128xf32, #tpu.memory_space<vmem_shared>>)
      tpu.yield
    }) : () -> ()
    %add3A = arith.constant 128 : i32
    %add3A_15 = arith.addi %mul3A_3, %add3A : i32
    "tpu.region"() ({
      %run_scoped3A_45 = tpu.sem_alloc : memref<!tpu.dma_semaphore, #tpu.memory_space<semaphore_mem>>
      %dma_start3A = arith.constant 0 : i32
      %dma_start3A_46 = tpu.memref_slice %arg10[%add3A_15, %dma_start3A] : memref<5248x128xf32, #tpu.memory_space<vmem_shared>> -> memref<128x128xf32, #tpu.memory_space<vmem_shared>>
      %dma_start3A_47 = arith.constant 0 : i32
      %dma_start3A_48 = tpu.memref_slice %arg10[%add3A_15, %dma_start3A_47] : memref<5248x128xf32, #tpu.memory_space<vmem_shared>> -> memref<128x128xf32, #tpu.memory_space<vmem_shared>>
      tpu.enqueue_dma source(%arg9 : memref<128x128xf32, #tpu.memory_space<vmem>>) target(%dma_start3A_48 : memref<128x128xf32, #tpu.memory_space<vmem_shared>>) target_semaphore(%run_scoped3A_45 : memref<!tpu.dma_semaphore, #tpu.memory_space<semaphore_mem>>)
      %dma_wait3A = arith.constant 0 : i32
      %dma_wait3A_49 = tpu.memref_slice %arg10[%add3A_15, %dma_wait3A] : memref<5248x128xf32, #tpu.memory_space<vmem_shared>> -> memref<128x128xf32, #tpu.memory_space<vmem_shared>>
      %dma_wait3A_50 = arith.constant 0 : i32
      %dma_wait3A_51 = tpu.memref_slice %arg10[%add3A_15, %dma_wait3A_50] : memref<5248x128xf32, #tpu.memory_space<vmem_shared>> -> memref<128x128xf32, #tpu.memory_space<vmem_shared>>
      tpu.wait_dma2 semaphore(%run_scoped3A_45 : memref<!tpu.dma_semaphore, #tpu.memory_space<semaphore_mem>>) src(%arg9 : memref<128x128xf32, #tpu.memory_space<vmem>>) dst(%dma_wait3A_51 : memref<128x128xf32, #tpu.memory_space<vmem_shared>>)
      tpu.yield
    }) : () -> ()
    %add3A_16 = arith.constant 256 : i32
    %add3A_17 = arith.addi %mul3A_3, %add3A_16 : i32
    "tpu.region"() ({
      %run_scoped3A_45 = tpu.sem_alloc : memref<!tpu.dma_semaphore, #tpu.memory_space<semaphore_mem>>
      %dma_start3A = arith.constant 0 : i32
      %dma_start3A_46 = arith.constant 0 : i32
      %dma_start3A_47 = tpu.memref_slice %arg9[%dma_start3A, %dma_start3A_46] : memref<128x128xf32, #tpu.memory_space<vmem>> -> memref<72x128xf32, #tpu.memory_space<vmem>>
      %dma_start3A_48 = arith.constant 0 : i32
      %dma_start3A_49 = tpu.memref_slice %arg10[%add3A_17, %dma_start3A_48] : memref<5248x128xf32, #tpu.memory_space<vmem_shared>> -> memref<72x128xf32, #tpu.memory_space<vmem_shared>>
      %dma_start3A_50 = arith.constant 0 : i32
      %dma_start3A_51 = tpu.memref_slice %arg10[%add3A_17, %dma_start3A_50] : memref<5248x128xf32, #tpu.memory_space<vmem_shared>> -> memref<72x128xf32, #tpu.memory_space<vmem_shared>>
      %dma_start3A_52 = arith.constant 0 : i32
      %dma_start3A_53 = arith.constant 0 : i32
      %dma_start3A_54 = tpu.memref_slice %arg9[%dma_start3A_52, %dma_start3A_53] : memref<128x128xf32, #tpu.memory_space<vmem>> -> memref<72x128xf32, #tpu.memory_space<vmem>>
      tpu.enqueue_dma source(%dma_start3A_54 : memref<72x128xf32, #tpu.memory_space<vmem>>) target(%dma_start3A_51 : memref<72x128xf32, #tpu.memory_space<vmem_shared>>) target_semaphore(%run_scoped3A_45 : memref<!tpu.dma_semaphore, #tpu.memory_space<semaphore_mem>>)
      %dma_wait3A = arith.constant 0 : i32
      %dma_wait3A_55 = arith.constant 0 : i32
      %dma_wait3A_56 = tpu.memref_slice %arg9[%dma_wait3A, %dma_wait3A_55] : memref<128x128xf32, #tpu.memory_space<vmem>> -> memref<72x128xf32, #tpu.memory_space<vmem>>
      %dma_wait3A_57 = arith.constant 0 : i32
      %dma_wait3A_58 = tpu.memref_slice %arg10[%add3A_17, %dma_wait3A_57] : memref<5248x128xf32, #tpu.memory_space<vmem_shared>> -> memref<72x128xf32, #tpu.memory_space<vmem_shared>>
      %dma_wait3A_59 = arith.constant 0 : i32
      %dma_wait3A_60 = tpu.memref_slice %arg10[%add3A_17, %dma_wait3A_59] : memref<5248x128xf32, #tpu.memory_space<vmem_shared>> -> memref<72x128xf32, #tpu.memory_space<vmem_shared>>
      %dma_wait3A_61 = arith.constant 0 : i32
      %dma_wait3A_62 = arith.constant 0 : i32
      %dma_wait3A_63 = tpu.memref_slice %arg9[%dma_wait3A_61, %dma_wait3A_62] : memref<128x128xf32, #tpu.memory_space<vmem>> -> memref<72x128xf32, #tpu.memory_space<vmem>>
      tpu.wait_dma2 semaphore(%run_scoped3A_45 : memref<!tpu.dma_semaphore, #tpu.memory_space<semaphore_mem>>) src(%dma_wait3A_63 : memref<72x128xf32, #tpu.memory_space<vmem>>) dst(%dma_wait3A_60 : memref<72x128xf32, #tpu.memory_space<vmem_shared>>)
      tpu.yield
    }) : () -> ()
    %barrier3A = arith.constant 0 : index
    tpu.barrier barrier_id(%barrier3A)
    %scan3A_18 = arith.constant 0 : i32
    %scan3A_19 = arith.constant 0 : i32
    %scan3A_20 = arith.constant 80 : i32
    %scan3A_21 = arith.addi %scan3A_19, %scan3A_20 : i32
    %scan3A_22 = arith.constant 1 : i32
    scf.for %scan3A_45 = %scan3A_19 to %scan3A_21 step %scan3A_22  : i32 {
      "tpu.region"() ({
        %run_scoped3A_46 = tpu.sem_alloc : memref<!tpu.dma_semaphore, #tpu.memory_space<semaphore_mem>>
        %dma_start3A = arith.constant 0 : i32
        %dma_start3A_47 = tpu.memref_slice %arg7[%scan3A_45, %dma_start3A] : memref<80x128xi32, #tpu.memory_space<vmem>> -> memref<1x128xi32, #tpu.memory_space<vmem>>
        %dma_start3A_48 = tpu.memref_squeeze %dma_start3A_47 : memref<1x128xi32, #tpu.memory_space<vmem>> -> memref<128xi32, #tpu.memory_space<vmem>>
        %dma_start3A_49 = arith.constant 0 : i32
        %dma_start3A_50 = arith.constant 0 : i32
        %dma_start3A_51 = tpu.memref_slice %arg10[%dma_start3A_49, %dma_start3A_50] : memref<5248x128xf32, #tpu.memory_space<vmem_shared>> -> memref<5248x128xf32, #tpu.memory_space<vmem_shared>>
        tpu.enqueue_indirect_dma source(%arg8 : memref<128x128xf32, #tpu.memory_space<vmem>>) target(%dma_start3A_51 : memref<5248x128xf32, #tpu.memory_space<vmem_shared>>) offsets(%dma_start3A_48 : memref<128xi32, #tpu.memory_space<vmem>>) semaphore(%run_scoped3A_46 : memref<!tpu.dma_semaphore, #tpu.memory_space<semaphore_mem>>) {add = true}
        %dma_wait3A = arith.constant 0 : i32
        %dma_wait3A_52 = tpu.memref_slice %arg7[%scan3A_45, %dma_wait3A] : memref<80x128xi32, #tpu.memory_space<vmem>> -> memref<1x128xi32, #tpu.memory_space<vmem>>
        %dma_wait3A_53 = tpu.memref_squeeze %dma_wait3A_52 : memref<1x128xi32, #tpu.memory_space<vmem>> -> memref<128xi32, #tpu.memory_space<vmem>>
        %dma_wait3A_54 = arith.constant 0 : i32
        %dma_wait3A_55 = arith.constant 0 : i32
        %dma_wait3A_56 = tpu.memref_slice %arg10[%dma_wait3A_54, %dma_wait3A_55] : memref<5248x128xf32, #tpu.memory_space<vmem_shared>> -> memref<5248x128xf32, #tpu.memory_space<vmem_shared>>
        tpu.wait_indirect_dma semaphore(%run_scoped3A_46 : memref<!tpu.dma_semaphore, #tpu.memory_space<semaphore_mem>>) src(%arg8 : memref<128x128xf32, #tpu.memory_space<vmem>>) dst(%dma_wait3A_56 : memref<5248x128xf32, #tpu.memory_space<vmem_shared>>)
        tpu.yield
      }) : () -> ()
    }
    %scan3A_23 = arith.constant 80 : i32
    %barrier3A_24 = arith.constant 0 : index
    tpu.barrier barrier_id(%barrier3A_24)
    %run_scoped3A = arith.constant 0 : i32
    "tpu.region"() ({
      %run_scoped3A_45 = tpu.sem_alloc : memref<!tpu.dma_semaphore, #tpu.memory_space<semaphore_mem>>
      %dma_start3A = arith.constant 0 : i32
      %dma_start3A_46 = tpu.memref_slice %arg4[%arg0, %run_scoped3A, %mul3A_3, %dma_start3A] : memref<2x2x5248x128xf32, #tpu.memory_space<hbm>> -> memref<1x1x328x128xf32, #tpu.memory_space<hbm>>
      %dma_start3A_47 = tpu.memref_squeeze %dma_start3A_46 : memref<1x1x328x128xf32, #tpu.memory_space<hbm>> -> memref<328x128xf32, #tpu.memory_space<hbm>>
      %dma_start3A_48 = arith.constant 0 : i32
      %dma_start3A_49 = tpu.memref_slice %arg10[%mul3A_3, %dma_start3A_48] : memref<5248x128xf32, #tpu.memory_space<vmem_shared>> -> memref<328x128xf32, #tpu.memory_space<vmem_shared>>
      tpu.enqueue_dma source(%dma_start3A_49 : memref<328x128xf32, #tpu.memory_space<vmem_shared>>) target(%dma_start3A_47 : memref<328x128xf32, #tpu.memory_space<hbm>>) target_semaphore(%run_scoped3A_45 : memref<!tpu.dma_semaphore, #tpu.memory_space<semaphore_mem>>)
      %dma_wait3A = arith.constant 0 : i32
      %dma_wait3A_50 = tpu.memref_slice %arg4[%arg0, %run_scoped3A, %mul3A_3, %dma_wait3A] : memref<2x2x5248x128xf32, #tpu.memory_space<hbm>> -> memref<1x1x328x128xf32, #tpu.memory_space<hbm>>
      %dma_wait3A_51 = tpu.memref_squeeze %dma_wait3A_50 : memref<1x1x328x128xf32, #tpu.memory_space<hbm>> -> memref<328x128xf32, #tpu.memory_space<hbm>>
      %dma_wait3A_52 = arith.constant 0 : i32
      %dma_wait3A_53 = tpu.memref_slice %arg10[%mul3A_3, %dma_wait3A_52] : memref<5248x128xf32, #tpu.memory_space<vmem_shared>> -> memref<328x128xf32, #tpu.memory_space<vmem_shared>>
      tpu.wait_dma2 semaphore(%run_scoped3A_45 : memref<!tpu.dma_semaphore, #tpu.memory_space<semaphore_mem>>) src(%dma_wait3A_53 : memref<328x128xf32, #tpu.memory_space<vmem_shared>>) dst(%dma_wait3A_51 : memref<328x128xf32, #tpu.memory_space<hbm>>)
      tpu.yield
    }) : () -> ()
    %barrier3A_25 = arith.constant 0 : index
    tpu.barrier barrier_id(%barrier3A_25)
    %scan3A_26 = arith.constant 0 : i32
    %scan3A_27 = arith.constant 0 : i32
    %scan3A_28 = arith.constant 80 : i32
    %scan3A_29 = arith.addi %scan3A_27, %scan3A_28 : i32
    %scan3A_30 = arith.constant 1 : i32
    scf.for %scan3A_45 = %scan3A_27 to %scan3A_29 step %scan3A_30  : i32 {
      %eq3A = arith.constant 0 : i32
      %eq3A_46 = arith.cmpi eq, %arg0, %eq3A : i32
      %get3A = arith.index_cast %scan3A_45 : i32 to index
      %get3A_47 = arith.constant 0 : index
      %get3A_48 = tpu.vector_load %arg6[%get3A, %get3A_47] {strides = array<i32>} : memref<80x128xi32, #tpu.memory_space<vmem>>, vector<1x16xi32>,
      %get3A_49 = vector.shape_cast %get3A_48 : vector<1x16xi32> to vector<16xi32>
      %get3A_50 = arith.index_cast %scan3A_45 : i32 to index
      %get3A_51 = arith.constant 0 : index
      %get3A_52 = tpu.vector_load %arg5[%get3A_50, %get3A_51] {strides = array<i32>} : memref<80x128xi32, #tpu.memory_space<vmem>>, vector<1x16xi32>,
      %get3A_53 = vector.shape_cast %get3A_52 : vector<1x16xi32> to vector<16xi32>
      %select_n3A = arith.select %eq3A_46, %get3A_49, %get3A_53 : vector<16xi32>
      %sub3A = arith.constant 5120 : i32
      %sub3A_54 = vector.broadcast %sub3A : i32 to vector<16xi32>
      %sub3A_55 = arith.subi %select_n3A, %sub3A_54 : vector<16xi32>
      %ge3A = arith.constant 0 : i32
      %ge3A_56 = vector.broadcast %ge3A : i32 to vector<16xi32>
      %ge3A_57 = arith.cmpi sge, %sub3A_55, %ge3A_56 : vector<16xi32>
      %lt3A = arith.constant 5120 : i32
      %lt3A_58 = vector.broadcast %lt3A : i32 to vector<16xi32>
      %lt3A_59 = arith.cmpi slt, %sub3A_55, %lt3A_58 : vector<16xi32>
      %and3A = arith.andi %ge3A_57, %lt3A_59 : vector<16xi1>
      %jit3A = arith.constant 5120 : i32
      %broadcast_in_dim3A_60 = vector.broadcast %jit3A : i32 to vector<16xi32>
      %select_n3A_61 = arith.select %and3A, %sub3A_55, %broadcast_in_dim3A_60 : vector<16xi1>, vector<16xi32>
      %swap3A = arith.index_cast %scan3A_45 : i32 to index
      %swap3A_62 = arith.constant 0 : index
      %swap3A_63 = tpu.vector_load %arg7[%swap3A, %swap3A_62] {strides = array<i32>} : memref<80x128xi32, #tpu.memory_space<vmem>>, vector<1x16xi32>,
      %swap3A_64 = vector.shape_cast %swap3A_63 : vector<1x16xi32> to vector<16xi32>
      %swap3A_65 = vector.shape_cast %select_n3A_61 : vector<16xi32> to vector<1x16xi32>
      tpu.vector_store %arg7[%swap3A, %swap3A_62], %swap3A_65 {strides = array<i32>} : memref<80x128xi32, #tpu.memory_space<vmem>>, vector<1x16xi32>,
      %eq3A_66 = arith.constant 0 : i32
      %eq3A_67 = arith.cmpi eq, %arg0, %eq3A_66 : i32
      %get3A_68 = arith.index_cast %scan3A_45 : i32 to index
      %get3A_69 = arith.constant 16 : index
      %get3A_70 = tpu.vector_load %arg6[%get3A_68, %get3A_69] {strides = array<i32>} : memref<80x128xi32, #tpu.memory_space<vmem>>, vector<1x16xi32>,
      %get3A_71 = vector.shape_cast %get3A_70 : vector<1x16xi32> to vector<16xi32>
      %get3A_72 = arith.index_cast %scan3A_45 : i32 to index
      %get3A_73 = arith.constant 16 : index
      %get3A_74 = tpu.vector_load %arg5[%get3A_72, %get3A_73] {strides = array<i32>} : memref<80x128xi32, #tpu.memory_space<vmem>>, vector<1x16xi32>,
      %get3A_75 = vector.shape_cast %get3A_74 : vector<1x16xi32> to vector<16xi32>
      %select_n3A_76 = arith.select %eq3A_67, %get3A_71, %get3A_75 : vector<16xi32>
      %sub3A_77 = arith.constant 5120 : i32
      %sub3A_78 = vector.broadcast %sub3A_77 : i32 to vector<16xi32>
      %sub3A_79 = arith.subi %select_n3A_76, %sub3A_78 : vector<16xi32>
      %ge3A_80 = arith.constant 0 : i32
      %ge3A_81 = vector.broadcast %ge3A_80 : i32 to vector<16xi32>
      %ge3A_82 = arith.cmpi sge, %sub3A_79, %ge3A_81 : vector<16xi32>
      %lt3A_83 = arith.constant 5120 : i32
      %lt3A_84 = vector.broadcast %lt3A_83 : i32 to vector<16xi32>
      %lt3A_85 = arith.cmpi slt, %sub3A_79, %lt3A_84 : vector<16xi32>
      %and3A_86 = arith.andi %ge3A_82, %lt3A_85 : vector<16xi1>
      %jit3A_87 = arith.constant 5120 : i32
      %broadcast_in_dim3A_88 = vector.broadcast %jit3A_87 : i32 to vector<16xi32>
      %select_n3A_89 = arith.select %and3A_86, %sub3A_79, %broadcast_in_dim3A_88 : vector<16xi1>, vector<16xi32>
      %swap3A_90 = arith.index_cast %scan3A_45 : i32 to index
      %swap3A_91 = arith.constant 16 : index
      %swap3A_92 = tpu.vector_load %arg7[%swap3A_90, %swap3A_91] {strides = array<i32>} : memref<80x128xi32, #tpu.memory_space<vmem>>, vector<1x16xi32>,
      %swap3A_93 = vector.shape_cast %swap3A_92 : vector<1x16xi32> to vector<16xi32>
      %swap3A_94 = vector.shape_cast %select_n3A_89 : vector<16xi32> to vector<1x16xi32>
      tpu.vector_store %arg7[%swap3A_90, %swap3A_91], %swap3A_94 {strides = array<i32>} : memref<80x128xi32, #tpu.memory_space<vmem>>, vector<1x16xi32>,
      %eq3A_95 = arith.constant 0 : i32
      %eq3A_96 = arith.cmpi eq, %arg0, %eq3A_95 : i32
      %get3A_97 = arith.index_cast %scan3A_45 : i32 to index
      %get3A_98 = arith.constant 32 : index
      %get3A_99 = tpu.vector_load %arg6[%get3A_97, %get3A_98] {strides = array<i32>} : memref<80x128xi32, #tpu.memory_space<vmem>>, vector<1x16xi32>,
      %get3A_100 = vector.shape_cast %get3A_99 : vector<1x16xi32> to vector<16xi32>
      %get3A_101 = arith.index_cast %scan3A_45 : i32 to index
      %get3A_102 = arith.constant 32 : index
      %get3A_103 = tpu.vector_load %arg5[%get3A_101, %get3A_102] {strides = array<i32>} : memref<80x128xi32, #tpu.memory_space<vmem>>, vector<1x16xi32>,
      %get3A_104 = vector.shape_cast %get3A_103 : vector<1x16xi32> to vector<16xi32>
      %select_n3A_105 = arith.select %eq3A_96, %get3A_100, %get3A_104 : vector<16xi32>
      %sub3A_106 = arith.constant 5120 : i32
      %sub3A_107 = vector.broadcast %sub3A_106 : i32 to vector<16xi32>
      %sub3A_108 = arith.subi %select_n3A_105, %sub3A_107 : vector<16xi32>
      %ge3A_109 = arith.constant 0 : i32
      %ge3A_110 = vector.broadcast %ge3A_109 : i32 to vector<16xi32>
      %ge3A_111 = arith.cmpi sge, %sub3A_108, %ge3A_110 : vector<16xi32>
      %lt3A_112 = arith.constant 5120 : i32
      %lt3A_113 = vector.broadcast %lt3A_112 : i32 to vector<16xi32>
      %lt3A_114 = arith.cmpi slt, %sub3A_108, %lt3A_113 : vector<16xi32>
      %and3A_115 = arith.andi %ge3A_111, %lt3A_114 : vector<16xi1>
      %jit3A_116 = arith.constant 5120 : i32
      %broadcast_in_dim3A_117 = vector.broadcast %jit3A_116 : i32 to vector<16xi32>
      %select_n3A_118 = arith.select %and3A_115, %sub3A_108, %broadcast_in_dim3A_117 : vector<16xi1>, vector<16xi32>
      %swap3A_119 = arith.index_cast %scan3A_45 : i32 to index
      %swap3A_120 = arith.constant 32 : index
      %swap3A_121 = tpu.vector_load %arg7[%swap3A_119, %swap3A_120] {strides = array<i32>} : memref<80x128xi32, #tpu.memory_space<vmem>>, vector<1x16xi32>,
      %swap3A_122 = vector.shape_cast %swap3A_121 : vector<1x16xi32> to vector<16xi32>
      %swap3A_123 = vector.shape_cast %select_n3A_118 : vector<16xi32> to vector<1x16xi32>
      tpu.vector_store %arg7[%swap3A_119, %swap3A_120], %swap3A_123 {strides = array<i32>} : memref<80x128xi32, #tpu.memory_space<vmem>>, vector<1x16xi32>,
      %eq3A_124 = arith.constant 0 : i32
      %eq3A_125 = arith.cmpi eq, %arg0, %eq3A_124 : i32
      %get3A_126 = arith.index_cast %scan3A_45 : i32 to index
      %get3A_127 = arith.constant 48 : index
      %get3A_128 = tpu.vector_load %arg6[%get3A_126, %get3A_127] {strides = array<i32>} : memref<80x128xi32, #tpu.memory_space<vmem>>, vector<1x16xi32>,
      %get3A_129 = vector.shape_cast %get3A_128 : vector<1x16xi32> to vector<16xi32>
      %get3A_130 = arith.index_cast %scan3A_45 : i32 to index
      %get3A_131 = arith.constant 48 : index
      %get3A_132 = tpu.vector_load %arg5[%get3A_130, %get3A_131] {strides = array<i32>} : memref<80x128xi32, #tpu.memory_space<vmem>>, vector<1x16xi32>,
      %get3A_133 = vector.shape_cast %get3A_132 : vector<1x16xi32> to vector<16xi32>
      %select_n3A_134 = arith.select %eq3A_125, %get3A_129, %get3A_133 : vector<16xi32>
      %sub3A_135 = arith.constant 5120 : i32
      %sub3A_136 = vector.broadcast %sub3A_135 : i32 to vector<16xi32>
      %sub3A_137 = arith.subi %select_n3A_134, %sub3A_136 : vector<16xi32>
      %ge3A_138 = arith.constant 0 : i32
      %ge3A_139 = vector.broadcast %ge3A_138 : i32 to vector<16xi32>
      %ge3A_140 = arith.cmpi sge, %sub3A_137, %ge3A_139 : vector<16xi32>
      %lt3A_141 = arith.constant 5120 : i32
      %lt3A_142 = vector.broadcast %lt3A_141 : i32 to vector<16xi32>
      %lt3A_143 = arith.cmpi slt, %sub3A_137, %lt3A_142 : vector<16xi32>
      %and3A_144 = arith.andi %ge3A_140, %lt3A_143 : vector<16xi1>
      %jit3A_145 = arith.constant 5120 : i32
      %broadcast_in_dim3A_146 = vector.broadcast %jit3A_145 : i32 to vector<16xi32>
      %select_n3A_147 = arith.select %and3A_144, %sub3A_137, %broadcast_in_dim3A_146 : vector<16xi1>, vector<16xi32>
      %swap3A_148 = arith.index_cast %scan3A_45 : i32 to index
      %swap3A_149 = arith.constant 48 : index
      %swap3A_150 = tpu.vector_load %arg7[%swap3A_148, %swap3A_149] {strides = array<i32>} : memref<80x128xi32, #tpu.memory_space<vmem>>, vector<1x16xi32>,
      %swap3A_151 = vector.shape_cast %swap3A_150 : vector<1x16xi32> to vector<16xi32>
      %swap3A_152 = vector.shape_cast %select_n3A_147 : vector<16xi32> to vector<1x16xi32>
      tpu.vector_store %arg7[%swap3A_148, %swap3A_149], %swap3A_152 {strides = array<i32>} : memref<80x128xi32, #tpu.memory_space<vmem>>, vector<1x16xi32>,
      %eq3A_153 = arith.constant 0 : i32
      %eq3A_154 = arith.cmpi eq, %arg0, %eq3A_153 : i32
      %get3A_155 = arith.index_cast %scan3A_45 : i32 to index
      %get3A_156 = arith.constant 64 : index
      %get3A_157 = tpu.vector_load %arg6[%get3A_155, %get3A_156] {strides = array<i32>} : memref<80x128xi32, #tpu.memory_space<vmem>>, vector<1x16xi32>,
      %get3A_158 = vector.shape_cast %get3A_157 : vector<1x16xi32> to vector<16xi32>
      %get3A_159 = arith.index_cast %scan3A_45 : i32 to index
      %get3A_160 = arith.constant 64 : index
      %get3A_161 = tpu.vector_load %arg5[%get3A_159, %get3A_160] {strides = array<i32>} : memref<80x128xi32, #tpu.memory_space<vmem>>, vector<1x16xi32>,
      %get3A_162 = vector.shape_cast %get3A_161 : vector<1x16xi32> to vector<16xi32>
      %select_n3A_163 = arith.select %eq3A_154, %get3A_158, %get3A_162 : vector<16xi32>
      %sub3A_164 = arith.constant 5120 : i32
      %sub3A_165 = vector.broadcast %sub3A_164 : i32 to vector<16xi32>
      %sub3A_166 = arith.subi %select_n3A_163, %sub3A_165 : vector<16xi32>
      %ge3A_167 = arith.constant 0 : i32
      %ge3A_168 = vector.broadcast %ge3A_167 : i32 to vector<16xi32>
      %ge3A_169 = arith.cmpi sge, %sub3A_166, %ge3A_168 : vector<16xi32>
      %lt3A_170 = arith.constant 5120 : i32
      %lt3A_171 = vector.broadcast %lt3A_170 : i32 to vector<16xi32>
      %lt3A_172 = arith.cmpi slt, %sub3A_166, %lt3A_171 : vector<16xi32>
      %and3A_173 = arith.andi %ge3A_169, %lt3A_172 : vector<16xi1>
      %jit3A_174 = arith.constant 5120 : i32
      %broadcast_in_dim3A_175 = vector.broadcast %jit3A_174 : i32 to vector<16xi32>
      %select_n3A_176 = arith.select %and3A_173, %sub3A_166, %broadcast_in_dim3A_175 : vector<16xi1>, vector<16xi32>
      %swap3A_177 = arith.index_cast %scan3A_45 : i32 to index
      %swap3A_178 = arith.constant 64 : index
      %swap3A_179 = tpu.vector_load %arg7[%swap3A_177, %swap3A_178] {strides = array<i32>} : memref<80x128xi32, #tpu.memory_space<vmem>>, vector<1x16xi32>,
      %swap3A_180 = vector.shape_cast %swap3A_179 : vector<1x16xi32> to vector<16xi32>
      %swap3A_181 = vector.shape_cast %select_n3A_176 : vector<16xi32> to vector<1x16xi32>
      tpu.vector_store %arg7[%swap3A_177, %swap3A_178], %swap3A_181 {strides = array<i32>} : memref<80x128xi32, #tpu.memory_space<vmem>>, vector<1x16xi32>,
      %eq3A_182 = arith.constant 0 : i32
      %eq3A_183 = arith.cmpi eq, %arg0, %eq3A_182 : i32
      %get3A_184 = arith.index_cast %scan3A_45 : i32 to index
      %get3A_185 = arith.constant 80 : index
      %get3A_186 = tpu.vector_load %arg6[%get3A_184, %get3A_185] {strides = array<i32>} : memref<80x128xi32, #tpu.memory_space<vmem>>, vector<1x16xi32>,
      %get3A_187 = vector.shape_cast %get3A_186 : vector<1x16xi32> to vector<16xi32>
      %get3A_188 = arith.index_cast %scan3A_45 : i32 to index
      %get3A_189 = arith.constant 80 : index
      %get3A_190 = tpu.vector_load %arg5[%get3A_188, %get3A_189] {strides = array<i32>} : memref<80x128xi32, #tpu.memory_space<vmem>>, vector<1x16xi32>,
      %get3A_191 = vector.shape_cast %get3A_190 : vector<1x16xi32> to vector<16xi32>
      %select_n3A_192 = arith.select %eq3A_183, %get3A_187, %get3A_191 : vector<16xi32>
      %sub3A_193 = arith.constant 5120 : i32
      %sub3A_194 = vector.broadcast %sub3A_193 : i32 to vector<16xi32>
      %sub3A_195 = arith.subi %select_n3A_192, %sub3A_194 : vector<16xi32>
      %ge3A_196 = arith.constant 0 : i32
      %ge3A_197 = vector.broadcast %ge3A_196 : i32 to vector<16xi32>
      %ge3A_198 = arith.cmpi sge, %sub3A_195, %ge3A_197 : vector<16xi32>
      %lt3A_199 = arith.constant 5120 : i32
      %lt3A_200 = vector.broadcast %lt3A_199 : i32 to vector<16xi32>
      %lt3A_201 = arith.cmpi slt, %sub3A_195, %lt3A_200 : vector<16xi32>
      %and3A_202 = arith.andi %ge3A_198, %lt3A_201 : vector<16xi1>
      %jit3A_203 = arith.constant 5120 : i32
      %broadcast_in_dim3A_204 = vector.broadcast %jit3A_203 : i32 to vector<16xi32>
      %select_n3A_205 = arith.select %and3A_202, %sub3A_195, %broadcast_in_dim3A_204 : vector<16xi1>, vector<16xi32>
      %swap3A_206 = arith.index_cast %scan3A_45 : i32 to index
      %swap3A_207 = arith.constant 80 : index
      %swap3A_208 = tpu.vector_load %arg7[%swap3A_206, %swap3A_207] {strides = array<i32>} : memref<80x128xi32, #tpu.memory_space<vmem>>, vector<1x16xi32>,
      %swap3A_209 = vector.shape_cast %swap3A_208 : vector<1x16xi32> to vector<16xi32>
      %swap3A_210 = vector.shape_cast %select_n3A_205 : vector<16xi32> to vector<1x16xi32>
      tpu.vector_store %arg7[%swap3A_206, %swap3A_207], %swap3A_210 {strides = array<i32>} : memref<80x128xi32, #tpu.memory_space<vmem>>, vector<1x16xi32>,
      %eq3A_211 = arith.constant 0 : i32
      %eq3A_212 = arith.cmpi eq, %arg0, %eq3A_211 : i32
      %get3A_213 = arith.index_cast %scan3A_45 : i32 to index
      %get3A_214 = arith.constant 96 : index
      %get3A_215 = tpu.vector_load %arg6[%get3A_213, %get3A_214] {strides = array<i32>} : memref<80x128xi32, #tpu.memory_space<vmem>>, vector<1x16xi32>,
      %get3A_216 = vector.shape_cast %get3A_215 : vector<1x16xi32> to vector<16xi32>
      %get3A_217 = arith.index_cast %scan3A_45 : i32 to index
      %get3A_218 = arith.constant 96 : index
      %get3A_219 = tpu.vector_load %arg5[%get3A_217, %get3A_218] {strides = array<i32>} : memref<80x128xi32, #tpu.memory_space<vmem>>, vector<1x16xi32>,
      %get3A_220 = vector.shape_cast %get3A_219 : vector<1x16xi32> to vector<16xi32>
      %select_n3A_221 = arith.select %eq3A_212, %get3A_216, %get3A_220 : vector<16xi32>
      %sub3A_222 = arith.constant 5120 : i32
      %sub3A_223 = vector.broadcast %sub3A_222 : i32 to vector<16xi32>
      %sub3A_224 = arith.subi %select_n3A_221, %sub3A_223 : vector<16xi32>
      %ge3A_225 = arith.constant 0 : i32
      %ge3A_226 = vector.broadcast %ge3A_225 : i32 to vector<16xi32>
      %ge3A_227 = arith.cmpi sge, %sub3A_224, %ge3A_226 : vector<16xi32>
      %lt3A_228 = arith.constant 5120 : i32
      %lt3A_229 = vector.broadcast %lt3A_228 : i32 to vector<16xi32>
      %lt3A_230 = arith.cmpi slt, %sub3A_224, %lt3A_229 : vector<16xi32>
      %and3A_231 = arith.andi %ge3A_227, %lt3A_230 : vector<16xi1>
      %jit3A_232 = arith.constant 5120 : i32
      %broadcast_in_dim3A_233 = vector.broadcast %jit3A_232 : i32 to vector<16xi32>
      %select_n3A_234 = arith.select %and3A_231, %sub3A_224, %broadcast_in_dim3A_233 : vector<16xi1>, vector<16xi32>
      %swap3A_235 = arith.index_cast %scan3A_45 : i32 to index
      %swap3A_236 = arith.constant 96 : index
      %swap3A_237 = tpu.vector_load %arg7[%swap3A_235, %swap3A_236] {strides = array<i32>} : memref<80x128xi32, #tpu.memory_space<vmem>>, vector<1x16xi32>,
      %swap3A_238 = vector.shape_cast %swap3A_237 : vector<1x16xi32> to vector<16xi32>
      %swap3A_239 = vector.shape_cast %select_n3A_234 : vector<16xi32> to vector<1x16xi32>
      tpu.vector_store %arg7[%swap3A_235, %swap3A_236], %swap3A_239 {strides = array<i32>} : memref<80x128xi32, #tpu.memory_space<vmem>>, vector<1x16xi32>,
      %eq3A_240 = arith.constant 0 : i32
      %eq3A_241 = arith.cmpi eq, %arg0, %eq3A_240 : i32
      %get3A_242 = arith.index_cast %scan3A_45 : i32 to index
      %get3A_243 = arith.constant 112 : index
      %get3A_244 = tpu.vector_load %arg6[%get3A_242, %get3A_243] {strides = array<i32>} : memref<80x128xi32, #tpu.memory_space<vmem>>, vector<1x16xi32>,
      %get3A_245 = vector.shape_cast %get3A_244 : vector<1x16xi32> to vector<16xi32>
      %get3A_246 = arith.index_cast %scan3A_45 : i32 to index
      %get3A_247 = arith.constant 112 : index
      %get3A_248 = tpu.vector_load %arg5[%get3A_246, %get3A_247] {strides = array<i32>} : memref<80x128xi32, #tpu.memory_space<vmem>>, vector<1x16xi32>,
      %get3A_249 = vector.shape_cast %get3A_248 : vector<1x16xi32> to vector<16xi32>
      %select_n3A_250 = arith.select %eq3A_241, %get3A_245, %get3A_249 : vector<16xi32>
      %sub3A_251 = arith.constant 5120 : i32
      %sub3A_252 = vector.broadcast %sub3A_251 : i32 to vector<16xi32>
      %sub3A_253 = arith.subi %select_n3A_250, %sub3A_252 : vector<16xi32>
      %ge3A_254 = arith.constant 0 : i32
      %ge3A_255 = vector.broadcast %ge3A_254 : i32 to vector<16xi32>
      %ge3A_256 = arith.cmpi sge, %sub3A_253, %ge3A_255 : vector<16xi32>
      %lt3A_257 = arith.constant 5120 : i32
      %lt3A_258 = vector.broadcast %lt3A_257 : i32 to vector<16xi32>
      %lt3A_259 = arith.cmpi slt, %sub3A_253, %lt3A_258 : vector<16xi32>
      %and3A_260 = arith.andi %ge3A_256, %lt3A_259 : vector<16xi1>
      %jit3A_261 = arith.constant 5120 : i32
      %broadcast_in_dim3A_262 = vector.broadcast %jit3A_261 : i32 to vector<16xi32>
      %select_n3A_263 = arith.select %and3A_260, %sub3A_253, %broadcast_in_dim3A_262 : vector<16xi1>, vector<16xi32>
      %swap3A_264 = arith.index_cast %scan3A_45 : i32 to index
      %swap3A_265 = arith.constant 112 : index
      %swap3A_266 = tpu.vector_load %arg7[%swap3A_264, %swap3A_265] {strides = array<i32>} : memref<80x128xi32, #tpu.memory_space<vmem>>, vector<1x16xi32>,
      %swap3A_267 = vector.shape_cast %swap3A_266 : vector<1x16xi32> to vector<16xi32>
      %swap3A_268 = vector.shape_cast %select_n3A_263 : vector<16xi32> to vector<1x16xi32>
      tpu.vector_store %arg7[%swap3A_264, %swap3A_265], %swap3A_268 {strides = array<i32>} : memref<80x128xi32, #tpu.memory_space<vmem>>, vector<1x16xi32>,
    }
    %scan3A_31 = arith.constant 80 : i32
    "tpu.region"() ({
      %run_scoped3A_45 = tpu.sem_alloc : memref<!tpu.dma_semaphore, #tpu.memory_space<semaphore_mem>>
      %dma_start3A = arith.constant 0 : i32
      %dma_start3A_46 = tpu.memref_slice %arg10[%mul3A_3, %dma_start3A] : memref<5248x128xf32, #tpu.memory_space<vmem_shared>> -> memref<128x128xf32, #tpu.memory_space<vmem_shared>>
      %dma_start3A_47 = arith.constant 0 : i32
      %dma_start3A_48 = tpu.memref_slice %arg10[%mul3A_3, %dma_start3A_47] : memref<5248x128xf32, #tpu.memory_space<vmem_shared>> -> memref<128x128xf32, #tpu.memory_space<vmem_shared>>
      tpu.enqueue_dma source(%arg9 : memref<128x128xf32, #tpu.memory_space<vmem>>) target(%dma_start3A_48 : memref<128x128xf32, #tpu.memory_space<vmem_shared>>) target_semaphore(%run_scoped3A_45 : memref<!tpu.dma_semaphore, #tpu.memory_space<semaphore_mem>>)
      %dma_wait3A = arith.constant 0 : i32
      %dma_wait3A_49 = tpu.memref_slice %arg10[%mul3A_3, %dma_wait3A] : memref<5248x128xf32, #tpu.memory_space<vmem_shared>> -> memref<128x128xf32, #tpu.memory_space<vmem_shared>>
      %dma_wait3A_50 = arith.constant 0 : i32
      %dma_wait3A_51 = tpu.memref_slice %arg10[%mul3A_3, %dma_wait3A_50] : memref<5248x128xf32, #tpu.memory_space<vmem_shared>> -> memref<128x128xf32, #tpu.memory_space<vmem_shared>>
      tpu.wait_dma2 semaphore(%run_scoped3A_45 : memref<!tpu.dma_semaphore, #tpu.memory_space<semaphore_mem>>) src(%arg9 : memref<128x128xf32, #tpu.memory_space<vmem>>) dst(%dma_wait3A_51 : memref<128x128xf32, #tpu.memory_space<vmem_shared>>)
      tpu.yield
    }) : () -> ()
    %add3A_32 = arith.constant 128 : i32
    %add3A_33 = arith.addi %mul3A_3, %add3A_32 : i32
    "tpu.region"() ({
      %run_scoped3A_45 = tpu.sem_alloc : memref<!tpu.dma_semaphore, #tpu.memory_space<semaphore_mem>>
      %dma_start3A = arith.constant 0 : i32
      %dma_start3A_46 = tpu.memref_slice %arg10[%add3A_33, %dma_start3A] : memref<5248x128xf32, #tpu.memory_space<vmem_shared>> -> memref<128x128xf32, #tpu.memory_space<vmem_shared>>
      %dma_start3A_47 = arith.constant 0 : i32
      %dma_start3A_48 = tpu.memref_slice %arg10[%add3A_33, %dma_start3A_47] : memref<5248x128xf32, #tpu.memory_space<vmem_shared>> -> memref<128x128xf32, #tpu.memory_space<vmem_shared>>
      tpu.enqueue_dma source(%arg9 : memref<128x128xf32, #tpu.memory_space<vmem>>) target(%dma_start3A_48 : memref<128x128xf32, #tpu.memory_space<vmem_shared>>) target_semaphore(%run_scoped3A_45 : memref<!tpu.dma_semaphore, #tpu.memory_space<semaphore_mem>>)
      %dma_wait3A = arith.constant 0 : i32
      %dma_wait3A_49 = tpu.memref_slice %arg10[%add3A_33, %dma_wait3A] : memref<5248x128xf32, #tpu.memory_space<vmem_shared>> -> memref<128x128xf32, #tpu.memory_space<vmem_shared>>
      %dma_wait3A_50 = arith.constant 0 : i32
      %dma_wait3A_51 = tpu.memref_slice %arg10[%add3A_33, %dma_wait3A_50] : memref<5248x128xf32, #tpu.memory_space<vmem_shared>> -> memref<128x128xf32, #tpu.memory_space<vmem_shared>>
      tpu.wait_dma2 semaphore(%run_scoped3A_45 : memref<!tpu.dma_semaphore, #tpu.memory_space<semaphore_mem>>) src(%arg9 : memref<128x128xf32, #tpu.memory_space<vmem>>) dst(%dma_wait3A_51 : memref<128x128xf32, #tpu.memory_space<vmem_shared>>)
      tpu.yield
    }) : () -> ()
    %add3A_34 = arith.constant 256 : i32
    %add3A_35 = arith.addi %mul3A_3, %add3A_34 : i32
    "tpu.region"() ({
      %run_scoped3A_45 = tpu.sem_alloc : memref<!tpu.dma_semaphore, #tpu.memory_space<semaphore_mem>>
      %dma_start3A = arith.constant 0 : i32
      %dma_start3A_46 = arith.constant 0 : i32
      %dma_start3A_47 = tpu.memref_slice %arg9[%dma_start3A, %dma_start3A_46] : memref<128x128xf32, #tpu.memory_space<vmem>> -> memref<72x128xf32, #tpu.memory_space<vmem>>
      %dma_start3A_48 = arith.constant 0 : i32
      %dma_start3A_49 = tpu.memref_slice %arg10[%add3A_35, %dma_start3A_48] : memref<5248x128xf32, #tpu.memory_space<vmem_shared>> -> memref<72x128xf32, #tpu.memory_space<vmem_shared>>
      %dma_start3A_50 = arith.constant 0 : i32
      %dma_start3A_51 = tpu.memref_slice %arg10[%add3A_35, %dma_start3A_50] : memref<5248x128xf32, #tpu.memory_space<vmem_shared>> -> memref<72x128xf32, #tpu.memory_space<vmem_shared>>
      %dma_start3A_52 = arith.constant 0 : i32
      %dma_start3A_53 = arith.constant 0 : i32
      %dma_start3A_54 = tpu.memref_slice %arg9[%dma_start3A_52, %dma_start3A_53] : memref<128x128xf32, #tpu.memory_space<vmem>> -> memref<72x128xf32, #tpu.memory_space<vmem>>
      tpu.enqueue_dma source(%dma_start3A_54 : memref<72x128xf32, #tpu.memory_space<vmem>>) target(%dma_start3A_51 : memref<72x128xf32, #tpu.memory_space<vmem_shared>>) target_semaphore(%run_scoped3A_45 : memref<!tpu.dma_semaphore, #tpu.memory_space<semaphore_mem>>)
      %dma_wait3A = arith.constant 0 : i32
      %dma_wait3A_55 = arith.constant 0 : i32
      %dma_wait3A_56 = tpu.memref_slice %arg9[%dma_wait3A, %dma_wait3A_55] : memref<128x128xf32, #tpu.memory_space<vmem>> -> memref<72x128xf32, #tpu.memory_space<vmem>>
      %dma_wait3A_57 = arith.constant 0 : i32
      %dma_wait3A_58 = tpu.memref_slice %arg10[%add3A_35, %dma_wait3A_57] : memref<5248x128xf32, #tpu.memory_space<vmem_shared>> -> memref<72x128xf32, #tpu.memory_space<vmem_shared>>
      %dma_wait3A_59 = arith.constant 0 : i32
      %dma_wait3A_60 = tpu.memref_slice %arg10[%add3A_35, %dma_wait3A_59] : memref<5248x128xf32, #tpu.memory_space<vmem_shared>> -> memref<72x128xf32, #tpu.memory_space<vmem_shared>>
      %dma_wait3A_61 = arith.constant 0 : i32
      %dma_wait3A_62 = arith.constant 0 : i32
      %dma_wait3A_63 = tpu.memref_slice %arg9[%dma_wait3A_61, %dma_wait3A_62] : memref<128x128xf32, #tpu.memory_space<vmem>> -> memref<72x128xf32, #tpu.memory_space<vmem>>
      tpu.wait_dma2 semaphore(%run_scoped3A_45 : memref<!tpu.dma_semaphore, #tpu.memory_space<semaphore_mem>>) src(%dma_wait3A_63 : memref<72x128xf32, #tpu.memory_space<vmem>>) dst(%dma_wait3A_60 : memref<72x128xf32, #tpu.memory_space<vmem_shared>>)
      tpu.yield
    }) : () -> ()
    %barrier3A_36 = arith.constant 0 : index
    tpu.barrier barrier_id(%barrier3A_36)
    %scan3A_37 = arith.constant 0 : i32
    %scan3A_38 = arith.constant 0 : i32
    %scan3A_39 = arith.constant 80 : i32
    %scan3A_40 = arith.addi %scan3A_38, %scan3A_39 : i32
    %scan3A_41 = arith.constant 1 : i32
    scf.for %scan3A_45 = %scan3A_38 to %scan3A_40 step %scan3A_41  : i32 {
      "tpu.region"() ({
        %run_scoped3A_46 = tpu.sem_alloc : memref<!tpu.dma_semaphore, #tpu.memory_space<semaphore_mem>>
        %dma_start3A = arith.constant 0 : i32
        %dma_start3A_47 = tpu.memref_slice %arg7[%scan3A_45, %dma_start3A] : memref<80x128xi32, #tpu.memory_space<vmem>> -> memref<1x128xi32, #tpu.memory_space<vmem>>
        %dma_start3A_48 = tpu.memref_squeeze %dma_start3A_47 : memref<1x128xi32, #tpu.memory_space<vmem>> -> memref<128xi32, #tpu.memory_space<vmem>>
        %dma_start3A_49 = arith.constant 0 : i32
        %dma_start3A_50 = arith.constant 0 : i32
        %dma_start3A_51 = tpu.memref_slice %arg10[%dma_start3A_49, %dma_start3A_50] : memref<5248x128xf32, #tpu.memory_space<vmem_shared>> -> memref<5248x128xf32, #tpu.memory_space<vmem_shared>>
        tpu.enqueue_indirect_dma source(%arg8 : memref<128x128xf32, #tpu.memory_space<vmem>>) target(%dma_start3A_51 : memref<5248x128xf32, #tpu.memory_space<vmem_shared>>) offsets(%dma_start3A_48 : memref<128xi32, #tpu.memory_space<vmem>>) semaphore(%run_scoped3A_46 : memref<!tpu.dma_semaphore, #tpu.memory_space<semaphore_mem>>) {add = true}
        %dma_wait3A = arith.constant 0 : i32
        %dma_wait3A_52 = tpu.memref_slice %arg7[%scan3A_45, %dma_wait3A] : memref<80x128xi32, #tpu.memory_space<vmem>> -> memref<1x128xi32, #tpu.memory_space<vmem>>
        %dma_wait3A_53 = tpu.memref_squeeze %dma_wait3A_52 : memref<1x128xi32, #tpu.memory_space<vmem>> -> memref<128xi32, #tpu.memory_space<vmem>>
        %dma_wait3A_54 = arith.constant 0 : i32
        %dma_wait3A_55 = arith.constant 0 : i32
        %dma_wait3A_56 = tpu.memref_slice %arg10[%dma_wait3A_54, %dma_wait3A_55] : memref<5248x128xf32, #tpu.memory_space<vmem_shared>> -> memref<5248x128xf32, #tpu.memory_space<vmem_shared>>
        tpu.wait_indirect_dma semaphore(%run_scoped3A_46 : memref<!tpu.dma_semaphore, #tpu.memory_space<semaphore_mem>>) src(%arg8 : memref<128x128xf32, #tpu.memory_space<vmem>>) dst(%dma_wait3A_56 : memref<5248x128xf32, #tpu.memory_space<vmem_shared>>)
        tpu.yield
      }) : () -> ()
    }
    %scan3A_42 = arith.constant 80 : i32
    %barrier3A_43 = arith.constant 0 : index
    tpu.barrier barrier_id(%barrier3A_43)
    %run_scoped3A_44 = arith.constant 1 : i32
    "tpu.region"() ({
      %run_scoped3A_45 = tpu.sem_alloc : memref<!tpu.dma_semaphore, #tpu.memory_space<semaphore_mem>>
      %dma_start3A = arith.constant 0 : i32
      %dma_start3A_46 = tpu.memref_slice %arg4[%arg0, %run_scoped3A_44, %mul3A_3, %dma_start3A] : memref<2x2x5248x128xf32, #tpu.memory_space<hbm>> -> memref<1x1x328x128xf32, #tpu.memory_space<hbm>>
      %dma_start3A_47 = tpu.memref_squeeze %dma_start3A_46 : memref<1x1x328x128xf32, #tpu.memory_space<hbm>> -> memref<328x128xf32, #tpu.memory_space<hbm>>
      %dma_start3A_48 = arith.constant 0 : i32
      %dma_start3A_49 = tpu.memref_slice %arg10[%mul3A_3, %dma_start3A_48] : memref<5248x128xf32, #tpu.memory_space<vmem_shared>> -> memref<328x128xf32, #tpu.memory_space<vmem_shared>>
      tpu.enqueue_dma source(%dma_start3A_49 : memref<328x128xf32, #tpu.memory_space<vmem_shared>>) target(%dma_start3A_47 : memref<328x128xf32, #tpu.memory_space<hbm>>) target_semaphore(%run_scoped3A_45 : memref<!tpu.dma_semaphore, #tpu.memory_space<semaphore_mem>>)
      %dma_wait3A = arith.constant 0 : i32
      %dma_wait3A_50 = tpu.memref_slice %arg4[%arg0, %run_scoped3A_44, %mul3A_3, %dma_wait3A] : memref<2x2x5248x128xf32, #tpu.memory_space<hbm>> -> memref<1x1x328x128xf32, #tpu.memory_space<hbm>>
      %dma_wait3A_51 = tpu.memref_squeeze %dma_wait3A_50 : memref<1x1x328x128xf32, #tpu.memory_space<hbm>> -> memref<328x128xf32, #tpu.memory_space<hbm>>
      %dma_wait3A_52 = arith.constant 0 : i32
      %dma_wait3A_53 = tpu.memref_slice %arg10[%mul3A_3, %dma_wait3A_52] : memref<5248x128xf32, #tpu.memory_space<vmem_shared>> -> memref<328x128xf32, #tpu.memory_space<vmem_shared>>
      tpu.wait_dma2 semaphore(%run_scoped3A_45 : memref<!tpu.dma_semaphore, #tpu.memory_space<semaphore_mem>>) src(%dma_wait3A_53 : memref<328x128xf32, #tpu.memory_space<vmem_shared>>) dst(%dma_wait3A_51 : memref<328x128xf32, #tpu.memory_space<hbm>>)
      tpu.yield
    }) : () -> ()
    return
  }
}

#map = affine_map<(d0, d1) -> (0, 0)>
#map1 = affine_map<(d0, d1) -> (0, 0, 0)>
#map2 = affine_map<(d0, d1) -> (0, 0, 0, 0)>
module attributes {stable_mosaic.version = 14 : i64} {
  func.func @_msgpass_body(%arg0: i32, %arg1: i32, %arg2: memref<20480x128xf32, #tpu.memory_space<hbm>>, %arg3: memref<16x80x128xi32, #tpu.memory_space<hbm>>, %arg4: memref<16x80x128xi32, #tpu.memory_space<hbm>>, %arg5: memref<2x2x5248x128xf32, #tpu.memory_space<hbm>>, %arg6: memref<80x128xi32, #tpu.memory_space<vmem>>, %arg7: memref<80x128xi32, #tpu.memory_space<vmem>>, %arg8: memref<80x128xi32, #tpu.memory_space<vmem>>, %arg9: memref<128x128xf32, #tpu.memory_space<vmem>>, %arg10: memref<128x128xf32, #tpu.memory_space<vmem>>, %arg11: memref<5248x128xf32, #tpu.memory_space<vmem_shared>>, %arg12: memref<!tpu.dma_semaphore, #tpu.memory_space<semaphore_mem>>, %arg13: memref<!tpu.dma_semaphore, #tpu.memory_space<semaphore_mem>>) attributes {dimension_semantics = [#tpu.dimension_semantics<core_parallel>, #tpu.dimension_semantics<subcore_parallel>], iteration_bounds = array<i64: 2, 16>, scalar_prefetch = 0 : i64, scratch_operands = 8 : i64, tpu.core_type = #tpu.core_type<sc_vector_subcore>, window_params = [{transform_indices = #map}, {transform_indices = #map1}, {transform_indices = #map1}, {transform_indices = #map2}]} {
    %broadcast_in_dim3A = arith.constant 0.000000e+00 : f32
    %broadcast_in_dim3A_0 = vector.broadcast %broadcast_in_dim3A : f32 to vector<16xf32>
    %mul3A = arith.constant 328 : i32
    %mul3A_1 = arith.muli %arg1, %mul3A : i32
    "tpu.region"() ({
      %run_scoped3A_81 = tpu.sem_alloc : memref<!tpu.dma_semaphore, #tpu.memory_space<semaphore_mem>>
      %dma_start3A_82 = arith.constant 0 : i32
      %dma_start3A_83 = arith.constant 0 : i32
      %dma_start3A_84 = tpu.memref_slice %arg3[%arg1, %dma_start3A_82, %dma_start3A_83] : memref<16x80x128xi32, #tpu.memory_space<hbm>> -> memref<1x80x128xi32, #tpu.memory_space<hbm>>
      %dma_start3A_85 = tpu.memref_squeeze %dma_start3A_84 : memref<1x80x128xi32, #tpu.memory_space<hbm>> -> memref<80x128xi32, #tpu.memory_space<hbm>>
      %dma_start3A_86 = arith.constant 0 : i32
      %dma_start3A_87 = arith.constant 0 : i32
      %dma_start3A_88 = tpu.memref_slice %arg3[%arg1, %dma_start3A_86, %dma_start3A_87] : memref<16x80x128xi32, #tpu.memory_space<hbm>> -> memref<1x80x128xi32, #tpu.memory_space<hbm>>
      %dma_start3A_89 = tpu.memref_squeeze %dma_start3A_88 : memref<1x80x128xi32, #tpu.memory_space<hbm>> -> memref<80x128xi32, #tpu.memory_space<hbm>>
      tpu.enqueue_dma source(%dma_start3A_89 : memref<80x128xi32, #tpu.memory_space<hbm>>) target(%arg6 : memref<80x128xi32, #tpu.memory_space<vmem>>) target_semaphore(%run_scoped3A_81 : memref<!tpu.dma_semaphore, #tpu.memory_space<semaphore_mem>>)
      %dma_wait3A_90 = arith.constant 0 : i32
      %dma_wait3A_91 = arith.constant 0 : i32
      %dma_wait3A_92 = tpu.memref_slice %arg3[%arg1, %dma_wait3A_90, %dma_wait3A_91] : memref<16x80x128xi32, #tpu.memory_space<hbm>> -> memref<1x80x128xi32, #tpu.memory_space<hbm>>
      %dma_wait3A_93 = tpu.memref_squeeze %dma_wait3A_92 : memref<1x80x128xi32, #tpu.memory_space<hbm>> -> memref<80x128xi32, #tpu.memory_space<hbm>>
      %dma_wait3A_94 = arith.constant 0 : i32
      %dma_wait3A_95 = arith.constant 0 : i32
      %dma_wait3A_96 = tpu.memref_slice %arg3[%arg1, %dma_wait3A_94, %dma_wait3A_95] : memref<16x80x128xi32, #tpu.memory_space<hbm>> -> memref<1x80x128xi32, #tpu.memory_space<hbm>>
      %dma_wait3A_97 = tpu.memref_squeeze %dma_wait3A_96 : memref<1x80x128xi32, #tpu.memory_space<hbm>> -> memref<80x128xi32, #tpu.memory_space<hbm>>
      tpu.wait_dma2 semaphore(%run_scoped3A_81 : memref<!tpu.dma_semaphore, #tpu.memory_space<semaphore_mem>>) src(%dma_wait3A_97 : memref<80x128xi32, #tpu.memory_space<hbm>>) dst(%arg6 : memref<80x128xi32, #tpu.memory_space<vmem>>)
      tpu.yield
    }) : () -> ()
    "tpu.region"() ({
      %run_scoped3A_81 = tpu.sem_alloc : memref<!tpu.dma_semaphore, #tpu.memory_space<semaphore_mem>>
      %dma_start3A_82 = arith.constant 0 : i32
      %dma_start3A_83 = arith.constant 0 : i32
      %dma_start3A_84 = tpu.memref_slice %arg4[%arg1, %dma_start3A_82, %dma_start3A_83] : memref<16x80x128xi32, #tpu.memory_space<hbm>> -> memref<1x80x128xi32, #tpu.memory_space<hbm>>
      %dma_start3A_85 = tpu.memref_squeeze %dma_start3A_84 : memref<1x80x128xi32, #tpu.memory_space<hbm>> -> memref<80x128xi32, #tpu.memory_space<hbm>>
      %dma_start3A_86 = arith.constant 0 : i32
      %dma_start3A_87 = arith.constant 0 : i32
      %dma_start3A_88 = tpu.memref_slice %arg4[%arg1, %dma_start3A_86, %dma_start3A_87] : memref<16x80x128xi32, #tpu.memory_space<hbm>> -> memref<1x80x128xi32, #tpu.memory_space<hbm>>
      %dma_start3A_89 = tpu.memref_squeeze %dma_start3A_88 : memref<1x80x128xi32, #tpu.memory_space<hbm>> -> memref<80x128xi32, #tpu.memory_space<hbm>>
      tpu.enqueue_dma source(%dma_start3A_89 : memref<80x128xi32, #tpu.memory_space<hbm>>) target(%arg7 : memref<80x128xi32, #tpu.memory_space<vmem>>) target_semaphore(%run_scoped3A_81 : memref<!tpu.dma_semaphore, #tpu.memory_space<semaphore_mem>>)
      %dma_wait3A_90 = arith.constant 0 : i32
      %dma_wait3A_91 = arith.constant 0 : i32
      %dma_wait3A_92 = tpu.memref_slice %arg4[%arg1, %dma_wait3A_90, %dma_wait3A_91] : memref<16x80x128xi32, #tpu.memory_space<hbm>> -> memref<1x80x128xi32, #tpu.memory_space<hbm>>
      %dma_wait3A_93 = tpu.memref_squeeze %dma_wait3A_92 : memref<1x80x128xi32, #tpu.memory_space<hbm>> -> memref<80x128xi32, #tpu.memory_space<hbm>>
      %dma_wait3A_94 = arith.constant 0 : i32
      %dma_wait3A_95 = arith.constant 0 : i32
      %dma_wait3A_96 = tpu.memref_slice %arg4[%arg1, %dma_wait3A_94, %dma_wait3A_95] : memref<16x80x128xi32, #tpu.memory_space<hbm>> -> memref<1x80x128xi32, #tpu.memory_space<hbm>>
      %dma_wait3A_97 = tpu.memref_squeeze %dma_wait3A_96 : memref<1x80x128xi32, #tpu.memory_space<hbm>> -> memref<80x128xi32, #tpu.memory_space<hbm>>
      tpu.wait_dma2 semaphore(%run_scoped3A_81 : memref<!tpu.dma_semaphore, #tpu.memory_space<semaphore_mem>>) src(%dma_wait3A_97 : memref<80x128xi32, #tpu.memory_space<hbm>>) dst(%arg7 : memref<80x128xi32, #tpu.memory_space<vmem>>)
      tpu.yield
    }) : () -> ()
    %scan3A = arith.constant 0 : i32
    %scan3A_2 = arith.constant 0 : i32
    %scan3A_3 = arith.constant 128 : i32
    %scan3A_4 = arith.addi %scan3A_2, %scan3A_3 : i32
    %scan3A_5 = arith.constant 1 : i32
    scf.for %scan3A_81 = %scan3A_2 to %scan3A_4 step %scan3A_5  : i32 {
      %swap3A = arith.index_cast %scan3A_81 : i32 to index
      %swap3A_82 = arith.constant 0 : index
      %swap3A_83 = tpu.vector_load %arg9[%swap3A, %swap3A_82] {strides = array<i32>} : memref<128x128xf32, #tpu.memory_space<vmem>>, vector<1x16xf32>,
      %swap3A_84 = vector.shape_cast %swap3A_83 : vector<1x16xf32> to vector<16xf32>
      %swap3A_85 = vector.shape_cast %broadcast_in_dim3A_0 : vector<16xf32> to vector<1x16xf32>
      tpu.vector_store %arg9[%swap3A, %swap3A_82], %swap3A_85 {strides = array<i32>} : memref<128x128xf32, #tpu.memory_space<vmem>>, vector<1x16xf32>,
      %swap3A_86 = arith.index_cast %scan3A_81 : i32 to index
      %swap3A_87 = arith.constant 16 : index
      %swap3A_88 = tpu.vector_load %arg9[%swap3A_86, %swap3A_87] {strides = array<i32>} : memref<128x128xf32, #tpu.memory_space<vmem>>, vector<1x16xf32>,
      %swap3A_89 = vector.shape_cast %swap3A_88 : vector<1x16xf32> to vector<16xf32>
      %swap3A_90 = vector.shape_cast %broadcast_in_dim3A_0 : vector<16xf32> to vector<1x16xf32>
      tpu.vector_store %arg9[%swap3A_86, %swap3A_87], %swap3A_90 {strides = array<i32>} : memref<128x128xf32, #tpu.memory_space<vmem>>, vector<1x16xf32>,
      %swap3A_91 = arith.index_cast %scan3A_81 : i32 to index
      %swap3A_92 = arith.constant 32 : index
      %swap3A_93 = tpu.vector_load %arg9[%swap3A_91, %swap3A_92] {strides = array<i32>} : memref<128x128xf32, #tpu.memory_space<vmem>>, vector<1x16xf32>,
      %swap3A_94 = vector.shape_cast %swap3A_93 : vector<1x16xf32> to vector<16xf32>
      %swap3A_95 = vector.shape_cast %broadcast_in_dim3A_0 : vector<16xf32> to vector<1x16xf32>
      tpu.vector_store %arg9[%swap3A_91, %swap3A_92], %swap3A_95 {strides = array<i32>} : memref<128x128xf32, #tpu.memory_space<vmem>>, vector<1x16xf32>,
      %swap3A_96 = arith.index_cast %scan3A_81 : i32 to index
      %swap3A_97 = arith.constant 48 : index
      %swap3A_98 = tpu.vector_load %arg9[%swap3A_96, %swap3A_97] {strides = array<i32>} : memref<128x128xf32, #tpu.memory_space<vmem>>, vector<1x16xf32>,
      %swap3A_99 = vector.shape_cast %swap3A_98 : vector<1x16xf32> to vector<16xf32>
      %swap3A_100 = vector.shape_cast %broadcast_in_dim3A_0 : vector<16xf32> to vector<1x16xf32>
      tpu.vector_store %arg9[%swap3A_96, %swap3A_97], %swap3A_100 {strides = array<i32>} : memref<128x128xf32, #tpu.memory_space<vmem>>, vector<1x16xf32>,
      %swap3A_101 = arith.index_cast %scan3A_81 : i32 to index
      %swap3A_102 = arith.constant 64 : index
      %swap3A_103 = tpu.vector_load %arg9[%swap3A_101, %swap3A_102] {strides = array<i32>} : memref<128x128xf32, #tpu.memory_space<vmem>>, vector<1x16xf32>,
      %swap3A_104 = vector.shape_cast %swap3A_103 : vector<1x16xf32> to vector<16xf32>
      %swap3A_105 = vector.shape_cast %broadcast_in_dim3A_0 : vector<16xf32> to vector<1x16xf32>
      tpu.vector_store %arg9[%swap3A_101, %swap3A_102], %swap3A_105 {strides = array<i32>} : memref<128x128xf32, #tpu.memory_space<vmem>>, vector<1x16xf32>,
      %swap3A_106 = arith.index_cast %scan3A_81 : i32 to index
      %swap3A_107 = arith.constant 80 : index
      %swap3A_108 = tpu.vector_load %arg9[%swap3A_106, %swap3A_107] {strides = array<i32>} : memref<128x128xf32, #tpu.memory_space<vmem>>, vector<1x16xf32>,
      %swap3A_109 = vector.shape_cast %swap3A_108 : vector<1x16xf32> to vector<16xf32>
      %swap3A_110 = vector.shape_cast %broadcast_in_dim3A_0 : vector<16xf32> to vector<1x16xf32>
      tpu.vector_store %arg9[%swap3A_106, %swap3A_107], %swap3A_110 {strides = array<i32>} : memref<128x128xf32, #tpu.memory_space<vmem>>, vector<1x16xf32>,
      %swap3A_111 = arith.index_cast %scan3A_81 : i32 to index
      %swap3A_112 = arith.constant 96 : index
      %swap3A_113 = tpu.vector_load %arg9[%swap3A_111, %swap3A_112] {strides = array<i32>} : memref<128x128xf32, #tpu.memory_space<vmem>>, vector<1x16xf32>,
      %swap3A_114 = vector.shape_cast %swap3A_113 : vector<1x16xf32> to vector<16xf32>
      %swap3A_115 = vector.shape_cast %broadcast_in_dim3A_0 : vector<16xf32> to vector<1x16xf32>
      tpu.vector_store %arg9[%swap3A_111, %swap3A_112], %swap3A_115 {strides = array<i32>} : memref<128x128xf32, #tpu.memory_space<vmem>>, vector<1x16xf32>,
      %swap3A_116 = arith.index_cast %scan3A_81 : i32 to index
      %swap3A_117 = arith.constant 112 : index
      %swap3A_118 = tpu.vector_load %arg9[%swap3A_116, %swap3A_117] {strides = array<i32>} : memref<128x128xf32, #tpu.memory_space<vmem>>, vector<1x16xf32>,
      %swap3A_119 = vector.shape_cast %swap3A_118 : vector<1x16xf32> to vector<16xf32>
      %swap3A_120 = vector.shape_cast %broadcast_in_dim3A_0 : vector<16xf32> to vector<1x16xf32>
      tpu.vector_store %arg9[%swap3A_116, %swap3A_117], %swap3A_120 {strides = array<i32>} : memref<128x128xf32, #tpu.memory_space<vmem>>, vector<1x16xf32>,
    }
    %scan3A_6 = arith.constant 128 : i32
    %scan3A_7 = arith.constant 0 : i32
    %scan3A_8 = arith.constant 0 : i32
    %scan3A_9 = arith.constant 80 : i32
    %scan3A_10 = arith.addi %scan3A_8, %scan3A_9 : i32
    %scan3A_11 = arith.constant 1 : i32
    scf.for %scan3A_81 = %scan3A_8 to %scan3A_10 step %scan3A_11  : i32 {
      %get3A = arith.index_cast %scan3A_81 : i32 to index
      %get3A_82 = arith.constant 0 : index
      %get3A_83 = tpu.vector_load %arg6[%get3A, %get3A_82] {strides = array<i32>} : memref<80x128xi32, #tpu.memory_space<vmem>>, vector<1x16xi32>,
      %get3A_84 = vector.shape_cast %get3A_83 : vector<1x16xi32> to vector<16xi32>
      %mul3A_85 = arith.constant 2 : i32
      %mul3A_86 = vector.broadcast %mul3A_85 : i32 to vector<16xi32>
      %mul3A_87 = arith.muli %get3A_84, %mul3A_86 : vector<16xi32>
      %add3A_88 = vector.broadcast %arg0 : i32 to vector<16xi32>
      %add3A_89 = arith.addi %mul3A_87, %add3A_88 : vector<16xi32>
      %swap3A = arith.index_cast %scan3A_81 : i32 to index
      %swap3A_90 = arith.constant 0 : index
      %swap3A_91 = tpu.vector_load %arg6[%swap3A, %swap3A_90] {strides = array<i32>} : memref<80x128xi32, #tpu.memory_space<vmem>>, vector<1x16xi32>,
      %swap3A_92 = vector.shape_cast %swap3A_91 : vector<1x16xi32> to vector<16xi32>
      %swap3A_93 = vector.shape_cast %add3A_89 : vector<16xi32> to vector<1x16xi32>
      tpu.vector_store %arg6[%swap3A, %swap3A_90], %swap3A_93 {strides = array<i32>} : memref<80x128xi32, #tpu.memory_space<vmem>>, vector<1x16xi32>,
      %get3A_94 = arith.index_cast %scan3A_81 : i32 to index
      %get3A_95 = arith.constant 16 : index
      %get3A_96 = tpu.vector_load %arg6[%get3A_94, %get3A_95] {strides = array<i32>} : memref<80x128xi32, #tpu.memory_space<vmem>>, vector<1x16xi32>,
      %get3A_97 = vector.shape_cast %get3A_96 : vector<1x16xi32> to vector<16xi32>
      %mul3A_98 = arith.constant 2 : i32
      %mul3A_99 = vector.broadcast %mul3A_98 : i32 to vector<16xi32>
      %mul3A_100 = arith.muli %get3A_97, %mul3A_99 : vector<16xi32>
      %add3A_101 = vector.broadcast %arg0 : i32 to vector<16xi32>
      %add3A_102 = arith.addi %mul3A_100, %add3A_101 : vector<16xi32>
      %swap3A_103 = arith.index_cast %scan3A_81 : i32 to index
      %swap3A_104 = arith.constant 16 : index
      %swap3A_105 = tpu.vector_load %arg6[%swap3A_103, %swap3A_104] {strides = array<i32>} : memref<80x128xi32, #tpu.memory_space<vmem>>, vector<1x16xi32>,
      %swap3A_106 = vector.shape_cast %swap3A_105 : vector<1x16xi32> to vector<16xi32>
      %swap3A_107 = vector.shape_cast %add3A_102 : vector<16xi32> to vector<1x16xi32>
      tpu.vector_store %arg6[%swap3A_103, %swap3A_104], %swap3A_107 {strides = array<i32>} : memref<80x128xi32, #tpu.memory_space<vmem>>, vector<1x16xi32>,
      %get3A_108 = arith.index_cast %scan3A_81 : i32 to index
      %get3A_109 = arith.constant 32 : index
      %get3A_110 = tpu.vector_load %arg6[%get3A_108, %get3A_109] {strides = array<i32>} : memref<80x128xi32, #tpu.memory_space<vmem>>, vector<1x16xi32>,
      %get3A_111 = vector.shape_cast %get3A_110 : vector<1x16xi32> to vector<16xi32>
      %mul3A_112 = arith.constant 2 : i32
      %mul3A_113 = vector.broadcast %mul3A_112 : i32 to vector<16xi32>
      %mul3A_114 = arith.muli %get3A_111, %mul3A_113 : vector<16xi32>
      %add3A_115 = vector.broadcast %arg0 : i32 to vector<16xi32>
      %add3A_116 = arith.addi %mul3A_114, %add3A_115 : vector<16xi32>
      %swap3A_117 = arith.index_cast %scan3A_81 : i32 to index
      %swap3A_118 = arith.constant 32 : index
      %swap3A_119 = tpu.vector_load %arg6[%swap3A_117, %swap3A_118] {strides = array<i32>} : memref<80x128xi32, #tpu.memory_space<vmem>>, vector<1x16xi32>,
      %swap3A_120 = vector.shape_cast %swap3A_119 : vector<1x16xi32> to vector<16xi32>
      %swap3A_121 = vector.shape_cast %add3A_116 : vector<16xi32> to vector<1x16xi32>
      tpu.vector_store %arg6[%swap3A_117, %swap3A_118], %swap3A_121 {strides = array<i32>} : memref<80x128xi32, #tpu.memory_space<vmem>>, vector<1x16xi32>,
      %get3A_122 = arith.index_cast %scan3A_81 : i32 to index
      %get3A_123 = arith.constant 48 : index
      %get3A_124 = tpu.vector_load %arg6[%get3A_122, %get3A_123] {strides = array<i32>} : memref<80x128xi32, #tpu.memory_space<vmem>>, vector<1x16xi32>,
      %get3A_125 = vector.shape_cast %get3A_124 : vector<1x16xi32> to vector<16xi32>
      %mul3A_126 = arith.constant 2 : i32
      %mul3A_127 = vector.broadcast %mul3A_126 : i32 to vector<16xi32>
      %mul3A_128 = arith.muli %get3A_125, %mul3A_127 : vector<16xi32>
      %add3A_129 = vector.broadcast %arg0 : i32 to vector<16xi32>
      %add3A_130 = arith.addi %mul3A_128, %add3A_129 : vector<16xi32>
      %swap3A_131 = arith.index_cast %scan3A_81 : i32 to index
      %swap3A_132 = arith.constant 48 : index
      %swap3A_133 = tpu.vector_load %arg6[%swap3A_131, %swap3A_132] {strides = array<i32>} : memref<80x128xi32, #tpu.memory_space<vmem>>, vector<1x16xi32>,
      %swap3A_134 = vector.shape_cast %swap3A_133 : vector<1x16xi32> to vector<16xi32>
      %swap3A_135 = vector.shape_cast %add3A_130 : vector<16xi32> to vector<1x16xi32>
      tpu.vector_store %arg6[%swap3A_131, %swap3A_132], %swap3A_135 {strides = array<i32>} : memref<80x128xi32, #tpu.memory_space<vmem>>, vector<1x16xi32>,
      %get3A_136 = arith.index_cast %scan3A_81 : i32 to index
      %get3A_137 = arith.constant 64 : index
      %get3A_138 = tpu.vector_load %arg6[%get3A_136, %get3A_137] {strides = array<i32>} : memref<80x128xi32, #tpu.memory_space<vmem>>, vector<1x16xi32>,
      %get3A_139 = vector.shape_cast %get3A_138 : vector<1x16xi32> to vector<16xi32>
      %mul3A_140 = arith.constant 2 : i32
      %mul3A_141 = vector.broadcast %mul3A_140 : i32 to vector<16xi32>
      %mul3A_142 = arith.muli %get3A_139, %mul3A_141 : vector<16xi32>
      %add3A_143 = vector.broadcast %arg0 : i32 to vector<16xi32>
      %add3A_144 = arith.addi %mul3A_142, %add3A_143 : vector<16xi32>
      %swap3A_145 = arith.index_cast %scan3A_81 : i32 to index
      %swap3A_146 = arith.constant 64 : index
      %swap3A_147 = tpu.vector_load %arg6[%swap3A_145, %swap3A_146] {strides = array<i32>} : memref<80x128xi32, #tpu.memory_space<vmem>>, vector<1x16xi32>,
      %swap3A_148 = vector.shape_cast %swap3A_147 : vector<1x16xi32> to vector<16xi32>
      %swap3A_149 = vector.shape_cast %add3A_144 : vector<16xi32> to vector<1x16xi32>
      tpu.vector_store %arg6[%swap3A_145, %swap3A_146], %swap3A_149 {strides = array<i32>} : memref<80x128xi32, #tpu.memory_space<vmem>>, vector<1x16xi32>,
      %get3A_150 = arith.index_cast %scan3A_81 : i32 to index
      %get3A_151 = arith.constant 80 : index
      %get3A_152 = tpu.vector_load %arg6[%get3A_150, %get3A_151] {strides = array<i32>} : memref<80x128xi32, #tpu.memory_space<vmem>>, vector<1x16xi32>,
      %get3A_153 = vector.shape_cast %get3A_152 : vector<1x16xi32> to vector<16xi32>
      %mul3A_154 = arith.constant 2 : i32
      %mul3A_155 = vector.broadcast %mul3A_154 : i32 to vector<16xi32>
      %mul3A_156 = arith.muli %get3A_153, %mul3A_155 : vector<16xi32>
      %add3A_157 = vector.broadcast %arg0 : i32 to vector<16xi32>
      %add3A_158 = arith.addi %mul3A_156, %add3A_157 : vector<16xi32>
      %swap3A_159 = arith.index_cast %scan3A_81 : i32 to index
      %swap3A_160 = arith.constant 80 : index
      %swap3A_161 = tpu.vector_load %arg6[%swap3A_159, %swap3A_160] {strides = array<i32>} : memref<80x128xi32, #tpu.memory_space<vmem>>, vector<1x16xi32>,
      %swap3A_162 = vector.shape_cast %swap3A_161 : vector<1x16xi32> to vector<16xi32>
      %swap3A_163 = vector.shape_cast %add3A_158 : vector<16xi32> to vector<1x16xi32>
      tpu.vector_store %arg6[%swap3A_159, %swap3A_160], %swap3A_163 {strides = array<i32>} : memref<80x128xi32, #tpu.memory_space<vmem>>, vector<1x16xi32>,
      %get3A_164 = arith.index_cast %scan3A_81 : i32 to index
      %get3A_165 = arith.constant 96 : index
      %get3A_166 = tpu.vector_load %arg6[%get3A_164, %get3A_165] {strides = array<i32>} : memref<80x128xi32, #tpu.memory_space<vmem>>, vector<1x16xi32>,
      %get3A_167 = vector.shape_cast %get3A_166 : vector<1x16xi32> to vector<16xi32>
      %mul3A_168 = arith.constant 2 : i32
      %mul3A_169 = vector.broadcast %mul3A_168 : i32 to vector<16xi32>
      %mul3A_170 = arith.muli %get3A_167, %mul3A_169 : vector<16xi32>
      %add3A_171 = vector.broadcast %arg0 : i32 to vector<16xi32>
      %add3A_172 = arith.addi %mul3A_170, %add3A_171 : vector<16xi32>
      %swap3A_173 = arith.index_cast %scan3A_81 : i32 to index
      %swap3A_174 = arith.constant 96 : index
      %swap3A_175 = tpu.vector_load %arg6[%swap3A_173, %swap3A_174] {strides = array<i32>} : memref<80x128xi32, #tpu.memory_space<vmem>>, vector<1x16xi32>,
      %swap3A_176 = vector.shape_cast %swap3A_175 : vector<1x16xi32> to vector<16xi32>
      %swap3A_177 = vector.shape_cast %add3A_172 : vector<16xi32> to vector<1x16xi32>
      tpu.vector_store %arg6[%swap3A_173, %swap3A_174], %swap3A_177 {strides = array<i32>} : memref<80x128xi32, #tpu.memory_space<vmem>>, vector<1x16xi32>,
      %get3A_178 = arith.index_cast %scan3A_81 : i32 to index
      %get3A_179 = arith.constant 112 : index
      %get3A_180 = tpu.vector_load %arg6[%get3A_178, %get3A_179] {strides = array<i32>} : memref<80x128xi32, #tpu.memory_space<vmem>>, vector<1x16xi32>,
      %get3A_181 = vector.shape_cast %get3A_180 : vector<1x16xi32> to vector<16xi32>
      %mul3A_182 = arith.constant 2 : i32
      %mul3A_183 = vector.broadcast %mul3A_182 : i32 to vector<16xi32>
      %mul3A_184 = arith.muli %get3A_181, %mul3A_183 : vector<16xi32>
      %add3A_185 = vector.broadcast %arg0 : i32 to vector<16xi32>
      %add3A_186 = arith.addi %mul3A_184, %add3A_185 : vector<16xi32>
      %swap3A_187 = arith.index_cast %scan3A_81 : i32 to index
      %swap3A_188 = arith.constant 112 : index
      %swap3A_189 = tpu.vector_load %arg6[%swap3A_187, %swap3A_188] {strides = array<i32>} : memref<80x128xi32, #tpu.memory_space<vmem>>, vector<1x16xi32>,
      %swap3A_190 = vector.shape_cast %swap3A_189 : vector<1x16xi32> to vector<16xi32>
      %swap3A_191 = vector.shape_cast %add3A_186 : vector<16xi32> to vector<1x16xi32>
      tpu.vector_store %arg6[%swap3A_187, %swap3A_188], %swap3A_191 {strides = array<i32>} : memref<80x128xi32, #tpu.memory_space<vmem>>, vector<1x16xi32>,
    }
    %scan3A_12 = arith.constant 80 : i32
    %scan3A_13 = arith.constant 0 : i32
    %scan3A_14 = arith.constant 0 : i32
    %scan3A_15 = arith.constant 80 : i32
    %scan3A_16 = arith.addi %scan3A_14, %scan3A_15 : i32
    %scan3A_17 = arith.constant 1 : i32
    scf.for %scan3A_81 = %scan3A_14 to %scan3A_16 step %scan3A_17  : i32 {
      %get3A = arith.index_cast %scan3A_81 : i32 to index
      %get3A_82 = arith.constant 0 : index
      %get3A_83 = tpu.vector_load %arg7[%get3A, %get3A_82] {strides = array<i32>} : memref<80x128xi32, #tpu.memory_space<vmem>>, vector<1x16xi32>,
      %get3A_84 = vector.shape_cast %get3A_83 : vector<1x16xi32> to vector<16xi32>
      %sub3A = arith.constant 0 : i32
      %sub3A_85 = vector.broadcast %sub3A : i32 to vector<16xi32>
      %sub3A_86 = arith.subi %get3A_84, %sub3A_85 : vector<16xi32>
      %ge3A = arith.constant 0 : i32
      %ge3A_87 = vector.broadcast %ge3A : i32 to vector<16xi32>
      %ge3A_88 = arith.cmpi sge, %sub3A_86, %ge3A_87 : vector<16xi32>
      %lt3A = arith.constant 5120 : i32
      %lt3A_89 = vector.broadcast %lt3A : i32 to vector<16xi32>
      %lt3A_90 = arith.cmpi slt, %sub3A_86, %lt3A_89 : vector<16xi32>
      %and3A = arith.andi %ge3A_88, %lt3A_90 : vector<16xi1>
      %jit3A = arith.constant 5120 : i32
      %broadcast_in_dim3A_91 = vector.broadcast %jit3A : i32 to vector<16xi32>
      %select_n3A = arith.select %and3A, %sub3A_86, %broadcast_in_dim3A_91 : vector<16xi1>, vector<16xi32>
      %swap3A = arith.index_cast %scan3A_81 : i32 to index
      %swap3A_92 = arith.constant 0 : index
      %swap3A_93 = tpu.vector_load %arg8[%swap3A, %swap3A_92] {strides = array<i32>} : memref<80x128xi32, #tpu.memory_space<vmem>>, vector<1x16xi32>,
      %swap3A_94 = vector.shape_cast %swap3A_93 : vector<1x16xi32> to vector<16xi32>
      %swap3A_95 = vector.shape_cast %select_n3A : vector<16xi32> to vector<1x16xi32>
      tpu.vector_store %arg8[%swap3A, %swap3A_92], %swap3A_95 {strides = array<i32>} : memref<80x128xi32, #tpu.memory_space<vmem>>, vector<1x16xi32>,
      %get3A_96 = arith.index_cast %scan3A_81 : i32 to index
      %get3A_97 = arith.constant 16 : index
      %get3A_98 = tpu.vector_load %arg7[%get3A_96, %get3A_97] {strides = array<i32>} : memref<80x128xi32, #tpu.memory_space<vmem>>, vector<1x16xi32>,
      %get3A_99 = vector.shape_cast %get3A_98 : vector<1x16xi32> to vector<16xi32>
      %sub3A_100 = arith.constant 0 : i32
      %sub3A_101 = vector.broadcast %sub3A_100 : i32 to vector<16xi32>
      %sub3A_102 = arith.subi %get3A_99, %sub3A_101 : vector<16xi32>
      %ge3A_103 = arith.constant 0 : i32
      %ge3A_104 = vector.broadcast %ge3A_103 : i32 to vector<16xi32>
      %ge3A_105 = arith.cmpi sge, %sub3A_102, %ge3A_104 : vector<16xi32>
      %lt3A_106 = arith.constant 5120 : i32
      %lt3A_107 = vector.broadcast %lt3A_106 : i32 to vector<16xi32>
      %lt3A_108 = arith.cmpi slt, %sub3A_102, %lt3A_107 : vector<16xi32>
      %and3A_109 = arith.andi %ge3A_105, %lt3A_108 : vector<16xi1>
      %jit3A_110 = arith.constant 5120 : i32
      %broadcast_in_dim3A_111 = vector.broadcast %jit3A_110 : i32 to vector<16xi32>
      %select_n3A_112 = arith.select %and3A_109, %sub3A_102, %broadcast_in_dim3A_111 : vector<16xi1>, vector<16xi32>
      %swap3A_113 = arith.index_cast %scan3A_81 : i32 to index
      %swap3A_114 = arith.constant 16 : index
      %swap3A_115 = tpu.vector_load %arg8[%swap3A_113, %swap3A_114] {strides = array<i32>} : memref<80x128xi32, #tpu.memory_space<vmem>>, vector<1x16xi32>,
      %swap3A_116 = vector.shape_cast %swap3A_115 : vector<1x16xi32> to vector<16xi32>
      %swap3A_117 = vector.shape_cast %select_n3A_112 : vector<16xi32> to vector<1x16xi32>
      tpu.vector_store %arg8[%swap3A_113, %swap3A_114], %swap3A_117 {strides = array<i32>} : memref<80x128xi32, #tpu.memory_space<vmem>>, vector<1x16xi32>,
      %get3A_118 = arith.index_cast %scan3A_81 : i32 to index
      %get3A_119 = arith.constant 32 : index
      %get3A_120 = tpu.vector_load %arg7[%get3A_118, %get3A_119] {strides = array<i32>} : memref<80x128xi32, #tpu.memory_space<vmem>>, vector<1x16xi32>,
      %get3A_121 = vector.shape_cast %get3A_120 : vector<1x16xi32> to vector<16xi32>
      %sub3A_122 = arith.constant 0 : i32
      %sub3A_123 = vector.broadcast %sub3A_122 : i32 to vector<16xi32>
      %sub3A_124 = arith.subi %get3A_121, %sub3A_123 : vector<16xi32>
      %ge3A_125 = arith.constant 0 : i32
      %ge3A_126 = vector.broadcast %ge3A_125 : i32 to vector<16xi32>
      %ge3A_127 = arith.cmpi sge, %sub3A_124, %ge3A_126 : vector<16xi32>
      %lt3A_128 = arith.constant 5120 : i32
      %lt3A_129 = vector.broadcast %lt3A_128 : i32 to vector<16xi32>
      %lt3A_130 = arith.cmpi slt, %sub3A_124, %lt3A_129 : vector<16xi32>
      %and3A_131 = arith.andi %ge3A_127, %lt3A_130 : vector<16xi1>
      %jit3A_132 = arith.constant 5120 : i32
      %broadcast_in_dim3A_133 = vector.broadcast %jit3A_132 : i32 to vector<16xi32>
      %select_n3A_134 = arith.select %and3A_131, %sub3A_124, %broadcast_in_dim3A_133 : vector<16xi1>, vector<16xi32>
      %swap3A_135 = arith.index_cast %scan3A_81 : i32 to index
      %swap3A_136 = arith.constant 32 : index
      %swap3A_137 = tpu.vector_load %arg8[%swap3A_135, %swap3A_136] {strides = array<i32>} : memref<80x128xi32, #tpu.memory_space<vmem>>, vector<1x16xi32>,
      %swap3A_138 = vector.shape_cast %swap3A_137 : vector<1x16xi32> to vector<16xi32>
      %swap3A_139 = vector.shape_cast %select_n3A_134 : vector<16xi32> to vector<1x16xi32>
      tpu.vector_store %arg8[%swap3A_135, %swap3A_136], %swap3A_139 {strides = array<i32>} : memref<80x128xi32, #tpu.memory_space<vmem>>, vector<1x16xi32>,
      %get3A_140 = arith.index_cast %scan3A_81 : i32 to index
      %get3A_141 = arith.constant 48 : index
      %get3A_142 = tpu.vector_load %arg7[%get3A_140, %get3A_141] {strides = array<i32>} : memref<80x128xi32, #tpu.memory_space<vmem>>, vector<1x16xi32>,
      %get3A_143 = vector.shape_cast %get3A_142 : vector<1x16xi32> to vector<16xi32>
      %sub3A_144 = arith.constant 0 : i32
      %sub3A_145 = vector.broadcast %sub3A_144 : i32 to vector<16xi32>
      %sub3A_146 = arith.subi %get3A_143, %sub3A_145 : vector<16xi32>
      %ge3A_147 = arith.constant 0 : i32
      %ge3A_148 = vector.broadcast %ge3A_147 : i32 to vector<16xi32>
      %ge3A_149 = arith.cmpi sge, %sub3A_146, %ge3A_148 : vector<16xi32>
      %lt3A_150 = arith.constant 5120 : i32
      %lt3A_151 = vector.broadcast %lt3A_150 : i32 to vector<16xi32>
      %lt3A_152 = arith.cmpi slt, %sub3A_146, %lt3A_151 : vector<16xi32>
      %and3A_153 = arith.andi %ge3A_149, %lt3A_152 : vector<16xi1>
      %jit3A_154 = arith.constant 5120 : i32
      %broadcast_in_dim3A_155 = vector.broadcast %jit3A_154 : i32 to vector<16xi32>
      %select_n3A_156 = arith.select %and3A_153, %sub3A_146, %broadcast_in_dim3A_155 : vector<16xi1>, vector<16xi32>
      %swap3A_157 = arith.index_cast %scan3A_81 : i32 to index
      %swap3A_158 = arith.constant 48 : index
      %swap3A_159 = tpu.vector_load %arg8[%swap3A_157, %swap3A_158] {strides = array<i32>} : memref<80x128xi32, #tpu.memory_space<vmem>>, vector<1x16xi32>,
      %swap3A_160 = vector.shape_cast %swap3A_159 : vector<1x16xi32> to vector<16xi32>
      %swap3A_161 = vector.shape_cast %select_n3A_156 : vector<16xi32> to vector<1x16xi32>
      tpu.vector_store %arg8[%swap3A_157, %swap3A_158], %swap3A_161 {strides = array<i32>} : memref<80x128xi32, #tpu.memory_space<vmem>>, vector<1x16xi32>,
      %get3A_162 = arith.index_cast %scan3A_81 : i32 to index
      %get3A_163 = arith.constant 64 : index
      %get3A_164 = tpu.vector_load %arg7[%get3A_162, %get3A_163] {strides = array<i32>} : memref<80x128xi32, #tpu.memory_space<vmem>>, vector<1x16xi32>,
      %get3A_165 = vector.shape_cast %get3A_164 : vector<1x16xi32> to vector<16xi32>
      %sub3A_166 = arith.constant 0 : i32
      %sub3A_167 = vector.broadcast %sub3A_166 : i32 to vector<16xi32>
      %sub3A_168 = arith.subi %get3A_165, %sub3A_167 : vector<16xi32>
      %ge3A_169 = arith.constant 0 : i32
      %ge3A_170 = vector.broadcast %ge3A_169 : i32 to vector<16xi32>
      %ge3A_171 = arith.cmpi sge, %sub3A_168, %ge3A_170 : vector<16xi32>
      %lt3A_172 = arith.constant 5120 : i32
      %lt3A_173 = vector.broadcast %lt3A_172 : i32 to vector<16xi32>
      %lt3A_174 = arith.cmpi slt, %sub3A_168, %lt3A_173 : vector<16xi32>
      %and3A_175 = arith.andi %ge3A_171, %lt3A_174 : vector<16xi1>
      %jit3A_176 = arith.constant 5120 : i32
      %broadcast_in_dim3A_177 = vector.broadcast %jit3A_176 : i32 to vector<16xi32>
      %select_n3A_178 = arith.select %and3A_175, %sub3A_168, %broadcast_in_dim3A_177 : vector<16xi1>, vector<16xi32>
      %swap3A_179 = arith.index_cast %scan3A_81 : i32 to index
      %swap3A_180 = arith.constant 64 : index
      %swap3A_181 = tpu.vector_load %arg8[%swap3A_179, %swap3A_180] {strides = array<i32>} : memref<80x128xi32, #tpu.memory_space<vmem>>, vector<1x16xi32>,
      %swap3A_182 = vector.shape_cast %swap3A_181 : vector<1x16xi32> to vector<16xi32>
      %swap3A_183 = vector.shape_cast %select_n3A_178 : vector<16xi32> to vector<1x16xi32>
      tpu.vector_store %arg8[%swap3A_179, %swap3A_180], %swap3A_183 {strides = array<i32>} : memref<80x128xi32, #tpu.memory_space<vmem>>, vector<1x16xi32>,
      %get3A_184 = arith.index_cast %scan3A_81 : i32 to index
      %get3A_185 = arith.constant 80 : index
      %get3A_186 = tpu.vector_load %arg7[%get3A_184, %get3A_185] {strides = array<i32>} : memref<80x128xi32, #tpu.memory_space<vmem>>, vector<1x16xi32>,
      %get3A_187 = vector.shape_cast %get3A_186 : vector<1x16xi32> to vector<16xi32>
      %sub3A_188 = arith.constant 0 : i32
      %sub3A_189 = vector.broadcast %sub3A_188 : i32 to vector<16xi32>
      %sub3A_190 = arith.subi %get3A_187, %sub3A_189 : vector<16xi32>
      %ge3A_191 = arith.constant 0 : i32
      %ge3A_192 = vector.broadcast %ge3A_191 : i32 to vector<16xi32>
      %ge3A_193 = arith.cmpi sge, %sub3A_190, %ge3A_192 : vector<16xi32>
      %lt3A_194 = arith.constant 5120 : i32
      %lt3A_195 = vector.broadcast %lt3A_194 : i32 to vector<16xi32>
      %lt3A_196 = arith.cmpi slt, %sub3A_190, %lt3A_195 : vector<16xi32>
      %and3A_197 = arith.andi %ge3A_193, %lt3A_196 : vector<16xi1>
      %jit3A_198 = arith.constant 5120 : i32
      %broadcast_in_dim3A_199 = vector.broadcast %jit3A_198 : i32 to vector<16xi32>
      %select_n3A_200 = arith.select %and3A_197, %sub3A_190, %broadcast_in_dim3A_199 : vector<16xi1>, vector<16xi32>
      %swap3A_201 = arith.index_cast %scan3A_81 : i32 to index
      %swap3A_202 = arith.constant 80 : index
      %swap3A_203 = tpu.vector_load %arg8[%swap3A_201, %swap3A_202] {strides = array<i32>} : memref<80x128xi32, #tpu.memory_space<vmem>>, vector<1x16xi32>,
      %swap3A_204 = vector.shape_cast %swap3A_203 : vector<1x16xi32> to vector<16xi32>
      %swap3A_205 = vector.shape_cast %select_n3A_200 : vector<16xi32> to vector<1x16xi32>
      tpu.vector_store %arg8[%swap3A_201, %swap3A_202], %swap3A_205 {strides = array<i32>} : memref<80x128xi32, #tpu.memory_space<vmem>>, vector<1x16xi32>,
      %get3A_206 = arith.index_cast %scan3A_81 : i32 to index
      %get3A_207 = arith.constant 96 : index
      %get3A_208 = tpu.vector_load %arg7[%get3A_206, %get3A_207] {strides = array<i32>} : memref<80x128xi32, #tpu.memory_space<vmem>>, vector<1x16xi32>,
      %get3A_209 = vector.shape_cast %get3A_208 : vector<1x16xi32> to vector<16xi32>
      %sub3A_210 = arith.constant 0 : i32
      %sub3A_211 = vector.broadcast %sub3A_210 : i32 to vector<16xi32>
      %sub3A_212 = arith.subi %get3A_209, %sub3A_211 : vector<16xi32>
      %ge3A_213 = arith.constant 0 : i32
      %ge3A_214 = vector.broadcast %ge3A_213 : i32 to vector<16xi32>
      %ge3A_215 = arith.cmpi sge, %sub3A_212, %ge3A_214 : vector<16xi32>
      %lt3A_216 = arith.constant 5120 : i32
      %lt3A_217 = vector.broadcast %lt3A_216 : i32 to vector<16xi32>
      %lt3A_218 = arith.cmpi slt, %sub3A_212, %lt3A_217 : vector<16xi32>
      %and3A_219 = arith.andi %ge3A_215, %lt3A_218 : vector<16xi1>
      %jit3A_220 = arith.constant 5120 : i32
      %broadcast_in_dim3A_221 = vector.broadcast %jit3A_220 : i32 to vector<16xi32>
      %select_n3A_222 = arith.select %and3A_219, %sub3A_212, %broadcast_in_dim3A_221 : vector<16xi1>, vector<16xi32>
      %swap3A_223 = arith.index_cast %scan3A_81 : i32 to index
      %swap3A_224 = arith.constant 96 : index
      %swap3A_225 = tpu.vector_load %arg8[%swap3A_223, %swap3A_224] {strides = array<i32>} : memref<80x128xi32, #tpu.memory_space<vmem>>, vector<1x16xi32>,
      %swap3A_226 = vector.shape_cast %swap3A_225 : vector<1x16xi32> to vector<16xi32>
      %swap3A_227 = vector.shape_cast %select_n3A_222 : vector<16xi32> to vector<1x16xi32>
      tpu.vector_store %arg8[%swap3A_223, %swap3A_224], %swap3A_227 {strides = array<i32>} : memref<80x128xi32, #tpu.memory_space<vmem>>, vector<1x16xi32>,
      %get3A_228 = arith.index_cast %scan3A_81 : i32 to index
      %get3A_229 = arith.constant 112 : index
      %get3A_230 = tpu.vector_load %arg7[%get3A_228, %get3A_229] {strides = array<i32>} : memref<80x128xi32, #tpu.memory_space<vmem>>, vector<1x16xi32>,
      %get3A_231 = vector.shape_cast %get3A_230 : vector<1x16xi32> to vector<16xi32>
      %sub3A_232 = arith.constant 0 : i32
      %sub3A_233 = vector.broadcast %sub3A_232 : i32 to vector<16xi32>
      %sub3A_234 = arith.subi %get3A_231, %sub3A_233 : vector<16xi32>
      %ge3A_235 = arith.constant 0 : i32
      %ge3A_236 = vector.broadcast %ge3A_235 : i32 to vector<16xi32>
      %ge3A_237 = arith.cmpi sge, %sub3A_234, %ge3A_236 : vector<16xi32>
      %lt3A_238 = arith.constant 5120 : i32
      %lt3A_239 = vector.broadcast %lt3A_238 : i32 to vector<16xi32>
      %lt3A_240 = arith.cmpi slt, %sub3A_234, %lt3A_239 : vector<16xi32>
      %and3A_241 = arith.andi %ge3A_237, %lt3A_240 : vector<16xi1>
      %jit3A_242 = arith.constant 5120 : i32
      %broadcast_in_dim3A_243 = vector.broadcast %jit3A_242 : i32 to vector<16xi32>
      %select_n3A_244 = arith.select %and3A_241, %sub3A_234, %broadcast_in_dim3A_243 : vector<16xi1>, vector<16xi32>
      %swap3A_245 = arith.index_cast %scan3A_81 : i32 to index
      %swap3A_246 = arith.constant 112 : index
      %swap3A_247 = tpu.vector_load %arg8[%swap3A_245, %swap3A_246] {strides = array<i32>} : memref<80x128xi32, #tpu.memory_space<vmem>>, vector<1x16xi32>,
      %swap3A_248 = vector.shape_cast %swap3A_247 : vector<1x16xi32> to vector<16xi32>
      %swap3A_249 = vector.shape_cast %select_n3A_244 : vector<16xi32> to vector<1x16xi32>
      tpu.vector_store %arg8[%swap3A_245, %swap3A_246], %swap3A_249 {strides = array<i32>} : memref<80x128xi32, #tpu.memory_space<vmem>>, vector<1x16xi32>,
    }
    %scan3A_18 = arith.constant 80 : i32
    "tpu.region"() ({
      %run_scoped3A_81 = tpu.sem_alloc : memref<!tpu.dma_semaphore, #tpu.memory_space<semaphore_mem>>
      %dma_start3A_82 = arith.constant 0 : i32
      %dma_start3A_83 = tpu.memref_slice %arg11[%mul3A_1, %dma_start3A_82] : memref<5248x128xf32, #tpu.memory_space<vmem_shared>> -> memref<128x128xf32, #tpu.memory_space<vmem_shared>>
      %dma_start3A_84 = arith.constant 0 : i32
      %dma_start3A_85 = tpu.memref_slice %arg11[%mul3A_1, %dma_start3A_84] : memref<5248x128xf32, #tpu.memory_space<vmem_shared>> -> memref<128x128xf32, #tpu.memory_space<vmem_shared>>
      tpu.enqueue_dma source(%arg9 : memref<128x128xf32, #tpu.memory_space<vmem>>) target(%dma_start3A_85 : memref<128x128xf32, #tpu.memory_space<vmem_shared>>) target_semaphore(%run_scoped3A_81 : memref<!tpu.dma_semaphore, #tpu.memory_space<semaphore_mem>>)
      %dma_wait3A_86 = arith.constant 0 : i32
      %dma_wait3A_87 = tpu.memref_slice %arg11[%mul3A_1, %dma_wait3A_86] : memref<5248x128xf32, #tpu.memory_space<vmem_shared>> -> memref<128x128xf32, #tpu.memory_space<vmem_shared>>
      %dma_wait3A_88 = arith.constant 0 : i32
      %dma_wait3A_89 = tpu.memref_slice %arg11[%mul3A_1, %dma_wait3A_88] : memref<5248x128xf32, #tpu.memory_space<vmem_shared>> -> memref<128x128xf32, #tpu.memory_space<vmem_shared>>
      tpu.wait_dma2 semaphore(%run_scoped3A_81 : memref<!tpu.dma_semaphore, #tpu.memory_space<semaphore_mem>>) src(%arg9 : memref<128x128xf32, #tpu.memory_space<vmem>>) dst(%dma_wait3A_89 : memref<128x128xf32, #tpu.memory_space<vmem_shared>>)
      tpu.yield
    }) : () -> ()
    %add3A = arith.constant 128 : i32
    %add3A_19 = arith.addi %mul3A_1, %add3A : i32
    "tpu.region"() ({
      %run_scoped3A_81 = tpu.sem_alloc : memref<!tpu.dma_semaphore, #tpu.memory_space<semaphore_mem>>
      %dma_start3A_82 = arith.constant 0 : i32
      %dma_start3A_83 = tpu.memref_slice %arg11[%add3A_19, %dma_start3A_82] : memref<5248x128xf32, #tpu.memory_space<vmem_shared>> -> memref<128x128xf32, #tpu.memory_space<vmem_shared>>
      %dma_start3A_84 = arith.constant 0 : i32
      %dma_start3A_85 = tpu.memref_slice %arg11[%add3A_19, %dma_start3A_84] : memref<5248x128xf32, #tpu.memory_space<vmem_shared>> -> memref<128x128xf32, #tpu.memory_space<vmem_shared>>
      tpu.enqueue_dma source(%arg9 : memref<128x128xf32, #tpu.memory_space<vmem>>) target(%dma_start3A_85 : memref<128x128xf32, #tpu.memory_space<vmem_shared>>) target_semaphore(%run_scoped3A_81 : memref<!tpu.dma_semaphore, #tpu.memory_space<semaphore_mem>>)
      %dma_wait3A_86 = arith.constant 0 : i32
      %dma_wait3A_87 = tpu.memref_slice %arg11[%add3A_19, %dma_wait3A_86] : memref<5248x128xf32, #tpu.memory_space<vmem_shared>> -> memref<128x128xf32, #tpu.memory_space<vmem_shared>>
      %dma_wait3A_88 = arith.constant 0 : i32
      %dma_wait3A_89 = tpu.memref_slice %arg11[%add3A_19, %dma_wait3A_88] : memref<5248x128xf32, #tpu.memory_space<vmem_shared>> -> memref<128x128xf32, #tpu.memory_space<vmem_shared>>
      tpu.wait_dma2 semaphore(%run_scoped3A_81 : memref<!tpu.dma_semaphore, #tpu.memory_space<semaphore_mem>>) src(%arg9 : memref<128x128xf32, #tpu.memory_space<vmem>>) dst(%dma_wait3A_89 : memref<128x128xf32, #tpu.memory_space<vmem_shared>>)
      tpu.yield
    }) : () -> ()
    %add3A_20 = arith.constant 256 : i32
    %add3A_21 = arith.addi %mul3A_1, %add3A_20 : i32
    "tpu.region"() ({
      %run_scoped3A_81 = tpu.sem_alloc : memref<!tpu.dma_semaphore, #tpu.memory_space<semaphore_mem>>
      %dma_start3A_82 = arith.constant 0 : i32
      %dma_start3A_83 = arith.constant 0 : i32
      %dma_start3A_84 = tpu.memref_slice %arg9[%dma_start3A_82, %dma_start3A_83] : memref<128x128xf32, #tpu.memory_space<vmem>> -> memref<72x128xf32, #tpu.memory_space<vmem>>
      %dma_start3A_85 = arith.constant 0 : i32
      %dma_start3A_86 = tpu.memref_slice %arg11[%add3A_21, %dma_start3A_85] : memref<5248x128xf32, #tpu.memory_space<vmem_shared>> -> memref<72x128xf32, #tpu.memory_space<vmem_shared>>
      %dma_start3A_87 = arith.constant 0 : i32
      %dma_start3A_88 = tpu.memref_slice %arg11[%add3A_21, %dma_start3A_87] : memref<5248x128xf32, #tpu.memory_space<vmem_shared>> -> memref<72x128xf32, #tpu.memory_space<vmem_shared>>
      %dma_start3A_89 = arith.constant 0 : i32
      %dma_start3A_90 = arith.constant 0 : i32
      %dma_start3A_91 = tpu.memref_slice %arg9[%dma_start3A_89, %dma_start3A_90] : memref<128x128xf32, #tpu.memory_space<vmem>> -> memref<72x128xf32, #tpu.memory_space<vmem>>
      tpu.enqueue_dma source(%dma_start3A_91 : memref<72x128xf32, #tpu.memory_space<vmem>>) target(%dma_start3A_88 : memref<72x128xf32, #tpu.memory_space<vmem_shared>>) target_semaphore(%run_scoped3A_81 : memref<!tpu.dma_semaphore, #tpu.memory_space<semaphore_mem>>)
      %dma_wait3A_92 = arith.constant 0 : i32
      %dma_wait3A_93 = arith.constant 0 : i32
      %dma_wait3A_94 = tpu.memref_slice %arg9[%dma_wait3A_92, %dma_wait3A_93] : memref<128x128xf32, #tpu.memory_space<vmem>> -> memref<72x128xf32, #tpu.memory_space<vmem>>
      %dma_wait3A_95 = arith.constant 0 : i32
      %dma_wait3A_96 = tpu.memref_slice %arg11[%add3A_21, %dma_wait3A_95] : memref<5248x128xf32, #tpu.memory_space<vmem_shared>> -> memref<72x128xf32, #tpu.memory_space<vmem_shared>>
      %dma_wait3A_97 = arith.constant 0 : i32
      %dma_wait3A_98 = tpu.memref_slice %arg11[%add3A_21, %dma_wait3A_97] : memref<5248x128xf32, #tpu.memory_space<vmem_shared>> -> memref<72x128xf32, #tpu.memory_space<vmem_shared>>
      %dma_wait3A_99 = arith.constant 0 : i32
      %dma_wait3A_100 = arith.constant 0 : i32
      %dma_wait3A_101 = tpu.memref_slice %arg9[%dma_wait3A_99, %dma_wait3A_100] : memref<128x128xf32, #tpu.memory_space<vmem>> -> memref<72x128xf32, #tpu.memory_space<vmem>>
      tpu.wait_dma2 semaphore(%run_scoped3A_81 : memref<!tpu.dma_semaphore, #tpu.memory_space<semaphore_mem>>) src(%dma_wait3A_101 : memref<72x128xf32, #tpu.memory_space<vmem>>) dst(%dma_wait3A_98 : memref<72x128xf32, #tpu.memory_space<vmem_shared>>)
      tpu.yield
    }) : () -> ()
    %barrier3A = arith.constant 0 : index
    tpu.barrier barrier_id(%barrier3A)
    %dma_start3A = arith.constant 0 : i32
    %dma_start3A_22 = arith.constant 0 : i32
    %dma_start3A_23 = tpu.memref_slice %arg6[%dma_start3A, %dma_start3A_22] : memref<80x128xi32, #tpu.memory_space<vmem>> -> memref<1x128xi32, #tpu.memory_space<vmem>>
    %dma_start3A_24 = tpu.memref_squeeze %dma_start3A_23 : memref<1x128xi32, #tpu.memory_space<vmem>> -> memref<128xi32, #tpu.memory_space<vmem>>
    %dma_start3A_25 = arith.constant 0 : i32
    %dma_start3A_26 = arith.constant 0 : i32
    %dma_start3A_27 = tpu.memref_slice %arg2[%dma_start3A_25, %dma_start3A_26] : memref<20480x128xf32, #tpu.memory_space<hbm>> -> memref<20480x128xf32, #tpu.memory_space<hbm>>
    tpu.enqueue_indirect_dma source(%dma_start3A_27 : memref<20480x128xf32, #tpu.memory_space<hbm>>) target(%arg9 : memref<128x128xf32, #tpu.memory_space<vmem>>) offsets(%dma_start3A_24 : memref<128xi32, #tpu.memory_space<vmem>>) semaphore(%arg12 : memref<!tpu.dma_semaphore, #tpu.memory_space<semaphore_mem>>)
    %scan3A_28 = arith.constant 0 : i32
    %scan3A_29 = arith.constant 0 : i32
    %scan3A_30 = arith.constant 40 : i32
    %scan3A_31 = arith.addi %scan3A_29, %scan3A_30 : i32
    %scan3A_32 = arith.constant 1 : i32
    scf.for %scan3A_81 = %scan3A_29 to %scan3A_31 step %scan3A_32  : i32 {
      %mul3A_82 = arith.constant 2 : i32
      %mul3A_83 = arith.muli %mul3A_82, %scan3A_81 : i32
      %mul3A_84 = arith.constant 2 : i32
      %mul3A_85 = arith.muli %mul3A_84, %scan3A_81 : i32
      %add3A_86 = arith.constant 1 : i32
      %add3A_87 = arith.addi %mul3A_85, %add3A_86 : i32
      %dma_wait3A_88 = arith.constant 0 : i32
      %dma_wait3A_89 = tpu.memref_slice %arg6[%mul3A_83, %dma_wait3A_88] : memref<80x128xi32, #tpu.memory_space<vmem>> -> memref<1x128xi32, #tpu.memory_space<vmem>>
      %dma_wait3A_90 = tpu.memref_squeeze %dma_wait3A_89 : memref<1x128xi32, #tpu.memory_space<vmem>> -> memref<128xi32, #tpu.memory_space<vmem>>
      %dma_wait3A_91 = arith.constant 0 : i32
      %dma_wait3A_92 = arith.constant 0 : i32
      %dma_wait3A_93 = tpu.memref_slice %arg2[%dma_wait3A_91, %dma_wait3A_92] : memref<20480x128xf32, #tpu.memory_space<hbm>> -> memref<20480x128xf32, #tpu.memory_space<hbm>>
      tpu.wait_indirect_dma semaphore(%arg12 : memref<!tpu.dma_semaphore, #tpu.memory_space<semaphore_mem>>) src(%dma_wait3A_93 : memref<20480x128xf32, #tpu.memory_space<hbm>>) dst(%arg9 : memref<128x128xf32, #tpu.memory_space<vmem>>)
      %dma_start3A_94 = arith.constant 0 : i32
      %dma_start3A_95 = tpu.memref_slice %arg6[%add3A_87, %dma_start3A_94] : memref<80x128xi32, #tpu.memory_space<vmem>> -> memref<1x128xi32, #tpu.memory_space<vmem>>
      %dma_start3A_96 = tpu.memref_squeeze %dma_start3A_95 : memref<1x128xi32, #tpu.memory_space<vmem>> -> memref<128xi32, #tpu.memory_space<vmem>>
      %dma_start3A_97 = arith.constant 0 : i32
      %dma_start3A_98 = arith.constant 0 : i32
      %dma_start3A_99 = tpu.memref_slice %arg2[%dma_start3A_97, %dma_start3A_98] : memref<20480x128xf32, #tpu.memory_space<hbm>> -> memref<20480x128xf32, #tpu.memory_space<hbm>>
      tpu.enqueue_indirect_dma source(%dma_start3A_99 : memref<20480x128xf32, #tpu.memory_space<hbm>>) target(%arg10 : memref<128x128xf32, #tpu.memory_space<vmem>>) offsets(%dma_start3A_96 : memref<128xi32, #tpu.memory_space<vmem>>) semaphore(%arg13 : memref<!tpu.dma_semaphore, #tpu.memory_space<semaphore_mem>>)
      "tpu.region"() ({
        %run_scoped3A_115 = tpu.sem_alloc : memref<!tpu.dma_semaphore, #tpu.memory_space<semaphore_mem>>
        %dma_start3A_116 = arith.constant 0 : i32
        %dma_start3A_117 = tpu.memref_slice %arg8[%mul3A_83, %dma_start3A_116] : memref<80x128xi32, #tpu.memory_space<vmem>> -> memref<1x128xi32, #tpu.memory_space<vmem>>
        %dma_start3A_118 = tpu.memref_squeeze %dma_start3A_117 : memref<1x128xi32, #tpu.memory_space<vmem>> -> memref<128xi32, #tpu.memory_space<vmem>>
        %dma_start3A_119 = arith.constant 0 : i32
        %dma_start3A_120 = arith.constant 0 : i32
        %dma_start3A_121 = tpu.memref_slice %arg11[%dma_start3A_119, %dma_start3A_120] : memref<5248x128xf32, #tpu.memory_space<vmem_shared>> -> memref<5248x128xf32, #tpu.memory_space<vmem_shared>>
        tpu.enqueue_indirect_dma source(%arg9 : memref<128x128xf32, #tpu.memory_space<vmem>>) target(%dma_start3A_121 : memref<5248x128xf32, #tpu.memory_space<vmem_shared>>) offsets(%dma_start3A_118 : memref<128xi32, #tpu.memory_space<vmem>>) semaphore(%run_scoped3A_115 : memref<!tpu.dma_semaphore, #tpu.memory_space<semaphore_mem>>) {add = true}
        %dma_wait3A_122 = arith.constant 0 : i32
        %dma_wait3A_123 = tpu.memref_slice %arg8[%mul3A_83, %dma_wait3A_122] : memref<80x128xi32, #tpu.memory_space<vmem>> -> memref<1x128xi32, #tpu.memory_space<vmem>>
        %dma_wait3A_124 = tpu.memref_squeeze %dma_wait3A_123 : memref<1x128xi32, #tpu.memory_space<vmem>> -> memref<128xi32, #tpu.memory_space<vmem>>
        %dma_wait3A_125 = arith.constant 0 : i32
        %dma_wait3A_126 = arith.constant 0 : i32
        %dma_wait3A_127 = tpu.memref_slice %arg11[%dma_wait3A_125, %dma_wait3A_126] : memref<5248x128xf32, #tpu.memory_space<vmem_shared>> -> memref<5248x128xf32, #tpu.memory_space<vmem_shared>>
        tpu.wait_indirect_dma semaphore(%run_scoped3A_115 : memref<!tpu.dma_semaphore, #tpu.memory_space<semaphore_mem>>) src(%arg9 : memref<128x128xf32, #tpu.memory_space<vmem>>) dst(%dma_wait3A_127 : memref<5248x128xf32, #tpu.memory_space<vmem_shared>>)
        tpu.yield
      }) : () -> ()
      %add3A_100 = arith.constant 2 : i32
      %add3A_101 = arith.addi %mul3A_83, %add3A_100 : i32
      %min3A = arith.constant 79 : i32
      %min3A_102 = arith.minsi %add3A_101, %min3A : i32
      %dma_start3A_103 = arith.constant 0 : i32
      %dma_start3A_104 = tpu.memref_slice %arg6[%min3A_102, %dma_start3A_103] : memref<80x128xi32, #tpu.memory_space<vmem>> -> memref<1x128xi32, #tpu.memory_space<vmem>>
      %dma_start3A_105 = tpu.memref_squeeze %dma_start3A_104 : memref<1x128xi32, #tpu.memory_space<vmem>> -> memref<128xi32, #tpu.memory_space<vmem>>
      %dma_start3A_106 = arith.constant 0 : i32
      %dma_start3A_107 = arith.constant 0 : i32
      %dma_start3A_108 = tpu.memref_slice %arg2[%dma_start3A_106, %dma_start3A_107] : memref<20480x128xf32, #tpu.memory_space<hbm>> -> memref<20480x128xf32, #tpu.memory_space<hbm>>
      tpu.enqueue_indirect_dma source(%dma_start3A_108 : memref<20480x128xf32, #tpu.memory_space<hbm>>) target(%arg9 : memref<128x128xf32, #tpu.memory_space<vmem>>) offsets(%dma_start3A_105 : memref<128xi32, #tpu.memory_space<vmem>>) semaphore(%arg12 : memref<!tpu.dma_semaphore, #tpu.memory_space<semaphore_mem>>)
      %dma_wait3A_109 = arith.constant 0 : i32
      %dma_wait3A_110 = tpu.memref_slice %arg6[%add3A_87, %dma_wait3A_109] : memref<80x128xi32, #tpu.memory_space<vmem>> -> memref<1x128xi32, #tpu.memory_space<vmem>>
      %dma_wait3A_111 = tpu.memref_squeeze %dma_wait3A_110 : memref<1x128xi32, #tpu.memory_space<vmem>> -> memref<128xi32, #tpu.memory_space<vmem>>
      %dma_wait3A_112 = arith.constant 0 : i32
      %dma_wait3A_113 = arith.constant 0 : i32
      %dma_wait3A_114 = tpu.memref_slice %arg2[%dma_wait3A_112, %dma_wait3A_113] : memref<20480x128xf32, #tpu.memory_space<hbm>> -> memref<20480x128xf32, #tpu.memory_space<hbm>>
      tpu.wait_indirect_dma semaphore(%arg13 : memref<!tpu.dma_semaphore, #tpu.memory_space<semaphore_mem>>) src(%dma_wait3A_114 : memref<20480x128xf32, #tpu.memory_space<hbm>>) dst(%arg10 : memref<128x128xf32, #tpu.memory_space<vmem>>)
      "tpu.region"() ({
        %run_scoped3A_115 = tpu.sem_alloc : memref<!tpu.dma_semaphore, #tpu.memory_space<semaphore_mem>>
        %dma_start3A_116 = arith.constant 0 : i32
        %dma_start3A_117 = tpu.memref_slice %arg8[%add3A_87, %dma_start3A_116] : memref<80x128xi32, #tpu.memory_space<vmem>> -> memref<1x128xi32, #tpu.memory_space<vmem>>
        %dma_start3A_118 = tpu.memref_squeeze %dma_start3A_117 : memref<1x128xi32, #tpu.memory_space<vmem>> -> memref<128xi32, #tpu.memory_space<vmem>>
        %dma_start3A_119 = arith.constant 0 : i32
        %dma_start3A_120 = arith.constant 0 : i32
        %dma_start3A_121 = tpu.memref_slice %arg11[%dma_start3A_119, %dma_start3A_120] : memref<5248x128xf32, #tpu.memory_space<vmem_shared>> -> memref<5248x128xf32, #tpu.memory_space<vmem_shared>>
        tpu.enqueue_indirect_dma source(%arg10 : memref<128x128xf32, #tpu.memory_space<vmem>>) target(%dma_start3A_121 : memref<5248x128xf32, #tpu.memory_space<vmem_shared>>) offsets(%dma_start3A_118 : memref<128xi32, #tpu.memory_space<vmem>>) semaphore(%run_scoped3A_115 : memref<!tpu.dma_semaphore, #tpu.memory_space<semaphore_mem>>) {add = true}
        %dma_wait3A_122 = arith.constant 0 : i32
        %dma_wait3A_123 = tpu.memref_slice %arg8[%add3A_87, %dma_wait3A_122] : memref<80x128xi32, #tpu.memory_space<vmem>> -> memref<1x128xi32, #tpu.memory_space<vmem>>
        %dma_wait3A_124 = tpu.memref_squeeze %dma_wait3A_123 : memref<1x128xi32, #tpu.memory_space<vmem>> -> memref<128xi32, #tpu.memory_space<vmem>>
        %dma_wait3A_125 = arith.constant 0 : i32
        %dma_wait3A_126 = arith.constant 0 : i32
        %dma_wait3A_127 = tpu.memref_slice %arg11[%dma_wait3A_125, %dma_wait3A_126] : memref<5248x128xf32, #tpu.memory_space<vmem_shared>> -> memref<5248x128xf32, #tpu.memory_space<vmem_shared>>
        tpu.wait_indirect_dma semaphore(%run_scoped3A_115 : memref<!tpu.dma_semaphore, #tpu.memory_space<semaphore_mem>>) src(%arg10 : memref<128x128xf32, #tpu.memory_space<vmem>>) dst(%dma_wait3A_127 : memref<5248x128xf32, #tpu.memory_space<vmem_shared>>)
        tpu.yield
      }) : () -> ()
    }
    %scan3A_33 = arith.constant 40 : i32
    %dma_wait3A = arith.constant 79 : i32
    %dma_wait3A_34 = arith.constant 0 : i32
    %dma_wait3A_35 = tpu.memref_slice %arg6[%dma_wait3A, %dma_wait3A_34] : memref<80x128xi32, #tpu.memory_space<vmem>> -> memref<1x128xi32, #tpu.memory_space<vmem>>
    %dma_wait3A_36 = tpu.memref_squeeze %dma_wait3A_35 : memref<1x128xi32, #tpu.memory_space<vmem>> -> memref<128xi32, #tpu.memory_space<vmem>>
    %dma_wait3A_37 = arith.constant 0 : i32
    %dma_wait3A_38 = arith.constant 0 : i32
    %dma_wait3A_39 = tpu.memref_slice %arg2[%dma_wait3A_37, %dma_wait3A_38] : memref<20480x128xf32, #tpu.memory_space<hbm>> -> memref<20480x128xf32, #tpu.memory_space<hbm>>
    tpu.wait_indirect_dma semaphore(%arg12 : memref<!tpu.dma_semaphore, #tpu.memory_space<semaphore_mem>>) src(%dma_wait3A_39 : memref<20480x128xf32, #tpu.memory_space<hbm>>) dst(%arg9 : memref<128x128xf32, #tpu.memory_space<vmem>>)
    %barrier3A_40 = arith.constant 0 : index
    tpu.barrier barrier_id(%barrier3A_40)
    %run_scoped3A = arith.constant 0 : i32
    "tpu.region"() ({
      %run_scoped3A_81 = tpu.sem_alloc : memref<!tpu.dma_semaphore, #tpu.memory_space<semaphore_mem>>
      %dma_start3A_82 = arith.constant 0 : i32
      %dma_start3A_83 = tpu.memref_slice %arg5[%arg0, %run_scoped3A, %mul3A_1, %dma_start3A_82] : memref<2x2x5248x128xf32, #tpu.memory_space<hbm>> -> memref<1x1x328x128xf32, #tpu.memory_space<hbm>>
      %dma_start3A_84 = tpu.memref_squeeze %dma_start3A_83 : memref<1x1x328x128xf32, #tpu.memory_space<hbm>> -> memref<328x128xf32, #tpu.memory_space<hbm>>
      %dma_start3A_85 = arith.constant 0 : i32
      %dma_start3A_86 = tpu.memref_slice %arg11[%mul3A_1, %dma_start3A_85] : memref<5248x128xf32, #tpu.memory_space<vmem_shared>> -> memref<328x128xf32, #tpu.memory_space<vmem_shared>>
      tpu.enqueue_dma source(%dma_start3A_86 : memref<328x128xf32, #tpu.memory_space<vmem_shared>>) target(%dma_start3A_84 : memref<328x128xf32, #tpu.memory_space<hbm>>) target_semaphore(%run_scoped3A_81 : memref<!tpu.dma_semaphore, #tpu.memory_space<semaphore_mem>>)
      %dma_wait3A_87 = arith.constant 0 : i32
      %dma_wait3A_88 = tpu.memref_slice %arg5[%arg0, %run_scoped3A, %mul3A_1, %dma_wait3A_87] : memref<2x2x5248x128xf32, #tpu.memory_space<hbm>> -> memref<1x1x328x128xf32, #tpu.memory_space<hbm>>
      %dma_wait3A_89 = tpu.memref_squeeze %dma_wait3A_88 : memref<1x1x328x128xf32, #tpu.memory_space<hbm>> -> memref<328x128xf32, #tpu.memory_space<hbm>>
      %dma_wait3A_90 = arith.constant 0 : i32
      %dma_wait3A_91 = tpu.memref_slice %arg11[%mul3A_1, %dma_wait3A_90] : memref<5248x128xf32, #tpu.memory_space<vmem_shared>> -> memref<328x128xf32, #tpu.memory_space<vmem_shared>>
      tpu.wait_dma2 semaphore(%run_scoped3A_81 : memref<!tpu.dma_semaphore, #tpu.memory_space<semaphore_mem>>) src(%dma_wait3A_91 : memref<328x128xf32, #tpu.memory_space<vmem_shared>>) dst(%dma_wait3A_89 : memref<328x128xf32, #tpu.memory_space<hbm>>)
      tpu.yield
    }) : () -> ()
    %barrier3A_41 = arith.constant 0 : index
    tpu.barrier barrier_id(%barrier3A_41)
    %scan3A_42 = arith.constant 0 : i32
    %scan3A_43 = arith.constant 0 : i32
    %scan3A_44 = arith.constant 128 : i32
    %scan3A_45 = arith.addi %scan3A_43, %scan3A_44 : i32
    %scan3A_46 = arith.constant 1 : i32
    scf.for %scan3A_81 = %scan3A_43 to %scan3A_45 step %scan3A_46  : i32 {
      %swap3A = arith.index_cast %scan3A_81 : i32 to index
      %swap3A_82 = arith.constant 0 : index
      %swap3A_83 = tpu.vector_load %arg9[%swap3A, %swap3A_82] {strides = array<i32>} : memref<128x128xf32, #tpu.memory_space<vmem>>, vector<1x16xf32>,
      %swap3A_84 = vector.shape_cast %swap3A_83 : vector<1x16xf32> to vector<16xf32>
      %swap3A_85 = vector.shape_cast %broadcast_in_dim3A_0 : vector<16xf32> to vector<1x16xf32>
      tpu.vector_store %arg9[%swap3A, %swap3A_82], %swap3A_85 {strides = array<i32>} : memref<128x128xf32, #tpu.memory_space<vmem>>, vector<1x16xf32>,
      %swap3A_86 = arith.index_cast %scan3A_81 : i32 to index
      %swap3A_87 = arith.constant 16 : index
      %swap3A_88 = tpu.vector_load %arg9[%swap3A_86, %swap3A_87] {strides = array<i32>} : memref<128x128xf32, #tpu.memory_space<vmem>>, vector<1x16xf32>,
      %swap3A_89 = vector.shape_cast %swap3A_88 : vector<1x16xf32> to vector<16xf32>
      %swap3A_90 = vector.shape_cast %broadcast_in_dim3A_0 : vector<16xf32> to vector<1x16xf32>
      tpu.vector_store %arg9[%swap3A_86, %swap3A_87], %swap3A_90 {strides = array<i32>} : memref<128x128xf32, #tpu.memory_space<vmem>>, vector<1x16xf32>,
      %swap3A_91 = arith.index_cast %scan3A_81 : i32 to index
      %swap3A_92 = arith.constant 32 : index
      %swap3A_93 = tpu.vector_load %arg9[%swap3A_91, %swap3A_92] {strides = array<i32>} : memref<128x128xf32, #tpu.memory_space<vmem>>, vector<1x16xf32>,
      %swap3A_94 = vector.shape_cast %swap3A_93 : vector<1x16xf32> to vector<16xf32>
      %swap3A_95 = vector.shape_cast %broadcast_in_dim3A_0 : vector<16xf32> to vector<1x16xf32>
      tpu.vector_store %arg9[%swap3A_91, %swap3A_92], %swap3A_95 {strides = array<i32>} : memref<128x128xf32, #tpu.memory_space<vmem>>, vector<1x16xf32>,
      %swap3A_96 = arith.index_cast %scan3A_81 : i32 to index
      %swap3A_97 = arith.constant 48 : index
      %swap3A_98 = tpu.vector_load %arg9[%swap3A_96, %swap3A_97] {strides = array<i32>} : memref<128x128xf32, #tpu.memory_space<vmem>>, vector<1x16xf32>,
      %swap3A_99 = vector.shape_cast %swap3A_98 : vector<1x16xf32> to vector<16xf32>
      %swap3A_100 = vector.shape_cast %broadcast_in_dim3A_0 : vector<16xf32> to vector<1x16xf32>
      tpu.vector_store %arg9[%swap3A_96, %swap3A_97], %swap3A_100 {strides = array<i32>} : memref<128x128xf32, #tpu.memory_space<vmem>>, vector<1x16xf32>,
      %swap3A_101 = arith.index_cast %scan3A_81 : i32 to index
      %swap3A_102 = arith.constant 64 : index
      %swap3A_103 = tpu.vector_load %arg9[%swap3A_101, %swap3A_102] {strides = array<i32>} : memref<128x128xf32, #tpu.memory_space<vmem>>, vector<1x16xf32>,
      %swap3A_104 = vector.shape_cast %swap3A_103 : vector<1x16xf32> to vector<16xf32>
      %swap3A_105 = vector.shape_cast %broadcast_in_dim3A_0 : vector<16xf32> to vector<1x16xf32>
      tpu.vector_store %arg9[%swap3A_101, %swap3A_102], %swap3A_105 {strides = array<i32>} : memref<128x128xf32, #tpu.memory_space<vmem>>, vector<1x16xf32>,
      %swap3A_106 = arith.index_cast %scan3A_81 : i32 to index
      %swap3A_107 = arith.constant 80 : index
      %swap3A_108 = tpu.vector_load %arg9[%swap3A_106, %swap3A_107] {strides = array<i32>} : memref<128x128xf32, #tpu.memory_space<vmem>>, vector<1x16xf32>,
      %swap3A_109 = vector.shape_cast %swap3A_108 : vector<1x16xf32> to vector<16xf32>
      %swap3A_110 = vector.shape_cast %broadcast_in_dim3A_0 : vector<16xf32> to vector<1x16xf32>
      tpu.vector_store %arg9[%swap3A_106, %swap3A_107], %swap3A_110 {strides = array<i32>} : memref<128x128xf32, #tpu.memory_space<vmem>>, vector<1x16xf32>,
      %swap3A_111 = arith.index_cast %scan3A_81 : i32 to index
      %swap3A_112 = arith.constant 96 : index
      %swap3A_113 = tpu.vector_load %arg9[%swap3A_111, %swap3A_112] {strides = array<i32>} : memref<128x128xf32, #tpu.memory_space<vmem>>, vector<1x16xf32>,
      %swap3A_114 = vector.shape_cast %swap3A_113 : vector<1x16xf32> to vector<16xf32>
      %swap3A_115 = vector.shape_cast %broadcast_in_dim3A_0 : vector<16xf32> to vector<1x16xf32>
      tpu.vector_store %arg9[%swap3A_111, %swap3A_112], %swap3A_115 {strides = array<i32>} : memref<128x128xf32, #tpu.memory_space<vmem>>, vector<1x16xf32>,
      %swap3A_116 = arith.index_cast %scan3A_81 : i32 to index
      %swap3A_117 = arith.constant 112 : index
      %swap3A_118 = tpu.vector_load %arg9[%swap3A_116, %swap3A_117] {strides = array<i32>} : memref<128x128xf32, #tpu.memory_space<vmem>>, vector<1x16xf32>,
      %swap3A_119 = vector.shape_cast %swap3A_118 : vector<1x16xf32> to vector<16xf32>
      %swap3A_120 = vector.shape_cast %broadcast_in_dim3A_0 : vector<16xf32> to vector<1x16xf32>
      tpu.vector_store %arg9[%swap3A_116, %swap3A_117], %swap3A_120 {strides = array<i32>} : memref<128x128xf32, #tpu.memory_space<vmem>>, vector<1x16xf32>,
    }
    %scan3A_47 = arith.constant 128 : i32
    %scan3A_48 = arith.constant 0 : i32
    %scan3A_49 = arith.constant 0 : i32
    %scan3A_50 = arith.constant 80 : i32
    %scan3A_51 = arith.addi %scan3A_49, %scan3A_50 : i32
    %scan3A_52 = arith.constant 1 : i32
    scf.for %scan3A_81 = %scan3A_49 to %scan3A_51 step %scan3A_52  : i32 {
      %get3A = arith.index_cast %scan3A_81 : i32 to index
      %get3A_82 = arith.constant 0 : index
      %get3A_83 = tpu.vector_load %arg7[%get3A, %get3A_82] {strides = array<i32>} : memref<80x128xi32, #tpu.memory_space<vmem>>, vector<1x16xi32>,
      %get3A_84 = vector.shape_cast %get3A_83 : vector<1x16xi32> to vector<16xi32>
      %sub3A = arith.constant 5120 : i32
      %sub3A_85 = vector.broadcast %sub3A : i32 to vector<16xi32>
      %sub3A_86 = arith.subi %get3A_84, %sub3A_85 : vector<16xi32>
      %ge3A = arith.constant 0 : i32
      %ge3A_87 = vector.broadcast %ge3A : i32 to vector<16xi32>
      %ge3A_88 = arith.cmpi sge, %sub3A_86, %ge3A_87 : vector<16xi32>
      %lt3A = arith.constant 5120 : i32
      %lt3A_89 = vector.broadcast %lt3A : i32 to vector<16xi32>
      %lt3A_90 = arith.cmpi slt, %sub3A_86, %lt3A_89 : vector<16xi32>
      %and3A = arith.andi %ge3A_88, %lt3A_90 : vector<16xi1>
      %jit3A = arith.constant 5120 : i32
      %broadcast_in_dim3A_91 = vector.broadcast %jit3A : i32 to vector<16xi32>
      %select_n3A = arith.select %and3A, %sub3A_86, %broadcast_in_dim3A_91 : vector<16xi1>, vector<16xi32>
      %swap3A = arith.index_cast %scan3A_81 : i32 to index
      %swap3A_92 = arith.constant 0 : index
      %swap3A_93 = tpu.vector_load %arg8[%swap3A, %swap3A_92] {strides = array<i32>} : memref<80x128xi32, #tpu.memory_space<vmem>>, vector<1x16xi32>,
      %swap3A_94 = vector.shape_cast %swap3A_93 : vector<1x16xi32> to vector<16xi32>
      %swap3A_95 = vector.shape_cast %select_n3A : vector<16xi32> to vector<1x16xi32>
      tpu.vector_store %arg8[%swap3A, %swap3A_92], %swap3A_95 {strides = array<i32>} : memref<80x128xi32, #tpu.memory_space<vmem>>, vector<1x16xi32>,
      %get3A_96 = arith.index_cast %scan3A_81 : i32 to index
      %get3A_97 = arith.constant 16 : index
      %get3A_98 = tpu.vector_load %arg7[%get3A_96, %get3A_97] {strides = array<i32>} : memref<80x128xi32, #tpu.memory_space<vmem>>, vector<1x16xi32>,
      %get3A_99 = vector.shape_cast %get3A_98 : vector<1x16xi32> to vector<16xi32>
      %sub3A_100 = arith.constant 5120 : i32
      %sub3A_101 = vector.broadcast %sub3A_100 : i32 to vector<16xi32>
      %sub3A_102 = arith.subi %get3A_99, %sub3A_101 : vector<16xi32>
      %ge3A_103 = arith.constant 0 : i32
      %ge3A_104 = vector.broadcast %ge3A_103 : i32 to vector<16xi32>
      %ge3A_105 = arith.cmpi sge, %sub3A_102, %ge3A_104 : vector<16xi32>
      %lt3A_106 = arith.constant 5120 : i32
      %lt3A_107 = vector.broadcast %lt3A_106 : i32 to vector<16xi32>
      %lt3A_108 = arith.cmpi slt, %sub3A_102, %lt3A_107 : vector<16xi32>
      %and3A_109 = arith.andi %ge3A_105, %lt3A_108 : vector<16xi1>
      %jit3A_110 = arith.constant 5120 : i32
      %broadcast_in_dim3A_111 = vector.broadcast %jit3A_110 : i32 to vector<16xi32>
      %select_n3A_112 = arith.select %and3A_109, %sub3A_102, %broadcast_in_dim3A_111 : vector<16xi1>, vector<16xi32>
      %swap3A_113 = arith.index_cast %scan3A_81 : i32 to index
      %swap3A_114 = arith.constant 16 : index
      %swap3A_115 = tpu.vector_load %arg8[%swap3A_113, %swap3A_114] {strides = array<i32>} : memref<80x128xi32, #tpu.memory_space<vmem>>, vector<1x16xi32>,
      %swap3A_116 = vector.shape_cast %swap3A_115 : vector<1x16xi32> to vector<16xi32>
      %swap3A_117 = vector.shape_cast %select_n3A_112 : vector<16xi32> to vector<1x16xi32>
      tpu.vector_store %arg8[%swap3A_113, %swap3A_114], %swap3A_117 {strides = array<i32>} : memref<80x128xi32, #tpu.memory_space<vmem>>, vector<1x16xi32>,
      %get3A_118 = arith.index_cast %scan3A_81 : i32 to index
      %get3A_119 = arith.constant 32 : index
      %get3A_120 = tpu.vector_load %arg7[%get3A_118, %get3A_119] {strides = array<i32>} : memref<80x128xi32, #tpu.memory_space<vmem>>, vector<1x16xi32>,
      %get3A_121 = vector.shape_cast %get3A_120 : vector<1x16xi32> to vector<16xi32>
      %sub3A_122 = arith.constant 5120 : i32
      %sub3A_123 = vector.broadcast %sub3A_122 : i32 to vector<16xi32>
      %sub3A_124 = arith.subi %get3A_121, %sub3A_123 : vector<16xi32>
      %ge3A_125 = arith.constant 0 : i32
      %ge3A_126 = vector.broadcast %ge3A_125 : i32 to vector<16xi32>
      %ge3A_127 = arith.cmpi sge, %sub3A_124, %ge3A_126 : vector<16xi32>
      %lt3A_128 = arith.constant 5120 : i32
      %lt3A_129 = vector.broadcast %lt3A_128 : i32 to vector<16xi32>
      %lt3A_130 = arith.cmpi slt, %sub3A_124, %lt3A_129 : vector<16xi32>
      %and3A_131 = arith.andi %ge3A_127, %lt3A_130 : vector<16xi1>
      %jit3A_132 = arith.constant 5120 : i32
      %broadcast_in_dim3A_133 = vector.broadcast %jit3A_132 : i32 to vector<16xi32>
      %select_n3A_134 = arith.select %and3A_131, %sub3A_124, %broadcast_in_dim3A_133 : vector<16xi1>, vector<16xi32>
      %swap3A_135 = arith.index_cast %scan3A_81 : i32 to index
      %swap3A_136 = arith.constant 32 : index
      %swap3A_137 = tpu.vector_load %arg8[%swap3A_135, %swap3A_136] {strides = array<i32>} : memref<80x128xi32, #tpu.memory_space<vmem>>, vector<1x16xi32>,
      %swap3A_138 = vector.shape_cast %swap3A_137 : vector<1x16xi32> to vector<16xi32>
      %swap3A_139 = vector.shape_cast %select_n3A_134 : vector<16xi32> to vector<1x16xi32>
      tpu.vector_store %arg8[%swap3A_135, %swap3A_136], %swap3A_139 {strides = array<i32>} : memref<80x128xi32, #tpu.memory_space<vmem>>, vector<1x16xi32>,
      %get3A_140 = arith.index_cast %scan3A_81 : i32 to index
      %get3A_141 = arith.constant 48 : index
      %get3A_142 = tpu.vector_load %arg7[%get3A_140, %get3A_141] {strides = array<i32>} : memref<80x128xi32, #tpu.memory_space<vmem>>, vector<1x16xi32>,
      %get3A_143 = vector.shape_cast %get3A_142 : vector<1x16xi32> to vector<16xi32>
      %sub3A_144 = arith.constant 5120 : i32
      %sub3A_145 = vector.broadcast %sub3A_144 : i32 to vector<16xi32>
      %sub3A_146 = arith.subi %get3A_143, %sub3A_145 : vector<16xi32>
      %ge3A_147 = arith.constant 0 : i32
      %ge3A_148 = vector.broadcast %ge3A_147 : i32 to vector<16xi32>
      %ge3A_149 = arith.cmpi sge, %sub3A_146, %ge3A_148 : vector<16xi32>
      %lt3A_150 = arith.constant 5120 : i32
      %lt3A_151 = vector.broadcast %lt3A_150 : i32 to vector<16xi32>
      %lt3A_152 = arith.cmpi slt, %sub3A_146, %lt3A_151 : vector<16xi32>
      %and3A_153 = arith.andi %ge3A_149, %lt3A_152 : vector<16xi1>
      %jit3A_154 = arith.constant 5120 : i32
      %broadcast_in_dim3A_155 = vector.broadcast %jit3A_154 : i32 to vector<16xi32>
      %select_n3A_156 = arith.select %and3A_153, %sub3A_146, %broadcast_in_dim3A_155 : vector<16xi1>, vector<16xi32>
      %swap3A_157 = arith.index_cast %scan3A_81 : i32 to index
      %swap3A_158 = arith.constant 48 : index
      %swap3A_159 = tpu.vector_load %arg8[%swap3A_157, %swap3A_158] {strides = array<i32>} : memref<80x128xi32, #tpu.memory_space<vmem>>, vector<1x16xi32>,
      %swap3A_160 = vector.shape_cast %swap3A_159 : vector<1x16xi32> to vector<16xi32>
      %swap3A_161 = vector.shape_cast %select_n3A_156 : vector<16xi32> to vector<1x16xi32>
      tpu.vector_store %arg8[%swap3A_157, %swap3A_158], %swap3A_161 {strides = array<i32>} : memref<80x128xi32, #tpu.memory_space<vmem>>, vector<1x16xi32>,
      %get3A_162 = arith.index_cast %scan3A_81 : i32 to index
      %get3A_163 = arith.constant 64 : index
      %get3A_164 = tpu.vector_load %arg7[%get3A_162, %get3A_163] {strides = array<i32>} : memref<80x128xi32, #tpu.memory_space<vmem>>, vector<1x16xi32>,
      %get3A_165 = vector.shape_cast %get3A_164 : vector<1x16xi32> to vector<16xi32>
      %sub3A_166 = arith.constant 5120 : i32
      %sub3A_167 = vector.broadcast %sub3A_166 : i32 to vector<16xi32>
      %sub3A_168 = arith.subi %get3A_165, %sub3A_167 : vector<16xi32>
      %ge3A_169 = arith.constant 0 : i32
      %ge3A_170 = vector.broadcast %ge3A_169 : i32 to vector<16xi32>
      %ge3A_171 = arith.cmpi sge, %sub3A_168, %ge3A_170 : vector<16xi32>
      %lt3A_172 = arith.constant 5120 : i32
      %lt3A_173 = vector.broadcast %lt3A_172 : i32 to vector<16xi32>
      %lt3A_174 = arith.cmpi slt, %sub3A_168, %lt3A_173 : vector<16xi32>
      %and3A_175 = arith.andi %ge3A_171, %lt3A_174 : vector<16xi1>
      %jit3A_176 = arith.constant 5120 : i32
      %broadcast_in_dim3A_177 = vector.broadcast %jit3A_176 : i32 to vector<16xi32>
      %select_n3A_178 = arith.select %and3A_175, %sub3A_168, %broadcast_in_dim3A_177 : vector<16xi1>, vector<16xi32>
      %swap3A_179 = arith.index_cast %scan3A_81 : i32 to index
      %swap3A_180 = arith.constant 64 : index
      %swap3A_181 = tpu.vector_load %arg8[%swap3A_179, %swap3A_180] {strides = array<i32>} : memref<80x128xi32, #tpu.memory_space<vmem>>, vector<1x16xi32>,
      %swap3A_182 = vector.shape_cast %swap3A_181 : vector<1x16xi32> to vector<16xi32>
      %swap3A_183 = vector.shape_cast %select_n3A_178 : vector<16xi32> to vector<1x16xi32>
      tpu.vector_store %arg8[%swap3A_179, %swap3A_180], %swap3A_183 {strides = array<i32>} : memref<80x128xi32, #tpu.memory_space<vmem>>, vector<1x16xi32>,
      %get3A_184 = arith.index_cast %scan3A_81 : i32 to index
      %get3A_185 = arith.constant 80 : index
      %get3A_186 = tpu.vector_load %arg7[%get3A_184, %get3A_185] {strides = array<i32>} : memref<80x128xi32, #tpu.memory_space<vmem>>, vector<1x16xi32>,
      %get3A_187 = vector.shape_cast %get3A_186 : vector<1x16xi32> to vector<16xi32>
      %sub3A_188 = arith.constant 5120 : i32
      %sub3A_189 = vector.broadcast %sub3A_188 : i32 to vector<16xi32>
      %sub3A_190 = arith.subi %get3A_187, %sub3A_189 : vector<16xi32>
      %ge3A_191 = arith.constant 0 : i32
      %ge3A_192 = vector.broadcast %ge3A_191 : i32 to vector<16xi32>
      %ge3A_193 = arith.cmpi sge, %sub3A_190, %ge3A_192 : vector<16xi32>
      %lt3A_194 = arith.constant 5120 : i32
      %lt3A_195 = vector.broadcast %lt3A_194 : i32 to vector<16xi32>
      %lt3A_196 = arith.cmpi slt, %sub3A_190, %lt3A_195 : vector<16xi32>
      %and3A_197 = arith.andi %ge3A_193, %lt3A_196 : vector<16xi1>
      %jit3A_198 = arith.constant 5120 : i32
      %broadcast_in_dim3A_199 = vector.broadcast %jit3A_198 : i32 to vector<16xi32>
      %select_n3A_200 = arith.select %and3A_197, %sub3A_190, %broadcast_in_dim3A_199 : vector<16xi1>, vector<16xi32>
      %swap3A_201 = arith.index_cast %scan3A_81 : i32 to index
      %swap3A_202 = arith.constant 80 : index
      %swap3A_203 = tpu.vector_load %arg8[%swap3A_201, %swap3A_202] {strides = array<i32>} : memref<80x128xi32, #tpu.memory_space<vmem>>, vector<1x16xi32>,
      %swap3A_204 = vector.shape_cast %swap3A_203 : vector<1x16xi32> to vector<16xi32>
      %swap3A_205 = vector.shape_cast %select_n3A_200 : vector<16xi32> to vector<1x16xi32>
      tpu.vector_store %arg8[%swap3A_201, %swap3A_202], %swap3A_205 {strides = array<i32>} : memref<80x128xi32, #tpu.memory_space<vmem>>, vector<1x16xi32>,
      %get3A_206 = arith.index_cast %scan3A_81 : i32 to index
      %get3A_207 = arith.constant 96 : index
      %get3A_208 = tpu.vector_load %arg7[%get3A_206, %get3A_207] {strides = array<i32>} : memref<80x128xi32, #tpu.memory_space<vmem>>, vector<1x16xi32>,
      %get3A_209 = vector.shape_cast %get3A_208 : vector<1x16xi32> to vector<16xi32>
      %sub3A_210 = arith.constant 5120 : i32
      %sub3A_211 = vector.broadcast %sub3A_210 : i32 to vector<16xi32>
      %sub3A_212 = arith.subi %get3A_209, %sub3A_211 : vector<16xi32>
      %ge3A_213 = arith.constant 0 : i32
      %ge3A_214 = vector.broadcast %ge3A_213 : i32 to vector<16xi32>
      %ge3A_215 = arith.cmpi sge, %sub3A_212, %ge3A_214 : vector<16xi32>
      %lt3A_216 = arith.constant 5120 : i32
      %lt3A_217 = vector.broadcast %lt3A_216 : i32 to vector<16xi32>
      %lt3A_218 = arith.cmpi slt, %sub3A_212, %lt3A_217 : vector<16xi32>
      %and3A_219 = arith.andi %ge3A_215, %lt3A_218 : vector<16xi1>
      %jit3A_220 = arith.constant 5120 : i32
      %broadcast_in_dim3A_221 = vector.broadcast %jit3A_220 : i32 to vector<16xi32>
      %select_n3A_222 = arith.select %and3A_219, %sub3A_212, %broadcast_in_dim3A_221 : vector<16xi1>, vector<16xi32>
      %swap3A_223 = arith.index_cast %scan3A_81 : i32 to index
      %swap3A_224 = arith.constant 96 : index
      %swap3A_225 = tpu.vector_load %arg8[%swap3A_223, %swap3A_224] {strides = array<i32>} : memref<80x128xi32, #tpu.memory_space<vmem>>, vector<1x16xi32>,
      %swap3A_226 = vector.shape_cast %swap3A_225 : vector<1x16xi32> to vector<16xi32>
      %swap3A_227 = vector.shape_cast %select_n3A_222 : vector<16xi32> to vector<1x16xi32>
      tpu.vector_store %arg8[%swap3A_223, %swap3A_224], %swap3A_227 {strides = array<i32>} : memref<80x128xi32, #tpu.memory_space<vmem>>, vector<1x16xi32>,
      %get3A_228 = arith.index_cast %scan3A_81 : i32 to index
      %get3A_229 = arith.constant 112 : index
      %get3A_230 = tpu.vector_load %arg7[%get3A_228, %get3A_229] {strides = array<i32>} : memref<80x128xi32, #tpu.memory_space<vmem>>, vector<1x16xi32>,
      %get3A_231 = vector.shape_cast %get3A_230 : vector<1x16xi32> to vector<16xi32>
      %sub3A_232 = arith.constant 5120 : i32
      %sub3A_233 = vector.broadcast %sub3A_232 : i32 to vector<16xi32>
      %sub3A_234 = arith.subi %get3A_231, %sub3A_233 : vector<16xi32>
      %ge3A_235 = arith.constant 0 : i32
      %ge3A_236 = vector.broadcast %ge3A_235 : i32 to vector<16xi32>
      %ge3A_237 = arith.cmpi sge, %sub3A_234, %ge3A_236 : vector<16xi32>
      %lt3A_238 = arith.constant 5120 : i32
      %lt3A_239 = vector.broadcast %lt3A_238 : i32 to vector<16xi32>
      %lt3A_240 = arith.cmpi slt, %sub3A_234, %lt3A_239 : vector<16xi32>
      %and3A_241 = arith.andi %ge3A_237, %lt3A_240 : vector<16xi1>
      %jit3A_242 = arith.constant 5120 : i32
      %broadcast_in_dim3A_243 = vector.broadcast %jit3A_242 : i32 to vector<16xi32>
      %select_n3A_244 = arith.select %and3A_241, %sub3A_234, %broadcast_in_dim3A_243 : vector<16xi1>, vector<16xi32>
      %swap3A_245 = arith.index_cast %scan3A_81 : i32 to index
      %swap3A_246 = arith.constant 112 : index
      %swap3A_247 = tpu.vector_load %arg8[%swap3A_245, %swap3A_246] {strides = array<i32>} : memref<80x128xi32, #tpu.memory_space<vmem>>, vector<1x16xi32>,
      %swap3A_248 = vector.shape_cast %swap3A_247 : vector<1x16xi32> to vector<16xi32>
      %swap3A_249 = vector.shape_cast %select_n3A_244 : vector<16xi32> to vector<1x16xi32>
      tpu.vector_store %arg8[%swap3A_245, %swap3A_246], %swap3A_249 {strides = array<i32>} : memref<80x128xi32, #tpu.memory_space<vmem>>, vector<1x16xi32>,
    }
    %scan3A_53 = arith.constant 80 : i32
    "tpu.region"() ({
      %run_scoped3A_81 = tpu.sem_alloc : memref<!tpu.dma_semaphore, #tpu.memory_space<semaphore_mem>>
      %dma_start3A_82 = arith.constant 0 : i32
      %dma_start3A_83 = tpu.memref_slice %arg11[%mul3A_1, %dma_start3A_82] : memref<5248x128xf32, #tpu.memory_space<vmem_shared>> -> memref<128x128xf32, #tpu.memory_space<vmem_shared>>
      %dma_start3A_84 = arith.constant 0 : i32
      %dma_start3A_85 = tpu.memref_slice %arg11[%mul3A_1, %dma_start3A_84] : memref<5248x128xf32, #tpu.memory_space<vmem_shared>> -> memref<128x128xf32, #tpu.memory_space<vmem_shared>>
      tpu.enqueue_dma source(%arg9 : memref<128x128xf32, #tpu.memory_space<vmem>>) target(%dma_start3A_85 : memref<128x128xf32, #tpu.memory_space<vmem_shared>>) target_semaphore(%run_scoped3A_81 : memref<!tpu.dma_semaphore, #tpu.memory_space<semaphore_mem>>)
      %dma_wait3A_86 = arith.constant 0 : i32
      %dma_wait3A_87 = tpu.memref_slice %arg11[%mul3A_1, %dma_wait3A_86] : memref<5248x128xf32, #tpu.memory_space<vmem_shared>> -> memref<128x128xf32, #tpu.memory_space<vmem_shared>>
      %dma_wait3A_88 = arith.constant 0 : i32
      %dma_wait3A_89 = tpu.memref_slice %arg11[%mul3A_1, %dma_wait3A_88] : memref<5248x128xf32, #tpu.memory_space<vmem_shared>> -> memref<128x128xf32, #tpu.memory_space<vmem_shared>>
      tpu.wait_dma2 semaphore(%run_scoped3A_81 : memref<!tpu.dma_semaphore, #tpu.memory_space<semaphore_mem>>) src(%arg9 : memref<128x128xf32, #tpu.memory_space<vmem>>) dst(%dma_wait3A_89 : memref<128x128xf32, #tpu.memory_space<vmem_shared>>)
      tpu.yield
    }) : () -> ()
    %add3A_54 = arith.constant 128 : i32
    %add3A_55 = arith.addi %mul3A_1, %add3A_54 : i32
    "tpu.region"() ({
      %run_scoped3A_81 = tpu.sem_alloc : memref<!tpu.dma_semaphore, #tpu.memory_space<semaphore_mem>>
      %dma_start3A_82 = arith.constant 0 : i32
      %dma_start3A_83 = tpu.memref_slice %arg11[%add3A_55, %dma_start3A_82] : memref<5248x128xf32, #tpu.memory_space<vmem_shared>> -> memref<128x128xf32, #tpu.memory_space<vmem_shared>>
      %dma_start3A_84 = arith.constant 0 : i32
      %dma_start3A_85 = tpu.memref_slice %arg11[%add3A_55, %dma_start3A_84] : memref<5248x128xf32, #tpu.memory_space<vmem_shared>> -> memref<128x128xf32, #tpu.memory_space<vmem_shared>>
      tpu.enqueue_dma source(%arg9 : memref<128x128xf32, #tpu.memory_space<vmem>>) target(%dma_start3A_85 : memref<128x128xf32, #tpu.memory_space<vmem_shared>>) target_semaphore(%run_scoped3A_81 : memref<!tpu.dma_semaphore, #tpu.memory_space<semaphore_mem>>)
      %dma_wait3A_86 = arith.constant 0 : i32
      %dma_wait3A_87 = tpu.memref_slice %arg11[%add3A_55, %dma_wait3A_86] : memref<5248x128xf32, #tpu.memory_space<vmem_shared>> -> memref<128x128xf32, #tpu.memory_space<vmem_shared>>
      %dma_wait3A_88 = arith.constant 0 : i32
      %dma_wait3A_89 = tpu.memref_slice %arg11[%add3A_55, %dma_wait3A_88] : memref<5248x128xf32, #tpu.memory_space<vmem_shared>> -> memref<128x128xf32, #tpu.memory_space<vmem_shared>>
      tpu.wait_dma2 semaphore(%run_scoped3A_81 : memref<!tpu.dma_semaphore, #tpu.memory_space<semaphore_mem>>) src(%arg9 : memref<128x128xf32, #tpu.memory_space<vmem>>) dst(%dma_wait3A_89 : memref<128x128xf32, #tpu.memory_space<vmem_shared>>)
      tpu.yield
    }) : () -> ()
    %add3A_56 = arith.constant 256 : i32
    %add3A_57 = arith.addi %mul3A_1, %add3A_56 : i32
    "tpu.region"() ({
      %run_scoped3A_81 = tpu.sem_alloc : memref<!tpu.dma_semaphore, #tpu.memory_space<semaphore_mem>>
      %dma_start3A_82 = arith.constant 0 : i32
      %dma_start3A_83 = arith.constant 0 : i32
      %dma_start3A_84 = tpu.memref_slice %arg9[%dma_start3A_82, %dma_start3A_83] : memref<128x128xf32, #tpu.memory_space<vmem>> -> memref<72x128xf32, #tpu.memory_space<vmem>>
      %dma_start3A_85 = arith.constant 0 : i32
      %dma_start3A_86 = tpu.memref_slice %arg11[%add3A_57, %dma_start3A_85] : memref<5248x128xf32, #tpu.memory_space<vmem_shared>> -> memref<72x128xf32, #tpu.memory_space<vmem_shared>>
      %dma_start3A_87 = arith.constant 0 : i32
      %dma_start3A_88 = tpu.memref_slice %arg11[%add3A_57, %dma_start3A_87] : memref<5248x128xf32, #tpu.memory_space<vmem_shared>> -> memref<72x128xf32, #tpu.memory_space<vmem_shared>>
      %dma_start3A_89 = arith.constant 0 : i32
      %dma_start3A_90 = arith.constant 0 : i32
      %dma_start3A_91 = tpu.memref_slice %arg9[%dma_start3A_89, %dma_start3A_90] : memref<128x128xf32, #tpu.memory_space<vmem>> -> memref<72x128xf32, #tpu.memory_space<vmem>>
      tpu.enqueue_dma source(%dma_start3A_91 : memref<72x128xf32, #tpu.memory_space<vmem>>) target(%dma_start3A_88 : memref<72x128xf32, #tpu.memory_space<vmem_shared>>) target_semaphore(%run_scoped3A_81 : memref<!tpu.dma_semaphore, #tpu.memory_space<semaphore_mem>>)
      %dma_wait3A_92 = arith.constant 0 : i32
      %dma_wait3A_93 = arith.constant 0 : i32
      %dma_wait3A_94 = tpu.memref_slice %arg9[%dma_wait3A_92, %dma_wait3A_93] : memref<128x128xf32, #tpu.memory_space<vmem>> -> memref<72x128xf32, #tpu.memory_space<vmem>>
      %dma_wait3A_95 = arith.constant 0 : i32
      %dma_wait3A_96 = tpu.memref_slice %arg11[%add3A_57, %dma_wait3A_95] : memref<5248x128xf32, #tpu.memory_space<vmem_shared>> -> memref<72x128xf32, #tpu.memory_space<vmem_shared>>
      %dma_wait3A_97 = arith.constant 0 : i32
      %dma_wait3A_98 = tpu.memref_slice %arg11[%add3A_57, %dma_wait3A_97] : memref<5248x128xf32, #tpu.memory_space<vmem_shared>> -> memref<72x128xf32, #tpu.memory_space<vmem_shared>>
      %dma_wait3A_99 = arith.constant 0 : i32
      %dma_wait3A_100 = arith.constant 0 : i32
      %dma_wait3A_101 = tpu.memref_slice %arg9[%dma_wait3A_99, %dma_wait3A_100] : memref<128x128xf32, #tpu.memory_space<vmem>> -> memref<72x128xf32, #tpu.memory_space<vmem>>
      tpu.wait_dma2 semaphore(%run_scoped3A_81 : memref<!tpu.dma_semaphore, #tpu.memory_space<semaphore_mem>>) src(%dma_wait3A_101 : memref<72x128xf32, #tpu.memory_space<vmem>>) dst(%dma_wait3A_98 : memref<72x128xf32, #tpu.memory_space<vmem_shared>>)
      tpu.yield
    }) : () -> ()
    %barrier3A_58 = arith.constant 0 : index
    tpu.barrier barrier_id(%barrier3A_58)
    %dma_start3A_59 = arith.constant 0 : i32
    %dma_start3A_60 = arith.constant 0 : i32
    %dma_start3A_61 = tpu.memref_slice %arg6[%dma_start3A_59, %dma_start3A_60] : memref<80x128xi32, #tpu.memory_space<vmem>> -> memref<1x128xi32, #tpu.memory_space<vmem>>
    %dma_start3A_62 = tpu.memref_squeeze %dma_start3A_61 : memref<1x128xi32, #tpu.memory_space<vmem>> -> memref<128xi32, #tpu.memory_space<vmem>>
    %dma_start3A_63 = arith.constant 0 : i32
    %dma_start3A_64 = arith.constant 0 : i32
    %dma_start3A_65 = tpu.memref_slice %arg2[%dma_start3A_63, %dma_start3A_64] : memref<20480x128xf32, #tpu.memory_space<hbm>> -> memref<20480x128xf32, #tpu.memory_space<hbm>>
    tpu.enqueue_indirect_dma source(%dma_start3A_65 : memref<20480x128xf32, #tpu.memory_space<hbm>>) target(%arg9 : memref<128x128xf32, #tpu.memory_space<vmem>>) offsets(%dma_start3A_62 : memref<128xi32, #tpu.memory_space<vmem>>) semaphore(%arg12 : memref<!tpu.dma_semaphore, #tpu.memory_space<semaphore_mem>>)
    %scan3A_66 = arith.constant 0 : i32
    %scan3A_67 = arith.constant 0 : i32
    %scan3A_68 = arith.constant 40 : i32
    %scan3A_69 = arith.addi %scan3A_67, %scan3A_68 : i32
    %scan3A_70 = arith.constant 1 : i32
    scf.for %scan3A_81 = %scan3A_67 to %scan3A_69 step %scan3A_70  : i32 {
      %mul3A_82 = arith.constant 2 : i32
      %mul3A_83 = arith.muli %mul3A_82, %scan3A_81 : i32
      %mul3A_84 = arith.constant 2 : i32
      %mul3A_85 = arith.muli %mul3A_84, %scan3A_81 : i32
      %add3A_86 = arith.constant 1 : i32
      %add3A_87 = arith.addi %mul3A_85, %add3A_86 : i32
      %dma_wait3A_88 = arith.constant 0 : i32
      %dma_wait3A_89 = tpu.memref_slice %arg6[%mul3A_83, %dma_wait3A_88] : memref<80x128xi32, #tpu.memory_space<vmem>> -> memref<1x128xi32, #tpu.memory_space<vmem>>
      %dma_wait3A_90 = tpu.memref_squeeze %dma_wait3A_89 : memref<1x128xi32, #tpu.memory_space<vmem>> -> memref<128xi32, #tpu.memory_space<vmem>>
      %dma_wait3A_91 = arith.constant 0 : i32
      %dma_wait3A_92 = arith.constant 0 : i32
      %dma_wait3A_93 = tpu.memref_slice %arg2[%dma_wait3A_91, %dma_wait3A_92] : memref<20480x128xf32, #tpu.memory_space<hbm>> -> memref<20480x128xf32, #tpu.memory_space<hbm>>
      tpu.wait_indirect_dma semaphore(%arg12 : memref<!tpu.dma_semaphore, #tpu.memory_space<semaphore_mem>>) src(%dma_wait3A_93 : memref<20480x128xf32, #tpu.memory_space<hbm>>) dst(%arg9 : memref<128x128xf32, #tpu.memory_space<vmem>>)
      %dma_start3A_94 = arith.constant 0 : i32
      %dma_start3A_95 = tpu.memref_slice %arg6[%add3A_87, %dma_start3A_94] : memref<80x128xi32, #tpu.memory_space<vmem>> -> memref<1x128xi32, #tpu.memory_space<vmem>>
      %dma_start3A_96 = tpu.memref_squeeze %dma_start3A_95 : memref<1x128xi32, #tpu.memory_space<vmem>> -> memref<128xi32, #tpu.memory_space<vmem>>
      %dma_start3A_97 = arith.constant 0 : i32
      %dma_start3A_98 = arith.constant 0 : i32
      %dma_start3A_99 = tpu.memref_slice %arg2[%dma_start3A_97, %dma_start3A_98] : memref<20480x128xf32, #tpu.memory_space<hbm>> -> memref<20480x128xf32, #tpu.memory_space<hbm>>
      tpu.enqueue_indirect_dma source(%dma_start3A_99 : memref<20480x128xf32, #tpu.memory_space<hbm>>) target(%arg10 : memref<128x128xf32, #tpu.memory_space<vmem>>) offsets(%dma_start3A_96 : memref<128xi32, #tpu.memory_space<vmem>>) semaphore(%arg13 : memref<!tpu.dma_semaphore, #tpu.memory_space<semaphore_mem>>)
      "tpu.region"() ({
        %run_scoped3A_115 = tpu.sem_alloc : memref<!tpu.dma_semaphore, #tpu.memory_space<semaphore_mem>>
        %dma_start3A_116 = arith.constant 0 : i32
        %dma_start3A_117 = tpu.memref_slice %arg8[%mul3A_83, %dma_start3A_116] : memref<80x128xi32, #tpu.memory_space<vmem>> -> memref<1x128xi32, #tpu.memory_space<vmem>>
        %dma_start3A_118 = tpu.memref_squeeze %dma_start3A_117 : memref<1x128xi32, #tpu.memory_space<vmem>> -> memref<128xi32, #tpu.memory_space<vmem>>
        %dma_start3A_119 = arith.constant 0 : i32
        %dma_start3A_120 = arith.constant 0 : i32
        %dma_start3A_121 = tpu.memref_slice %arg11[%dma_start3A_119, %dma_start3A_120] : memref<5248x128xf32, #tpu.memory_space<vmem_shared>> -> memref<5248x128xf32, #tpu.memory_space<vmem_shared>>
        tpu.enqueue_indirect_dma source(%arg9 : memref<128x128xf32, #tpu.memory_space<vmem>>) target(%dma_start3A_121 : memref<5248x128xf32, #tpu.memory_space<vmem_shared>>) offsets(%dma_start3A_118 : memref<128xi32, #tpu.memory_space<vmem>>) semaphore(%run_scoped3A_115 : memref<!tpu.dma_semaphore, #tpu.memory_space<semaphore_mem>>) {add = true}
        %dma_wait3A_122 = arith.constant 0 : i32
        %dma_wait3A_123 = tpu.memref_slice %arg8[%mul3A_83, %dma_wait3A_122] : memref<80x128xi32, #tpu.memory_space<vmem>> -> memref<1x128xi32, #tpu.memory_space<vmem>>
        %dma_wait3A_124 = tpu.memref_squeeze %dma_wait3A_123 : memref<1x128xi32, #tpu.memory_space<vmem>> -> memref<128xi32, #tpu.memory_space<vmem>>
        %dma_wait3A_125 = arith.constant 0 : i32
        %dma_wait3A_126 = arith.constant 0 : i32
        %dma_wait3A_127 = tpu.memref_slice %arg11[%dma_wait3A_125, %dma_wait3A_126] : memref<5248x128xf32, #tpu.memory_space<vmem_shared>> -> memref<5248x128xf32, #tpu.memory_space<vmem_shared>>
        tpu.wait_indirect_dma semaphore(%run_scoped3A_115 : memref<!tpu.dma_semaphore, #tpu.memory_space<semaphore_mem>>) src(%arg9 : memref<128x128xf32, #tpu.memory_space<vmem>>) dst(%dma_wait3A_127 : memref<5248x128xf32, #tpu.memory_space<vmem_shared>>)
        tpu.yield
      }) : () -> ()
      %add3A_100 = arith.constant 2 : i32
      %add3A_101 = arith.addi %mul3A_83, %add3A_100 : i32
      %min3A = arith.constant 79 : i32
      %min3A_102 = arith.minsi %add3A_101, %min3A : i32
      %dma_start3A_103 = arith.constant 0 : i32
      %dma_start3A_104 = tpu.memref_slice %arg6[%min3A_102, %dma_start3A_103] : memref<80x128xi32, #tpu.memory_space<vmem>> -> memref<1x128xi32, #tpu.memory_space<vmem>>
      %dma_start3A_105 = tpu.memref_squeeze %dma_start3A_104 : memref<1x128xi32, #tpu.memory_space<vmem>> -> memref<128xi32, #tpu.memory_space<vmem>>
      %dma_start3A_106 = arith.constant 0 : i32
      %dma_start3A_107 = arith.constant 0 : i32
      %dma_start3A_108 = tpu.memref_slice %arg2[%dma_start3A_106, %dma_start3A_107] : memref<20480x128xf32, #tpu.memory_space<hbm>> -> memref<20480x128xf32, #tpu.memory_space<hbm>>
      tpu.enqueue_indirect_dma source(%dma_start3A_108 : memref<20480x128xf32, #tpu.memory_space<hbm>>) target(%arg9 : memref<128x128xf32, #tpu.memory_space<vmem>>) offsets(%dma_start3A_105 : memref<128xi32, #tpu.memory_space<vmem>>) semaphore(%arg12 : memref<!tpu.dma_semaphore, #tpu.memory_space<semaphore_mem>>)
      %dma_wait3A_109 = arith.constant 0 : i32
      %dma_wait3A_110 = tpu.memref_slice %arg6[%add3A_87, %dma_wait3A_109] : memref<80x128xi32, #tpu.memory_space<vmem>> -> memref<1x128xi32, #tpu.memory_space<vmem>>
      %dma_wait3A_111 = tpu.memref_squeeze %dma_wait3A_110 : memref<1x128xi32, #tpu.memory_space<vmem>> -> memref<128xi32, #tpu.memory_space<vmem>>
      %dma_wait3A_112 = arith.constant 0 : i32
      %dma_wait3A_113 = arith.constant 0 : i32
      %dma_wait3A_114 = tpu.memref_slice %arg2[%dma_wait3A_112, %dma_wait3A_113] : memref<20480x128xf32, #tpu.memory_space<hbm>> -> memref<20480x128xf32, #tpu.memory_space<hbm>>
      tpu.wait_indirect_dma semaphore(%arg13 : memref<!tpu.dma_semaphore, #tpu.memory_space<semaphore_mem>>) src(%dma_wait3A_114 : memref<20480x128xf32, #tpu.memory_space<hbm>>) dst(%arg10 : memref<128x128xf32, #tpu.memory_space<vmem>>)
      "tpu.region"() ({
        %run_scoped3A_115 = tpu.sem_alloc : memref<!tpu.dma_semaphore, #tpu.memory_space<semaphore_mem>>
        %dma_start3A_116 = arith.constant 0 : i32
        %dma_start3A_117 = tpu.memref_slice %arg8[%add3A_87, %dma_start3A_116] : memref<80x128xi32, #tpu.memory_space<vmem>> -> memref<1x128xi32, #tpu.memory_space<vmem>>
        %dma_start3A_118 = tpu.memref_squeeze %dma_start3A_117 : memref<1x128xi32, #tpu.memory_space<vmem>> -> memref<128xi32, #tpu.memory_space<vmem>>
        %dma_start3A_119 = arith.constant 0 : i32
        %dma_start3A_120 = arith.constant 0 : i32
        %dma_start3A_121 = tpu.memref_slice %arg11[%dma_start3A_119, %dma_start3A_120] : memref<5248x128xf32, #tpu.memory_space<vmem_shared>> -> memref<5248x128xf32, #tpu.memory_space<vmem_shared>>
        tpu.enqueue_indirect_dma source(%arg10 : memref<128x128xf32, #tpu.memory_space<vmem>>) target(%dma_start3A_121 : memref<5248x128xf32, #tpu.memory_space<vmem_shared>>) offsets(%dma_start3A_118 : memref<128xi32, #tpu.memory_space<vmem>>) semaphore(%run_scoped3A_115 : memref<!tpu.dma_semaphore, #tpu.memory_space<semaphore_mem>>) {add = true}
        %dma_wait3A_122 = arith.constant 0 : i32
        %dma_wait3A_123 = tpu.memref_slice %arg8[%add3A_87, %dma_wait3A_122] : memref<80x128xi32, #tpu.memory_space<vmem>> -> memref<1x128xi32, #tpu.memory_space<vmem>>
        %dma_wait3A_124 = tpu.memref_squeeze %dma_wait3A_123 : memref<1x128xi32, #tpu.memory_space<vmem>> -> memref<128xi32, #tpu.memory_space<vmem>>
        %dma_wait3A_125 = arith.constant 0 : i32
        %dma_wait3A_126 = arith.constant 0 : i32
        %dma_wait3A_127 = tpu.memref_slice %arg11[%dma_wait3A_125, %dma_wait3A_126] : memref<5248x128xf32, #tpu.memory_space<vmem_shared>> -> memref<5248x128xf32, #tpu.memory_space<vmem_shared>>
        tpu.wait_indirect_dma semaphore(%run_scoped3A_115 : memref<!tpu.dma_semaphore, #tpu.memory_space<semaphore_mem>>) src(%arg10 : memref<128x128xf32, #tpu.memory_space<vmem>>) dst(%dma_wait3A_127 : memref<5248x128xf32, #tpu.memory_space<vmem_shared>>)
        tpu.yield
      }) : () -> ()
    }
    %scan3A_71 = arith.constant 40 : i32
    %dma_wait3A_72 = arith.constant 79 : i32
    %dma_wait3A_73 = arith.constant 0 : i32
    %dma_wait3A_74 = tpu.memref_slice %arg6[%dma_wait3A_72, %dma_wait3A_73] : memref<80x128xi32, #tpu.memory_space<vmem>> -> memref<1x128xi32, #tpu.memory_space<vmem>>
    %dma_wait3A_75 = tpu.memref_squeeze %dma_wait3A_74 : memref<1x128xi32, #tpu.memory_space<vmem>> -> memref<128xi32, #tpu.memory_space<vmem>>
    %dma_wait3A_76 = arith.constant 0 : i32
    %dma_wait3A_77 = arith.constant 0 : i32
    %dma_wait3A_78 = tpu.memref_slice %arg2[%dma_wait3A_76, %dma_wait3A_77] : memref<20480x128xf32, #tpu.memory_space<hbm>> -> memref<20480x128xf32, #tpu.memory_space<hbm>>
    tpu.wait_indirect_dma semaphore(%arg12 : memref<!tpu.dma_semaphore, #tpu.memory_space<semaphore_mem>>) src(%dma_wait3A_78 : memref<20480x128xf32, #tpu.memory_space<hbm>>) dst(%arg9 : memref<128x128xf32, #tpu.memory_space<vmem>>)
    %barrier3A_79 = arith.constant 0 : index
    tpu.barrier barrier_id(%barrier3A_79)
    %run_scoped3A_80 = arith.constant 1 : i32
    "tpu.region"() ({
      %run_scoped3A_81 = tpu.sem_alloc : memref<!tpu.dma_semaphore, #tpu.memory_space<semaphore_mem>>
      %dma_start3A_82 = arith.constant 0 : i32
      %dma_start3A_83 = tpu.memref_slice %arg5[%arg0, %run_scoped3A_80, %mul3A_1, %dma_start3A_82] : memref<2x2x5248x128xf32, #tpu.memory_space<hbm>> -> memref<1x1x328x128xf32, #tpu.memory_space<hbm>>
      %dma_start3A_84 = tpu.memref_squeeze %dma_start3A_83 : memref<1x1x328x128xf32, #tpu.memory_space<hbm>> -> memref<328x128xf32, #tpu.memory_space<hbm>>
      %dma_start3A_85 = arith.constant 0 : i32
      %dma_start3A_86 = tpu.memref_slice %arg11[%mul3A_1, %dma_start3A_85] : memref<5248x128xf32, #tpu.memory_space<vmem_shared>> -> memref<328x128xf32, #tpu.memory_space<vmem_shared>>
      tpu.enqueue_dma source(%dma_start3A_86 : memref<328x128xf32, #tpu.memory_space<vmem_shared>>) target(%dma_start3A_84 : memref<328x128xf32, #tpu.memory_space<hbm>>) target_semaphore(%run_scoped3A_81 : memref<!tpu.dma_semaphore, #tpu.memory_space<semaphore_mem>>)
      %dma_wait3A_87 = arith.constant 0 : i32
      %dma_wait3A_88 = tpu.memref_slice %arg5[%arg0, %run_scoped3A_80, %mul3A_1, %dma_wait3A_87] : memref<2x2x5248x128xf32, #tpu.memory_space<hbm>> -> memref<1x1x328x128xf32, #tpu.memory_space<hbm>>
      %dma_wait3A_89 = tpu.memref_squeeze %dma_wait3A_88 : memref<1x1x328x128xf32, #tpu.memory_space<hbm>> -> memref<328x128xf32, #tpu.memory_space<hbm>>
      %dma_wait3A_90 = arith.constant 0 : i32
      %dma_wait3A_91 = tpu.memref_slice %arg11[%mul3A_1, %dma_wait3A_90] : memref<5248x128xf32, #tpu.memory_space<vmem_shared>> -> memref<328x128xf32, #tpu.memory_space<vmem_shared>>
      tpu.wait_dma2 semaphore(%run_scoped3A_81 : memref<!tpu.dma_semaphore, #tpu.memory_space<semaphore_mem>>) src(%dma_wait3A_91 : memref<328x128xf32, #tpu.memory_space<vmem_shared>>) dst(%dma_wait3A_89 : memref<328x128xf32, #tpu.memory_space<hbm>>)
      tpu.yield
    }) : () -> ()
    return
  }
}

#map = affine_map<(d0, d1) -> (0, 0)>
#map1 = affine_map<(d0, d1) -> (0, 0, 0)>
#map2 = affine_map<(d0, d1) -> (0, 0, 0, 0)>
module attributes {stable_mosaic.version = 14 : i64} {
  func.func @_msgpass_body(%arg0: i32, %arg1: i32, %arg2: memref<20480x128xf32, #tpu.memory_space<hbm>>, %arg3: memref<16x80x128xi32, #tpu.memory_space<hbm>>, %arg4: memref<16x80x128xi32, #tpu.memory_space<hbm>>, %arg5: memref<2x2x5248x128xf32, #tpu.memory_space<hbm>>, %arg6: memref<80x128xi32, #tpu.memory_space<vmem>>, %arg7: memref<80x128xi32, #tpu.memory_space<vmem>>, %arg8: memref<80x128xi32, #tpu.memory_space<vmem>>, %arg9: memref<128x128xf32, #tpu.memory_space<vmem>>, %arg10: memref<128x128xf32, #tpu.memory_space<vmem>>, %arg11: memref<5248x128xf32, #tpu.memory_space<vmem_shared>>, %arg12: memref<!tpu.dma_semaphore, #tpu.memory_space<semaphore_mem>>, %arg13: memref<!tpu.dma_semaphore, #tpu.memory_space<semaphore_mem>>) attributes {dimension_semantics = [#tpu.dimension_semantics<core_parallel>, #tpu.dimension_semantics<subcore_parallel>], iteration_bounds = array<i64: 2, 16>, scalar_prefetch = 0 : i64, scratch_operands = 8 : i64, tpu.core_type = #tpu.core_type<sc_vector_subcore>, window_params = [{transform_indices = #map}, {transform_indices = #map1}, {transform_indices = #map1}, {transform_indices = #map2}]} {
    %broadcast_in_dim3A = arith.constant 0.000000e+00 : f32
    %broadcast_in_dim3A_0 = vector.broadcast %broadcast_in_dim3A : f32 to vector<16xf32>
    %mul3A = arith.constant 328 : i32
    %mul3A_1 = arith.muli %arg1, %mul3A : i32
    "tpu.region"() ({
      %run_scoped3A_81 = tpu.sem_alloc : memref<!tpu.dma_semaphore, #tpu.memory_space<semaphore_mem>>
      %dma_start3A_82 = arith.constant 0 : i32
      %dma_start3A_83 = arith.constant 0 : i32
      %dma_start3A_84 = tpu.memref_slice %arg3[%arg1, %dma_start3A_82, %dma_start3A_83] : memref<16x80x128xi32, #tpu.memory_space<hbm>> -> memref<1x80x128xi32, #tpu.memory_space<hbm>>
      %dma_start3A_85 = tpu.memref_squeeze %dma_start3A_84 : memref<1x80x128xi32, #tpu.memory_space<hbm>> -> memref<80x128xi32, #tpu.memory_space<hbm>>
      %dma_start3A_86 = arith.constant 0 : i32
      %dma_start3A_87 = arith.constant 0 : i32
      %dma_start3A_88 = tpu.memref_slice %arg3[%arg1, %dma_start3A_86, %dma_start3A_87] : memref<16x80x128xi32, #tpu.memory_space<hbm>> -> memref<1x80x128xi32, #tpu.memory_space<hbm>>
      %dma_start3A_89 = tpu.memref_squeeze %dma_start3A_88 : memref<1x80x128xi32, #tpu.memory_space<hbm>> -> memref<80x128xi32, #tpu.memory_space<hbm>>
      tpu.enqueue_dma source(%dma_start3A_89 : memref<80x128xi32, #tpu.memory_space<hbm>>) target(%arg6 : memref<80x128xi32, #tpu.memory_space<vmem>>) target_semaphore(%run_scoped3A_81 : memref<!tpu.dma_semaphore, #tpu.memory_space<semaphore_mem>>)
      %dma_wait3A_90 = arith.constant 0 : i32
      %dma_wait3A_91 = arith.constant 0 : i32
      %dma_wait3A_92 = tpu.memref_slice %arg3[%arg1, %dma_wait3A_90, %dma_wait3A_91] : memref<16x80x128xi32, #tpu.memory_space<hbm>> -> memref<1x80x128xi32, #tpu.memory_space<hbm>>
      %dma_wait3A_93 = tpu.memref_squeeze %dma_wait3A_92 : memref<1x80x128xi32, #tpu.memory_space<hbm>> -> memref<80x128xi32, #tpu.memory_space<hbm>>
      %dma_wait3A_94 = arith.constant 0 : i32
      %dma_wait3A_95 = arith.constant 0 : i32
      %dma_wait3A_96 = tpu.memref_slice %arg3[%arg1, %dma_wait3A_94, %dma_wait3A_95] : memref<16x80x128xi32, #tpu.memory_space<hbm>> -> memref<1x80x128xi32, #tpu.memory_space<hbm>>
      %dma_wait3A_97 = tpu.memref_squeeze %dma_wait3A_96 : memref<1x80x128xi32, #tpu.memory_space<hbm>> -> memref<80x128xi32, #tpu.memory_space<hbm>>
      tpu.wait_dma2 semaphore(%run_scoped3A_81 : memref<!tpu.dma_semaphore, #tpu.memory_space<semaphore_mem>>) src(%dma_wait3A_97 : memref<80x128xi32, #tpu.memory_space<hbm>>) dst(%arg6 : memref<80x128xi32, #tpu.memory_space<vmem>>)
      tpu.yield
    }) : () -> ()
    "tpu.region"() ({
      %run_scoped3A_81 = tpu.sem_alloc : memref<!tpu.dma_semaphore, #tpu.memory_space<semaphore_mem>>
      %dma_start3A_82 = arith.constant 0 : i32
      %dma_start3A_83 = arith.constant 0 : i32
      %dma_start3A_84 = tpu.memref_slice %arg4[%arg1, %dma_start3A_82, %dma_start3A_83] : memref<16x80x128xi32, #tpu.memory_space<hbm>> -> memref<1x80x128xi32, #tpu.memory_space<hbm>>
      %dma_start3A_85 = tpu.memref_squeeze %dma_start3A_84 : memref<1x80x128xi32, #tpu.memory_space<hbm>> -> memref<80x128xi32, #tpu.memory_space<hbm>>
      %dma_start3A_86 = arith.constant 0 : i32
      %dma_start3A_87 = arith.constant 0 : i32
      %dma_start3A_88 = tpu.memref_slice %arg4[%arg1, %dma_start3A_86, %dma_start3A_87] : memref<16x80x128xi32, #tpu.memory_space<hbm>> -> memref<1x80x128xi32, #tpu.memory_space<hbm>>
      %dma_start3A_89 = tpu.memref_squeeze %dma_start3A_88 : memref<1x80x128xi32, #tpu.memory_space<hbm>> -> memref<80x128xi32, #tpu.memory_space<hbm>>
      tpu.enqueue_dma source(%dma_start3A_89 : memref<80x128xi32, #tpu.memory_space<hbm>>) target(%arg7 : memref<80x128xi32, #tpu.memory_space<vmem>>) target_semaphore(%run_scoped3A_81 : memref<!tpu.dma_semaphore, #tpu.memory_space<semaphore_mem>>)
      %dma_wait3A_90 = arith.constant 0 : i32
      %dma_wait3A_91 = arith.constant 0 : i32
      %dma_wait3A_92 = tpu.memref_slice %arg4[%arg1, %dma_wait3A_90, %dma_wait3A_91] : memref<16x80x128xi32, #tpu.memory_space<hbm>> -> memref<1x80x128xi32, #tpu.memory_space<hbm>>
      %dma_wait3A_93 = tpu.memref_squeeze %dma_wait3A_92 : memref<1x80x128xi32, #tpu.memory_space<hbm>> -> memref<80x128xi32, #tpu.memory_space<hbm>>
      %dma_wait3A_94 = arith.constant 0 : i32
      %dma_wait3A_95 = arith.constant 0 : i32
      %dma_wait3A_96 = tpu.memref_slice %arg4[%arg1, %dma_wait3A_94, %dma_wait3A_95] : memref<16x80x128xi32, #tpu.memory_space<hbm>> -> memref<1x80x128xi32, #tpu.memory_space<hbm>>
      %dma_wait3A_97 = tpu.memref_squeeze %dma_wait3A_96 : memref<1x80x128xi32, #tpu.memory_space<hbm>> -> memref<80x128xi32, #tpu.memory_space<hbm>>
      tpu.wait_dma2 semaphore(%run_scoped3A_81 : memref<!tpu.dma_semaphore, #tpu.memory_space<semaphore_mem>>) src(%dma_wait3A_97 : memref<80x128xi32, #tpu.memory_space<hbm>>) dst(%arg7 : memref<80x128xi32, #tpu.memory_space<vmem>>)
      tpu.yield
    }) : () -> ()
    %scan3A = arith.constant 0 : i32
    %scan3A_2 = arith.constant 0 : i32
    %scan3A_3 = arith.constant 128 : i32
    %scan3A_4 = arith.addi %scan3A_2, %scan3A_3 : i32
    %scan3A_5 = arith.constant 1 : i32
    scf.for %scan3A_81 = %scan3A_2 to %scan3A_4 step %scan3A_5  : i32 {
      %swap3A = arith.index_cast %scan3A_81 : i32 to index
      %swap3A_82 = arith.constant 0 : index
      %swap3A_83 = tpu.vector_load %arg9[%swap3A, %swap3A_82] {strides = array<i32>} : memref<128x128xf32, #tpu.memory_space<vmem>>, vector<1x16xf32>,
      %swap3A_84 = vector.shape_cast %swap3A_83 : vector<1x16xf32> to vector<16xf32>
      %swap3A_85 = vector.shape_cast %broadcast_in_dim3A_0 : vector<16xf32> to vector<1x16xf32>
      tpu.vector_store %arg9[%swap3A, %swap3A_82], %swap3A_85 {strides = array<i32>} : memref<128x128xf32, #tpu.memory_space<vmem>>, vector<1x16xf32>,
      %swap3A_86 = arith.index_cast %scan3A_81 : i32 to index
      %swap3A_87 = arith.constant 16 : index
      %swap3A_88 = tpu.vector_load %arg9[%swap3A_86, %swap3A_87] {strides = array<i32>} : memref<128x128xf32, #tpu.memory_space<vmem>>, vector<1x16xf32>,
      %swap3A_89 = vector.shape_cast %swap3A_88 : vector<1x16xf32> to vector<16xf32>
      %swap3A_90 = vector.shape_cast %broadcast_in_dim3A_0 : vector<16xf32> to vector<1x16xf32>
      tpu.vector_store %arg9[%swap3A_86, %swap3A_87], %swap3A_90 {strides = array<i32>} : memref<128x128xf32, #tpu.memory_space<vmem>>, vector<1x16xf32>,
      %swap3A_91 = arith.index_cast %scan3A_81 : i32 to index
      %swap3A_92 = arith.constant 32 : index
      %swap3A_93 = tpu.vector_load %arg9[%swap3A_91, %swap3A_92] {strides = array<i32>} : memref<128x128xf32, #tpu.memory_space<vmem>>, vector<1x16xf32>,
      %swap3A_94 = vector.shape_cast %swap3A_93 : vector<1x16xf32> to vector<16xf32>
      %swap3A_95 = vector.shape_cast %broadcast_in_dim3A_0 : vector<16xf32> to vector<1x16xf32>
      tpu.vector_store %arg9[%swap3A_91, %swap3A_92], %swap3A_95 {strides = array<i32>} : memref<128x128xf32, #tpu.memory_space<vmem>>, vector<1x16xf32>,
      %swap3A_96 = arith.index_cast %scan3A_81 : i32 to index
      %swap3A_97 = arith.constant 48 : index
      %swap3A_98 = tpu.vector_load %arg9[%swap3A_96, %swap3A_97] {strides = array<i32>} : memref<128x128xf32, #tpu.memory_space<vmem>>, vector<1x16xf32>,
      %swap3A_99 = vector.shape_cast %swap3A_98 : vector<1x16xf32> to vector<16xf32>
      %swap3A_100 = vector.shape_cast %broadcast_in_dim3A_0 : vector<16xf32> to vector<1x16xf32>
      tpu.vector_store %arg9[%swap3A_96, %swap3A_97], %swap3A_100 {strides = array<i32>} : memref<128x128xf32, #tpu.memory_space<vmem>>, vector<1x16xf32>,
      %swap3A_101 = arith.index_cast %scan3A_81 : i32 to index
      %swap3A_102 = arith.constant 64 : index
      %swap3A_103 = tpu.vector_load %arg9[%swap3A_101, %swap3A_102] {strides = array<i32>} : memref<128x128xf32, #tpu.memory_space<vmem>>, vector<1x16xf32>,
      %swap3A_104 = vector.shape_cast %swap3A_103 : vector<1x16xf32> to vector<16xf32>
      %swap3A_105 = vector.shape_cast %broadcast_in_dim3A_0 : vector<16xf32> to vector<1x16xf32>
      tpu.vector_store %arg9[%swap3A_101, %swap3A_102], %swap3A_105 {strides = array<i32>} : memref<128x128xf32, #tpu.memory_space<vmem>>, vector<1x16xf32>,
      %swap3A_106 = arith.index_cast %scan3A_81 : i32 to index
      %swap3A_107 = arith.constant 80 : index
      %swap3A_108 = tpu.vector_load %arg9[%swap3A_106, %swap3A_107] {strides = array<i32>} : memref<128x128xf32, #tpu.memory_space<vmem>>, vector<1x16xf32>,
      %swap3A_109 = vector.shape_cast %swap3A_108 : vector<1x16xf32> to vector<16xf32>
      %swap3A_110 = vector.shape_cast %broadcast_in_dim3A_0 : vector<16xf32> to vector<1x16xf32>
      tpu.vector_store %arg9[%swap3A_106, %swap3A_107], %swap3A_110 {strides = array<i32>} : memref<128x128xf32, #tpu.memory_space<vmem>>, vector<1x16xf32>,
      %swap3A_111 = arith.index_cast %scan3A_81 : i32 to index
      %swap3A_112 = arith.constant 96 : index
      %swap3A_113 = tpu.vector_load %arg9[%swap3A_111, %swap3A_112] {strides = array<i32>} : memref<128x128xf32, #tpu.memory_space<vmem>>, vector<1x16xf32>,
      %swap3A_114 = vector.shape_cast %swap3A_113 : vector<1x16xf32> to vector<16xf32>
      %swap3A_115 = vector.shape_cast %broadcast_in_dim3A_0 : vector<16xf32> to vector<1x16xf32>
      tpu.vector_store %arg9[%swap3A_111, %swap3A_112], %swap3A_115 {strides = array<i32>} : memref<128x128xf32, #tpu.memory_space<vmem>>, vector<1x16xf32>,
      %swap3A_116 = arith.index_cast %scan3A_81 : i32 to index
      %swap3A_117 = arith.constant 112 : index
      %swap3A_118 = tpu.vector_load %arg9[%swap3A_116, %swap3A_117] {strides = array<i32>} : memref<128x128xf32, #tpu.memory_space<vmem>>, vector<1x16xf32>,
      %swap3A_119 = vector.shape_cast %swap3A_118 : vector<1x16xf32> to vector<16xf32>
      %swap3A_120 = vector.shape_cast %broadcast_in_dim3A_0 : vector<16xf32> to vector<1x16xf32>
      tpu.vector_store %arg9[%swap3A_116, %swap3A_117], %swap3A_120 {strides = array<i32>} : memref<128x128xf32, #tpu.memory_space<vmem>>, vector<1x16xf32>,
    }
    %scan3A_6 = arith.constant 128 : i32
    %scan3A_7 = arith.constant 0 : i32
    %scan3A_8 = arith.constant 0 : i32
    %scan3A_9 = arith.constant 80 : i32
    %scan3A_10 = arith.addi %scan3A_8, %scan3A_9 : i32
    %scan3A_11 = arith.constant 1 : i32
    scf.for %scan3A_81 = %scan3A_8 to %scan3A_10 step %scan3A_11  : i32 {
      %get3A = arith.index_cast %scan3A_81 : i32 to index
      %get3A_82 = arith.constant 0 : index
      %get3A_83 = tpu.vector_load %arg6[%get3A, %get3A_82] {strides = array<i32>} : memref<80x128xi32, #tpu.memory_space<vmem>>, vector<1x16xi32>,
      %get3A_84 = vector.shape_cast %get3A_83 : vector<1x16xi32> to vector<16xi32>
      %mul3A_85 = arith.constant 2 : i32
      %mul3A_86 = vector.broadcast %mul3A_85 : i32 to vector<16xi32>
      %mul3A_87 = arith.muli %get3A_84, %mul3A_86 : vector<16xi32>
      %add3A_88 = vector.broadcast %arg0 : i32 to vector<16xi32>
      %add3A_89 = arith.addi %mul3A_87, %add3A_88 : vector<16xi32>
      %swap3A = arith.index_cast %scan3A_81 : i32 to index
      %swap3A_90 = arith.constant 0 : index
      %swap3A_91 = tpu.vector_load %arg6[%swap3A, %swap3A_90] {strides = array<i32>} : memref<80x128xi32, #tpu.memory_space<vmem>>, vector<1x16xi32>,
      %swap3A_92 = vector.shape_cast %swap3A_91 : vector<1x16xi32> to vector<16xi32>
      %swap3A_93 = vector.shape_cast %add3A_89 : vector<16xi32> to vector<1x16xi32>
      tpu.vector_store %arg6[%swap3A, %swap3A_90], %swap3A_93 {strides = array<i32>} : memref<80x128xi32, #tpu.memory_space<vmem>>, vector<1x16xi32>,
      %get3A_94 = arith.index_cast %scan3A_81 : i32 to index
      %get3A_95 = arith.constant 16 : index
      %get3A_96 = tpu.vector_load %arg6[%get3A_94, %get3A_95] {strides = array<i32>} : memref<80x128xi32, #tpu.memory_space<vmem>>, vector<1x16xi32>,
      %get3A_97 = vector.shape_cast %get3A_96 : vector<1x16xi32> to vector<16xi32>
      %mul3A_98 = arith.constant 2 : i32
      %mul3A_99 = vector.broadcast %mul3A_98 : i32 to vector<16xi32>
      %mul3A_100 = arith.muli %get3A_97, %mul3A_99 : vector<16xi32>
      %add3A_101 = vector.broadcast %arg0 : i32 to vector<16xi32>
      %add3A_102 = arith.addi %mul3A_100, %add3A_101 : vector<16xi32>
      %swap3A_103 = arith.index_cast %scan3A_81 : i32 to index
      %swap3A_104 = arith.constant 16 : index
      %swap3A_105 = tpu.vector_load %arg6[%swap3A_103, %swap3A_104] {strides = array<i32>} : memref<80x128xi32, #tpu.memory_space<vmem>>, vector<1x16xi32>,
      %swap3A_106 = vector.shape_cast %swap3A_105 : vector<1x16xi32> to vector<16xi32>
      %swap3A_107 = vector.shape_cast %add3A_102 : vector<16xi32> to vector<1x16xi32>
      tpu.vector_store %arg6[%swap3A_103, %swap3A_104], %swap3A_107 {strides = array<i32>} : memref<80x128xi32, #tpu.memory_space<vmem>>, vector<1x16xi32>,
      %get3A_108 = arith.index_cast %scan3A_81 : i32 to index
      %get3A_109 = arith.constant 32 : index
      %get3A_110 = tpu.vector_load %arg6[%get3A_108, %get3A_109] {strides = array<i32>} : memref<80x128xi32, #tpu.memory_space<vmem>>, vector<1x16xi32>,
      %get3A_111 = vector.shape_cast %get3A_110 : vector<1x16xi32> to vector<16xi32>
      %mul3A_112 = arith.constant 2 : i32
      %mul3A_113 = vector.broadcast %mul3A_112 : i32 to vector<16xi32>
      %mul3A_114 = arith.muli %get3A_111, %mul3A_113 : vector<16xi32>
      %add3A_115 = vector.broadcast %arg0 : i32 to vector<16xi32>
      %add3A_116 = arith.addi %mul3A_114, %add3A_115 : vector<16xi32>
      %swap3A_117 = arith.index_cast %scan3A_81 : i32 to index
      %swap3A_118 = arith.constant 32 : index
      %swap3A_119 = tpu.vector_load %arg6[%swap3A_117, %swap3A_118] {strides = array<i32>} : memref<80x128xi32, #tpu.memory_space<vmem>>, vector<1x16xi32>,
      %swap3A_120 = vector.shape_cast %swap3A_119 : vector<1x16xi32> to vector<16xi32>
      %swap3A_121 = vector.shape_cast %add3A_116 : vector<16xi32> to vector<1x16xi32>
      tpu.vector_store %arg6[%swap3A_117, %swap3A_118], %swap3A_121 {strides = array<i32>} : memref<80x128xi32, #tpu.memory_space<vmem>>, vector<1x16xi32>,
      %get3A_122 = arith.index_cast %scan3A_81 : i32 to index
      %get3A_123 = arith.constant 48 : index
      %get3A_124 = tpu.vector_load %arg6[%get3A_122, %get3A_123] {strides = array<i32>} : memref<80x128xi32, #tpu.memory_space<vmem>>, vector<1x16xi32>,
      %get3A_125 = vector.shape_cast %get3A_124 : vector<1x16xi32> to vector<16xi32>
      %mul3A_126 = arith.constant 2 : i32
      %mul3A_127 = vector.broadcast %mul3A_126 : i32 to vector<16xi32>
      %mul3A_128 = arith.muli %get3A_125, %mul3A_127 : vector<16xi32>
      %add3A_129 = vector.broadcast %arg0 : i32 to vector<16xi32>
      %add3A_130 = arith.addi %mul3A_128, %add3A_129 : vector<16xi32>
      %swap3A_131 = arith.index_cast %scan3A_81 : i32 to index
      %swap3A_132 = arith.constant 48 : index
      %swap3A_133 = tpu.vector_load %arg6[%swap3A_131, %swap3A_132] {strides = array<i32>} : memref<80x128xi32, #tpu.memory_space<vmem>>, vector<1x16xi32>,
      %swap3A_134 = vector.shape_cast %swap3A_133 : vector<1x16xi32> to vector<16xi32>
      %swap3A_135 = vector.shape_cast %add3A_130 : vector<16xi32> to vector<1x16xi32>
      tpu.vector_store %arg6[%swap3A_131, %swap3A_132], %swap3A_135 {strides = array<i32>} : memref<80x128xi32, #tpu.memory_space<vmem>>, vector<1x16xi32>,
      %get3A_136 = arith.index_cast %scan3A_81 : i32 to index
      %get3A_137 = arith.constant 64 : index
      %get3A_138 = tpu.vector_load %arg6[%get3A_136, %get3A_137] {strides = array<i32>} : memref<80x128xi32, #tpu.memory_space<vmem>>, vector<1x16xi32>,
      %get3A_139 = vector.shape_cast %get3A_138 : vector<1x16xi32> to vector<16xi32>
      %mul3A_140 = arith.constant 2 : i32
      %mul3A_141 = vector.broadcast %mul3A_140 : i32 to vector<16xi32>
      %mul3A_142 = arith.muli %get3A_139, %mul3A_141 : vector<16xi32>
      %add3A_143 = vector.broadcast %arg0 : i32 to vector<16xi32>
      %add3A_144 = arith.addi %mul3A_142, %add3A_143 : vector<16xi32>
      %swap3A_145 = arith.index_cast %scan3A_81 : i32 to index
      %swap3A_146 = arith.constant 64 : index
      %swap3A_147 = tpu.vector_load %arg6[%swap3A_145, %swap3A_146] {strides = array<i32>} : memref<80x128xi32, #tpu.memory_space<vmem>>, vector<1x16xi32>,
      %swap3A_148 = vector.shape_cast %swap3A_147 : vector<1x16xi32> to vector<16xi32>
      %swap3A_149 = vector.shape_cast %add3A_144 : vector<16xi32> to vector<1x16xi32>
      tpu.vector_store %arg6[%swap3A_145, %swap3A_146], %swap3A_149 {strides = array<i32>} : memref<80x128xi32, #tpu.memory_space<vmem>>, vector<1x16xi32>,
      %get3A_150 = arith.index_cast %scan3A_81 : i32 to index
      %get3A_151 = arith.constant 80 : index
      %get3A_152 = tpu.vector_load %arg6[%get3A_150, %get3A_151] {strides = array<i32>} : memref<80x128xi32, #tpu.memory_space<vmem>>, vector<1x16xi32>,
      %get3A_153 = vector.shape_cast %get3A_152 : vector<1x16xi32> to vector<16xi32>
      %mul3A_154 = arith.constant 2 : i32
      %mul3A_155 = vector.broadcast %mul3A_154 : i32 to vector<16xi32>
      %mul3A_156 = arith.muli %get3A_153, %mul3A_155 : vector<16xi32>
      %add3A_157 = vector.broadcast %arg0 : i32 to vector<16xi32>
      %add3A_158 = arith.addi %mul3A_156, %add3A_157 : vector<16xi32>
      %swap3A_159 = arith.index_cast %scan3A_81 : i32 to index
      %swap3A_160 = arith.constant 80 : index
      %swap3A_161 = tpu.vector_load %arg6[%swap3A_159, %swap3A_160] {strides = array<i32>} : memref<80x128xi32, #tpu.memory_space<vmem>>, vector<1x16xi32>,
      %swap3A_162 = vector.shape_cast %swap3A_161 : vector<1x16xi32> to vector<16xi32>
      %swap3A_163 = vector.shape_cast %add3A_158 : vector<16xi32> to vector<1x16xi32>
      tpu.vector_store %arg6[%swap3A_159, %swap3A_160], %swap3A_163 {strides = array<i32>} : memref<80x128xi32, #tpu.memory_space<vmem>>, vector<1x16xi32>,
      %get3A_164 = arith.index_cast %scan3A_81 : i32 to index
      %get3A_165 = arith.constant 96 : index
      %get3A_166 = tpu.vector_load %arg6[%get3A_164, %get3A_165] {strides = array<i32>} : memref<80x128xi32, #tpu.memory_space<vmem>>, vector<1x16xi32>,
      %get3A_167 = vector.shape_cast %get3A_166 : vector<1x16xi32> to vector<16xi32>
      %mul3A_168 = arith.constant 2 : i32
      %mul3A_169 = vector.broadcast %mul3A_168 : i32 to vector<16xi32>
      %mul3A_170 = arith.muli %get3A_167, %mul3A_169 : vector<16xi32>
      %add3A_171 = vector.broadcast %arg0 : i32 to vector<16xi32>
      %add3A_172 = arith.addi %mul3A_170, %add3A_171 : vector<16xi32>
      %swap3A_173 = arith.index_cast %scan3A_81 : i32 to index
      %swap3A_174 = arith.constant 96 : index
      %swap3A_175 = tpu.vector_load %arg6[%swap3A_173, %swap3A_174] {strides = array<i32>} : memref<80x128xi32, #tpu.memory_space<vmem>>, vector<1x16xi32>,
      %swap3A_176 = vector.shape_cast %swap3A_175 : vector<1x16xi32> to vector<16xi32>
      %swap3A_177 = vector.shape_cast %add3A_172 : vector<16xi32> to vector<1x16xi32>
      tpu.vector_store %arg6[%swap3A_173, %swap3A_174], %swap3A_177 {strides = array<i32>} : memref<80x128xi32, #tpu.memory_space<vmem>>, vector<1x16xi32>,
      %get3A_178 = arith.index_cast %scan3A_81 : i32 to index
      %get3A_179 = arith.constant 112 : index
      %get3A_180 = tpu.vector_load %arg6[%get3A_178, %get3A_179] {strides = array<i32>} : memref<80x128xi32, #tpu.memory_space<vmem>>, vector<1x16xi32>,
      %get3A_181 = vector.shape_cast %get3A_180 : vector<1x16xi32> to vector<16xi32>
      %mul3A_182 = arith.constant 2 : i32
      %mul3A_183 = vector.broadcast %mul3A_182 : i32 to vector<16xi32>
      %mul3A_184 = arith.muli %get3A_181, %mul3A_183 : vector<16xi32>
      %add3A_185 = vector.broadcast %arg0 : i32 to vector<16xi32>
      %add3A_186 = arith.addi %mul3A_184, %add3A_185 : vector<16xi32>
      %swap3A_187 = arith.index_cast %scan3A_81 : i32 to index
      %swap3A_188 = arith.constant 112 : index
      %swap3A_189 = tpu.vector_load %arg6[%swap3A_187, %swap3A_188] {strides = array<i32>} : memref<80x128xi32, #tpu.memory_space<vmem>>, vector<1x16xi32>,
      %swap3A_190 = vector.shape_cast %swap3A_189 : vector<1x16xi32> to vector<16xi32>
      %swap3A_191 = vector.shape_cast %add3A_186 : vector<16xi32> to vector<1x16xi32>
      tpu.vector_store %arg6[%swap3A_187, %swap3A_188], %swap3A_191 {strides = array<i32>} : memref<80x128xi32, #tpu.memory_space<vmem>>, vector<1x16xi32>,
    }
    %scan3A_12 = arith.constant 80 : i32
    %scan3A_13 = arith.constant 0 : i32
    %scan3A_14 = arith.constant 0 : i32
    %scan3A_15 = arith.constant 80 : i32
    %scan3A_16 = arith.addi %scan3A_14, %scan3A_15 : i32
    %scan3A_17 = arith.constant 1 : i32
    scf.for %scan3A_81 = %scan3A_14 to %scan3A_16 step %scan3A_17  : i32 {
      %get3A = arith.index_cast %scan3A_81 : i32 to index
      %get3A_82 = arith.constant 0 : index
      %get3A_83 = tpu.vector_load %arg7[%get3A, %get3A_82] {strides = array<i32>} : memref<80x128xi32, #tpu.memory_space<vmem>>, vector<1x16xi32>,
      %get3A_84 = vector.shape_cast %get3A_83 : vector<1x16xi32> to vector<16xi32>
      %sub3A = arith.constant 0 : i32
      %sub3A_85 = vector.broadcast %sub3A : i32 to vector<16xi32>
      %sub3A_86 = arith.subi %get3A_84, %sub3A_85 : vector<16xi32>
      %ge3A = arith.constant 0 : i32
      %ge3A_87 = vector.broadcast %ge3A : i32 to vector<16xi32>
      %ge3A_88 = arith.cmpi sge, %sub3A_86, %ge3A_87 : vector<16xi32>
      %lt3A = arith.constant 5120 : i32
      %lt3A_89 = vector.broadcast %lt3A : i32 to vector<16xi32>
      %lt3A_90 = arith.cmpi slt, %sub3A_86, %lt3A_89 : vector<16xi32>
      %and3A = arith.andi %ge3A_88, %lt3A_90 : vector<16xi1>
      %jit3A = arith.constant 5120 : i32
      %broadcast_in_dim3A_91 = vector.broadcast %jit3A : i32 to vector<16xi32>
      %select_n3A = arith.select %and3A, %sub3A_86, %broadcast_in_dim3A_91 : vector<16xi1>, vector<16xi32>
      %swap3A = arith.index_cast %scan3A_81 : i32 to index
      %swap3A_92 = arith.constant 0 : index
      %swap3A_93 = tpu.vector_load %arg8[%swap3A, %swap3A_92] {strides = array<i32>} : memref<80x128xi32, #tpu.memory_space<vmem>>, vector<1x16xi32>,
      %swap3A_94 = vector.shape_cast %swap3A_93 : vector<1x16xi32> to vector<16xi32>
      %swap3A_95 = vector.shape_cast %select_n3A : vector<16xi32> to vector<1x16xi32>
      tpu.vector_store %arg8[%swap3A, %swap3A_92], %swap3A_95 {strides = array<i32>} : memref<80x128xi32, #tpu.memory_space<vmem>>, vector<1x16xi32>,
      %get3A_96 = arith.index_cast %scan3A_81 : i32 to index
      %get3A_97 = arith.constant 16 : index
      %get3A_98 = tpu.vector_load %arg7[%get3A_96, %get3A_97] {strides = array<i32>} : memref<80x128xi32, #tpu.memory_space<vmem>>, vector<1x16xi32>,
      %get3A_99 = vector.shape_cast %get3A_98 : vector<1x16xi32> to vector<16xi32>
      %sub3A_100 = arith.constant 0 : i32
      %sub3A_101 = vector.broadcast %sub3A_100 : i32 to vector<16xi32>
      %sub3A_102 = arith.subi %get3A_99, %sub3A_101 : vector<16xi32>
      %ge3A_103 = arith.constant 0 : i32
      %ge3A_104 = vector.broadcast %ge3A_103 : i32 to vector<16xi32>
      %ge3A_105 = arith.cmpi sge, %sub3A_102, %ge3A_104 : vector<16xi32>
      %lt3A_106 = arith.constant 5120 : i32
      %lt3A_107 = vector.broadcast %lt3A_106 : i32 to vector<16xi32>
      %lt3A_108 = arith.cmpi slt, %sub3A_102, %lt3A_107 : vector<16xi32>
      %and3A_109 = arith.andi %ge3A_105, %lt3A_108 : vector<16xi1>
      %jit3A_110 = arith.constant 5120 : i32
      %broadcast_in_dim3A_111 = vector.broadcast %jit3A_110 : i32 to vector<16xi32>
      %select_n3A_112 = arith.select %and3A_109, %sub3A_102, %broadcast_in_dim3A_111 : vector<16xi1>, vector<16xi32>
      %swap3A_113 = arith.index_cast %scan3A_81 : i32 to index
      %swap3A_114 = arith.constant 16 : index
      %swap3A_115 = tpu.vector_load %arg8[%swap3A_113, %swap3A_114] {strides = array<i32>} : memref<80x128xi32, #tpu.memory_space<vmem>>, vector<1x16xi32>,
      %swap3A_116 = vector.shape_cast %swap3A_115 : vector<1x16xi32> to vector<16xi32>
      %swap3A_117 = vector.shape_cast %select_n3A_112 : vector<16xi32> to vector<1x16xi32>
      tpu.vector_store %arg8[%swap3A_113, %swap3A_114], %swap3A_117 {strides = array<i32>} : memref<80x128xi32, #tpu.memory_space<vmem>>, vector<1x16xi32>,
      %get3A_118 = arith.index_cast %scan3A_81 : i32 to index
      %get3A_119 = arith.constant 32 : index
      %get3A_120 = tpu.vector_load %arg7[%get3A_118, %get3A_119] {strides = array<i32>} : memref<80x128xi32, #tpu.memory_space<vmem>>, vector<1x16xi32>,
      %get3A_121 = vector.shape_cast %get3A_120 : vector<1x16xi32> to vector<16xi32>
      %sub3A_122 = arith.constant 0 : i32
      %sub3A_123 = vector.broadcast %sub3A_122 : i32 to vector<16xi32>
      %sub3A_124 = arith.subi %get3A_121, %sub3A_123 : vector<16xi32>
      %ge3A_125 = arith.constant 0 : i32
      %ge3A_126 = vector.broadcast %ge3A_125 : i32 to vector<16xi32>
      %ge3A_127 = arith.cmpi sge, %sub3A_124, %ge3A_126 : vector<16xi32>
      %lt3A_128 = arith.constant 5120 : i32
      %lt3A_129 = vector.broadcast %lt3A_128 : i32 to vector<16xi32>
      %lt3A_130 = arith.cmpi slt, %sub3A_124, %lt3A_129 : vector<16xi32>
      %and3A_131 = arith.andi %ge3A_127, %lt3A_130 : vector<16xi1>
      %jit3A_132 = arith.constant 5120 : i32
      %broadcast_in_dim3A_133 = vector.broadcast %jit3A_132 : i32 to vector<16xi32>
      %select_n3A_134 = arith.select %and3A_131, %sub3A_124, %broadcast_in_dim3A_133 : vector<16xi1>, vector<16xi32>
      %swap3A_135 = arith.index_cast %scan3A_81 : i32 to index
      %swap3A_136 = arith.constant 32 : index
      %swap3A_137 = tpu.vector_load %arg8[%swap3A_135, %swap3A_136] {strides = array<i32>} : memref<80x128xi32, #tpu.memory_space<vmem>>, vector<1x16xi32>,
      %swap3A_138 = vector.shape_cast %swap3A_137 : vector<1x16xi32> to vector<16xi32>
      %swap3A_139 = vector.shape_cast %select_n3A_134 : vector<16xi32> to vector<1x16xi32>
      tpu.vector_store %arg8[%swap3A_135, %swap3A_136], %swap3A_139 {strides = array<i32>} : memref<80x128xi32, #tpu.memory_space<vmem>>, vector<1x16xi32>,
      %get3A_140 = arith.index_cast %scan3A_81 : i32 to index
      %get3A_141 = arith.constant 48 : index
      %get3A_142 = tpu.vector_load %arg7[%get3A_140, %get3A_141] {strides = array<i32>} : memref<80x128xi32, #tpu.memory_space<vmem>>, vector<1x16xi32>,
      %get3A_143 = vector.shape_cast %get3A_142 : vector<1x16xi32> to vector<16xi32>
      %sub3A_144 = arith.constant 0 : i32
      %sub3A_145 = vector.broadcast %sub3A_144 : i32 to vector<16xi32>
      %sub3A_146 = arith.subi %get3A_143, %sub3A_145 : vector<16xi32>
      %ge3A_147 = arith.constant 0 : i32
      %ge3A_148 = vector.broadcast %ge3A_147 : i32 to vector<16xi32>
      %ge3A_149 = arith.cmpi sge, %sub3A_146, %ge3A_148 : vector<16xi32>
      %lt3A_150 = arith.constant 5120 : i32
      %lt3A_151 = vector.broadcast %lt3A_150 : i32 to vector<16xi32>
      %lt3A_152 = arith.cmpi slt, %sub3A_146, %lt3A_151 : vector<16xi32>
      %and3A_153 = arith.andi %ge3A_149, %lt3A_152 : vector<16xi1>
      %jit3A_154 = arith.constant 5120 : i32
      %broadcast_in_dim3A_155 = vector.broadcast %jit3A_154 : i32 to vector<16xi32>
      %select_n3A_156 = arith.select %and3A_153, %sub3A_146, %broadcast_in_dim3A_155 : vector<16xi1>, vector<16xi32>
      %swap3A_157 = arith.index_cast %scan3A_81 : i32 to index
      %swap3A_158 = arith.constant 48 : index
      %swap3A_159 = tpu.vector_load %arg8[%swap3A_157, %swap3A_158] {strides = array<i32>} : memref<80x128xi32, #tpu.memory_space<vmem>>, vector<1x16xi32>,
      %swap3A_160 = vector.shape_cast %swap3A_159 : vector<1x16xi32> to vector<16xi32>
      %swap3A_161 = vector.shape_cast %select_n3A_156 : vector<16xi32> to vector<1x16xi32>
      tpu.vector_store %arg8[%swap3A_157, %swap3A_158], %swap3A_161 {strides = array<i32>} : memref<80x128xi32, #tpu.memory_space<vmem>>, vector<1x16xi32>,
      %get3A_162 = arith.index_cast %scan3A_81 : i32 to index
      %get3A_163 = arith.constant 64 : index
      %get3A_164 = tpu.vector_load %arg7[%get3A_162, %get3A_163] {strides = array<i32>} : memref<80x128xi32, #tpu.memory_space<vmem>>, vector<1x16xi32>,
      %get3A_165 = vector.shape_cast %get3A_164 : vector<1x16xi32> to vector<16xi32>
      %sub3A_166 = arith.constant 0 : i32
      %sub3A_167 = vector.broadcast %sub3A_166 : i32 to vector<16xi32>
      %sub3A_168 = arith.subi %get3A_165, %sub3A_167 : vector<16xi32>
      %ge3A_169 = arith.constant 0 : i32
      %ge3A_170 = vector.broadcast %ge3A_169 : i32 to vector<16xi32>
      %ge3A_171 = arith.cmpi sge, %sub3A_168, %ge3A_170 : vector<16xi32>
      %lt3A_172 = arith.constant 5120 : i32
      %lt3A_173 = vector.broadcast %lt3A_172 : i32 to vector<16xi32>
      %lt3A_174 = arith.cmpi slt, %sub3A_168, %lt3A_173 : vector<16xi32>
      %and3A_175 = arith.andi %ge3A_171, %lt3A_174 : vector<16xi1>
      %jit3A_176 = arith.constant 5120 : i32
      %broadcast_in_dim3A_177 = vector.broadcast %jit3A_176 : i32 to vector<16xi32>
      %select_n3A_178 = arith.select %and3A_175, %sub3A_168, %broadcast_in_dim3A_177 : vector<16xi1>, vector<16xi32>
      %swap3A_179 = arith.index_cast %scan3A_81 : i32 to index
      %swap3A_180 = arith.constant 64 : index
      %swap3A_181 = tpu.vector_load %arg8[%swap3A_179, %swap3A_180] {strides = array<i32>} : memref<80x128xi32, #tpu.memory_space<vmem>>, vector<1x16xi32>,
      %swap3A_182 = vector.shape_cast %swap3A_181 : vector<1x16xi32> to vector<16xi32>
      %swap3A_183 = vector.shape_cast %select_n3A_178 : vector<16xi32> to vector<1x16xi32>
      tpu.vector_store %arg8[%swap3A_179, %swap3A_180], %swap3A_183 {strides = array<i32>} : memref<80x128xi32, #tpu.memory_space<vmem>>, vector<1x16xi32>,
      %get3A_184 = arith.index_cast %scan3A_81 : i32 to index
      %get3A_185 = arith.constant 80 : index
      %get3A_186 = tpu.vector_load %arg7[%get3A_184, %get3A_185] {strides = array<i32>} : memref<80x128xi32, #tpu.memory_space<vmem>>, vector<1x16xi32>,
      %get3A_187 = vector.shape_cast %get3A_186 : vector<1x16xi32> to vector<16xi32>
      %sub3A_188 = arith.constant 0 : i32
      %sub3A_189 = vector.broadcast %sub3A_188 : i32 to vector<16xi32>
      %sub3A_190 = arith.subi %get3A_187, %sub3A_189 : vector<16xi32>
      %ge3A_191 = arith.constant 0 : i32
      %ge3A_192 = vector.broadcast %ge3A_191 : i32 to vector<16xi32>
      %ge3A_193 = arith.cmpi sge, %sub3A_190, %ge3A_192 : vector<16xi32>
      %lt3A_194 = arith.constant 5120 : i32
      %lt3A_195 = vector.broadcast %lt3A_194 : i32 to vector<16xi32>
      %lt3A_196 = arith.cmpi slt, %sub3A_190, %lt3A_195 : vector<16xi32>
      %and3A_197 = arith.andi %ge3A_193, %lt3A_196 : vector<16xi1>
      %jit3A_198 = arith.constant 5120 : i32
      %broadcast_in_dim3A_199 = vector.broadcast %jit3A_198 : i32 to vector<16xi32>
      %select_n3A_200 = arith.select %and3A_197, %sub3A_190, %broadcast_in_dim3A_199 : vector<16xi1>, vector<16xi32>
      %swap3A_201 = arith.index_cast %scan3A_81 : i32 to index
      %swap3A_202 = arith.constant 80 : index
      %swap3A_203 = tpu.vector_load %arg8[%swap3A_201, %swap3A_202] {strides = array<i32>} : memref<80x128xi32, #tpu.memory_space<vmem>>, vector<1x16xi32>,
      %swap3A_204 = vector.shape_cast %swap3A_203 : vector<1x16xi32> to vector<16xi32>
      %swap3A_205 = vector.shape_cast %select_n3A_200 : vector<16xi32> to vector<1x16xi32>
      tpu.vector_store %arg8[%swap3A_201, %swap3A_202], %swap3A_205 {strides = array<i32>} : memref<80x128xi32, #tpu.memory_space<vmem>>, vector<1x16xi32>,
      %get3A_206 = arith.index_cast %scan3A_81 : i32 to index
      %get3A_207 = arith.constant 96 : index
      %get3A_208 = tpu.vector_load %arg7[%get3A_206, %get3A_207] {strides = array<i32>} : memref<80x128xi32, #tpu.memory_space<vmem>>, vector<1x16xi32>,
      %get3A_209 = vector.shape_cast %get3A_208 : vector<1x16xi32> to vector<16xi32>
      %sub3A_210 = arith.constant 0 : i32
      %sub3A_211 = vector.broadcast %sub3A_210 : i32 to vector<16xi32>
      %sub3A_212 = arith.subi %get3A_209, %sub3A_211 : vector<16xi32>
      %ge3A_213 = arith.constant 0 : i32
      %ge3A_214 = vector.broadcast %ge3A_213 : i32 to vector<16xi32>
      %ge3A_215 = arith.cmpi sge, %sub3A_212, %ge3A_214 : vector<16xi32>
      %lt3A_216 = arith.constant 5120 : i32
      %lt3A_217 = vector.broadcast %lt3A_216 : i32 to vector<16xi32>
      %lt3A_218 = arith.cmpi slt, %sub3A_212, %lt3A_217 : vector<16xi32>
      %and3A_219 = arith.andi %ge3A_215, %lt3A_218 : vector<16xi1>
      %jit3A_220 = arith.constant 5120 : i32
      %broadcast_in_dim3A_221 = vector.broadcast %jit3A_220 : i32 to vector<16xi32>
      %select_n3A_222 = arith.select %and3A_219, %sub3A_212, %broadcast_in_dim3A_221 : vector<16xi1>, vector<16xi32>
      %swap3A_223 = arith.index_cast %scan3A_81 : i32 to index
      %swap3A_224 = arith.constant 96 : index
      %swap3A_225 = tpu.vector_load %arg8[%swap3A_223, %swap3A_224] {strides = array<i32>} : memref<80x128xi32, #tpu.memory_space<vmem>>, vector<1x16xi32>,
      %swap3A_226 = vector.shape_cast %swap3A_225 : vector<1x16xi32> to vector<16xi32>
      %swap3A_227 = vector.shape_cast %select_n3A_222 : vector<16xi32> to vector<1x16xi32>
      tpu.vector_store %arg8[%swap3A_223, %swap3A_224], %swap3A_227 {strides = array<i32>} : memref<80x128xi32, #tpu.memory_space<vmem>>, vector<1x16xi32>,
      %get3A_228 = arith.index_cast %scan3A_81 : i32 to index
      %get3A_229 = arith.constant 112 : index
      %get3A_230 = tpu.vector_load %arg7[%get3A_228, %get3A_229] {strides = array<i32>} : memref<80x128xi32, #tpu.memory_space<vmem>>, vector<1x16xi32>,
      %get3A_231 = vector.shape_cast %get3A_230 : vector<1x16xi32> to vector<16xi32>
      %sub3A_232 = arith.constant 0 : i32
      %sub3A_233 = vector.broadcast %sub3A_232 : i32 to vector<16xi32>
      %sub3A_234 = arith.subi %get3A_231, %sub3A_233 : vector<16xi32>
      %ge3A_235 = arith.constant 0 : i32
      %ge3A_236 = vector.broadcast %ge3A_235 : i32 to vector<16xi32>
      %ge3A_237 = arith.cmpi sge, %sub3A_234, %ge3A_236 : vector<16xi32>
      %lt3A_238 = arith.constant 5120 : i32
      %lt3A_239 = vector.broadcast %lt3A_238 : i32 to vector<16xi32>
      %lt3A_240 = arith.cmpi slt, %sub3A_234, %lt3A_239 : vector<16xi32>
      %and3A_241 = arith.andi %ge3A_237, %lt3A_240 : vector<16xi1>
      %jit3A_242 = arith.constant 5120 : i32
      %broadcast_in_dim3A_243 = vector.broadcast %jit3A_242 : i32 to vector<16xi32>
      %select_n3A_244 = arith.select %and3A_241, %sub3A_234, %broadcast_in_dim3A_243 : vector<16xi1>, vector<16xi32>
      %swap3A_245 = arith.index_cast %scan3A_81 : i32 to index
      %swap3A_246 = arith.constant 112 : index
      %swap3A_247 = tpu.vector_load %arg8[%swap3A_245, %swap3A_246] {strides = array<i32>} : memref<80x128xi32, #tpu.memory_space<vmem>>, vector<1x16xi32>,
      %swap3A_248 = vector.shape_cast %swap3A_247 : vector<1x16xi32> to vector<16xi32>
      %swap3A_249 = vector.shape_cast %select_n3A_244 : vector<16xi32> to vector<1x16xi32>
      tpu.vector_store %arg8[%swap3A_245, %swap3A_246], %swap3A_249 {strides = array<i32>} : memref<80x128xi32, #tpu.memory_space<vmem>>, vector<1x16xi32>,
    }
    %scan3A_18 = arith.constant 80 : i32
    "tpu.region"() ({
      %run_scoped3A_81 = tpu.sem_alloc : memref<!tpu.dma_semaphore, #tpu.memory_space<semaphore_mem>>
      %dma_start3A_82 = arith.constant 0 : i32
      %dma_start3A_83 = tpu.memref_slice %arg11[%mul3A_1, %dma_start3A_82] : memref<5248x128xf32, #tpu.memory_space<vmem_shared>> -> memref<128x128xf32, #tpu.memory_space<vmem_shared>>
      %dma_start3A_84 = arith.constant 0 : i32
      %dma_start3A_85 = tpu.memref_slice %arg11[%mul3A_1, %dma_start3A_84] : memref<5248x128xf32, #tpu.memory_space<vmem_shared>> -> memref<128x128xf32, #tpu.memory_space<vmem_shared>>
      tpu.enqueue_dma source(%arg9 : memref<128x128xf32, #tpu.memory_space<vmem>>) target(%dma_start3A_85 : memref<128x128xf32, #tpu.memory_space<vmem_shared>>) target_semaphore(%run_scoped3A_81 : memref<!tpu.dma_semaphore, #tpu.memory_space<semaphore_mem>>)
      %dma_wait3A_86 = arith.constant 0 : i32
      %dma_wait3A_87 = tpu.memref_slice %arg11[%mul3A_1, %dma_wait3A_86] : memref<5248x128xf32, #tpu.memory_space<vmem_shared>> -> memref<128x128xf32, #tpu.memory_space<vmem_shared>>
      %dma_wait3A_88 = arith.constant 0 : i32
      %dma_wait3A_89 = tpu.memref_slice %arg11[%mul3A_1, %dma_wait3A_88] : memref<5248x128xf32, #tpu.memory_space<vmem_shared>> -> memref<128x128xf32, #tpu.memory_space<vmem_shared>>
      tpu.wait_dma2 semaphore(%run_scoped3A_81 : memref<!tpu.dma_semaphore, #tpu.memory_space<semaphore_mem>>) src(%arg9 : memref<128x128xf32, #tpu.memory_space<vmem>>) dst(%dma_wait3A_89 : memref<128x128xf32, #tpu.memory_space<vmem_shared>>)
      tpu.yield
    }) : () -> ()
    %add3A = arith.constant 128 : i32
    %add3A_19 = arith.addi %mul3A_1, %add3A : i32
    "tpu.region"() ({
      %run_scoped3A_81 = tpu.sem_alloc : memref<!tpu.dma_semaphore, #tpu.memory_space<semaphore_mem>>
      %dma_start3A_82 = arith.constant 0 : i32
      %dma_start3A_83 = tpu.memref_slice %arg11[%add3A_19, %dma_start3A_82] : memref<5248x128xf32, #tpu.memory_space<vmem_shared>> -> memref<128x128xf32, #tpu.memory_space<vmem_shared>>
      %dma_start3A_84 = arith.constant 0 : i32
      %dma_start3A_85 = tpu.memref_slice %arg11[%add3A_19, %dma_start3A_84] : memref<5248x128xf32, #tpu.memory_space<vmem_shared>> -> memref<128x128xf32, #tpu.memory_space<vmem_shared>>
      tpu.enqueue_dma source(%arg9 : memref<128x128xf32, #tpu.memory_space<vmem>>) target(%dma_start3A_85 : memref<128x128xf32, #tpu.memory_space<vmem_shared>>) target_semaphore(%run_scoped3A_81 : memref<!tpu.dma_semaphore, #tpu.memory_space<semaphore_mem>>)
      %dma_wait3A_86 = arith.constant 0 : i32
      %dma_wait3A_87 = tpu.memref_slice %arg11[%add3A_19, %dma_wait3A_86] : memref<5248x128xf32, #tpu.memory_space<vmem_shared>> -> memref<128x128xf32, #tpu.memory_space<vmem_shared>>
      %dma_wait3A_88 = arith.constant 0 : i32
      %dma_wait3A_89 = tpu.memref_slice %arg11[%add3A_19, %dma_wait3A_88] : memref<5248x128xf32, #tpu.memory_space<vmem_shared>> -> memref<128x128xf32, #tpu.memory_space<vmem_shared>>
      tpu.wait_dma2 semaphore(%run_scoped3A_81 : memref<!tpu.dma_semaphore, #tpu.memory_space<semaphore_mem>>) src(%arg9 : memref<128x128xf32, #tpu.memory_space<vmem>>) dst(%dma_wait3A_89 : memref<128x128xf32, #tpu.memory_space<vmem_shared>>)
      tpu.yield
    }) : () -> ()
    %add3A_20 = arith.constant 256 : i32
    %add3A_21 = arith.addi %mul3A_1, %add3A_20 : i32
    "tpu.region"() ({
      %run_scoped3A_81 = tpu.sem_alloc : memref<!tpu.dma_semaphore, #tpu.memory_space<semaphore_mem>>
      %dma_start3A_82 = arith.constant 0 : i32
      %dma_start3A_83 = arith.constant 0 : i32
      %dma_start3A_84 = tpu.memref_slice %arg9[%dma_start3A_82, %dma_start3A_83] : memref<128x128xf32, #tpu.memory_space<vmem>> -> memref<72x128xf32, #tpu.memory_space<vmem>>
      %dma_start3A_85 = arith.constant 0 : i32
      %dma_start3A_86 = tpu.memref_slice %arg11[%add3A_21, %dma_start3A_85] : memref<5248x128xf32, #tpu.memory_space<vmem_shared>> -> memref<72x128xf32, #tpu.memory_space<vmem_shared>>
      %dma_start3A_87 = arith.constant 0 : i32
      %dma_start3A_88 = tpu.memref_slice %arg11[%add3A_21, %dma_start3A_87] : memref<5248x128xf32, #tpu.memory_space<vmem_shared>> -> memref<72x128xf32, #tpu.memory_space<vmem_shared>>
      %dma_start3A_89 = arith.constant 0 : i32
      %dma_start3A_90 = arith.constant 0 : i32
      %dma_start3A_91 = tpu.memref_slice %arg9[%dma_start3A_89, %dma_start3A_90] : memref<128x128xf32, #tpu.memory_space<vmem>> -> memref<72x128xf32, #tpu.memory_space<vmem>>
      tpu.enqueue_dma source(%dma_start3A_91 : memref<72x128xf32, #tpu.memory_space<vmem>>) target(%dma_start3A_88 : memref<72x128xf32, #tpu.memory_space<vmem_shared>>) target_semaphore(%run_scoped3A_81 : memref<!tpu.dma_semaphore, #tpu.memory_space<semaphore_mem>>)
      %dma_wait3A_92 = arith.constant 0 : i32
      %dma_wait3A_93 = arith.constant 0 : i32
      %dma_wait3A_94 = tpu.memref_slice %arg9[%dma_wait3A_92, %dma_wait3A_93] : memref<128x128xf32, #tpu.memory_space<vmem>> -> memref<72x128xf32, #tpu.memory_space<vmem>>
      %dma_wait3A_95 = arith.constant 0 : i32
      %dma_wait3A_96 = tpu.memref_slice %arg11[%add3A_21, %dma_wait3A_95] : memref<5248x128xf32, #tpu.memory_space<vmem_shared>> -> memref<72x128xf32, #tpu.memory_space<vmem_shared>>
      %dma_wait3A_97 = arith.constant 0 : i32
      %dma_wait3A_98 = tpu.memref_slice %arg11[%add3A_21, %dma_wait3A_97] : memref<5248x128xf32, #tpu.memory_space<vmem_shared>> -> memref<72x128xf32, #tpu.memory_space<vmem_shared>>
      %dma_wait3A_99 = arith.constant 0 : i32
      %dma_wait3A_100 = arith.constant 0 : i32
      %dma_wait3A_101 = tpu.memref_slice %arg9[%dma_wait3A_99, %dma_wait3A_100] : memref<128x128xf32, #tpu.memory_space<vmem>> -> memref<72x128xf32, #tpu.memory_space<vmem>>
      tpu.wait_dma2 semaphore(%run_scoped3A_81 : memref<!tpu.dma_semaphore, #tpu.memory_space<semaphore_mem>>) src(%dma_wait3A_101 : memref<72x128xf32, #tpu.memory_space<vmem>>) dst(%dma_wait3A_98 : memref<72x128xf32, #tpu.memory_space<vmem_shared>>)
      tpu.yield
    }) : () -> ()
    %barrier3A = arith.constant 0 : index
    tpu.barrier barrier_id(%barrier3A)
    %dma_start3A = arith.constant 0 : i32
    %dma_start3A_22 = arith.constant 0 : i32
    %dma_start3A_23 = tpu.memref_slice %arg6[%dma_start3A, %dma_start3A_22] : memref<80x128xi32, #tpu.memory_space<vmem>> -> memref<1x128xi32, #tpu.memory_space<vmem>>
    %dma_start3A_24 = tpu.memref_squeeze %dma_start3A_23 : memref<1x128xi32, #tpu.memory_space<vmem>> -> memref<128xi32, #tpu.memory_space<vmem>>
    %dma_start3A_25 = arith.constant 0 : i32
    %dma_start3A_26 = arith.constant 0 : i32
    %dma_start3A_27 = tpu.memref_slice %arg2[%dma_start3A_25, %dma_start3A_26] : memref<20480x128xf32, #tpu.memory_space<hbm>> -> memref<20480x128xf32, #tpu.memory_space<hbm>>
    tpu.enqueue_indirect_dma source(%dma_start3A_27 : memref<20480x128xf32, #tpu.memory_space<hbm>>) target(%arg9 : memref<128x128xf32, #tpu.memory_space<vmem>>) offsets(%dma_start3A_24 : memref<128xi32, #tpu.memory_space<vmem>>) semaphore(%arg12 : memref<!tpu.dma_semaphore, #tpu.memory_space<semaphore_mem>>)
    %scan3A_28 = arith.constant 0 : i32
    %scan3A_29 = arith.constant 0 : i32
    %scan3A_30 = arith.constant 40 : i32
    %scan3A_31 = arith.addi %scan3A_29, %scan3A_30 : i32
    %scan3A_32 = arith.constant 1 : i32
    scf.for %scan3A_81 = %scan3A_29 to %scan3A_31 step %scan3A_32  : i32 {
      %mul3A_82 = arith.constant 2 : i32
      %mul3A_83 = arith.muli %mul3A_82, %scan3A_81 : i32
      %mul3A_84 = arith.constant 2 : i32
      %mul3A_85 = arith.muli %mul3A_84, %scan3A_81 : i32
      %add3A_86 = arith.constant 1 : i32
      %add3A_87 = arith.addi %mul3A_85, %add3A_86 : i32
      %dma_wait3A_88 = arith.constant 0 : i32
      %dma_wait3A_89 = tpu.memref_slice %arg6[%mul3A_83, %dma_wait3A_88] : memref<80x128xi32, #tpu.memory_space<vmem>> -> memref<1x128xi32, #tpu.memory_space<vmem>>
      %dma_wait3A_90 = tpu.memref_squeeze %dma_wait3A_89 : memref<1x128xi32, #tpu.memory_space<vmem>> -> memref<128xi32, #tpu.memory_space<vmem>>
      %dma_wait3A_91 = arith.constant 0 : i32
      %dma_wait3A_92 = arith.constant 0 : i32
      %dma_wait3A_93 = tpu.memref_slice %arg2[%dma_wait3A_91, %dma_wait3A_92] : memref<20480x128xf32, #tpu.memory_space<hbm>> -> memref<20480x128xf32, #tpu.memory_space<hbm>>
      tpu.wait_indirect_dma semaphore(%arg12 : memref<!tpu.dma_semaphore, #tpu.memory_space<semaphore_mem>>) src(%dma_wait3A_93 : memref<20480x128xf32, #tpu.memory_space<hbm>>) dst(%arg9 : memref<128x128xf32, #tpu.memory_space<vmem>>)
      %dma_start3A_94 = arith.constant 0 : i32
      %dma_start3A_95 = tpu.memref_slice %arg6[%add3A_87, %dma_start3A_94] : memref<80x128xi32, #tpu.memory_space<vmem>> -> memref<1x128xi32, #tpu.memory_space<vmem>>
      %dma_start3A_96 = tpu.memref_squeeze %dma_start3A_95 : memref<1x128xi32, #tpu.memory_space<vmem>> -> memref<128xi32, #tpu.memory_space<vmem>>
      %dma_start3A_97 = arith.constant 0 : i32
      %dma_start3A_98 = arith.constant 0 : i32
      %dma_start3A_99 = tpu.memref_slice %arg2[%dma_start3A_97, %dma_start3A_98] : memref<20480x128xf32, #tpu.memory_space<hbm>> -> memref<20480x128xf32, #tpu.memory_space<hbm>>
      tpu.enqueue_indirect_dma source(%dma_start3A_99 : memref<20480x128xf32, #tpu.memory_space<hbm>>) target(%arg10 : memref<128x128xf32, #tpu.memory_space<vmem>>) offsets(%dma_start3A_96 : memref<128xi32, #tpu.memory_space<vmem>>) semaphore(%arg13 : memref<!tpu.dma_semaphore, #tpu.memory_space<semaphore_mem>>)
      "tpu.region"() ({
        %run_scoped3A_115 = tpu.sem_alloc : memref<!tpu.dma_semaphore, #tpu.memory_space<semaphore_mem>>
        %dma_start3A_116 = arith.constant 0 : i32
        %dma_start3A_117 = tpu.memref_slice %arg8[%mul3A_83, %dma_start3A_116] : memref<80x128xi32, #tpu.memory_space<vmem>> -> memref<1x128xi32, #tpu.memory_space<vmem>>
        %dma_start3A_118 = tpu.memref_squeeze %dma_start3A_117 : memref<1x128xi32, #tpu.memory_space<vmem>> -> memref<128xi32, #tpu.memory_space<vmem>>
        %dma_start3A_119 = arith.constant 0 : i32
        %dma_start3A_120 = arith.constant 0 : i32
        %dma_start3A_121 = tpu.memref_slice %arg11[%dma_start3A_119, %dma_start3A_120] : memref<5248x128xf32, #tpu.memory_space<vmem_shared>> -> memref<5248x128xf32, #tpu.memory_space<vmem_shared>>
        tpu.enqueue_indirect_dma source(%arg9 : memref<128x128xf32, #tpu.memory_space<vmem>>) target(%dma_start3A_121 : memref<5248x128xf32, #tpu.memory_space<vmem_shared>>) offsets(%dma_start3A_118 : memref<128xi32, #tpu.memory_space<vmem>>) semaphore(%run_scoped3A_115 : memref<!tpu.dma_semaphore, #tpu.memory_space<semaphore_mem>>) {add = true}
        %dma_wait3A_122 = arith.constant 0 : i32
        %dma_wait3A_123 = tpu.memref_slice %arg8[%mul3A_83, %dma_wait3A_122] : memref<80x128xi32, #tpu.memory_space<vmem>> -> memref<1x128xi32, #tpu.memory_space<vmem>>
        %dma_wait3A_124 = tpu.memref_squeeze %dma_wait3A_123 : memref<1x128xi32, #tpu.memory_space<vmem>> -> memref<128xi32, #tpu.memory_space<vmem>>
        %dma_wait3A_125 = arith.constant 0 : i32
        %dma_wait3A_126 = arith.constant 0 : i32
        %dma_wait3A_127 = tpu.memref_slice %arg11[%dma_wait3A_125, %dma_wait3A_126] : memref<5248x128xf32, #tpu.memory_space<vmem_shared>> -> memref<5248x128xf32, #tpu.memory_space<vmem_shared>>
        tpu.wait_indirect_dma semaphore(%run_scoped3A_115 : memref<!tpu.dma_semaphore, #tpu.memory_space<semaphore_mem>>) src(%arg9 : memref<128x128xf32, #tpu.memory_space<vmem>>) dst(%dma_wait3A_127 : memref<5248x128xf32, #tpu.memory_space<vmem_shared>>)
        tpu.yield
      }) : () -> ()
      %add3A_100 = arith.constant 2 : i32
      %add3A_101 = arith.addi %mul3A_83, %add3A_100 : i32
      %min3A = arith.constant 79 : i32
      %min3A_102 = arith.minsi %add3A_101, %min3A : i32
      %dma_start3A_103 = arith.constant 0 : i32
      %dma_start3A_104 = tpu.memref_slice %arg6[%min3A_102, %dma_start3A_103] : memref<80x128xi32, #tpu.memory_space<vmem>> -> memref<1x128xi32, #tpu.memory_space<vmem>>
      %dma_start3A_105 = tpu.memref_squeeze %dma_start3A_104 : memref<1x128xi32, #tpu.memory_space<vmem>> -> memref<128xi32, #tpu.memory_space<vmem>>
      %dma_start3A_106 = arith.constant 0 : i32
      %dma_start3A_107 = arith.constant 0 : i32
      %dma_start3A_108 = tpu.memref_slice %arg2[%dma_start3A_106, %dma_start3A_107] : memref<20480x128xf32, #tpu.memory_space<hbm>> -> memref<20480x128xf32, #tpu.memory_space<hbm>>
      tpu.enqueue_indirect_dma source(%dma_start3A_108 : memref<20480x128xf32, #tpu.memory_space<hbm>>) target(%arg9 : memref<128x128xf32, #tpu.memory_space<vmem>>) offsets(%dma_start3A_105 : memref<128xi32, #tpu.memory_space<vmem>>) semaphore(%arg12 : memref<!tpu.dma_semaphore, #tpu.memory_space<semaphore_mem>>)
      %dma_wait3A_109 = arith.constant 0 : i32
      %dma_wait3A_110 = tpu.memref_slice %arg6[%add3A_87, %dma_wait3A_109] : memref<80x128xi32, #tpu.memory_space<vmem>> -> memref<1x128xi32, #tpu.memory_space<vmem>>
      %dma_wait3A_111 = tpu.memref_squeeze %dma_wait3A_110 : memref<1x128xi32, #tpu.memory_space<vmem>> -> memref<128xi32, #tpu.memory_space<vmem>>
      %dma_wait3A_112 = arith.constant 0 : i32
      %dma_wait3A_113 = arith.constant 0 : i32
      %dma_wait3A_114 = tpu.memref_slice %arg2[%dma_wait3A_112, %dma_wait3A_113] : memref<20480x128xf32, #tpu.memory_space<hbm>> -> memref<20480x128xf32, #tpu.memory_space<hbm>>
      tpu.wait_indirect_dma semaphore(%arg13 : memref<!tpu.dma_semaphore, #tpu.memory_space<semaphore_mem>>) src(%dma_wait3A_114 : memref<20480x128xf32, #tpu.memory_space<hbm>>) dst(%arg10 : memref<128x128xf32, #tpu.memory_space<vmem>>)
      "tpu.region"() ({
        %run_scoped3A_115 = tpu.sem_alloc : memref<!tpu.dma_semaphore, #tpu.memory_space<semaphore_mem>>
        %dma_start3A_116 = arith.constant 0 : i32
        %dma_start3A_117 = tpu.memref_slice %arg8[%add3A_87, %dma_start3A_116] : memref<80x128xi32, #tpu.memory_space<vmem>> -> memref<1x128xi32, #tpu.memory_space<vmem>>
        %dma_start3A_118 = tpu.memref_squeeze %dma_start3A_117 : memref<1x128xi32, #tpu.memory_space<vmem>> -> memref<128xi32, #tpu.memory_space<vmem>>
        %dma_start3A_119 = arith.constant 0 : i32
        %dma_start3A_120 = arith.constant 0 : i32
        %dma_start3A_121 = tpu.memref_slice %arg11[%dma_start3A_119, %dma_start3A_120] : memref<5248x128xf32, #tpu.memory_space<vmem_shared>> -> memref<5248x128xf32, #tpu.memory_space<vmem_shared>>
        tpu.enqueue_indirect_dma source(%arg10 : memref<128x128xf32, #tpu.memory_space<vmem>>) target(%dma_start3A_121 : memref<5248x128xf32, #tpu.memory_space<vmem_shared>>) offsets(%dma_start3A_118 : memref<128xi32, #tpu.memory_space<vmem>>) semaphore(%run_scoped3A_115 : memref<!tpu.dma_semaphore, #tpu.memory_space<semaphore_mem>>) {add = true}
        %dma_wait3A_122 = arith.constant 0 : i32
        %dma_wait3A_123 = tpu.memref_slice %arg8[%add3A_87, %dma_wait3A_122] : memref<80x128xi32, #tpu.memory_space<vmem>> -> memref<1x128xi32, #tpu.memory_space<vmem>>
        %dma_wait3A_124 = tpu.memref_squeeze %dma_wait3A_123 : memref<1x128xi32, #tpu.memory_space<vmem>> -> memref<128xi32, #tpu.memory_space<vmem>>
        %dma_wait3A_125 = arith.constant 0 : i32
        %dma_wait3A_126 = arith.constant 0 : i32
        %dma_wait3A_127 = tpu.memref_slice %arg11[%dma_wait3A_125, %dma_wait3A_126] : memref<5248x128xf32, #tpu.memory_space<vmem_shared>> -> memref<5248x128xf32, #tpu.memory_space<vmem_shared>>
        tpu.wait_indirect_dma semaphore(%run_scoped3A_115 : memref<!tpu.dma_semaphore, #tpu.memory_space<semaphore_mem>>) src(%arg10 : memref<128x128xf32, #tpu.memory_space<vmem>>) dst(%dma_wait3A_127 : memref<5248x128xf32, #tpu.memory_space<vmem_shared>>)
        tpu.yield
      }) : () -> ()
    }
    %scan3A_33 = arith.constant 40 : i32
    %dma_wait3A = arith.constant 79 : i32
    %dma_wait3A_34 = arith.constant 0 : i32
    %dma_wait3A_35 = tpu.memref_slice %arg6[%dma_wait3A, %dma_wait3A_34] : memref<80x128xi32, #tpu.memory_space<vmem>> -> memref<1x128xi32, #tpu.memory_space<vmem>>
    %dma_wait3A_36 = tpu.memref_squeeze %dma_wait3A_35 : memref<1x128xi32, #tpu.memory_space<vmem>> -> memref<128xi32, #tpu.memory_space<vmem>>
    %dma_wait3A_37 = arith.constant 0 : i32
    %dma_wait3A_38 = arith.constant 0 : i32
    %dma_wait3A_39 = tpu.memref_slice %arg2[%dma_wait3A_37, %dma_wait3A_38] : memref<20480x128xf32, #tpu.memory_space<hbm>> -> memref<20480x128xf32, #tpu.memory_space<hbm>>
    tpu.wait_indirect_dma semaphore(%arg12 : memref<!tpu.dma_semaphore, #tpu.memory_space<semaphore_mem>>) src(%dma_wait3A_39 : memref<20480x128xf32, #tpu.memory_space<hbm>>) dst(%arg9 : memref<128x128xf32, #tpu.memory_space<vmem>>)
    %barrier3A_40 = arith.constant 0 : index
    tpu.barrier barrier_id(%barrier3A_40)
    %run_scoped3A = arith.constant 0 : i32
    "tpu.region"() ({
      %run_scoped3A_81 = tpu.sem_alloc : memref<!tpu.dma_semaphore, #tpu.memory_space<semaphore_mem>>
      %dma_start3A_82 = arith.constant 0 : i32
      %dma_start3A_83 = tpu.memref_slice %arg5[%arg0, %run_scoped3A, %mul3A_1, %dma_start3A_82] : memref<2x2x5248x128xf32, #tpu.memory_space<hbm>> -> memref<1x1x328x128xf32, #tpu.memory_space<hbm>>
      %dma_start3A_84 = tpu.memref_squeeze %dma_start3A_83 : memref<1x1x328x128xf32, #tpu.memory_space<hbm>> -> memref<328x128xf32, #tpu.memory_space<hbm>>
      %dma_start3A_85 = arith.constant 0 : i32
      %dma_start3A_86 = tpu.memref_slice %arg11[%mul3A_1, %dma_start3A_85] : memref<5248x128xf32, #tpu.memory_space<vmem_shared>> -> memref<328x128xf32, #tpu.memory_space<vmem_shared>>
      tpu.enqueue_dma source(%dma_start3A_86 : memref<328x128xf32, #tpu.memory_space<vmem_shared>>) target(%dma_start3A_84 : memref<328x128xf32, #tpu.memory_space<hbm>>) target_semaphore(%run_scoped3A_81 : memref<!tpu.dma_semaphore, #tpu.memory_space<semaphore_mem>>)
      %dma_wait3A_87 = arith.constant 0 : i32
      %dma_wait3A_88 = tpu.memref_slice %arg5[%arg0, %run_scoped3A, %mul3A_1, %dma_wait3A_87] : memref<2x2x5248x128xf32, #tpu.memory_space<hbm>> -> memref<1x1x328x128xf32, #tpu.memory_space<hbm>>
      %dma_wait3A_89 = tpu.memref_squeeze %dma_wait3A_88 : memref<1x1x328x128xf32, #tpu.memory_space<hbm>> -> memref<328x128xf32, #tpu.memory_space<hbm>>
      %dma_wait3A_90 = arith.constant 0 : i32
      %dma_wait3A_91 = tpu.memref_slice %arg11[%mul3A_1, %dma_wait3A_90] : memref<5248x128xf32, #tpu.memory_space<vmem_shared>> -> memref<328x128xf32, #tpu.memory_space<vmem_shared>>
      tpu.wait_dma2 semaphore(%run_scoped3A_81 : memref<!tpu.dma_semaphore, #tpu.memory_space<semaphore_mem>>) src(%dma_wait3A_91 : memref<328x128xf32, #tpu.memory_space<vmem_shared>>) dst(%dma_wait3A_89 : memref<328x128xf32, #tpu.memory_space<hbm>>)
      tpu.yield
    }) : () -> ()
    %barrier3A_41 = arith.constant 0 : index
    tpu.barrier barrier_id(%barrier3A_41)
    %scan3A_42 = arith.constant 0 : i32
    %scan3A_43 = arith.constant 0 : i32
    %scan3A_44 = arith.constant 128 : i32
    %scan3A_45 = arith.addi %scan3A_43, %scan3A_44 : i32
    %scan3A_46 = arith.constant 1 : i32
    scf.for %scan3A_81 = %scan3A_43 to %scan3A_45 step %scan3A_46  : i32 {
      %swap3A = arith.index_cast %scan3A_81 : i32 to index
      %swap3A_82 = arith.constant 0 : index
      %swap3A_83 = tpu.vector_load %arg9[%swap3A, %swap3A_82] {strides = array<i32>} : memref<128x128xf32, #tpu.memory_space<vmem>>, vector<1x16xf32>,
      %swap3A_84 = vector.shape_cast %swap3A_83 : vector<1x16xf32> to vector<16xf32>
      %swap3A_85 = vector.shape_cast %broadcast_in_dim3A_0 : vector<16xf32> to vector<1x16xf32>
      tpu.vector_store %arg9[%swap3A, %swap3A_82], %swap3A_85 {strides = array<i32>} : memref<128x128xf32, #tpu.memory_space<vmem>>, vector<1x16xf32>,
      %swap3A_86 = arith.index_cast %scan3A_81 : i32 to index
      %swap3A_87 = arith.constant 16 : index
      %swap3A_88 = tpu.vector_load %arg9[%swap3A_86, %swap3A_87] {strides = array<i32>} : memref<128x128xf32, #tpu.memory_space<vmem>>, vector<1x16xf32>,
      %swap3A_89 = vector.shape_cast %swap3A_88 : vector<1x16xf32> to vector<16xf32>
      %swap3A_90 = vector.shape_cast %broadcast_in_dim3A_0 : vector<16xf32> to vector<1x16xf32>
      tpu.vector_store %arg9[%swap3A_86, %swap3A_87], %swap3A_90 {strides = array<i32>} : memref<128x128xf32, #tpu.memory_space<vmem>>, vector<1x16xf32>,
      %swap3A_91 = arith.index_cast %scan3A_81 : i32 to index
      %swap3A_92 = arith.constant 32 : index
      %swap3A_93 = tpu.vector_load %arg9[%swap3A_91, %swap3A_92] {strides = array<i32>} : memref<128x128xf32, #tpu.memory_space<vmem>>, vector<1x16xf32>,
      %swap3A_94 = vector.shape_cast %swap3A_93 : vector<1x16xf32> to vector<16xf32>
      %swap3A_95 = vector.shape_cast %broadcast_in_dim3A_0 : vector<16xf32> to vector<1x16xf32>
      tpu.vector_store %arg9[%swap3A_91, %swap3A_92], %swap3A_95 {strides = array<i32>} : memref<128x128xf32, #tpu.memory_space<vmem>>, vector<1x16xf32>,
      %swap3A_96 = arith.index_cast %scan3A_81 : i32 to index
      %swap3A_97 = arith.constant 48 : index
      %swap3A_98 = tpu.vector_load %arg9[%swap3A_96, %swap3A_97] {strides = array<i32>} : memref<128x128xf32, #tpu.memory_space<vmem>>, vector<1x16xf32>,
      %swap3A_99 = vector.shape_cast %swap3A_98 : vector<1x16xf32> to vector<16xf32>
      %swap3A_100 = vector.shape_cast %broadcast_in_dim3A_0 : vector<16xf32> to vector<1x16xf32>
      tpu.vector_store %arg9[%swap3A_96, %swap3A_97], %swap3A_100 {strides = array<i32>} : memref<128x128xf32, #tpu.memory_space<vmem>>, vector<1x16xf32>,
      %swap3A_101 = arith.index_cast %scan3A_81 : i32 to index
      %swap3A_102 = arith.constant 64 : index
      %swap3A_103 = tpu.vector_load %arg9[%swap3A_101, %swap3A_102] {strides = array<i32>} : memref<128x128xf32, #tpu.memory_space<vmem>>, vector<1x16xf32>,
      %swap3A_104 = vector.shape_cast %swap3A_103 : vector<1x16xf32> to vector<16xf32>
      %swap3A_105 = vector.shape_cast %broadcast_in_dim3A_0 : vector<16xf32> to vector<1x16xf32>
      tpu.vector_store %arg9[%swap3A_101, %swap3A_102], %swap3A_105 {strides = array<i32>} : memref<128x128xf32, #tpu.memory_space<vmem>>, vector<1x16xf32>,
      %swap3A_106 = arith.index_cast %scan3A_81 : i32 to index
      %swap3A_107 = arith.constant 80 : index
      %swap3A_108 = tpu.vector_load %arg9[%swap3A_106, %swap3A_107] {strides = array<i32>} : memref<128x128xf32, #tpu.memory_space<vmem>>, vector<1x16xf32>,
      %swap3A_109 = vector.shape_cast %swap3A_108 : vector<1x16xf32> to vector<16xf32>
      %swap3A_110 = vector.shape_cast %broadcast_in_dim3A_0 : vector<16xf32> to vector<1x16xf32>
      tpu.vector_store %arg9[%swap3A_106, %swap3A_107], %swap3A_110 {strides = array<i32>} : memref<128x128xf32, #tpu.memory_space<vmem>>, vector<1x16xf32>,
      %swap3A_111 = arith.index_cast %scan3A_81 : i32 to index
      %swap3A_112 = arith.constant 96 : index
      %swap3A_113 = tpu.vector_load %arg9[%swap3A_111, %swap3A_112] {strides = array<i32>} : memref<128x128xf32, #tpu.memory_space<vmem>>, vector<1x16xf32>,
      %swap3A_114 = vector.shape_cast %swap3A_113 : vector<1x16xf32> to vector<16xf32>
      %swap3A_115 = vector.shape_cast %broadcast_in_dim3A_0 : vector<16xf32> to vector<1x16xf32>
      tpu.vector_store %arg9[%swap3A_111, %swap3A_112], %swap3A_115 {strides = array<i32>} : memref<128x128xf32, #tpu.memory_space<vmem>>, vector<1x16xf32>,
      %swap3A_116 = arith.index_cast %scan3A_81 : i32 to index
      %swap3A_117 = arith.constant 112 : index
      %swap3A_118 = tpu.vector_load %arg9[%swap3A_116, %swap3A_117] {strides = array<i32>} : memref<128x128xf32, #tpu.memory_space<vmem>>, vector<1x16xf32>,
      %swap3A_119 = vector.shape_cast %swap3A_118 : vector<1x16xf32> to vector<16xf32>
      %swap3A_120 = vector.shape_cast %broadcast_in_dim3A_0 : vector<16xf32> to vector<1x16xf32>
      tpu.vector_store %arg9[%swap3A_116, %swap3A_117], %swap3A_120 {strides = array<i32>} : memref<128x128xf32, #tpu.memory_space<vmem>>, vector<1x16xf32>,
    }
    %scan3A_47 = arith.constant 128 : i32
    %scan3A_48 = arith.constant 0 : i32
    %scan3A_49 = arith.constant 0 : i32
    %scan3A_50 = arith.constant 80 : i32
    %scan3A_51 = arith.addi %scan3A_49, %scan3A_50 : i32
    %scan3A_52 = arith.constant 1 : i32
    scf.for %scan3A_81 = %scan3A_49 to %scan3A_51 step %scan3A_52  : i32 {
      %get3A = arith.index_cast %scan3A_81 : i32 to index
      %get3A_82 = arith.constant 0 : index
      %get3A_83 = tpu.vector_load %arg7[%get3A, %get3A_82] {strides = array<i32>} : memref<80x128xi32, #tpu.memory_space<vmem>>, vector<1x16xi32>,
      %get3A_84 = vector.shape_cast %get3A_83 : vector<1x16xi32> to vector<16xi32>
      %sub3A = arith.constant 5120 : i32
      %sub3A_85 = vector.broadcast %sub3A : i32 to vector<16xi32>
      %sub3A_86 = arith.subi %get3A_84, %sub3A_85 : vector<16xi32>
      %ge3A = arith.constant 0 : i32
      %ge3A_87 = vector.broadcast %ge3A : i32 to vector<16xi32>
      %ge3A_88 = arith.cmpi sge, %sub3A_86, %ge3A_87 : vector<16xi32>
      %lt3A = arith.constant 5120 : i32
      %lt3A_89 = vector.broadcast %lt3A : i32 to vector<16xi32>
      %lt3A_90 = arith.cmpi slt, %sub3A_86, %lt3A_89 : vector<16xi32>
      %and3A = arith.andi %ge3A_88, %lt3A_90 : vector<16xi1>
      %jit3A = arith.constant 5120 : i32
      %broadcast_in_dim3A_91 = vector.broadcast %jit3A : i32 to vector<16xi32>
      %select_n3A = arith.select %and3A, %sub3A_86, %broadcast_in_dim3A_91 : vector<16xi1>, vector<16xi32>
      %swap3A = arith.index_cast %scan3A_81 : i32 to index
      %swap3A_92 = arith.constant 0 : index
      %swap3A_93 = tpu.vector_load %arg8[%swap3A, %swap3A_92] {strides = array<i32>} : memref<80x128xi32, #tpu.memory_space<vmem>>, vector<1x16xi32>,
      %swap3A_94 = vector.shape_cast %swap3A_93 : vector<1x16xi32> to vector<16xi32>
      %swap3A_95 = vector.shape_cast %select_n3A : vector<16xi32> to vector<1x16xi32>
      tpu.vector_store %arg8[%swap3A, %swap3A_92], %swap3A_95 {strides = array<i32>} : memref<80x128xi32, #tpu.memory_space<vmem>>, vector<1x16xi32>,
      %get3A_96 = arith.index_cast %scan3A_81 : i32 to index
      %get3A_97 = arith.constant 16 : index
      %get3A_98 = tpu.vector_load %arg7[%get3A_96, %get3A_97] {strides = array<i32>} : memref<80x128xi32, #tpu.memory_space<vmem>>, vector<1x16xi32>,
      %get3A_99 = vector.shape_cast %get3A_98 : vector<1x16xi32> to vector<16xi32>
      %sub3A_100 = arith.constant 5120 : i32
      %sub3A_101 = vector.broadcast %sub3A_100 : i32 to vector<16xi32>
      %sub3A_102 = arith.subi %get3A_99, %sub3A_101 : vector<16xi32>
      %ge3A_103 = arith.constant 0 : i32
      %ge3A_104 = vector.broadcast %ge3A_103 : i32 to vector<16xi32>
      %ge3A_105 = arith.cmpi sge, %sub3A_102, %ge3A_104 : vector<16xi32>
      %lt3A_106 = arith.constant 5120 : i32
      %lt3A_107 = vector.broadcast %lt3A_106 : i32 to vector<16xi32>
      %lt3A_108 = arith.cmpi slt, %sub3A_102, %lt3A_107 : vector<16xi32>
      %and3A_109 = arith.andi %ge3A_105, %lt3A_108 : vector<16xi1>
      %jit3A_110 = arith.constant 5120 : i32
      %broadcast_in_dim3A_111 = vector.broadcast %jit3A_110 : i32 to vector<16xi32>
      %select_n3A_112 = arith.select %and3A_109, %sub3A_102, %broadcast_in_dim3A_111 : vector<16xi1>, vector<16xi32>
      %swap3A_113 = arith.index_cast %scan3A_81 : i32 to index
      %swap3A_114 = arith.constant 16 : index
      %swap3A_115 = tpu.vector_load %arg8[%swap3A_113, %swap3A_114] {strides = array<i32>} : memref<80x128xi32, #tpu.memory_space<vmem>>, vector<1x16xi32>,
      %swap3A_116 = vector.shape_cast %swap3A_115 : vector<1x16xi32> to vector<16xi32>
      %swap3A_117 = vector.shape_cast %select_n3A_112 : vector<16xi32> to vector<1x16xi32>
      tpu.vector_store %arg8[%swap3A_113, %swap3A_114], %swap3A_117 {strides = array<i32>} : memref<80x128xi32, #tpu.memory_space<vmem>>, vector<1x16xi32>,
      %get3A_118 = arith.index_cast %scan3A_81 : i32 to index
      %get3A_119 = arith.constant 32 : index
      %get3A_120 = tpu.vector_load %arg7[%get3A_118, %get3A_119] {strides = array<i32>} : memref<80x128xi32, #tpu.memory_space<vmem>>, vector<1x16xi32>,
      %get3A_121 = vector.shape_cast %get3A_120 : vector<1x16xi32> to vector<16xi32>
      %sub3A_122 = arith.constant 5120 : i32
      %sub3A_123 = vector.broadcast %sub3A_122 : i32 to vector<16xi32>
      %sub3A_124 = arith.subi %get3A_121, %sub3A_123 : vector<16xi32>
      %ge3A_125 = arith.constant 0 : i32
      %ge3A_126 = vector.broadcast %ge3A_125 : i32 to vector<16xi32>
      %ge3A_127 = arith.cmpi sge, %sub3A_124, %ge3A_126 : vector<16xi32>
      %lt3A_128 = arith.constant 5120 : i32
      %lt3A_129 = vector.broadcast %lt3A_128 : i32 to vector<16xi32>
      %lt3A_130 = arith.cmpi slt, %sub3A_124, %lt3A_129 : vector<16xi32>
      %and3A_131 = arith.andi %ge3A_127, %lt3A_130 : vector<16xi1>
      %jit3A_132 = arith.constant 5120 : i32
      %broadcast_in_dim3A_133 = vector.broadcast %jit3A_132 : i32 to vector<16xi32>
      %select_n3A_134 = arith.select %and3A_131, %sub3A_124, %broadcast_in_dim3A_133 : vector<16xi1>, vector<16xi32>
      %swap3A_135 = arith.index_cast %scan3A_81 : i32 to index
      %swap3A_136 = arith.constant 32 : index
      %swap3A_137 = tpu.vector_load %arg8[%swap3A_135, %swap3A_136] {strides = array<i32>} : memref<80x128xi32, #tpu.memory_space<vmem>>, vector<1x16xi32>,
      %swap3A_138 = vector.shape_cast %swap3A_137 : vector<1x16xi32> to vector<16xi32>
      %swap3A_139 = vector.shape_cast %select_n3A_134 : vector<16xi32> to vector<1x16xi32>
      tpu.vector_store %arg8[%swap3A_135, %swap3A_136], %swap3A_139 {strides = array<i32>} : memref<80x128xi32, #tpu.memory_space<vmem>>, vector<1x16xi32>,
      %get3A_140 = arith.index_cast %scan3A_81 : i32 to index
      %get3A_141 = arith.constant 48 : index
      %get3A_142 = tpu.vector_load %arg7[%get3A_140, %get3A_141] {strides = array<i32>} : memref<80x128xi32, #tpu.memory_space<vmem>>, vector<1x16xi32>,
      %get3A_143 = vector.shape_cast %get3A_142 : vector<1x16xi32> to vector<16xi32>
      %sub3A_144 = arith.constant 5120 : i32
      %sub3A_145 = vector.broadcast %sub3A_144 : i32 to vector<16xi32>
      %sub3A_146 = arith.subi %get3A_143, %sub3A_145 : vector<16xi32>
      %ge3A_147 = arith.constant 0 : i32
      %ge3A_148 = vector.broadcast %ge3A_147 : i32 to vector<16xi32>
      %ge3A_149 = arith.cmpi sge, %sub3A_146, %ge3A_148 : vector<16xi32>
      %lt3A_150 = arith.constant 5120 : i32
      %lt3A_151 = vector.broadcast %lt3A_150 : i32 to vector<16xi32>
      %lt3A_152 = arith.cmpi slt, %sub3A_146, %lt3A_151 : vector<16xi32>
      %and3A_153 = arith.andi %ge3A_149, %lt3A_152 : vector<16xi1>
      %jit3A_154 = arith.constant 5120 : i32
      %broadcast_in_dim3A_155 = vector.broadcast %jit3A_154 : i32 to vector<16xi32>
      %select_n3A_156 = arith.select %and3A_153, %sub3A_146, %broadcast_in_dim3A_155 : vector<16xi1>, vector<16xi32>
      %swap3A_157 = arith.index_cast %scan3A_81 : i32 to index
      %swap3A_158 = arith.constant 48 : index
      %swap3A_159 = tpu.vector_load %arg8[%swap3A_157, %swap3A_158] {strides = array<i32>} : memref<80x128xi32, #tpu.memory_space<vmem>>, vector<1x16xi32>,
      %swap3A_160 = vector.shape_cast %swap3A_159 : vector<1x16xi32> to vector<16xi32>
      %swap3A_161 = vector.shape_cast %select_n3A_156 : vector<16xi32> to vector<1x16xi32>
      tpu.vector_store %arg8[%swap3A_157, %swap3A_158], %swap3A_161 {strides = array<i32>} : memref<80x128xi32, #tpu.memory_space<vmem>>, vector<1x16xi32>,
      %get3A_162 = arith.index_cast %scan3A_81 : i32 to index
      %get3A_163 = arith.constant 64 : index
      %get3A_164 = tpu.vector_load %arg7[%get3A_162, %get3A_163] {strides = array<i32>} : memref<80x128xi32, #tpu.memory_space<vmem>>, vector<1x16xi32>,
      %get3A_165 = vector.shape_cast %get3A_164 : vector<1x16xi32> to vector<16xi32>
      %sub3A_166 = arith.constant 5120 : i32
      %sub3A_167 = vector.broadcast %sub3A_166 : i32 to vector<16xi32>
      %sub3A_168 = arith.subi %get3A_165, %sub3A_167 : vector<16xi32>
      %ge3A_169 = arith.constant 0 : i32
      %ge3A_170 = vector.broadcast %ge3A_169 : i32 to vector<16xi32>
      %ge3A_171 = arith.cmpi sge, %sub3A_168, %ge3A_170 : vector<16xi32>
      %lt3A_172 = arith.constant 5120 : i32
      %lt3A_173 = vector.broadcast %lt3A_172 : i32 to vector<16xi32>
      %lt3A_174 = arith.cmpi slt, %sub3A_168, %lt3A_173 : vector<16xi32>
      %and3A_175 = arith.andi %ge3A_171, %lt3A_174 : vector<16xi1>
      %jit3A_176 = arith.constant 5120 : i32
      %broadcast_in_dim3A_177 = vector.broadcast %jit3A_176 : i32 to vector<16xi32>
      %select_n3A_178 = arith.select %and3A_175, %sub3A_168, %broadcast_in_dim3A_177 : vector<16xi1>, vector<16xi32>
      %swap3A_179 = arith.index_cast %scan3A_81 : i32 to index
      %swap3A_180 = arith.constant 64 : index
      %swap3A_181 = tpu.vector_load %arg8[%swap3A_179, %swap3A_180] {strides = array<i32>} : memref<80x128xi32, #tpu.memory_space<vmem>>, vector<1x16xi32>,
      %swap3A_182 = vector.shape_cast %swap3A_181 : vector<1x16xi32> to vector<16xi32>
      %swap3A_183 = vector.shape_cast %select_n3A_178 : vector<16xi32> to vector<1x16xi32>
      tpu.vector_store %arg8[%swap3A_179, %swap3A_180], %swap3A_183 {strides = array<i32>} : memref<80x128xi32, #tpu.memory_space<vmem>>, vector<1x16xi32>,
      %get3A_184 = arith.index_cast %scan3A_81 : i32 to index
      %get3A_185 = arith.constant 80 : index
      %get3A_186 = tpu.vector_load %arg7[%get3A_184, %get3A_185] {strides = array<i32>} : memref<80x128xi32, #tpu.memory_space<vmem>>, vector<1x16xi32>,
      %get3A_187 = vector.shape_cast %get3A_186 : vector<1x16xi32> to vector<16xi32>
      %sub3A_188 = arith.constant 5120 : i32
      %sub3A_189 = vector.broadcast %sub3A_188 : i32 to vector<16xi32>
      %sub3A_190 = arith.subi %get3A_187, %sub3A_189 : vector<16xi32>
      %ge3A_191 = arith.constant 0 : i32
      %ge3A_192 = vector.broadcast %ge3A_191 : i32 to vector<16xi32>
      %ge3A_193 = arith.cmpi sge, %sub3A_190, %ge3A_192 : vector<16xi32>
      %lt3A_194 = arith.constant 5120 : i32
      %lt3A_195 = vector.broadcast %lt3A_194 : i32 to vector<16xi32>
      %lt3A_196 = arith.cmpi slt, %sub3A_190, %lt3A_195 : vector<16xi32>
      %and3A_197 = arith.andi %ge3A_193, %lt3A_196 : vector<16xi1>
      %jit3A_198 = arith.constant 5120 : i32
      %broadcast_in_dim3A_199 = vector.broadcast %jit3A_198 : i32 to vector<16xi32>
      %select_n3A_200 = arith.select %and3A_197, %sub3A_190, %broadcast_in_dim3A_199 : vector<16xi1>, vector<16xi32>
      %swap3A_201 = arith.index_cast %scan3A_81 : i32 to index
      %swap3A_202 = arith.constant 80 : index
      %swap3A_203 = tpu.vector_load %arg8[%swap3A_201, %swap3A_202] {strides = array<i32>} : memref<80x128xi32, #tpu.memory_space<vmem>>, vector<1x16xi32>,
      %swap3A_204 = vector.shape_cast %swap3A_203 : vector<1x16xi32> to vector<16xi32>
      %swap3A_205 = vector.shape_cast %select_n3A_200 : vector<16xi32> to vector<1x16xi32>
      tpu.vector_store %arg8[%swap3A_201, %swap3A_202], %swap3A_205 {strides = array<i32>} : memref<80x128xi32, #tpu.memory_space<vmem>>, vector<1x16xi32>,
      %get3A_206 = arith.index_cast %scan3A_81 : i32 to index
      %get3A_207 = arith.constant 96 : index
      %get3A_208 = tpu.vector_load %arg7[%get3A_206, %get3A_207] {strides = array<i32>} : memref<80x128xi32, #tpu.memory_space<vmem>>, vector<1x16xi32>,
      %get3A_209 = vector.shape_cast %get3A_208 : vector<1x16xi32> to vector<16xi32>
      %sub3A_210 = arith.constant 5120 : i32
      %sub3A_211 = vector.broadcast %sub3A_210 : i32 to vector<16xi32>
      %sub3A_212 = arith.subi %get3A_209, %sub3A_211 : vector<16xi32>
      %ge3A_213 = arith.constant 0 : i32
      %ge3A_214 = vector.broadcast %ge3A_213 : i32 to vector<16xi32>
      %ge3A_215 = arith.cmpi sge, %sub3A_212, %ge3A_214 : vector<16xi32>
      %lt3A_216 = arith.constant 5120 : i32
      %lt3A_217 = vector.broadcast %lt3A_216 : i32 to vector<16xi32>
      %lt3A_218 = arith.cmpi slt, %sub3A_212, %lt3A_217 : vector<16xi32>
      %and3A_219 = arith.andi %ge3A_215, %lt3A_218 : vector<16xi1>
      %jit3A_220 = arith.constant 5120 : i32
      %broadcast_in_dim3A_221 = vector.broadcast %jit3A_220 : i32 to vector<16xi32>
      %select_n3A_222 = arith.select %and3A_219, %sub3A_212, %broadcast_in_dim3A_221 : vector<16xi1>, vector<16xi32>
      %swap3A_223 = arith.index_cast %scan3A_81 : i32 to index
      %swap3A_224 = arith.constant 96 : index
      %swap3A_225 = tpu.vector_load %arg8[%swap3A_223, %swap3A_224] {strides = array<i32>} : memref<80x128xi32, #tpu.memory_space<vmem>>, vector<1x16xi32>,
      %swap3A_226 = vector.shape_cast %swap3A_225 : vector<1x16xi32> to vector<16xi32>
      %swap3A_227 = vector.shape_cast %select_n3A_222 : vector<16xi32> to vector<1x16xi32>
      tpu.vector_store %arg8[%swap3A_223, %swap3A_224], %swap3A_227 {strides = array<i32>} : memref<80x128xi32, #tpu.memory_space<vmem>>, vector<1x16xi32>,
      %get3A_228 = arith.index_cast %scan3A_81 : i32 to index
      %get3A_229 = arith.constant 112 : index
      %get3A_230 = tpu.vector_load %arg7[%get3A_228, %get3A_229] {strides = array<i32>} : memref<80x128xi32, #tpu.memory_space<vmem>>, vector<1x16xi32>,
      %get3A_231 = vector.shape_cast %get3A_230 : vector<1x16xi32> to vector<16xi32>
      %sub3A_232 = arith.constant 5120 : i32
      %sub3A_233 = vector.broadcast %sub3A_232 : i32 to vector<16xi32>
      %sub3A_234 = arith.subi %get3A_231, %sub3A_233 : vector<16xi32>
      %ge3A_235 = arith.constant 0 : i32
      %ge3A_236 = vector.broadcast %ge3A_235 : i32 to vector<16xi32>
      %ge3A_237 = arith.cmpi sge, %sub3A_234, %ge3A_236 : vector<16xi32>
      %lt3A_238 = arith.constant 5120 : i32
      %lt3A_239 = vector.broadcast %lt3A_238 : i32 to vector<16xi32>
      %lt3A_240 = arith.cmpi slt, %sub3A_234, %lt3A_239 : vector<16xi32>
      %and3A_241 = arith.andi %ge3A_237, %lt3A_240 : vector<16xi1>
      %jit3A_242 = arith.constant 5120 : i32
      %broadcast_in_dim3A_243 = vector.broadcast %jit3A_242 : i32 to vector<16xi32>
      %select_n3A_244 = arith.select %and3A_241, %sub3A_234, %broadcast_in_dim3A_243 : vector<16xi1>, vector<16xi32>
      %swap3A_245 = arith.index_cast %scan3A_81 : i32 to index
      %swap3A_246 = arith.constant 112 : index
      %swap3A_247 = tpu.vector_load %arg8[%swap3A_245, %swap3A_246] {strides = array<i32>} : memref<80x128xi32, #tpu.memory_space<vmem>>, vector<1x16xi32>,
      %swap3A_248 = vector.shape_cast %swap3A_247 : vector<1x16xi32> to vector<16xi32>
      %swap3A_249 = vector.shape_cast %select_n3A_244 : vector<16xi32> to vector<1x16xi32>
      tpu.vector_store %arg8[%swap3A_245, %swap3A_246], %swap3A_249 {strides = array<i32>} : memref<80x128xi32, #tpu.memory_space<vmem>>, vector<1x16xi32>,
    }
    %scan3A_53 = arith.constant 80 : i32
    "tpu.region"() ({
      %run_scoped3A_81 = tpu.sem_alloc : memref<!tpu.dma_semaphore, #tpu.memory_space<semaphore_mem>>
      %dma_start3A_82 = arith.constant 0 : i32
      %dma_start3A_83 = tpu.memref_slice %arg11[%mul3A_1, %dma_start3A_82] : memref<5248x128xf32, #tpu.memory_space<vmem_shared>> -> memref<128x128xf32, #tpu.memory_space<vmem_shared>>
      %dma_start3A_84 = arith.constant 0 : i32
      %dma_start3A_85 = tpu.memref_slice %arg11[%mul3A_1, %dma_start3A_84] : memref<5248x128xf32, #tpu.memory_space<vmem_shared>> -> memref<128x128xf32, #tpu.memory_space<vmem_shared>>
      tpu.enqueue_dma source(%arg9 : memref<128x128xf32, #tpu.memory_space<vmem>>) target(%dma_start3A_85 : memref<128x128xf32, #tpu.memory_space<vmem_shared>>) target_semaphore(%run_scoped3A_81 : memref<!tpu.dma_semaphore, #tpu.memory_space<semaphore_mem>>)
      %dma_wait3A_86 = arith.constant 0 : i32
      %dma_wait3A_87 = tpu.memref_slice %arg11[%mul3A_1, %dma_wait3A_86] : memref<5248x128xf32, #tpu.memory_space<vmem_shared>> -> memref<128x128xf32, #tpu.memory_space<vmem_shared>>
      %dma_wait3A_88 = arith.constant 0 : i32
      %dma_wait3A_89 = tpu.memref_slice %arg11[%mul3A_1, %dma_wait3A_88] : memref<5248x128xf32, #tpu.memory_space<vmem_shared>> -> memref<128x128xf32, #tpu.memory_space<vmem_shared>>
      tpu.wait_dma2 semaphore(%run_scoped3A_81 : memref<!tpu.dma_semaphore, #tpu.memory_space<semaphore_mem>>) src(%arg9 : memref<128x128xf32, #tpu.memory_space<vmem>>) dst(%dma_wait3A_89 : memref<128x128xf32, #tpu.memory_space<vmem_shared>>)
      tpu.yield
    }) : () -> ()
    %add3A_54 = arith.constant 128 : i32
    %add3A_55 = arith.addi %mul3A_1, %add3A_54 : i32
    "tpu.region"() ({
      %run_scoped3A_81 = tpu.sem_alloc : memref<!tpu.dma_semaphore, #tpu.memory_space<semaphore_mem>>
      %dma_start3A_82 = arith.constant 0 : i32
      %dma_start3A_83 = tpu.memref_slice %arg11[%add3A_55, %dma_start3A_82] : memref<5248x128xf32, #tpu.memory_space<vmem_shared>> -> memref<128x128xf32, #tpu.memory_space<vmem_shared>>
      %dma_start3A_84 = arith.constant 0 : i32
      %dma_start3A_85 = tpu.memref_slice %arg11[%add3A_55, %dma_start3A_84] : memref<5248x128xf32, #tpu.memory_space<vmem_shared>> -> memref<128x128xf32, #tpu.memory_space<vmem_shared>>
      tpu.enqueue_dma source(%arg9 : memref<128x128xf32, #tpu.memory_space<vmem>>) target(%dma_start3A_85 : memref<128x128xf32, #tpu.memory_space<vmem_shared>>) target_semaphore(%run_scoped3A_81 : memref<!tpu.dma_semaphore, #tpu.memory_space<semaphore_mem>>)
      %dma_wait3A_86 = arith.constant 0 : i32
      %dma_wait3A_87 = tpu.memref_slice %arg11[%add3A_55, %dma_wait3A_86] : memref<5248x128xf32, #tpu.memory_space<vmem_shared>> -> memref<128x128xf32, #tpu.memory_space<vmem_shared>>
      %dma_wait3A_88 = arith.constant 0 : i32
      %dma_wait3A_89 = tpu.memref_slice %arg11[%add3A_55, %dma_wait3A_88] : memref<5248x128xf32, #tpu.memory_space<vmem_shared>> -> memref<128x128xf32, #tpu.memory_space<vmem_shared>>
      tpu.wait_dma2 semaphore(%run_scoped3A_81 : memref<!tpu.dma_semaphore, #tpu.memory_space<semaphore_mem>>) src(%arg9 : memref<128x128xf32, #tpu.memory_space<vmem>>) dst(%dma_wait3A_89 : memref<128x128xf32, #tpu.memory_space<vmem_shared>>)
      tpu.yield
    }) : () -> ()
    %add3A_56 = arith.constant 256 : i32
    %add3A_57 = arith.addi %mul3A_1, %add3A_56 : i32
    "tpu.region"() ({
      %run_scoped3A_81 = tpu.sem_alloc : memref<!tpu.dma_semaphore, #tpu.memory_space<semaphore_mem>>
      %dma_start3A_82 = arith.constant 0 : i32
      %dma_start3A_83 = arith.constant 0 : i32
      %dma_start3A_84 = tpu.memref_slice %arg9[%dma_start3A_82, %dma_start3A_83] : memref<128x128xf32, #tpu.memory_space<vmem>> -> memref<72x128xf32, #tpu.memory_space<vmem>>
      %dma_start3A_85 = arith.constant 0 : i32
      %dma_start3A_86 = tpu.memref_slice %arg11[%add3A_57, %dma_start3A_85] : memref<5248x128xf32, #tpu.memory_space<vmem_shared>> -> memref<72x128xf32, #tpu.memory_space<vmem_shared>>
      %dma_start3A_87 = arith.constant 0 : i32
      %dma_start3A_88 = tpu.memref_slice %arg11[%add3A_57, %dma_start3A_87] : memref<5248x128xf32, #tpu.memory_space<vmem_shared>> -> memref<72x128xf32, #tpu.memory_space<vmem_shared>>
      %dma_start3A_89 = arith.constant 0 : i32
      %dma_start3A_90 = arith.constant 0 : i32
      %dma_start3A_91 = tpu.memref_slice %arg9[%dma_start3A_89, %dma_start3A_90] : memref<128x128xf32, #tpu.memory_space<vmem>> -> memref<72x128xf32, #tpu.memory_space<vmem>>
      tpu.enqueue_dma source(%dma_start3A_91 : memref<72x128xf32, #tpu.memory_space<vmem>>) target(%dma_start3A_88 : memref<72x128xf32, #tpu.memory_space<vmem_shared>>) target_semaphore(%run_scoped3A_81 : memref<!tpu.dma_semaphore, #tpu.memory_space<semaphore_mem>>)
      %dma_wait3A_92 = arith.constant 0 : i32
      %dma_wait3A_93 = arith.constant 0 : i32
      %dma_wait3A_94 = tpu.memref_slice %arg9[%dma_wait3A_92, %dma_wait3A_93] : memref<128x128xf32, #tpu.memory_space<vmem>> -> memref<72x128xf32, #tpu.memory_space<vmem>>
      %dma_wait3A_95 = arith.constant 0 : i32
      %dma_wait3A_96 = tpu.memref_slice %arg11[%add3A_57, %dma_wait3A_95] : memref<5248x128xf32, #tpu.memory_space<vmem_shared>> -> memref<72x128xf32, #tpu.memory_space<vmem_shared>>
      %dma_wait3A_97 = arith.constant 0 : i32
      %dma_wait3A_98 = tpu.memref_slice %arg11[%add3A_57, %dma_wait3A_97] : memref<5248x128xf32, #tpu.memory_space<vmem_shared>> -> memref<72x128xf32, #tpu.memory_space<vmem_shared>>
      %dma_wait3A_99 = arith.constant 0 : i32
      %dma_wait3A_100 = arith.constant 0 : i32
      %dma_wait3A_101 = tpu.memref_slice %arg9[%dma_wait3A_99, %dma_wait3A_100] : memref<128x128xf32, #tpu.memory_space<vmem>> -> memref<72x128xf32, #tpu.memory_space<vmem>>
      tpu.wait_dma2 semaphore(%run_scoped3A_81 : memref<!tpu.dma_semaphore, #tpu.memory_space<semaphore_mem>>) src(%dma_wait3A_101 : memref<72x128xf32, #tpu.memory_space<vmem>>) dst(%dma_wait3A_98 : memref<72x128xf32, #tpu.memory_space<vmem_shared>>)
      tpu.yield
    }) : () -> ()
    %barrier3A_58 = arith.constant 0 : index
    tpu.barrier barrier_id(%barrier3A_58)
    %dma_start3A_59 = arith.constant 0 : i32
    %dma_start3A_60 = arith.constant 0 : i32
    %dma_start3A_61 = tpu.memref_slice %arg6[%dma_start3A_59, %dma_start3A_60] : memref<80x128xi32, #tpu.memory_space<vmem>> -> memref<1x128xi32, #tpu.memory_space<vmem>>
    %dma_start3A_62 = tpu.memref_squeeze %dma_start3A_61 : memref<1x128xi32, #tpu.memory_space<vmem>> -> memref<128xi32, #tpu.memory_space<vmem>>
    %dma_start3A_63 = arith.constant 0 : i32
    %dma_start3A_64 = arith.constant 0 : i32
    %dma_start3A_65 = tpu.memref_slice %arg2[%dma_start3A_63, %dma_start3A_64] : memref<20480x128xf32, #tpu.memory_space<hbm>> -> memref<20480x128xf32, #tpu.memory_space<hbm>>
    tpu.enqueue_indirect_dma source(%dma_start3A_65 : memref<20480x128xf32, #tpu.memory_space<hbm>>) target(%arg9 : memref<128x128xf32, #tpu.memory_space<vmem>>) offsets(%dma_start3A_62 : memref<128xi32, #tpu.memory_space<vmem>>) semaphore(%arg12 : memref<!tpu.dma_semaphore, #tpu.memory_space<semaphore_mem>>)
    %scan3A_66 = arith.constant 0 : i32
    %scan3A_67 = arith.constant 0 : i32
    %scan3A_68 = arith.constant 40 : i32
    %scan3A_69 = arith.addi %scan3A_67, %scan3A_68 : i32
    %scan3A_70 = arith.constant 1 : i32
    scf.for %scan3A_81 = %scan3A_67 to %scan3A_69 step %scan3A_70  : i32 {
      %mul3A_82 = arith.constant 2 : i32
      %mul3A_83 = arith.muli %mul3A_82, %scan3A_81 : i32
      %mul3A_84 = arith.constant 2 : i32
      %mul3A_85 = arith.muli %mul3A_84, %scan3A_81 : i32
      %add3A_86 = arith.constant 1 : i32
      %add3A_87 = arith.addi %mul3A_85, %add3A_86 : i32
      %dma_wait3A_88 = arith.constant 0 : i32
      %dma_wait3A_89 = tpu.memref_slice %arg6[%mul3A_83, %dma_wait3A_88] : memref<80x128xi32, #tpu.memory_space<vmem>> -> memref<1x128xi32, #tpu.memory_space<vmem>>
      %dma_wait3A_90 = tpu.memref_squeeze %dma_wait3A_89 : memref<1x128xi32, #tpu.memory_space<vmem>> -> memref<128xi32, #tpu.memory_space<vmem>>
      %dma_wait3A_91 = arith.constant 0 : i32
      %dma_wait3A_92 = arith.constant 0 : i32
      %dma_wait3A_93 = tpu.memref_slice %arg2[%dma_wait3A_91, %dma_wait3A_92] : memref<20480x128xf32, #tpu.memory_space<hbm>> -> memref<20480x128xf32, #tpu.memory_space<hbm>>
      tpu.wait_indirect_dma semaphore(%arg12 : memref<!tpu.dma_semaphore, #tpu.memory_space<semaphore_mem>>) src(%dma_wait3A_93 : memref<20480x128xf32, #tpu.memory_space<hbm>>) dst(%arg9 : memref<128x128xf32, #tpu.memory_space<vmem>>)
      %dma_start3A_94 = arith.constant 0 : i32
      %dma_start3A_95 = tpu.memref_slice %arg6[%add3A_87, %dma_start3A_94] : memref<80x128xi32, #tpu.memory_space<vmem>> -> memref<1x128xi32, #tpu.memory_space<vmem>>
      %dma_start3A_96 = tpu.memref_squeeze %dma_start3A_95 : memref<1x128xi32, #tpu.memory_space<vmem>> -> memref<128xi32, #tpu.memory_space<vmem>>
      %dma_start3A_97 = arith.constant 0 : i32
      %dma_start3A_98 = arith.constant 0 : i32
      %dma_start3A_99 = tpu.memref_slice %arg2[%dma_start3A_97, %dma_start3A_98] : memref<20480x128xf32, #tpu.memory_space<hbm>> -> memref<20480x128xf32, #tpu.memory_space<hbm>>
      tpu.enqueue_indirect_dma source(%dma_start3A_99 : memref<20480x128xf32, #tpu.memory_space<hbm>>) target(%arg10 : memref<128x128xf32, #tpu.memory_space<vmem>>) offsets(%dma_start3A_96 : memref<128xi32, #tpu.memory_space<vmem>>) semaphore(%arg13 : memref<!tpu.dma_semaphore, #tpu.memory_space<semaphore_mem>>)
      "tpu.region"() ({
        %run_scoped3A_115 = tpu.sem_alloc : memref<!tpu.dma_semaphore, #tpu.memory_space<semaphore_mem>>
        %dma_start3A_116 = arith.constant 0 : i32
        %dma_start3A_117 = tpu.memref_slice %arg8[%mul3A_83, %dma_start3A_116] : memref<80x128xi32, #tpu.memory_space<vmem>> -> memref<1x128xi32, #tpu.memory_space<vmem>>
        %dma_start3A_118 = tpu.memref_squeeze %dma_start3A_117 : memref<1x128xi32, #tpu.memory_space<vmem>> -> memref<128xi32, #tpu.memory_space<vmem>>
        %dma_start3A_119 = arith.constant 0 : i32
        %dma_start3A_120 = arith.constant 0 : i32
        %dma_start3A_121 = tpu.memref_slice %arg11[%dma_start3A_119, %dma_start3A_120] : memref<5248x128xf32, #tpu.memory_space<vmem_shared>> -> memref<5248x128xf32, #tpu.memory_space<vmem_shared>>
        tpu.enqueue_indirect_dma source(%arg9 : memref<128x128xf32, #tpu.memory_space<vmem>>) target(%dma_start3A_121 : memref<5248x128xf32, #tpu.memory_space<vmem_shared>>) offsets(%dma_start3A_118 : memref<128xi32, #tpu.memory_space<vmem>>) semaphore(%run_scoped3A_115 : memref<!tpu.dma_semaphore, #tpu.memory_space<semaphore_mem>>) {add = true}
        %dma_wait3A_122 = arith.constant 0 : i32
        %dma_wait3A_123 = tpu.memref_slice %arg8[%mul3A_83, %dma_wait3A_122] : memref<80x128xi32, #tpu.memory_space<vmem>> -> memref<1x128xi32, #tpu.memory_space<vmem>>
        %dma_wait3A_124 = tpu.memref_squeeze %dma_wait3A_123 : memref<1x128xi32, #tpu.memory_space<vmem>> -> memref<128xi32, #tpu.memory_space<vmem>>
        %dma_wait3A_125 = arith.constant 0 : i32
        %dma_wait3A_126 = arith.constant 0 : i32
        %dma_wait3A_127 = tpu.memref_slice %arg11[%dma_wait3A_125, %dma_wait3A_126] : memref<5248x128xf32, #tpu.memory_space<vmem_shared>> -> memref<5248x128xf32, #tpu.memory_space<vmem_shared>>
        tpu.wait_indirect_dma semaphore(%run_scoped3A_115 : memref<!tpu.dma_semaphore, #tpu.memory_space<semaphore_mem>>) src(%arg9 : memref<128x128xf32, #tpu.memory_space<vmem>>) dst(%dma_wait3A_127 : memref<5248x128xf32, #tpu.memory_space<vmem_shared>>)
        tpu.yield
      }) : () -> ()
      %add3A_100 = arith.constant 2 : i32
      %add3A_101 = arith.addi %mul3A_83, %add3A_100 : i32
      %min3A = arith.constant 79 : i32
      %min3A_102 = arith.minsi %add3A_101, %min3A : i32
      %dma_start3A_103 = arith.constant 0 : i32
      %dma_start3A_104 = tpu.memref_slice %arg6[%min3A_102, %dma_start3A_103] : memref<80x128xi32, #tpu.memory_space<vmem>> -> memref<1x128xi32, #tpu.memory_space<vmem>>
      %dma_start3A_105 = tpu.memref_squeeze %dma_start3A_104 : memref<1x128xi32, #tpu.memory_space<vmem>> -> memref<128xi32, #tpu.memory_space<vmem>>
      %dma_start3A_106 = arith.constant 0 : i32
      %dma_start3A_107 = arith.constant 0 : i32
      %dma_start3A_108 = tpu.memref_slice %arg2[%dma_start3A_106, %dma_start3A_107] : memref<20480x128xf32, #tpu.memory_space<hbm>> -> memref<20480x128xf32, #tpu.memory_space<hbm>>
      tpu.enqueue_indirect_dma source(%dma_start3A_108 : memref<20480x128xf32, #tpu.memory_space<hbm>>) target(%arg9 : memref<128x128xf32, #tpu.memory_space<vmem>>) offsets(%dma_start3A_105 : memref<128xi32, #tpu.memory_space<vmem>>) semaphore(%arg12 : memref<!tpu.dma_semaphore, #tpu.memory_space<semaphore_mem>>)
      %dma_wait3A_109 = arith.constant 0 : i32
      %dma_wait3A_110 = tpu.memref_slice %arg6[%add3A_87, %dma_wait3A_109] : memref<80x128xi32, #tpu.memory_space<vmem>> -> memref<1x128xi32, #tpu.memory_space<vmem>>
      %dma_wait3A_111 = tpu.memref_squeeze %dma_wait3A_110 : memref<1x128xi32, #tpu.memory_space<vmem>> -> memref<128xi32, #tpu.memory_space<vmem>>
      %dma_wait3A_112 = arith.constant 0 : i32
      %dma_wait3A_113 = arith.constant 0 : i32
      %dma_wait3A_114 = tpu.memref_slice %arg2[%dma_wait3A_112, %dma_wait3A_113] : memref<20480x128xf32, #tpu.memory_space<hbm>> -> memref<20480x128xf32, #tpu.memory_space<hbm>>
      tpu.wait_indirect_dma semaphore(%arg13 : memref<!tpu.dma_semaphore, #tpu.memory_space<semaphore_mem>>) src(%dma_wait3A_114 : memref<20480x128xf32, #tpu.memory_space<hbm>>) dst(%arg10 : memref<128x128xf32, #tpu.memory_space<vmem>>)
      "tpu.region"() ({
        %run_scoped3A_115 = tpu.sem_alloc : memref<!tpu.dma_semaphore, #tpu.memory_space<semaphore_mem>>
        %dma_start3A_116 = arith.constant 0 : i32
        %dma_start3A_117 = tpu.memref_slice %arg8[%add3A_87, %dma_start3A_116] : memref<80x128xi32, #tpu.memory_space<vmem>> -> memref<1x128xi32, #tpu.memory_space<vmem>>
        %dma_start3A_118 = tpu.memref_squeeze %dma_start3A_117 : memref<1x128xi32, #tpu.memory_space<vmem>> -> memref<128xi32, #tpu.memory_space<vmem>>
        %dma_start3A_119 = arith.constant 0 : i32
        %dma_start3A_120 = arith.constant 0 : i32
        %dma_start3A_121 = tpu.memref_slice %arg11[%dma_start3A_119, %dma_start3A_120] : memref<5248x128xf32, #tpu.memory_space<vmem_shared>> -> memref<5248x128xf32, #tpu.memory_space<vmem_shared>>
        tpu.enqueue_indirect_dma source(%arg10 : memref<128x128xf32, #tpu.memory_space<vmem>>) target(%dma_start3A_121 : memref<5248x128xf32, #tpu.memory_space<vmem_shared>>) offsets(%dma_start3A_118 : memref<128xi32, #tpu.memory_space<vmem>>) semaphore(%run_scoped3A_115 : memref<!tpu.dma_semaphore, #tpu.memory_space<semaphore_mem>>) {add = true}
        %dma_wait3A_122 = arith.constant 0 : i32
        %dma_wait3A_123 = tpu.memref_slice %arg8[%add3A_87, %dma_wait3A_122] : memref<80x128xi32, #tpu.memory_space<vmem>> -> memref<1x128xi32, #tpu.memory_space<vmem>>
        %dma_wait3A_124 = tpu.memref_squeeze %dma_wait3A_123 : memref<1x128xi32, #tpu.memory_space<vmem>> -> memref<128xi32, #tpu.memory_space<vmem>>
        %dma_wait3A_125 = arith.constant 0 : i32
        %dma_wait3A_126 = arith.constant 0 : i32
        %dma_wait3A_127 = tpu.memref_slice %arg11[%dma_wait3A_125, %dma_wait3A_126] : memref<5248x128xf32, #tpu.memory_space<vmem_shared>> -> memref<5248x128xf32, #tpu.memory_space<vmem_shared>>
        tpu.wait_indirect_dma semaphore(%run_scoped3A_115 : memref<!tpu.dma_semaphore, #tpu.memory_space<semaphore_mem>>) src(%arg10 : memref<128x128xf32, #tpu.memory_space<vmem>>) dst(%dma_wait3A_127 : memref<5248x128xf32, #tpu.memory_space<vmem_shared>>)
        tpu.yield
      }) : () -> ()
    }
    %scan3A_71 = arith.constant 40 : i32
    %dma_wait3A_72 = arith.constant 79 : i32
    %dma_wait3A_73 = arith.constant 0 : i32
    %dma_wait3A_74 = tpu.memref_slice %arg6[%dma_wait3A_72, %dma_wait3A_73] : memref<80x128xi32, #tpu.memory_space<vmem>> -> memref<1x128xi32, #tpu.memory_space<vmem>>
    %dma_wait3A_75 = tpu.memref_squeeze %dma_wait3A_74 : memref<1x128xi32, #tpu.memory_space<vmem>> -> memref<128xi32, #tpu.memory_space<vmem>>
    %dma_wait3A_76 = arith.constant 0 : i32
    %dma_wait3A_77 = arith.constant 0 : i32
    %dma_wait3A_78 = tpu.memref_slice %arg2[%dma_wait3A_76, %dma_wait3A_77] : memref<20480x128xf32, #tpu.memory_space<hbm>> -> memref<20480x128xf32, #tpu.memory_space<hbm>>
    tpu.wait_indirect_dma semaphore(%arg12 : memref<!tpu.dma_semaphore, #tpu.memory_space<semaphore_mem>>) src(%dma_wait3A_78 : memref<20480x128xf32, #tpu.memory_space<hbm>>) dst(%arg9 : memref<128x128xf32, #tpu.memory_space<vmem>>)
    %barrier3A_79 = arith.constant 0 : index
    tpu.barrier barrier_id(%barrier3A_79)
    %run_scoped3A_80 = arith.constant 1 : i32
    "tpu.region"() ({
      %run_scoped3A_81 = tpu.sem_alloc : memref<!tpu.dma_semaphore, #tpu.memory_space<semaphore_mem>>
      %dma_start3A_82 = arith.constant 0 : i32
      %dma_start3A_83 = tpu.memref_slice %arg5[%arg0, %run_scoped3A_80, %mul3A_1, %dma_start3A_82] : memref<2x2x5248x128xf32, #tpu.memory_space<hbm>> -> memref<1x1x328x128xf32, #tpu.memory_space<hbm>>
      %dma_start3A_84 = tpu.memref_squeeze %dma_start3A_83 : memref<1x1x328x128xf32, #tpu.memory_space<hbm>> -> memref<328x128xf32, #tpu.memory_space<hbm>>
      %dma_start3A_85 = arith.constant 0 : i32
      %dma_start3A_86 = tpu.memref_slice %arg11[%mul3A_1, %dma_start3A_85] : memref<5248x128xf32, #tpu.memory_space<vmem_shared>> -> memref<328x128xf32, #tpu.memory_space<vmem_shared>>
      tpu.enqueue_dma source(%dma_start3A_86 : memref<328x128xf32, #tpu.memory_space<vmem_shared>>) target(%dma_start3A_84 : memref<328x128xf32, #tpu.memory_space<hbm>>) target_semaphore(%run_scoped3A_81 : memref<!tpu.dma_semaphore, #tpu.memory_space<semaphore_mem>>)
      %dma_wait3A_87 = arith.constant 0 : i32
      %dma_wait3A_88 = tpu.memref_slice %arg5[%arg0, %run_scoped3A_80, %mul3A_1, %dma_wait3A_87] : memref<2x2x5248x128xf32, #tpu.memory_space<hbm>> -> memref<1x1x328x128xf32, #tpu.memory_space<hbm>>
      %dma_wait3A_89 = tpu.memref_squeeze %dma_wait3A_88 : memref<1x1x328x128xf32, #tpu.memory_space<hbm>> -> memref<328x128xf32, #tpu.memory_space<hbm>>
      %dma_wait3A_90 = arith.constant 0 : i32
      %dma_wait3A_91 = tpu.memref_slice %arg11[%mul3A_1, %dma_wait3A_90] : memref<5248x128xf32, #tpu.memory_space<vmem_shared>> -> memref<328x128xf32, #tpu.memory_space<vmem_shared>>
      tpu.wait_dma2 semaphore(%run_scoped3A_81 : memref<!tpu.dma_semaphore, #tpu.memory_space<semaphore_mem>>) src(%dma_wait3A_91 : memref<328x128xf32, #tpu.memory_space<vmem_shared>>) dst(%dma_wait3A_89 : memref<328x128xf32, #tpu.memory_space<hbm>>)
      tpu.yield
    }) : () -> ()
    return
  }
}

module attributes {stable_mosaic.version = 14 : i64} {
  func.func @_enc_body(%arg0: i32, %arg1: memref<256x256xf32, #tpu.memory_space<vmem>>, %arg2: memref<256x256xf32, #tpu.memory_space<vmem>>, %arg3: memref<1x256xf32, #tpu.memory_space<vmem>>, %arg4: memref<256x256xf32, #tpu.memory_space<vmem>>, %arg5: memref<1x256xf32, #tpu.memory_space<vmem>>, %arg6: memref<256x128xf32, #tpu.memory_space<vmem>>, %arg7: memref<256x256xf32, #tpu.memory_space<vmem>>, %arg8: memref<256x256xf32, #tpu.memory_space<vmem>>) attributes {dimension_semantics = [#tpu.dimension_semantics<arbitrary>], iteration_bounds = array<i64: 40>, scalar_prefetch = 0 : i64, scratch_operands = 0 : i64, tpu.core_type = #tpu.core_type<tc>, window_params = [{transform_indices = @transform_0, window_bounds = array<i64: 256, 256>}, {pipeline_mode = #tpu.pipeline_mode<synchronous>, transform_indices = @transform_1, window_bounds = array<i64: 256, 256>}, {pipeline_mode = #tpu.pipeline_mode<synchronous>, transform_indices = @transform_2, window_bounds = array<i64: 1, 256>}, {pipeline_mode = #tpu.pipeline_mode<synchronous>, transform_indices = @transform_3, window_bounds = array<i64: 256, 256>}, {pipeline_mode = #tpu.pipeline_mode<synchronous>, transform_indices = @transform_4, window_bounds = array<i64: 1, 256>}, {transform_indices = @transform_5, window_bounds = array<i64: 256, 128>}, {transform_indices = @transform_6, window_bounds = array<i64: 256, 256>}, {transform_indices = @transform_7, window_bounds = array<i64: 256, 256>}]} {
    %get3A = arith.constant 0 : index
    %get3A_0 = arith.constant 0 : index
    %get3A_1 = vector.load %arg1[%get3A, %get3A_0] : memref<256x256xf32, #tpu.memory_space<vmem>>, vector<256x256xf32>
    %get3A_2 = arith.constant 0 : index
    %get3A_3 = arith.constant 0 : index
    %get3A_4 = vector.load %arg2[%get3A_2, %get3A_3] : memref<256x256xf32, #tpu.memory_space<vmem>>, vector<256x256xf32>
    %dot_general3A = arith.constant dense<0.000000e+00> : vector<256x256xf32>
    %dot_general3A_5 = tpu.matmul %get3A_1, %get3A_4, %dot_general3A {dimension_numbers = #tpu.dot_dimension_numbers<[1], [0], [0], [1], [0, 0, 1, 1], [], []>, transpose_lhs_hint = false} : vector<256x256xf32>, vector<256x256xf32>, vector<256x256xf32> -> vector<256x256xf32>
    %get3A_6 = arith.constant 0 : index
    %get3A_7 = arith.constant 0 : index
    %get3A_8 = vector.load %arg3[%get3A_6, %get3A_7] : memref<1x256xf32, #tpu.memory_space<vmem>>, vector<1x256xf32>
    %add3A = vector.broadcast %get3A_8 : vector<1x256xf32> to vector<256x256xf32>
    %add3A_9 = arith.addf %dot_general3A_5, %add3A : vector<256x256xf32>
    %max3A = arith.constant 0.000000e+00 : f32
    %max3A_10 = vector.broadcast %max3A : f32 to vector<256x256xf32>
    %max3A_11 = arith.maximumf %add3A_9, %max3A_10 : vector<256x256xf32>
    %get3A_12 = arith.constant 0 : index
    %get3A_13 = arith.constant 0 : index
    %get3A_14 = vector.load %arg4[%get3A_12, %get3A_13] : memref<256x256xf32, #tpu.memory_space<vmem>>, vector<256x256xf32>
    %dot_general3A_15 = arith.constant dense<0.000000e+00> : vector<256x256xf32>
    %dot_general3A_16 = tpu.matmul %max3A_11, %get3A_14, %dot_general3A_15 {dimension_numbers = #tpu.dot_dimension_numbers<[1], [0], [0], [1], [0, 0, 1, 1], [], []>, transpose_lhs_hint = false} : vector<256x256xf32>, vector<256x256xf32>, vector<256x256xf32> -> vector<256x256xf32>
    %get3A_17 = arith.constant 0 : index
    %get3A_18 = arith.constant 0 : index
    %get3A_19 = vector.load %arg5[%get3A_17, %get3A_18] : memref<1x256xf32, #tpu.memory_space<vmem>>, vector<1x256xf32>
    %add3A_20 = vector.broadcast %get3A_19 : vector<1x256xf32> to vector<256x256xf32>
    %add3A_21 = arith.addf %dot_general3A_16, %add3A_20 : vector<256x256xf32>
    %get3A_22 = arith.constant 0 : index
    %get3A_23 = arith.constant 0 : index
    %get3A_24 = vector.load %arg6[%get3A_22, %get3A_23] : memref<256x128xf32, #tpu.memory_space<vmem>>, vector<256x128xf32>
    %slice3A = vector.extract_strided_slice %get3A_24 {offsets = [0, 0], sizes = [256, 1], strides = [1, 1]} : vector<256x128xf32> to vector<256x1xf32>
    %max3A_25 = arith.constant 1.000000e+00 : f32
    %max3A_26 = vector.broadcast %max3A_25 : f32 to vector<256x1xf32>
    %max3A_27 = arith.maximumf %slice3A, %max3A_26 : vector<256x1xf32>
    %rsqrt3A = math.rsqrt %max3A_27 : vector<256x1xf32>
    %mul3A = vector.broadcast %rsqrt3A : vector<256x1xf32> to vector<256x256xf32>
    %mul3A_28 = arith.mulf %add3A_21, %mul3A : vector<256x256xf32>
    %swap3A = arith.constant 0 : index
    %swap3A_29 = arith.constant 0 : index
    %swap3A_30 = vector.load %arg7[%swap3A, %swap3A_29] : memref<256x256xf32, #tpu.memory_space<vmem>>, vector<256x256xf32>
    tpu.vector_store %arg7[%swap3A, %swap3A_29], %max3A_11 {strides = array<i32>} : memref<256x256xf32, #tpu.memory_space<vmem>>, vector<256x256xf32>,
    %swap3A_31 = arith.constant 0 : index
    %swap3A_32 = arith.constant 0 : index
    %swap3A_33 = vector.load %arg8[%swap3A_31, %swap3A_32] : memref<256x256xf32, #tpu.memory_space<vmem>>, vector<256x256xf32>
    tpu.vector_store %arg8[%swap3A_31, %swap3A_32], %mul3A_28 {strides = array<i32>} : memref<256x256xf32, #tpu.memory_space<vmem>>, vector<256x256xf32>,
    return
  }
  func.func @transform_0(%arg0: i32) -> (i32, i32) {
    %c0_i32 = arith.constant 0 : i32
    %c0_i32_0 = arith.constant 0 : i32
    return %arg0, %c0_i32 : i32, i32
  }
  func.func @transform_1(%arg0: i32) -> (i32, i32) {
    %c0_i32 = arith.constant 0 : i32
    %c0_i32_0 = arith.constant 0 : i32
    %c0_i32_1 = arith.constant 0 : i32
    return %c0_i32, %c0_i32_0 : i32, i32
  }
  func.func @transform_2(%arg0: i32) -> (i32, i32) {
    %c0_i32 = arith.constant 0 : i32
    %c0_i32_0 = arith.constant 0 : i32
    %c0_i32_1 = arith.constant 0 : i32
    return %c0_i32, %c0_i32_0 : i32, i32
  }
  func.func @transform_3(%arg0: i32) -> (i32, i32) {
    %c0_i32 = arith.constant 0 : i32
    %c0_i32_0 = arith.constant 0 : i32
    %c0_i32_1 = arith.constant 0 : i32
    return %c0_i32, %c0_i32_0 : i32, i32
  }
  func.func @transform_4(%arg0: i32) -> (i32, i32) {
    %c0_i32 = arith.constant 0 : i32
    %c0_i32_0 = arith.constant 0 : i32
    %c0_i32_1 = arith.constant 0 : i32
    return %c0_i32, %c0_i32_0 : i32, i32
  }
  func.func @transform_5(%arg0: i32) -> (i32, i32) {
    %c0_i32 = arith.constant 0 : i32
    %c0_i32_0 = arith.constant 0 : i32
    return %arg0, %c0_i32 : i32, i32
  }
  func.func @transform_6(%arg0: i32) -> (i32, i32) {
    %c0_i32 = arith.constant 0 : i32
    %c0_i32_0 = arith.constant 0 : i32
    return %arg0, %c0_i32 : i32, i32
  }
  func.func @transform_7(%arg0: i32) -> (i32, i32) {
    %c0_i32 = arith.constant 0 : i32
    %c0_i32_0 = arith.constant 0 : i32
    return %arg0, %c0_i32 : i32, i32
  }
}

module attributes {stable_mosaic.version = 14 : i64} {
  func.func @_final_body(%arg0: i32, %arg1: memref<256x256xf32, #tpu.memory_space<vmem>>, %arg2: memref<1x1x256x128xf32, #tpu.memory_space<vmem>>, %arg3: memref<1x1x256x128xf32, #tpu.memory_space<vmem>>, %arg4: memref<256x128xf32, #tpu.memory_space<vmem>>, %arg5: memref<1x256xf32, #tpu.memory_space<vmem>>, %arg6: memref<1x256xf32, #tpu.memory_space<vmem>>, %arg7: memref<1x128xf32, #tpu.memory_space<vmem>>, %arg8: memref<256x128xf32, #tpu.memory_space<vmem>>, %arg9: memref<1x128xf32, #tpu.memory_space<vmem>>, %arg10: memref<256x128xf32, #tpu.memory_space<vmem>>) attributes {dimension_semantics = [#tpu.dimension_semantics<arbitrary>], iteration_bounds = array<i64: 40>, scalar_prefetch = 0 : i64, scratch_operands = 0 : i64, tpu.core_type = #tpu.core_type<tc>, window_params = [{transform_indices = @transform_0, window_bounds = array<i64: 256, 256>}, {transform_indices = @transform_1, window_bounds = array<i64: 1, 1, 256, 128>}, {transform_indices = @transform_2, window_bounds = array<i64: 1, 1, 256, 128>}, {transform_indices = @transform_3, window_bounds = array<i64: 256, 128>}, {pipeline_mode = #tpu.pipeline_mode<synchronous>, transform_indices = @transform_4, window_bounds = array<i64: 1, 256>}, {pipeline_mode = #tpu.pipeline_mode<synchronous>, transform_indices = @transform_5, window_bounds = array<i64: 1, 256>}, {pipeline_mode = #tpu.pipeline_mode<synchronous>, transform_indices = @transform_6, window_bounds = array<i64: 1, 128>}, {pipeline_mode = #tpu.pipeline_mode<synchronous>, transform_indices = @transform_7, window_bounds = array<i64: 256, 128>}, {pipeline_mode = #tpu.pipeline_mode<synchronous>, transform_indices = @transform_8, window_bounds = array<i64: 1, 128>}, {transform_indices = @transform_9, window_bounds = array<i64: 256, 128>}]} {
    %get3A = arith.constant 0 : index
    %get3A_0 = arith.constant 0 : index
    %get3A_1 = arith.constant 0 : index
    %get3A_2 = arith.constant 0 : index
    %get3A_3 = vector.load %arg2[%get3A, %get3A_0, %get3A_1, %get3A_2] : memref<1x1x256x128xf32, #tpu.memory_space<vmem>>, vector<1x1x256x128xf32>
    %reshape3A = vector.shape_cast %get3A_3 : vector<1x1x256x128xf32> to vector<256x128xf32>
    %get3A_4 = arith.constant 0 : index
    %get3A_5 = arith.constant 0 : index
    %get3A_6 = arith.constant 0 : index
    %get3A_7 = arith.constant 0 : index
    %get3A_8 = vector.load %arg3[%get3A_4, %get3A_5, %get3A_6, %get3A_7] : memref<1x1x256x128xf32, #tpu.memory_space<vmem>>, vector<1x1x256x128xf32>
    %reshape3A_9 = vector.shape_cast %get3A_8 : vector<1x1x256x128xf32> to vector<256x128xf32>
    %concatenate3A = tpu.concatenate %reshape3A, %reshape3A_9 in 1 : vector<256x128xf32>, vector<256x128xf32> -> vector<256x256xf32>
    %get3A_10 = arith.constant 0 : index
    %get3A_11 = arith.constant 0 : index
    %get3A_12 = vector.load %arg4[%get3A_10, %get3A_11] : memref<256x128xf32, #tpu.memory_space<vmem>>, vector<256x128xf32>
    %slice3A = vector.extract_strided_slice %get3A_12 {offsets = [0, 0], sizes = [256, 1], strides = [1, 1]} : vector<256x128xf32> to vector<256x1xf32>
    %max3A = arith.constant 1.000000e+00 : f32
    %max3A_13 = vector.broadcast %max3A : f32 to vector<256x1xf32>
    %max3A_14 = arith.maximumf %slice3A, %max3A_13 : vector<256x1xf32>
    %rsqrt3A = math.rsqrt %max3A_14 : vector<256x1xf32>
    %mul3A = vector.broadcast %rsqrt3A : vector<256x1xf32> to vector<256x256xf32>
    %mul3A_15 = arith.mulf %concatenate3A, %mul3A : vector<256x256xf32>
    %get3A_16 = arith.constant 0 : index
    %get3A_17 = arith.constant 0 : index
    %get3A_18 = vector.load %arg1[%get3A_16, %get3A_17] : memref<256x256xf32, #tpu.memory_space<vmem>>, vector<256x256xf32>
    %get3A_19 = arith.constant 0 : index
    %get3A_20 = arith.constant 0 : index
    %get3A_21 = vector.load %arg5[%get3A_19, %get3A_20] : memref<1x256xf32, #tpu.memory_space<vmem>>, vector<1x256xf32>
    %mul3A_22 = vector.broadcast %get3A_21 : vector<1x256xf32> to vector<256x256xf32>
    %mul3A_23 = arith.mulf %get3A_18, %mul3A_22 : vector<256x256xf32>
    %reduce_sum3A = arith.constant dense<0.000000e+00> : vector<256xf32>
    %reduce_sum3A_24 = vector.multi_reduction <add>, %mul3A_23, %reduce_sum3A [1] : vector<256x256xf32> to vector<256xf32>
    %broadcast_in_dim3A = vector.shape_cast %reduce_sum3A_24 : vector<256xf32> to vector<256x1xf32>
    %get3A_25 = arith.constant 0 : index
    %get3A_26 = arith.constant 0 : index
    %get3A_27 = vector.load %arg6[%get3A_25, %get3A_26] : memref<1x256xf32, #tpu.memory_space<vmem>>, vector<1x256xf32>
    %mul3A_28 = vector.broadcast %get3A_27 : vector<1x256xf32> to vector<256x256xf32>
    %mul3A_29 = arith.mulf %mul3A_15, %mul3A_28 : vector<256x256xf32>
    %reduce_sum3A_30 = arith.constant dense<0.000000e+00> : vector<256xf32>
    %reduce_sum3A_31 = vector.multi_reduction <add>, %mul3A_29, %reduce_sum3A_30 [1] : vector<256x256xf32> to vector<256xf32>
    %broadcast_in_dim3A_32 = vector.shape_cast %reduce_sum3A_31 : vector<256xf32> to vector<256x1xf32>
    %add3A = arith.addf %broadcast_in_dim3A, %broadcast_in_dim3A_32 : vector<256x1xf32>
    %get3A_33 = arith.constant 0 : index
    %get3A_34 = arith.constant 0 : index
    %get3A_35 = vector.load %arg7[%get3A_33, %get3A_34] : memref<1x128xf32, #tpu.memory_space<vmem>>, vector<1x1xf32>
    %get3A_36 = vector.extract %get3A_35[0, 0] : f32 from vector<1x1xf32>
    %add3A_37 = vector.broadcast %get3A_36 : f32 to vector<256x1xf32>
    %add3A_38 = arith.addf %add3A, %add3A_37 : vector<256x1xf32>
    %logistic3A = arith.negf %add3A_38 : vector<256x1xf32>
    %logistic3A_39 = math.exp %logistic3A : vector<256x1xf32>
    %logistic3A_40 = arith.constant 1.000000e+00 : f32
    %logistic3A_41 = vector.broadcast %logistic3A_40 : f32 to vector<256x1xf32>
    %logistic3A_42 = arith.addf %logistic3A_41, %logistic3A_39 : vector<256x1xf32>
    %logistic3A_43 = arith.divf %logistic3A_41, %logistic3A_42 : vector<256x1xf32>
    %mul3A_44 = vector.broadcast %logistic3A_43 : vector<256x1xf32> to vector<256x256xf32>
    %mul3A_45 = arith.mulf %mul3A_44, %get3A_18 : vector<256x256xf32>
    %sub3A = arith.constant 1.000000e+00 : f32
    %sub3A_46 = vector.broadcast %sub3A : f32 to vector<256x1xf32>
    %sub3A_47 = arith.subf %sub3A_46, %logistic3A_43 : vector<256x1xf32>
    %mul3A_48 = vector.broadcast %sub3A_47 : vector<256x1xf32> to vector<256x256xf32>
    %mul3A_49 = arith.mulf %mul3A_48, %mul3A_15 : vector<256x256xf32>
    %add3A_50 = arith.addf %mul3A_45, %mul3A_49 : vector<256x256xf32>
    %get3A_51 = arith.constant 0 : index
    %get3A_52 = arith.constant 0 : index
    %get3A_53 = vector.load %arg8[%get3A_51, %get3A_52] : memref<256x128xf32, #tpu.memory_space<vmem>>, vector<256x128xf32>
    %dot_general3A = arith.constant dense<0.000000e+00> : vector<256x128xf32>
    %dot_general3A_54 = tpu.matmul %add3A_50, %get3A_53, %dot_general3A {dimension_numbers = #tpu.dot_dimension_numbers<[1], [0], [0], [1], [0, 0, 1, 1], [], []>, transpose_lhs_hint = false} : vector<256x256xf32>, vector<256x128xf32>, vector<256x128xf32> -> vector<256x128xf32>
    %get3A_55 = arith.constant 0 : index
    %get3A_56 = arith.constant 0 : index
    %get3A_57 = vector.load %arg9[%get3A_55, %get3A_56] : memref<1x128xf32, #tpu.memory_space<vmem>>, vector<1x128xf32>
    %add3A_58 = vector.broadcast %get3A_57 : vector<1x128xf32> to vector<256x128xf32>
    %add3A_59 = arith.addf %dot_general3A_54, %add3A_58 : vector<256x128xf32>
    %swap3A = arith.constant 0 : index
    %swap3A_60 = arith.constant 0 : index
    %swap3A_61 = vector.load %arg10[%swap3A, %swap3A_60] : memref<256x128xf32, #tpu.memory_space<vmem>>, vector<256x128xf32>
    tpu.vector_store %arg10[%swap3A, %swap3A_60], %add3A_59 {strides = array<i32>} : memref<256x128xf32, #tpu.memory_space<vmem>>, vector<256x128xf32>,
    return
  }
  func.func @transform_0(%arg0: i32) -> (i32, i32) {
    %c0_i32 = arith.constant 0 : i32
    %c0_i32_0 = arith.constant 0 : i32
    return %arg0, %c0_i32 : i32, i32
  }
  func.func @transform_1(%arg0: i32) -> (i32, i32, i32, i32) {
    %jit3A = arith.constant 20 : i32
    %div3A = arith.divsi %arg0, %jit3A : i32
    %sign3A = arith.constant 0 : i32
    %sign3A_0 = arith.cmpi sgt, %arg0, %sign3A : i32
    %sign3A_1 = arith.extui %sign3A_0 : i1 to i32
    %sign3A_2 = arith.constant 0 : i32
    %sign3A_3 = arith.cmpi slt, %arg0, %sign3A_2 : i32
    %sign3A_4 = arith.extui %sign3A_3 : i1 to i32
    %sign3A_5 = arith.subi %sign3A_1, %sign3A_4 : i32
    %sign3A_6 = arith.constant 0 : i32
    %sign3A_7 = arith.cmpi sgt, %jit3A, %sign3A_6 : i32
    %sign3A_8 = arith.extui %sign3A_7 : i1 to i32
    %sign3A_9 = arith.constant 0 : i32
    %sign3A_10 = arith.cmpi slt, %jit3A, %sign3A_9 : i32
    %sign3A_11 = arith.extui %sign3A_10 : i1 to i32
    %sign3A_12 = arith.subi %sign3A_8, %sign3A_11 : i32
    %ne3A = arith.cmpi ne, %sign3A_5, %sign3A_12 : i32
    %rem3A = arith.remsi %arg0, %jit3A : i32
    %ne3A_13 = arith.constant 0 : i32
    %ne3A_14 = arith.cmpi ne, %rem3A, %ne3A_13 : i32
    %and3A = arith.andi %ne3A, %ne3A_14 : i1
    %sub3A = arith.constant 1 : i32
    %sub3A_15 = arith.subi %div3A, %sub3A : i32
    %select_n3A = arith.select %and3A, %sub3A_15, %div3A : i32
    %jit3A_16 = arith.constant 20 : i32
    %eq3A = arith.constant 0 : i32
    %eq3A_17 = arith.cmpi eq, %jit3A_16, %eq3A : i32
    %jit3A_18 = arith.constant 1 : i32
    %select_n3A_19 = arith.select %eq3A_17, %jit3A_18, %jit3A_16 : i32
    %rem3A_20 = arith.remsi %arg0, %select_n3A_19 : i32
    %ne3A_21 = arith.constant 0 : i32
    %ne3A_22 = arith.cmpi ne, %rem3A_20, %ne3A_21 : i32
    %lt3A = arith.constant 0 : i32
    %lt3A_23 = arith.cmpi slt, %rem3A_20, %lt3A : i32
    %lt3A_24 = arith.constant 0 : i32
    %lt3A_25 = arith.cmpi slt, %select_n3A_19, %lt3A_24 : i32
    %ne3A_26 = arith.xori %lt3A_23, %lt3A_25 : i1
    %and3A_27 = arith.andi %ne3A_26, %ne3A_22 : i1
    %add3A = arith.addi %rem3A_20, %select_n3A_19 : i32
    %select_n3A_28 = arith.select %and3A_27, %add3A, %rem3A_20 : i32
    %c0_i32 = arith.constant 0 : i32
    %c0_i32_29 = arith.constant 0 : i32
    %c0_i32_30 = arith.constant 0 : i32
    return %c0_i32, %select_n3A, %select_n3A_28, %c0_i32_29 : i32, i32, i32, i32
  }
  func.func @transform_2(%arg0: i32) -> (i32, i32, i32, i32) {
    %jit3A = arith.constant 20 : i32
    %div3A = arith.divsi %arg0, %jit3A : i32
    %sign3A = arith.constant 0 : i32
    %sign3A_0 = arith.cmpi sgt, %arg0, %sign3A : i32
    %sign3A_1 = arith.extui %sign3A_0 : i1 to i32
    %sign3A_2 = arith.constant 0 : i32
    %sign3A_3 = arith.cmpi slt, %arg0, %sign3A_2 : i32
    %sign3A_4 = arith.extui %sign3A_3 : i1 to i32
    %sign3A_5 = arith.subi %sign3A_1, %sign3A_4 : i32
    %sign3A_6 = arith.constant 0 : i32
    %sign3A_7 = arith.cmpi sgt, %jit3A, %sign3A_6 : i32
    %sign3A_8 = arith.extui %sign3A_7 : i1 to i32
    %sign3A_9 = arith.constant 0 : i32
    %sign3A_10 = arith.cmpi slt, %jit3A, %sign3A_9 : i32
    %sign3A_11 = arith.extui %sign3A_10 : i1 to i32
    %sign3A_12 = arith.subi %sign3A_8, %sign3A_11 : i32
    %ne3A = arith.cmpi ne, %sign3A_5, %sign3A_12 : i32
    %rem3A = arith.remsi %arg0, %jit3A : i32
    %ne3A_13 = arith.constant 0 : i32
    %ne3A_14 = arith.cmpi ne, %rem3A, %ne3A_13 : i32
    %and3A = arith.andi %ne3A, %ne3A_14 : i1
    %sub3A = arith.constant 1 : i32
    %sub3A_15 = arith.subi %div3A, %sub3A : i32
    %select_n3A = arith.select %and3A, %sub3A_15, %div3A : i32
    %jit3A_16 = arith.constant 20 : i32
    %eq3A = arith.constant 0 : i32
    %eq3A_17 = arith.cmpi eq, %jit3A_16, %eq3A : i32
    %jit3A_18 = arith.constant 1 : i32
    %select_n3A_19 = arith.select %eq3A_17, %jit3A_18, %jit3A_16 : i32
    %rem3A_20 = arith.remsi %arg0, %select_n3A_19 : i32
    %ne3A_21 = arith.constant 0 : i32
    %ne3A_22 = arith.cmpi ne, %rem3A_20, %ne3A_21 : i32
    %lt3A = arith.constant 0 : i32
    %lt3A_23 = arith.cmpi slt, %rem3A_20, %lt3A : i32
    %lt3A_24 = arith.constant 0 : i32
    %lt3A_25 = arith.cmpi slt, %select_n3A_19, %lt3A_24 : i32
    %ne3A_26 = arith.xori %lt3A_23, %lt3A_25 : i1
    %and3A_27 = arith.andi %ne3A_26, %ne3A_22 : i1
    %add3A = arith.addi %rem3A_20, %select_n3A_19 : i32
    %select_n3A_28 = arith.select %and3A_27, %add3A, %rem3A_20 : i32
    %c1_i32 = arith.constant 1 : i32
    %c0_i32 = arith.constant 0 : i32
    %c0_i32_29 = arith.constant 0 : i32
    return %c1_i32, %select_n3A, %select_n3A_28, %c0_i32 : i32, i32, i32, i32
  }
  func.func @transform_3(%arg0: i32) -> (i32, i32) {
    %c0_i32 = arith.constant 0 : i32
    %c0_i32_0 = arith.constant 0 : i32
    return %arg0, %c0_i32 : i32, i32
  }
  func.func @transform_4(%arg0: i32) -> (i32, i32) {
    %c0_i32 = arith.constant 0 : i32
    %c0_i32_0 = arith.constant 0 : i32
    %c0_i32_1 = arith.constant 0 : i32
    return %c0_i32, %c0_i32_0 : i32, i32
  }
  func.func @transform_5(%arg0: i32) -> (i32, i32) {
    %c0_i32 = arith.constant 0 : i32
    %c0_i32_0 = arith.constant 0 : i32
    %c0_i32_1 = arith.constant 0 : i32
    return %c0_i32, %c0_i32_0 : i32, i32
  }
  func.func @transform_6(%arg0: i32) -> (i32, i32) {
    %c0_i32 = arith.constant 0 : i32
    %c0_i32_0 = arith.constant 0 : i32
    %c0_i32_1 = arith.constant 0 : i32
    return %c0_i32, %c0_i32_0 : i32, i32
  }
  func.func @transform_7(%arg0: i32) -> (i32, i32) {
    %c0_i32 = arith.constant 0 : i32
    %c0_i32_0 = arith.constant 0 : i32
    %c0_i32_1 = arith.constant 0 : i32
    return %c0_i32, %c0_i32_0 : i32, i32
  }
  func.func @transform_8(%arg0: i32) -> (i32, i32) {
    %c0_i32 = arith.constant 0 : i32
    %c0_i32_0 = arith.constant 0 : i32
    %c0_i32_1 = arith.constant 0 : i32
    return %c0_i32, %c0_i32_0 : i32, i32
  }
  func.func @transform_9(%arg0: i32) -> (i32, i32) {
    %c0_i32 = arith.constant 0 : i32
    %c0_i32_0 = arith.constant 0 : i32
    return %arg0, %c0_i32 : i32, i32
  }
}

module attributes {stable_mosaic.version = 14 : i64} {
  func.func @_gate_body(%arg0: i32, %arg1: memref<256x256xf32, #tpu.memory_space<vmem>>, %arg2: memref<1x1x256x128xf32, #tpu.memory_space<vmem>>, %arg3: memref<1x1x256x128xf32, #tpu.memory_space<vmem>>, %arg4: memref<256x128xf32, #tpu.memory_space<vmem>>, %arg5: memref<1x256xf32, #tpu.memory_space<vmem>>, %arg6: memref<1x256xf32, #tpu.memory_space<vmem>>, %arg7: memref<1x128xf32, #tpu.memory_space<vmem>>, %arg8: memref<256x256xf32, #tpu.memory_space<vmem>>, %arg9: memref<1x256xf32, #tpu.memory_space<vmem>>, %arg10: memref<256x128xf32, #tpu.memory_space<vmem>>, %arg11: memref<256x256xf32, #tpu.memory_space<vmem>>, %arg12: memref<256x256xf32, #tpu.memory_space<vmem>>) attributes {dimension_semantics = [#tpu.dimension_semantics<arbitrary>], iteration_bounds = array<i64: 40>, scalar_prefetch = 0 : i64, scratch_operands = 0 : i64, tpu.core_type = #tpu.core_type<tc>, window_params = [{transform_indices = @transform_0, window_bounds = array<i64: 256, 256>}, {transform_indices = @transform_1, window_bounds = array<i64: 1, 1, 256, 128>}, {transform_indices = @transform_2, window_bounds = array<i64: 1, 1, 256, 128>}, {transform_indices = @transform_3, window_bounds = array<i64: 256, 128>}, {pipeline_mode = #tpu.pipeline_mode<synchronous>, transform_indices = @transform_4, window_bounds = array<i64: 1, 256>}, {pipeline_mode = #tpu.pipeline_mode<synchronous>, transform_indices = @transform_5, window_bounds = array<i64: 1, 256>}, {pipeline_mode = #tpu.pipeline_mode<synchronous>, transform_indices = @transform_6, window_bounds = array<i64: 1, 128>}, {pipeline_mode = #tpu.pipeline_mode<synchronous>, transform_indices = @transform_7, window_bounds = array<i64: 256, 256>}, {pipeline_mode = #tpu.pipeline_mode<synchronous>, transform_indices = @transform_8, window_bounds = array<i64: 1, 256>}, {transform_indices = @transform_9, window_bounds = array<i64: 256, 128>}, {transform_indices = @transform_10, window_bounds = array<i64: 256, 256>}, {transform_indices = @transform_11, window_bounds = array<i64: 256, 256>}]} {
    %get3A = arith.constant 0 : index
    %get3A_0 = arith.constant 0 : index
    %get3A_1 = arith.constant 0 : index
    %get3A_2 = arith.constant 0 : index
    %get3A_3 = vector.load %arg2[%get3A, %get3A_0, %get3A_1, %get3A_2] : memref<1x1x256x128xf32, #tpu.memory_space<vmem>>, vector<1x1x256x128xf32>
    %reshape3A = vector.shape_cast %get3A_3 : vector<1x1x256x128xf32> to vector<256x128xf32>
    %get3A_4 = arith.constant 0 : index
    %get3A_5 = arith.constant 0 : index
    %get3A_6 = arith.constant 0 : index
    %get3A_7 = arith.constant 0 : index
    %get3A_8 = vector.load %arg3[%get3A_4, %get3A_5, %get3A_6, %get3A_7] : memref<1x1x256x128xf32, #tpu.memory_space<vmem>>, vector<1x1x256x128xf32>
    %reshape3A_9 = vector.shape_cast %get3A_8 : vector<1x1x256x128xf32> to vector<256x128xf32>
    %concatenate3A = tpu.concatenate %reshape3A, %reshape3A_9 in 1 : vector<256x128xf32>, vector<256x128xf32> -> vector<256x256xf32>
    %get3A_10 = arith.constant 0 : index
    %get3A_11 = arith.constant 0 : index
    %get3A_12 = vector.load %arg4[%get3A_10, %get3A_11] : memref<256x128xf32, #tpu.memory_space<vmem>>, vector<256x128xf32>
    %slice3A = vector.extract_strided_slice %get3A_12 {offsets = [0, 0], sizes = [256, 1], strides = [1, 1]} : vector<256x128xf32> to vector<256x1xf32>
    %max3A = arith.constant 1.000000e+00 : f32
    %max3A_13 = vector.broadcast %max3A : f32 to vector<256x1xf32>
    %max3A_14 = arith.maximumf %slice3A, %max3A_13 : vector<256x1xf32>
    %rsqrt3A = math.rsqrt %max3A_14 : vector<256x1xf32>
    %mul3A = vector.broadcast %rsqrt3A : vector<256x1xf32> to vector<256x256xf32>
    %mul3A_15 = arith.mulf %concatenate3A, %mul3A : vector<256x256xf32>
    %get3A_16 = arith.constant 0 : index
    %get3A_17 = arith.constant 0 : index
    %get3A_18 = vector.load %arg1[%get3A_16, %get3A_17] : memref<256x256xf32, #tpu.memory_space<vmem>>, vector<256x256xf32>
    %get3A_19 = arith.constant 0 : index
    %get3A_20 = arith.constant 0 : index
    %get3A_21 = vector.load %arg5[%get3A_19, %get3A_20] : memref<1x256xf32, #tpu.memory_space<vmem>>, vector<1x256xf32>
    %mul3A_22 = vector.broadcast %get3A_21 : vector<1x256xf32> to vector<256x256xf32>
    %mul3A_23 = arith.mulf %get3A_18, %mul3A_22 : vector<256x256xf32>
    %reduce_sum3A = arith.constant dense<0.000000e+00> : vector<256xf32>
    %reduce_sum3A_24 = vector.multi_reduction <add>, %mul3A_23, %reduce_sum3A [1] : vector<256x256xf32> to vector<256xf32>
    %broadcast_in_dim3A = vector.shape_cast %reduce_sum3A_24 : vector<256xf32> to vector<256x1xf32>
    %get3A_25 = arith.constant 0 : index
    %get3A_26 = arith.constant 0 : index
    %get3A_27 = vector.load %arg6[%get3A_25, %get3A_26] : memref<1x256xf32, #tpu.memory_space<vmem>>, vector<1x256xf32>
    %mul3A_28 = vector.broadcast %get3A_27 : vector<1x256xf32> to vector<256x256xf32>
    %mul3A_29 = arith.mulf %mul3A_15, %mul3A_28 : vector<256x256xf32>
    %reduce_sum3A_30 = arith.constant dense<0.000000e+00> : vector<256xf32>
    %reduce_sum3A_31 = vector.multi_reduction <add>, %mul3A_29, %reduce_sum3A_30 [1] : vector<256x256xf32> to vector<256xf32>
    %broadcast_in_dim3A_32 = vector.shape_cast %reduce_sum3A_31 : vector<256xf32> to vector<256x1xf32>
    %add3A = arith.addf %broadcast_in_dim3A, %broadcast_in_dim3A_32 : vector<256x1xf32>
    %get3A_33 = arith.constant 0 : index
    %get3A_34 = arith.constant 0 : index
    %get3A_35 = vector.load %arg7[%get3A_33, %get3A_34] : memref<1x128xf32, #tpu.memory_space<vmem>>, vector<1x1xf32>
    %get3A_36 = vector.extract %get3A_35[0, 0] : f32 from vector<1x1xf32>
    %add3A_37 = vector.broadcast %get3A_36 : f32 to vector<256x1xf32>
    %add3A_38 = arith.addf %add3A, %add3A_37 : vector<256x1xf32>
    %logistic3A = arith.negf %add3A_38 : vector<256x1xf32>
    %logistic3A_39 = math.exp %logistic3A : vector<256x1xf32>
    %logistic3A_40 = arith.constant 1.000000e+00 : f32
    %logistic3A_41 = vector.broadcast %logistic3A_40 : f32 to vector<256x1xf32>
    %logistic3A_42 = arith.addf %logistic3A_41, %logistic3A_39 : vector<256x1xf32>
    %logistic3A_43 = arith.divf %logistic3A_41, %logistic3A_42 : vector<256x1xf32>
    %mul3A_44 = vector.broadcast %logistic3A_43 : vector<256x1xf32> to vector<256x256xf32>
    %mul3A_45 = arith.mulf %mul3A_44, %get3A_18 : vector<256x256xf32>
    %sub3A = arith.constant 1.000000e+00 : f32
    %sub3A_46 = vector.broadcast %sub3A : f32 to vector<256x1xf32>
    %sub3A_47 = arith.subf %sub3A_46, %logistic3A_43 : vector<256x1xf32>
    %mul3A_48 = vector.broadcast %sub3A_47 : vector<256x1xf32> to vector<256x256xf32>
    %mul3A_49 = arith.mulf %mul3A_48, %mul3A_15 : vector<256x256xf32>
    %add3A_50 = arith.addf %mul3A_45, %mul3A_49 : vector<256x256xf32>
    %get3A_51 = arith.constant 0 : index
    %get3A_52 = arith.constant 0 : index
    %get3A_53 = vector.load %arg8[%get3A_51, %get3A_52] : memref<256x256xf32, #tpu.memory_space<vmem>>, vector<256x256xf32>
    %dot_general3A = arith.constant dense<0.000000e+00> : vector<256x256xf32>
    %dot_general3A_54 = tpu.matmul %mul3A_15, %get3A_53, %dot_general3A {dimension_numbers = #tpu.dot_dimension_numbers<[1], [0], [0], [1], [0, 0, 1, 1], [], []>, transpose_lhs_hint = false} : vector<256x256xf32>, vector<256x256xf32>, vector<256x256xf32> -> vector<256x256xf32>
    %get3A_55 = arith.constant 0 : index
    %get3A_56 = arith.constant 0 : index
    %get3A_57 = vector.load %arg9[%get3A_55, %get3A_56] : memref<1x256xf32, #tpu.memory_space<vmem>>, vector<1x256xf32>
    %add3A_58 = vector.broadcast %get3A_57 : vector<1x256xf32> to vector<256x256xf32>
    %add3A_59 = arith.addf %dot_general3A_54, %add3A_58 : vector<256x256xf32>
    %get3A_60 = arith.constant 0 : index
    %get3A_61 = arith.constant 0 : index
    %get3A_62 = vector.load %arg10[%get3A_60, %get3A_61] : memref<256x128xf32, #tpu.memory_space<vmem>>, vector<256x128xf32>
    %slice3A_63 = vector.extract_strided_slice %get3A_62 {offsets = [0, 0], sizes = [256, 1], strides = [1, 1]} : vector<256x128xf32> to vector<256x1xf32>
    %max3A_64 = arith.constant 1.000000e+00 : f32
    %max3A_65 = vector.broadcast %max3A_64 : f32 to vector<256x1xf32>
    %max3A_66 = arith.maximumf %slice3A_63, %max3A_65 : vector<256x1xf32>
    %rsqrt3A_67 = math.rsqrt %max3A_66 : vector<256x1xf32>
    %mul3A_68 = vector.broadcast %rsqrt3A_67 : vector<256x1xf32> to vector<256x256xf32>
    %mul3A_69 = arith.mulf %add3A_59, %mul3A_68 : vector<256x256xf32>
    %swap3A = arith.constant 0 : index
    %swap3A_70 = arith.constant 0 : index
    %swap3A_71 = vector.load %arg11[%swap3A, %swap3A_70] : memref<256x256xf32, #tpu.memory_space<vmem>>, vector<256x256xf32>
    tpu.vector_store %arg11[%swap3A, %swap3A_70], %add3A_50 {strides = array<i32>} : memref<256x256xf32, #tpu.memory_space<vmem>>, vector<256x256xf32>,
    %swap3A_72 = arith.constant 0 : index
    %swap3A_73 = arith.constant 0 : index
    %swap3A_74 = vector.load %arg12[%swap3A_72, %swap3A_73] : memref<256x256xf32, #tpu.memory_space<vmem>>, vector<256x256xf32>
    tpu.vector_store %arg12[%swap3A_72, %swap3A_73], %mul3A_69 {strides = array<i32>} : memref<256x256xf32, #tpu.memory_space<vmem>>, vector<256x256xf32>,
    return
  }
  func.func @transform_0(%arg0: i32) -> (i32, i32) {
    %c0_i32 = arith.constant 0 : i32
    %c0_i32_0 = arith.constant 0 : i32
    return %arg0, %c0_i32 : i32, i32
  }
  func.func @transform_1(%arg0: i32) -> (i32, i32, i32, i32) {
    %jit3A = arith.constant 20 : i32
    %div3A = arith.divsi %arg0, %jit3A : i32
    %sign3A = arith.constant 0 : i32
    %sign3A_0 = arith.cmpi sgt, %arg0, %sign3A : i32
    %sign3A_1 = arith.extui %sign3A_0 : i1 to i32
    %sign3A_2 = arith.constant 0 : i32
    %sign3A_3 = arith.cmpi slt, %arg0, %sign3A_2 : i32
    %sign3A_4 = arith.extui %sign3A_3 : i1 to i32
    %sign3A_5 = arith.subi %sign3A_1, %sign3A_4 : i32
    %sign3A_6 = arith.constant 0 : i32
    %sign3A_7 = arith.cmpi sgt, %jit3A, %sign3A_6 : i32
    %sign3A_8 = arith.extui %sign3A_7 : i1 to i32
    %sign3A_9 = arith.constant 0 : i32
    %sign3A_10 = arith.cmpi slt, %jit3A, %sign3A_9 : i32
    %sign3A_11 = arith.extui %sign3A_10 : i1 to i32
    %sign3A_12 = arith.subi %sign3A_8, %sign3A_11 : i32
    %ne3A = arith.cmpi ne, %sign3A_5, %sign3A_12 : i32
    %rem3A = arith.remsi %arg0, %jit3A : i32
    %ne3A_13 = arith.constant 0 : i32
    %ne3A_14 = arith.cmpi ne, %rem3A, %ne3A_13 : i32
    %and3A = arith.andi %ne3A, %ne3A_14 : i1
    %sub3A = arith.constant 1 : i32
    %sub3A_15 = arith.subi %div3A, %sub3A : i32
    %select_n3A = arith.select %and3A, %sub3A_15, %div3A : i32
    %jit3A_16 = arith.constant 20 : i32
    %eq3A = arith.constant 0 : i32
    %eq3A_17 = arith.cmpi eq, %jit3A_16, %eq3A : i32
    %jit3A_18 = arith.constant 1 : i32
    %select_n3A_19 = arith.select %eq3A_17, %jit3A_18, %jit3A_16 : i32
    %rem3A_20 = arith.remsi %arg0, %select_n3A_19 : i32
    %ne3A_21 = arith.constant 0 : i32
    %ne3A_22 = arith.cmpi ne, %rem3A_20, %ne3A_21 : i32
    %lt3A = arith.constant 0 : i32
    %lt3A_23 = arith.cmpi slt, %rem3A_20, %lt3A : i32
    %lt3A_24 = arith.constant 0 : i32
    %lt3A_25 = arith.cmpi slt, %select_n3A_19, %lt3A_24 : i32
    %ne3A_26 = arith.xori %lt3A_23, %lt3A_25 : i1
    %and3A_27 = arith.andi %ne3A_26, %ne3A_22 : i1
    %add3A = arith.addi %rem3A_20, %select_n3A_19 : i32
    %select_n3A_28 = arith.select %and3A_27, %add3A, %rem3A_20 : i32
    %c0_i32 = arith.constant 0 : i32
    %c0_i32_29 = arith.constant 0 : i32
    %c0_i32_30 = arith.constant 0 : i32
    return %c0_i32, %select_n3A, %select_n3A_28, %c0_i32_29 : i32, i32, i32, i32
  }
  func.func @transform_2(%arg0: i32) -> (i32, i32, i32, i32) {
    %jit3A = arith.constant 20 : i32
    %div3A = arith.divsi %arg0, %jit3A : i32
    %sign3A = arith.constant 0 : i32
    %sign3A_0 = arith.cmpi sgt, %arg0, %sign3A : i32
    %sign3A_1 = arith.extui %sign3A_0 : i1 to i32
    %sign3A_2 = arith.constant 0 : i32
    %sign3A_3 = arith.cmpi slt, %arg0, %sign3A_2 : i32
    %sign3A_4 = arith.extui %sign3A_3 : i1 to i32
    %sign3A_5 = arith.subi %sign3A_1, %sign3A_4 : i32
    %sign3A_6 = arith.constant 0 : i32
    %sign3A_7 = arith.cmpi sgt, %jit3A, %sign3A_6 : i32
    %sign3A_8 = arith.extui %sign3A_7 : i1 to i32
    %sign3A_9 = arith.constant 0 : i32
    %sign3A_10 = arith.cmpi slt, %jit3A, %sign3A_9 : i32
    %sign3A_11 = arith.extui %sign3A_10 : i1 to i32
    %sign3A_12 = arith.subi %sign3A_8, %sign3A_11 : i32
    %ne3A = arith.cmpi ne, %sign3A_5, %sign3A_12 : i32
    %rem3A = arith.remsi %arg0, %jit3A : i32
    %ne3A_13 = arith.constant 0 : i32
    %ne3A_14 = arith.cmpi ne, %rem3A, %ne3A_13 : i32
    %and3A = arith.andi %ne3A, %ne3A_14 : i1
    %sub3A = arith.constant 1 : i32
    %sub3A_15 = arith.subi %div3A, %sub3A : i32
    %select_n3A = arith.select %and3A, %sub3A_15, %div3A : i32
    %jit3A_16 = arith.constant 20 : i32
    %eq3A = arith.constant 0 : i32
    %eq3A_17 = arith.cmpi eq, %jit3A_16, %eq3A : i32
    %jit3A_18 = arith.constant 1 : i32
    %select_n3A_19 = arith.select %eq3A_17, %jit3A_18, %jit3A_16 : i32
    %rem3A_20 = arith.remsi %arg0, %select_n3A_19 : i32
    %ne3A_21 = arith.constant 0 : i32
    %ne3A_22 = arith.cmpi ne, %rem3A_20, %ne3A_21 : i32
    %lt3A = arith.constant 0 : i32
    %lt3A_23 = arith.cmpi slt, %rem3A_20, %lt3A : i32
    %lt3A_24 = arith.constant 0 : i32
    %lt3A_25 = arith.cmpi slt, %select_n3A_19, %lt3A_24 : i32
    %ne3A_26 = arith.xori %lt3A_23, %lt3A_25 : i1
    %and3A_27 = arith.andi %ne3A_26, %ne3A_22 : i1
    %add3A = arith.addi %rem3A_20, %select_n3A_19 : i32
    %select_n3A_28 = arith.select %and3A_27, %add3A, %rem3A_20 : i32
    %c1_i32 = arith.constant 1 : i32
    %c0_i32 = arith.constant 0 : i32
    %c0_i32_29 = arith.constant 0 : i32
    return %c1_i32, %select_n3A, %select_n3A_28, %c0_i32 : i32, i32, i32, i32
  }
  func.func @transform_3(%arg0: i32) -> (i32, i32) {
    %c0_i32 = arith.constant 0 : i32
    %c0_i32_0 = arith.constant 0 : i32
    return %arg0, %c0_i32 : i32, i32
  }
  func.func @transform_4(%arg0: i32) -> (i32, i32) {
    %c0_i32 = arith.constant 0 : i32
    %c0_i32_0 = arith.constant 0 : i32
    %c0_i32_1 = arith.constant 0 : i32
    return %c0_i32, %c0_i32_0 : i32, i32
  }
  func.func @transform_5(%arg0: i32) -> (i32, i32) {
    %c0_i32 = arith.constant 0 : i32
    %c0_i32_0 = arith.constant 0 : i32
    %c0_i32_1 = arith.constant 0 : i32
    return %c0_i32, %c0_i32_0 : i32, i32
  }
  func.func @transform_6(%arg0: i32) -> (i32, i32) {
    %c0_i32 = arith.constant 0 : i32
    %c0_i32_0 = arith.constant 0 : i32
    %c0_i32_1 = arith.constant 0 : i32
    return %c0_i32, %c0_i32_0 : i32, i32
  }
  func.func @transform_7(%arg0: i32) -> (i32, i32) {
    %c0_i32 = arith.constant 0 : i32
    %c0_i32_0 = arith.constant 0 : i32
    %c0_i32_1 = arith.constant 0 : i32
    return %c0_i32, %c0_i32_0 : i32, i32
  }
  func.func @transform_8(%arg0: i32) -> (i32, i32) {
    %c0_i32 = arith.constant 0 : i32
    %c0_i32_0 = arith.constant 0 : i32
    %c0_i32_1 = arith.constant 0 : i32
    return %c0_i32, %c0_i32_0 : i32, i32
  }
  func.func @transform_9(%arg0: i32) -> (i32, i32) {
    %c0_i32 = arith.constant 0 : i32
    %c0_i32_0 = arith.constant 0 : i32
    return %arg0, %c0_i32 : i32, i32
  }
  func.func @transform_10(%arg0: i32) -> (i32, i32) {
    %c0_i32 = arith.constant 0 : i32
    %c0_i32_0 = arith.constant 0 : i32
    return %arg0, %c0_i32 : i32, i32
  }
  func.func @transform_11(%arg0: i32) -> (i32, i32) {
    %c0_i32 = arith.constant 0 : i32
    %c0_i32_0 = arith.constant 0 : i32
    return %arg0, %c0_i32 : i32, i32
  }
}

</mosaic_0001>

<sc_bundles>
// kernel: kernel.11.cloned.1.call-start
scs
__scs_entry_jumppad:
0x0: {  	(pc) =	sbr.rel $0x88, $3  }
0x1: {  	(tag) =	ssettag $0x0;
	lr =	simm.s32 $0x1  }
0x2: {  	[smem:$0x3F95] =	sst lr;
	_ =	strace $0xD0000000  }
0x3: {  	_ = 	snop  }
0x4: {  	_ = 	snop  }
0x5: {  	_ = 	snop  }
0x6: {  	_ = 	snop  }
0x7: {  	_ = 	snop  }
__scs_overlays_trampoline_lowered:
0x8: {  	[smem:$0x3FA4] =	sst s0  }
0x9: {  	[smem:$0x3FA5] =	sst s1  }
0xa: {  	[smem:$0x3FA6] =	sst s2  }
0xb: {  	[smem:$0x3FA7] =	sst s3  }
0xc: {  	[smem:$0x3FA8] =	sst s4  }
0xd: {  	[smem:$0x3FA9] =	sst s5  }
0xe: {  	[smem:$0x3FAA] =	sst s6  }
0xf: {  	[smem:$0x3FAB] =	sst s7  }
0x10: {  	[smem:$0x3FAC] =	sst s8  }
0x11: {  	[smem:$0x3FAD] =	sst s9;
	s0 =	simm.s32 @!p0 $0x0  }
0x12: {  	s1 =	sld [smem:$0x3F93];
	s0 =	simm.s32 @p0 $0x1  }
0x13: {  	[smem:$0x3FAE] =	sst s0;
	s0 =	simm.s32 @!p1 $0x0  }
0x14: {  	s2 =	sld [smem:$0x3F92];
	s0 =	simm.s32 @p1 $0x1  }
0x15: {  	[smem:$0x3FAF] =	sst s0;
	s0 =	simm.s32 @!p2 $0x0  }
0x16: {  	s3 =	sld [smem:$0x3FDB];
	s0 =	simm.s32 @p2 $0x1  }
0x17: {  	s4 =	simm.s32 $0x1BF5;
	[smem:$0x3FB1] =	sst s0  }
0x18: {  	s0 =	sld [smem:$0x3F94];
	_ =	swait.ge [sflag:s4], $0x0  }
0x19: {  	s7 =	sld [smem:$0x3F95]  }
0x1a: {  	s8 =	sadd.s32 $0xFFFFE003, lr  }
0x1b: {  	s9 =	sadd.s32 $0xFFFFFEF7, lr;
	s5 =	simm.s32 $0xFFFFFFFF;
	p2 =	slt.u32 s8, $0xFFFFF086  }
0x1c: {  	p1 =	slt.u32 s9, $0xF7A;
	s5 =	simm.s32 @!p2 $0x0  }
0x1d: {  	s5 =	simm.s32 @p1 $0x1;
	p0 =	seq.s32 s7, s2  }
0x1e: {  	s7 =	smul.u32 @!p0 $0xF7A, s2;
	p2 =	seq.s32 @!p0 s5, $0x0  }
0x1f: {  	s9 =	smul.u32 $0xF7A, s1;
	s8 =	simm.s32 @!p0 $0x1BF5;
	p2 =	por !p2, p0  }
0x20: {  	[sflag:s8] =	ssyncset.s32 @!p0 $0xFFFFF086;
	s6 =	sadd.s32 @!p0 s3, s7;
	s7 =	simm.s32 @!p0 $0x108  }
0x21: {  	s3 =	sadd.s32 s3, s9;
	s6 =	sadd.s32 @!p0 $0x88, s6;
	s7 =	simm.s32 @p2 $0x1082  }
0x22: {  	[simem:s7], [sflag:s8] =	dma.local @!p0 [hbm:s6], $0xF7A  }
0x23: {  	s9 =	sor.u32 $0xD0000000, s2;
	s6 =	simm.s32 $0x108;
	_ =	swait.ge @!p0 [sflag:s8], $0x0  }
0x24: {  	s3 =	sadd.s32 $0x88, s3;
	s6 =	simm.s32 @!p1 $0x1082;
	[sflag:s4] =	ssyncset.s32 $0xFFFFF086  }
0x25: {  	[simem:s6], [sflag:s4] =	dma.local [hbm:s3], $0xF7A  }
0x26: {  	[smem:$0x3F95] =	sst s1;
	(tag) =	ssettag s2;
	_ =	strace s9  }
0x27: {  	s1 =	sld [smem:$0x3FA5]  }
0x28: {  	s2 =	sld [smem:$0x3FA6]  }
0x29: {  	s4 =	sld [smem:$0x3FA8]  }
0x2a: {  	p0 =	seq.s32 s5, $0x0;
	s5 =	sld [smem:$0x3FA9]  }
0x2b: {  	s6 =	sld [smem:$0x3FAA]  }
0x2c: {  	s7 =	sld [smem:$0x3FAB]  }
0x2d: {  	s3 =	simm.s32 $0x108;
	s8 =	sld [smem:$0x3FAC]  }
0x2e: {  	s3 =	simm.s32 @!p0 $0x1082;
	s9 =	sld [smem:$0x3FAD]  }
0x2f: {  	lr =	sadd.s32 s0, s3;
	s0 =	sld [smem:$0x3FA4]  }
0x30: {  	s3 =	sld [smem:$0x3FA7]  }
0x31: {  	[smem:$0x3FB0] =	sst s10  }
0x32: {  	s10 =	sld [smem:$0x3FAE];
	_ =	sdelay $0x3  }
0x33: {  	p0 =	seq.s32 s10, $0x1;
	s10 =	sld [smem:$0x3FB0];
	_ =	sdelay $0x3  }
0x34: {  	[smem:$0x3FB0] =	sst s10  }
0x35: {  	s10 =	sld [smem:$0x3FAF];
	_ =	sdelay $0x3  }
0x36: {  	p1 =	seq.s32 s10, $0x1;
	s10 =	sld [smem:$0x3FB0];
	_ =	sdelay $0x3  }
0x37: {  	[smem:$0x3FB0] =	sst s10  }
0x38: {  	s10 =	sld [smem:$0x3FB1]  }
0x39: {  	_ = 	snop;
	(pc) =	sbr.ind lr, $3  }
0x3a: {  	_ = 	snop  }
0x3b: {  	_ = 	snop  }
0x3c: {  	p2 =	seq.s32 s10, $0x1;
	s10 =	sld [smem:$0x3FB0]  }
0x3d: {  	_ =	shalt  }
0x3e: {  	_ =	shalt  }
0x3f: {  	_ =	shalt  }
0x40: {  	_ =	shalt  }
0x41: {  	_ =	shalt  }
0x42: {  	_ =	shalt  }
0x43: {  	_ =	shalt  }
0x44: {  	_ =	shalt  }
0x45: {  	_ =	shalt  }
0x46: {  	_ =	shalt  }
0x47: {  	_ =	shalt  }
0x48: {  	_ =	shalt  }
0x49: {  	_ =	shalt  }
0x4a: {  	_ =	shalt  }
0x4b: {  	_ =	shalt  }
0x4c: {  	_ =	shalt  }
0x4d: {  	_ =	shalt  }
0x4e: {  	_ =	shalt  }
0x4f: {  	_ =	shalt  }
0x50: {  	_ =	shalt  }
0x51: {  	_ =	shalt  }
0x52: {  	_ =	shalt  }
0x53: {  	_ =	shalt  }
0x54: {  	_ =	shalt  }
0x55: {  	_ =	shalt  }
0x56: {  	_ =	shalt  }
0x57: {  	_ =	shalt  }
0x58: {  	_ =	shalt  }
0x59: {  	_ =	shalt  }
0x5a: {  	_ =	shalt  }
0x5b: {  	_ =	shalt  }
0x5c: {  	_ =	shalt  }
0x5d: {  	_ =	shalt  }
0x5e: {  	_ =	shalt  }
0x5f: {  	_ =	shalt  }
0x60: {  	_ =	shalt  }
0x61: {  	_ =	shalt  }
0x62: {  	_ =	shalt  }
0x63: {  	_ =	shalt  }
0x64: {  	_ =	shalt  }
0x65: {  	_ =	shalt  }
0x66: {  	_ =	shalt  }
0x67: {  	_ =	shalt  }
0x68: {  	_ =	shalt  }
0x69: {  	_ =	shalt  }
0x6a: {  	_ =	shalt  }
0x6b: {  	_ =	shalt  }
0x6c: {  	_ =	shalt  }
0x6d: {  	_ =	shalt  }
0x6e: {  	_ =	shalt  }
0x6f: {  	_ =	shalt  }
0x70: {  	_ =	shalt  }
0x71: {  	_ =	shalt  }
0x72: {  	_ =	shalt  }
0x73: {  	_ =	shalt  }
0x74: {  	_ =	shalt  }
0x75: {  	_ =	shalt  }
0x76: {  	_ =	shalt  }
0x77: {  	_ =	shalt  }
0x78: {  	_ =	shalt  }
0x79: {  	_ =	shalt  }
0x7a: {  	_ =	shalt  }
0x7b: {  	_ =	shalt  }
0x7c: {  	_ =	shalt  }
0x7d: {  	_ =	shalt  }
0x7e: {  	_ =	shalt  }
0x7f: {  	_ =	shalt  }
0x80: {  	_ =	shalt  }
0x81: {  	_ =	shalt  }
0x82: {  	_ =	shalt  }
0x83: {  	_ =	shalt  }
0x84: {  	_ =	shalt  }
0x85: {  	_ =	shalt  }
0x86: {  	_ =	shalt  }
0x87: {  	_ =	shalt  }
.Lfunc_end0:
.L_simem_size_0:
called_computation.1_lowered:
.L_overlay_start_0:
0x88: {  	s2 =	sld [smem:$0x3FD9]  }
0x89: {  	s3 =	sld [smem:$0x3FFE];
	_ =	sdelay $0x1  }
0x8a: {  	s1 =	srdreg.scid  }
0x8b: {  	s0 =	sand.u32 $0x1, s1  }
0x8c: {  	s17 =	sshll.u32 s0, $0xA;
	s2 =	sadd.s32 s3, s2  }
0x8d: {  	s2 =	sadd.s32 s2, s17  }
0x8e: {  	[smem:$0x3FBC] =	sst s2  }
0x8f: {  	_ = 	snop  }
0x90: {  	s2 =	sld [smem:$0x3FD0];
	(tm) =	ssettm $0x1  }
0x91: {  	s18 =	sld [smem:$0x3FFB];
	_ =	sdelay $0x3  }
0x92: {  	_ =	strace s18  }
0x93: {  	s3 =	sld [smem:$0x3FFC];
	_ =	sdelay $0x3  }
0x94: {  	_ =	strace s3  }
0x95: {  	s3 =	sld [smem:$0x3FFD];
	_ =	sdelay $0x3  }
0x96: {  	_ =	strace s3  }
0x97: {  	_ =	strace $0x8FFFFFFF  }
0x98: {  	s19 =	sld [smem:$0x3FDB];
	_ =	sdelay $0x1  }
0x99: {  	s4 =	simm.s32 $_scs_section_size  }
0x9a: {  	s5 =	simm.s32 $_size__tile_overlayer_lowered;
	s6 =	simm.s32 $_tile_overlayer_lowered  }
0x9b: {  	s22 =	simm.s32 $0x1BFF;
	s21 =	sshll.u32 s6, $0x1;
	s3 =	sadd.s32 s4, s19  }
0x9c: {  	s7 =	simm.s32 $0x0;
	s20 =	sshll.u32 s5, $0x1;
	s5 =	sadd.s32 s21, s3  }
0x9d: {  	[timem:s7], [sflag:s22] =	dma.local [hbm:s5], s20  }
0x9e: {  	_ =	swait.ge [sflag:s22], s20  }
0x9f: {  	s4 =	ssub.s32 $0x0, s20;
	[sflag:s22] =	ssyncset.done $0x0  }
0xa0: {  	[sflag:s22] =	ssyncadd.s32 s4;
	_ =	sdelay $0x1  }
0xa1: {  	s23 =	simm.s32 $0x1B8B  }
0xa2: {  	_ =	swait.ge [sflag:s23], $0x1  }
0xa3: {  	[sflag:s23] =	ssyncset.done $0x0  }
0xa4: {  	s25 =	simm.s32 $0x1B8E;
	s24 =	sld [smem:$0x3FFE];
	[sflag:s23] =	ssyncadd.s32 $0xFFFFFFFF  }
0xa5: {  	s26 =	simm.s32 $execute0_lowered;
	[smem:$0x3FD2] =	sst s25  }
0xa6: {  	s5 =	sshll.u32 s26, $0x1;
	_ =	strace $0x80000049;
	[dreg:$0x1] =	wrdreg $0xFFFFFFFF  }
0xa7: {  	s28 =	simm.s32 $_size_execute0_lowered;
	s3 =	sadd.s32 s3, s5;
	[dreg:$0x0] =	wrdreg $0x0  }
0xa8: {  	s5 =	sshll.u32 s28, $0x1;
	[dreg:$0x2] =	wrdreg s3  }
0xa9: {  	[dreg:$0x3] =	wrdreg s5  }
0xaa: {  	[dreg:$0x4] =	wrdreg $0xC0  }
0xab: {  	_ =	task [dreg:s7], $0x5FFFF  }
0xac: {  	[dreg:$0x1] =	wrdreg $0xFFFFFFFF  }
0xad: {  	[dreg:$0x0] =	wrdreg $0x60  }
0xae: {  	[dreg:$0x2] =	wrdreg s24  }
0xaf: {  	[dreg:$0x3] =	wrdreg s2  }
0xb0: {  	[dreg:$0x4] =	wrdreg $0xF8000  }
0xb1: {  	[dreg:$0x5] =	wrdreg $0x9  }
0xb2: {  	_ =	task.clear_ibuf [dreg:s7], $0x6FFFF;
	_ =	strace $0x90000049  }
0xb3: {  	s29 =	simm.s32 $0x9;
	_ =	strace $0x8000004B  }
0xb4: {  	_ =	swait.ge [sflag:s29], $0x1  }
0xb5: {  	[sflag:s29] =	ssyncadd.s32 $0xFFFFFFFF  }
0xb6: {  	_ =	strace $0x9000004B  }
0xb7: {  	_ =	sfence  }
0xb8: {  	s30 =	sld [smem:$0x0];
	_ =	sdelay $0x2  }
0xb9: {  	s31 =	sshll.u32 s1, $0xD;
	s1 =	sshrl.u32 s1, $0x2  }
0xba: {  	s3 =	sand.u32 $0x4000, s31;
	s1 =	sadd.s32 s1, s30  }
0xbb: {  	s0 =	sor.u32 s3, s0;
	s1 =	sshll.u32 s1, $0x11  }
0xbc: {  	s0 =	sor.u32 s1, s0  }
0xbd: {  	s0 =	sadd.s32 $0x8F2B, s0  }
0xbe: {  	[sflag:s0] =	ssyncadd.remote.s32 $0x1  }
0xbf: {  	_ =	sfence.sel $0xFFFF  }
0xc0: {  	[dreg:$0x0] =	wrdreg $0xFFFFFFFF;
	(pc) =	sbr.abs _section_cstart, $3  }
0xc1: {  	[dreg:$0x1] =	wrdreg $0xFFFFFFFF  }
0xc2: {  	_ =	task.clear_ibuf [dreg:s7], $0x2FFFF;
	_ =	strace $0x9FFFFFFF  }
0xc3: {  	(tm) =	ssettm $0x7FFFFFFF  }
tec
execute0_lowered:
.L_overlay_start_1:
0x0: {  	(tag) =	ssettag $0x1  }
0x1: {  	s5 =	rddreg [dreg:$0x0]  }
0x2: {  	s6 =	rddreg [dreg:$0x1];
	s0 =	stileid.u32  }
0x3: {  	s1 =	srdreg.scid;
	s2 =	rddreg [dreg:$0x2];
	s3 =	simm.s32 $0x0  }
0x4: {  	s14 =	simm.s32 $0x2800;
	s15 =	simm.s32 $0x7800;
	s16 =	simm.s32 $0x80  }
0x5: {  	s17 =	simm.s32 $0x1;
	s18 =	simm.s32 $0xB800;
	s19 =	simm.s32 $0x2  }
0x6: {  	s20 =	simm.s32 $0x2780;
	s22 =	simm.s32 $0x7780;
	s7 =	smul.u32 $0x500, s0  }
0x7: {  	s21 =	sand.u32 $0x1, s1;
	s1 =	rddreg [dreg:$0x3];
	s9 =	smul.u32 $0xA400, s0  }
0x8: {  	s23 =	simm.s32 $0x0;
	[smem:$0x7FF] =	sst s3;
	s10 =	smul.u32 $0x29000, s0  }
0x9: {  	s4 =	sadd.s32 $0xABC00, s5;
	s8 =	smul.u32 $0x148000, s21;
	_ =	strace $0x8000004A  }
0xa: {  	s31 =	ssub.s32 $0x2, s21;
	v0 =	vmov s21;
	s21 =	simm.s32 $0x7700;
	s11 =	sadd.s32 s7, s5  }
0xb: {  	s12 =	sshrl.u32 s31, $0x1;
	s10 =	sshrl.u32 s10, $0x2;
	s8 =	sadd.s32 s9, s8  }
0xc: {  	s6 =	sadd.s32 s6, s7;
	s12 =	ssub.s32 s31, s12;
	s8 =	sshrl.u32 s8, $0x3  }
0xd: {  	s7 =	sadd.s32 $0x6C00, s11;
	s13 =	sadd.s32 s8, s5;
	s5 =	sadd.s32 s10, s2  }
0xe: {  	s12 =	smax.u32 s12, $0x1;
	s8 =	sadd.s32 $0x4000, s5;
	s9 =	sadd.s32 $0x8000, s5  }
0xf: {  	v1 =	vimm.f32 $0.0e+00;
	s10 =	sadd.s32 $0xFBC00, s13;
	s11 =	sadd.s32 $0x110400, s13;
	s13 =	simm.s32 $0x3  }
.LBB2_1:
0x10: {  	[tilespmem:s3], [sflag:$0x3] =	stream.linear.gather [hbm4b:s6+s3], $0x2800, $0x38;
	[tilespmem:$0x19C00] =	vst v63  }
0x11: {  	_ =	swait.ge [sflag:s13], $0x2800  }
0x12: {  	[sflag:s13] =	ssyncset.done $0x0  }
0x13: {  	[sflag:s13] =	ssyncadd.s32 $0xFFFFD800  }
0x14: {  	[tilespmem:s14], [sflag:$0x3] =	stream.linear.gather [hbm4b:s7+s3], $0x2800, $0x38;
	[tilespmem:$0x19C00] =	vst v63  }
0x15: {  	_ =	swait.ge [sflag:s13], $0x2800  }
0x16: {  	[sflag:s13] =	ssyncset.done $0x0  }
0x17: {  	s24 =	simm.s32 $0x0;
	s25 =	simm.s32 $0x200;
	[sflag:s13] =	ssyncadd.s32 $0xFFFFD800  }
.LBB2_2:
0x18: {  	p0 =	sne.s32 s25, $0xFE00;
	[tilespmem:s24+$0x7870] =	vst v1  }
0x19: {  	[tilespmem:s24+$0x7800] =	vst v1  }
0x1a: {  	[tilespmem:s24+$0x7810] =	vst v1  }
.Ltmp0:
0x1b: {  	[tilespmem:s24+$0x7820] =	vst v1;
	(pc) =	sbr.rel @p0 .LBB2_2-.Ltmp0, $4  }
0x1c: {  	[tilespmem:s24+$0x7830] =	vst v1  }
0x1d: {  	[tilespmem:s24+$0x7840] =	vst v1  }
0x1e: {  	[tilespmem:s24+$0x7850] =	vst v1  }
0x1f: {  	[tilespmem:s24+$0x7860] =	vst v1;
	s24 =	sshra.s32 s25, $0x2;
	s25 =	sadd.s32 $0x200, s25  }
0x20: {  	[tilespmem:s24+$0x7870] =	vst v1  }
0x21: {  	[tilespmem:s24+$0x7800] =	vst v1  }
0x22: {  	[tilespmem:s24+$0x7810] =	vst v1  }
0x23: {  	[tilespmem:s24+$0x7820] =	vst v1  }
0x24: {  	[tilespmem:s24+$0x7830] =	vst v1  }
0x25: {  	[tilespmem:s24+$0x7840] =	vst v1  }
0x26: {  	[tilespmem:s24+$0x7850] =	vst v1  }
0x27: {  	[tilespmem:s24+$0x7860] =	vst v1;
	s24 =	simm.s32 $0x0  }
0x28: {  	v3 =	vld [tilespmem:s24+$0x0]  }
0x29: {  	v4 =	vld [tilespmem:s24+$0x10]  }
0x2a: {  	v6 =	vld [tilespmem:s24+$0x20]  }
0x2b: {  	v5 =	vld [tilespmem:s24+$0x30]  }
0x2c: {  	v2 =	vld [tilespmem:s24+$0x40]  }
0x2d: {  	v7 =	vshll.u32 v3, $0x1;
	v3 =	vld [tilespmem:s24+$0x50]  }
0x2e: {  	s26 =	simm.s32 $0x200;
	s25 =	simm.s32 $0x0;
	v8 =	vshll.u32 v4, $0x1;
	v4 =	vld [tilespmem:s24+$0x60];
	v7 =	vor.u32 v0, v7  }
.LBB2_4:
0x2f: {  	s28 =	sshra.s32 s26, $0x2;
	p0 =	sne.s32 s26, $0x9E00;
	[tilespmem:s25+$0x0] =	vst v7;
	v7 =	vor.u32 v0, v8;
	v6 =	vshll.u32 v6, $0x1;
	v8 =	vld [tilespmem:s25+$0x70]  }
0x30: {  	v9 =	vld [tilespmem:s28+$0x0];
	[tilespmem:s25+$0x10] =	vst v7;
	v6 =	vor.u32 v0, v6;
	v5 =	vshll.u32 v5, $0x1  }
0x31: {  	v10 =	vld [tilespmem:s28+$0x10];
	[tilespmem:s25+$0x20] =	vst v6;
	v5 =	vor.u32 v0, v5;
	v2 =	vshll.u32 v2, $0x1  }
.Ltmp1:
0x32: {  	v6 =	vld [tilespmem:s28+$0x20];
	[tilespmem:s25+$0x30] =	vst v5;
	v2 =	vor.u32 v0, v2;
	v3 =	vshll.u32 v3, $0x1;
	(pc) =	sbr.rel @p0 .LBB2_4-.Ltmp1, $4  }
0x33: {  	v5 =	vld [tilespmem:s28+$0x30];
	[tilespmem:s25+$0x40] =	vst v2;
	v3 =	vor.u32 v0, v3;
	v4 =	vshll.u32 v4, $0x1  }
0x34: {  	v2 =	vld [tilespmem:s28+$0x40];
	[tilespmem:s25+$0x50] =	vst v3;
	v4 =	vor.u32 v0, v4;
	v7 =	vshll.u32 v8, $0x1  }
0x35: {  	v8 =	vshll.u32 v9, $0x1;
	v3 =	vld [tilespmem:s28+$0x50];
	[tilespmem:s25+$0x60] =	vst v4;
	v9 =	vor.u32 v0, v7  }
0x36: {  	s26 =	sadd.s32 $0x200, s26;
	v7 =	vor.u32 v0, v8;
	v8 =	vshll.u32 v10, $0x1;
	v4 =	vld [tilespmem:s28+$0x60];
	[tilespmem:s25+$0x70] =	vst v9;
	s25 =	smov.u32 s28  }
0x37: {  	[tilespmem:s25+$0x0] =	vst v7;
	v7 =	vor.u32 v0, v8;
	v6 =	vshll.u32 v6, $0x1;
	v8 =	vld [tilespmem:s25+$0x70]  }
0x38: {  	[tilespmem:s25+$0x10] =	vst v7;
	v6 =	vor.u32 v0, v6;
	v5 =	vshll.u32 v5, $0x1  }
0x39: {  	[tilespmem:s25+$0x20] =	vst v6;
	v5 =	vor.u32 v0, v5;
	v2 =	vshll.u32 v2, $0x1  }
0x3a: {  	[tilespmem:s25+$0x30] =	vst v5;
	v2 =	vor.u32 v0, v2;
	v3 =	vshll.u32 v3, $0x1  }
0x3b: {  	[tilespmem:s25+$0x40] =	vst v2;
	v2 =	vor.u32 v0, v3;
	v3 =	vshll.u32 v4, $0x1  }
0x3c: {  	[tilespmem:s25+$0x50] =	vst v2;
	v2 =	vor.u32 v0, v3;
	v3 =	vshll.u32 v8, $0x1  }
0x3d: {  	[tilespmem:s25+$0x60] =	vst v2;
	v2 =	vor.u32 v0, v3  }
0x3e: {  	[tilespmem:s25+$0x70] =	vst v2  }
0x3f: {  	v3 =	vld [tilespmem:s24+$0x2870]  }
0x40: {  	v6 =	vld [tilespmem:s24+$0x2800]  }
0x41: {  	v7 =	vld [tilespmem:s24+$0x2810]  }
0x42: {  	v5 =	vld [tilespmem:s24+$0x2820]  }
0x43: {  	v4 =	vld [tilespmem:s24+$0x2830]  }
0x44: {  	v2 =	vld [tilespmem:s24+$0x2840];
	v8 =	vmin.u32 v3, $0x1400  }
0x45: {  	v3 =	vld [tilespmem:s24+$0x2850];
	v6 =	vmin.u32 v6, $0x1400;
	[tilespmem:s24+$0x5070] =	vst v8  }
0x46: {  	s26 =	simm.s32 $0x400;
	s25 =	simm.s32 $0x80;
	v7 =	vmin.u32 v7, $0x1400;
	[tilespmem:s24+$0x5000] =	vst v6;
	v6 =	vld [tilespmem:s24+$0x2860]  }
.LBB2_6:
0x47: {  	p0 =	sne.s32 s26, $0x9E00;
	v8 =	vld [tilespmem:s25+$0x2870];
	[tilespmem:s24+$0x5010] =	vst v7;
	v5 =	vmin.u32 v5, $0x1400  }
0x48: {  	v7 =	vld [tilespmem:s25+$0x2800];
	[tilespmem:s24+$0x5020] =	vst v5;
	v4 =	vmin.u32 v4, $0x1400  }
0x49: {  	v9 =	vld [tilespmem:s25+$0x2810];
	[tilespmem:s24+$0x5030] =	vst v4;
	v2 =	vmin.u32 v2, $0x1400  }
.Ltmp2:
0x4a: {  	v5 =	vld [tilespmem:s25+$0x2820];
	[tilespmem:s24+$0x5040] =	vst v2;
	v2 =	vmin.u32 v3, $0x1400;
	(pc) =	sbr.rel @p0 .LBB2_6-.Ltmp2, $4  }
0x4b: {  	v4 =	vld [tilespmem:s25+$0x2830];
	[tilespmem:s24+$0x5050] =	vst v2;
	v3 =	vmin.u32 v6, $0x1400  }
0x4c: {  	v2 =	vld [tilespmem:s25+$0x2840];
	v6 =	vmin.u32 v8, $0x1400;
	[tilespmem:s24+$0x5060] =	vst v3;
	s24 =	smov.u32 s25  }
0x4d: {  	v7 =	vmin.u32 v7, $0x1400;
	v3 =	vld [tilespmem:s24+$0x2850];
	[tilespmem:s24+$0x5070] =	vst v6  }
0x4e: {  	s25 =	sshra.s32 s26, $0x2;
	s26 =	sadd.s32 $0x200, s26;
	[tilespmem:s24+$0x5000] =	vst v7;
	v7 =	vmin.u32 v9, $0x1400;
	v6 =	vld [tilespmem:s24+$0x2860]  }
0x4f: {  	v8 =	vld [tilespmem:s25+$0x2870];
	[tilespmem:s24+$0x5010] =	vst v7;
	v5 =	vmin.u32 v5, $0x1400  }
0x50: {  	v7 =	vld [tilespmem:s25+$0x2800];
	[tilespmem:s24+$0x5020] =	vst v5;
	v4 =	vmin.u32 v4, $0x1400  }
0x51: {  	v5 =	vld [tilespmem:s25+$0x2810];
	[tilespmem:s24+$0x5030] =	vst v4;
	v2 =	vmin.u32 v2, $0x1400  }
0x52: {  	v4 =	vld [tilespmem:s25+$0x2820];
	[tilespmem:s24+$0x5040] =	vst v2;
	v2 =	vmin.u32 v3, $0x1400  }
0x53: {  	v3 =	vld [tilespmem:s25+$0x2830];
	[tilespmem:s24+$0x5050] =	vst v2;
	v2 =	vmin.u32 v6, $0x1400  }
0x54: {  	v61 =	vld [tilespmem:s25+$0x2840];
	[tilespmem:s24+$0x5060] =	vst v2;
	v2 =	vmin.u32 v8, $0x1400  }
0x55: {  	v62 =	vld [tilespmem:s25+$0x2850];
	v7 =	vmin.u32 v7, $0x1400;
	[tilespmem:s25+$0x5070] =	vst v2  }
0x56: {  	v63 =	vld [tilespmem:s25+$0x2860];
	[tilespmem:s25+$0x5000] =	vst v7;
	v2 =	vmin.u32 v5, $0x1400  }
0x57: {  	[tilespmem:s25+$0x5010] =	vst v2;
	v2 =	vmin.u32 v4, $0x1400  }
0x58: {  	[tilespmem:s25+$0x5020] =	vst v2;
	v2 =	vmin.u32 v3, $0x1400  }
0x59: {  	[tilespmem:s25+$0x5030] =	vst v2;
	v2 =	vmin.u32 v61, $0x1400  }
0x5a: {  	[tilespmem:s25+$0x5040] =	vst v2;
	v2 =	vmin.u32 v62, $0x1400  }
0x5b: {  	[tilespmem:s25+$0x5050] =	vst v2;
	v2 =	vmin.u32 v63, $0x1400  }
0x5c: {  	[tilespmem:s25+$0x5060] =	vst v2  }
0x5d: {  	[spmem:s5] =	stream.linear.scatter [tilespmem:s15], [sflag:$0x3], $0x4000, $0x38;
	[tilespmem:$0x19C00] =	vst v63  }
0x5e: {  	_ =	swait.ge [sflag:s13], $0x4000  }
0x5f: {  	[sflag:s13] =	ssyncset.done $0x0  }
0x60: {  	[sflag:s13] =	ssyncadd.s32 $0xFFFFC000  }
0x61: {  	[spmem:s8] =	stream.linear.scatter [tilespmem:s15], [sflag:$0x3], $0x4000, $0x38;
	[tilespmem:$0x19C00] =	vst v63  }
0x62: {  	_ =	swait.ge [sflag:s13], $0x4000  }
0x63: {  	[sflag:s13] =	ssyncset.done $0x0  }
0x64: {  	[sflag:s13] =	ssyncadd.s32 $0xFFFFC000  }
0x65: {  	[spmem:s9] =	stream.linear.scatter [tilespmem:s15], [sflag:$0x3], $0x2400, $0x38;
	[tilespmem:$0x19C00] =	vst v63  }
0x66: {  	_ =	swait.ge [sflag:s13], $0x2400  }
0x67: {  	[sflag:s13] =	ssyncset.done $0x0  }
0x68: {  	[sflag:s13] =	ssyncadd.s32 $0xFFFFDC00  }
0x69: {  	s26 =	simm.s32 $0x0;
	[bflag:$0x0] =	sbarrier.arrive $0xFFFF  }
0x6a: {  	[tilespmem:s15], [sflag:$0x1] =	stream.indirect.gather [hbm4b:s4+s16], $0x80, s26, s16, $0xb8;
	[tilespmem:$0x19C00] =	vst v63  }
0x6b: {  	_ =	swait.ge [sflag:s17], $0x4000  }
0x6c: {  	[sflag:s17] =	ssyncset.done $0x0  }
0x6d: {  	s28 =	simm.s32 $0x80;
	[sflag:s17] =	ssyncadd.s32 $0xFFFFC000  }
0x6e: {  	[tilespmem:s18], [sflag:$0x2] =	stream.indirect.gather [hbm4b:s4+s16], $0x80, s28, s16, $0xb8;
	[tilespmem:$0x19C00] =	vst v63  }
0x6f: {  	s29 =	simm.s32 $0x5000  }
0x70: {  	[spmem:s2] =	stream.indirect.scatter.add.f32 [tilespmem:s15], [sflag:$0x3], $0x80, s29, s16, $0xb8;
	[tilespmem:$0x19C00] =	vst v63  }
0x71: {  	_ =	swait.ge [sflag:s13], $0x4000  }
0x72: {  	[sflag:s13] =	ssyncset.done $0x0  }
0x73: {  	s30 =	simm.s32 $0x100;
	[sflag:s13] =	ssyncadd.s32 $0xFFFFC000  }
0x74: {  	[tilespmem:s15], [sflag:$0x1] =	stream.indirect.gather [hbm4b:s4+s16], $0x80, s30, s16, $0xb8;
	[tilespmem:$0x19C00] =	vst v63  }
0x75: {  	_ =	swait.ge [sflag:s19], $0x4000  }
0x76: {  	[sflag:s19] =	ssyncset.done $0x0  }
0x77: {  	s31 =	simm.s32 $0x5080;
	[sflag:s19] =	ssyncadd.s32 $0xFFFFC000  }
0x78: {  	[spmem:s2] =	stream.indirect.scatter.add.f32 [tilespmem:s18], [sflag:$0x3], $0x80, s31, s16, $0xb8;
	[tilespmem:$0x19C00] =	vst v63  }
0x79: {  	_ =	swait.ge [sflag:s13], $0x4000  }
0x7a: {  	s24 =	simm.s32 $0x400;
	[sflag:s13] =	ssyncset.done $0x0  }
.LBB2_8:
0x7b: {  	p0 =	sne.s32 s24, $0x9800  }
0x7c: {  	[sflag:s13] =	ssyncadd.s32 $0xFFFFC000;
	s25 =	smov.u32 s24;
	s24 =	sadd.s32 $0x400, s24  }
0x7d: {  	_ =	swait.ge [sflag:s17], $0x4000  }
0x7e: {  	s25 =	sshra.s32 s25, $0x2;
	[sflag:s17] =	ssyncset.done $0x0  }
0x7f: {  	s26 =	sadd.s32 $0x80, s25;
	[sflag:s17] =	ssyncadd.s32 $0xFFFFC000  }
0x80: {  	[tilespmem:s18], [sflag:$0x2] =	stream.indirect.gather [hbm4b:s4+s16], $0x80, s26, s16, $0xb8;
	[tilespmem:$0x19C00] =	vst v63  }
0x81: {  	s26 =	sadd.s32 $0x5000, s25  }
0x82: {  	[spmem:s2] =	stream.indirect.scatter.add.f32 [tilespmem:s15], [sflag:$0x3], $0x80, s26, s16, $0xb8;
	[tilespmem:$0x19C00] =	vst v63  }
0x83: {  	_ =	swait.ge [sflag:s13], $0x4000  }
0x84: {  	[sflag:s13] =	ssyncset.done $0x0  }
0x85: {  	s26 =	sadd.s32 $0x100, s25;
	[sflag:s13] =	ssyncadd.s32 $0xFFFFC000  }
0x86: {  	[tilespmem:s15], [sflag:$0x1] =	stream.indirect.gather [hbm4b:s4+s16], $0x80, s26, s16, $0xb8;
	[tilespmem:$0x19C00] =	vst v63  }
0x87: {  	_ =	swait.ge [sflag:s19], $0x4000  }
.Ltmp3:
0x88: {  	[sflag:s19] =	ssyncset.done $0x0;
	(pc) =	sbr.rel @p0 .LBB2_8-.Ltmp3, $4  }
0x89: {  	s25 =	sadd.s32 $0x5080, s25;
	[sflag:s19] =	ssyncadd.s32 $0xFFFFC000  }
0x8a: {  	[spmem:s2] =	stream.indirect.scatter.add.f32 [tilespmem:s18], [sflag:$0x3], $0x80, s25, s16, $0xb8;
	[tilespmem:$0x19C00] =	vst v63  }
0x8b: {  	_ =	swait.ge [sflag:s13], $0x4000  }
0x8c: {  	[sflag:s13] =	ssyncset.done $0x0  }
0x8d: {  	[sflag:s13] =	ssyncadd.s32 $0xFFFFC000  }
0x8e: {  	_ =	swait.ge [sflag:s17], $0x4000  }
0x8f: {  	[sflag:s17] =	ssyncset.done $0x0  }
0x90: {  	[sflag:s17] =	ssyncadd.s32 $0xFFFFC000  }
0x91: {  	[tilespmem:s18], [sflag:$0x2] =	stream.indirect.gather [hbm4b:s4+s16], $0x80, s20, s16, $0xb8;
	[tilespmem:$0x19C00] =	vst v63  }
0x92: {  	_ = 	snop  }
0x93: {  	[spmem:s2] =	stream.indirect.scatter.add.f32 [tilespmem:s15], [sflag:$0x3], $0x80, s21, s16, $0xb8;
	[tilespmem:$0x19C00] =	vst v63  }
0x94: {  	_ =	swait.ge [sflag:s13], $0x4000  }
0x95: {  	[sflag:s13] =	ssyncset.done $0x0  }
0x96: {  	[sflag:s13] =	ssyncadd.s32 $0xFFFFC000  }
0x97: {  	[tilespmem:s15], [sflag:$0x1] =	stream.indirect.gather [hbm4b:s4+s16], $0x80, s20, s16, $0xb8;
	[tilespmem:$0x19C00] =	vst v63  }
0x98: {  	_ =	swait.ge [sflag:s19], $0x4000  }
0x99: {  	[sflag:s19] =	ssyncset.done $0x0  }
0x9a: {  	[sflag:s19] =	ssyncadd.s32 $0xFFFFC000  }
0x9b: {  	[spmem:s2] =	stream.indirect.scatter.add.f32 [tilespmem:s18], [sflag:$0x3], $0x80, s22, s16, $0xb8;
	[tilespmem:$0x19C00] =	vst v63  }
0x9c: {  	_ =	swait.ge [sflag:s13], $0x4000  }
0x9d: {  	[sflag:s13] =	ssyncset.done $0x0  }
0x9e: {  	[sflag:s13] =	ssyncadd.s32 $0xFFFFC000  }
0x9f: {  	_ =	swait.ge [sflag:s17], $0x4000  }
0xa0: {  	[sflag:s17] =	ssyncset.done $0x0  }
0xa1: {  	s24 =	sshll.u32 s0, $0x6;
	[sflag:s17] =	ssyncadd.s32 $0xFFFFC000  }
0xa2: {  	s25 =	sshrl.u32 s5, $0x3;
	s24 =	sor.u32 $0x1C03, s24;
	[bflag:$0x0] =	sbarrier.arrive $0xFFFF  }
0xa3: {  	[hbm:s10], [sflag:s24] =	dma.local [spmem:s25], $0x1480  }
0xa4: {  	_ =	swait.ge [sflag:s13], $0x1480  }
0xa5: {  	[sflag:s13] =	ssyncset.done $0x0  }
0xa6: {  	[sflag:s13] =	ssyncadd.s32 $0xFFFFEB80  }
0xa7: {  	s26 =	simm.s32 $0x0;
	s28 =	simm.s32 $0x200;
	[bflag:$0x0] =	sbarrier.arrive $0xFFFF  }
.LBB2_10:
0xa8: {  	p0 =	sne.s32 s28, $0xFE00;
	[tilespmem:s26+$0x7870] =	vst v1  }
0xa9: {  	[tilespmem:s26+$0x7800] =	vst v1  }
0xaa: {  	[tilespmem:s26+$0x7810] =	vst v1  }
.Ltmp4:
0xab: {  	[tilespmem:s26+$0x7820] =	vst v1;
	(pc) =	sbr.rel @p0 .LBB2_10-.Ltmp4, $4  }
0xac: {  	[tilespmem:s26+$0x7830] =	vst v1  }
0xad: {  	[tilespmem:s26+$0x7840] =	vst v1  }
0xae: {  	[tilespmem:s26+$0x7850] =	vst v1  }
0xaf: {  	[tilespmem:s26+$0x7860] =	vst v1;
	s26 =	sshra.s32 s28, $0x2;
	s28 =	sadd.s32 $0x200, s28  }
0xb0: {  	[tilespmem:s26+$0x7870] =	vst v1  }
0xb1: {  	[tilespmem:s26+$0x7800] =	vst v1  }
0xb2: {  	[tilespmem:s26+$0x7810] =	vst v1  }
0xb3: {  	[tilespmem:s26+$0x7820] =	vst v1  }
0xb4: {  	[tilespmem:s26+$0x7830] =	vst v1  }
0xb5: {  	[tilespmem:s26+$0x7840] =	vst v1  }
0xb6: {  	[tilespmem:s26+$0x7850] =	vst v1  }
0xb7: {  	[tilespmem:s26+$0x7860] =	vst v1;
	s28 =	simm.s32 $0x0  }
0xb8: {  	v2 =	vld [tilespmem:s28+$0x2870]  }
0xb9: {  	v4 =	vld [tilespmem:s28+$0x2800]  }
0xba: {  	v8 =	vld [tilespmem:s28+$0x2810]  }
0xbb: {  	v6 =	vld [tilespmem:s28+$0x2820]  }
0xbc: {  	v5 =	vld [tilespmem:s28+$0x2830]  }
0xbd: {  	v3 =	vld [tilespmem:s28+$0x2840];
	v7 =	vadd.s32 $0xFFFFEC00, v2  }
0xbe: {  	v2 =	vld [tilespmem:s28+$0x2850];
	v9 =	vadd.s32 $0xFFFFEC00, v4;
	v10 =	vmin.u32 v7, $0x1400  }
0xbf: {  	s26 =	simm.s32 $0x80;
	s29 =	simm.s32 $0x400;
	v4 =	vld [tilespmem:s28+$0x2860];
	v8 =	vadd.s32 $0xFFFFEC00, v8;
	v7 =	vmin.u32 v9, $0x1400;
	[tilespmem:s28+$0x5070] =	vst v10  }
.LBB2_12:
0xc0: {  	p0 =	sne.s32 s29, $0x9E00;
	v9 =	vld [tilespmem:s26+$0x2870];
	[tilespmem:s28+$0x5000] =	vst v7;
	v7 =	vmin.u32 v8, $0x1400;
	v6 =	vadd.s32 $0xFFFFEC00, v6  }
0xc1: {  	v8 =	vld [tilespmem:s26+$0x2800];
	[tilespmem:s28+$0x5010] =	vst v7;
	v6 =	vmin.u32 v6, $0x1400;
	v5 =	vadd.s32 $0xFFFFEC00, v5  }
0xc2: {  	v10 =	vld [tilespmem:s26+$0x2810];
	[tilespmem:s28+$0x5020] =	vst v6;
	v5 =	vmin.u32 v5, $0x1400;
	v3 =	vadd.s32 $0xFFFFEC00, v3  }
.Ltmp5:
0xc3: {  	v6 =	vld [tilespmem:s26+$0x2820];
	[tilespmem:s28+$0x5030] =	vst v5;
	v3 =	vmin.u32 v3, $0x1400;
	v2 =	vadd.s32 $0xFFFFEC00, v2;
	(pc) =	sbr.rel @p0 .LBB2_12-.Ltmp5, $4  }
0xc4: {  	v5 =	vld [tilespmem:s26+$0x2830];
	[tilespmem:s28+$0x5040] =	vst v3;
	v2 =	vmin.u32 v2, $0x1400;
	v4 =	vadd.s32 $0xFFFFEC00, v4  }
0xc5: {  	v3 =	vld [tilespmem:s26+$0x2840];
	v7 =	vadd.s32 $0xFFFFEC00, v9;
	[tilespmem:s28+$0x5050] =	vst v2;
	v4 =	vmin.u32 v4, $0x1400  }
0xc6: {  	v8 =	vadd.s32 $0xFFFFEC00, v8;
	v2 =	vld [tilespmem:s26+$0x2850];
	v9 =	vmin.u32 v7, $0x1400;
	[tilespmem:s28+$0x5060] =	vst v4;
	s28 =	smov.u32 s26  }
0xc7: {  	s26 =	sshra.s32 s29, $0x2;
	s29 =	sadd.s32 $0x200, s29;
	v7 =	vmin.u32 v8, $0x1400;
	v8 =	vadd.s32 $0xFFFFEC00, v10;
	v4 =	vld [tilespmem:s28+$0x2860];
	[tilespmem:s28+$0x5070] =	vst v9  }
0xc8: {  	v9 =	vld [tilespmem:s26+$0x2870];
	[tilespmem:s28+$0x5000] =	vst v7;
	v59 =	vmin.u32 v8, $0x1400;
	v6 =	vadd.s32 $0xFFFFEC00, v6  }
0xc9: {  	v60 =	vld [tilespmem:s26+$0x2800];
	[tilespmem:s28+$0x5010] =	vst v59;
	v6 =	vmin.u32 v6, $0x1400;
	v5 =	vadd.s32 $0xFFFFEC00, v5  }
0xca: {  	v7 =	vld [tilespmem:s26+$0x2810];
	[tilespmem:s28+$0x5020] =	vst v6;
	v5 =	vmin.u32 v5, $0x1400;
	v3 =	vadd.s32 $0xFFFFEC00, v3  }
0xcb: {  	v6 =	vld [tilespmem:s26+$0x2820];
	[tilespmem:s28+$0x5030] =	vst v5;
	v3 =	vmin.u32 v3, $0x1400;
	v2 =	vadd.s32 $0xFFFFEC00, v2  }
0xcc: {  	v5 =	vld [tilespmem:s26+$0x2830];
	[tilespmem:s28+$0x5040] =	vst v3;
	v2 =	vmin.u32 v2, $0x1400;
	v4 =	vadd.s32 $0xFFFFEC00, v4  }
0xcd: {  	v3 =	vld [tilespmem:s26+$0x2840];
	[tilespmem:s28+$0x5050] =	vst v2;
	v2 =	vmin.u32 v4, $0x1400;
	v9 =	vadd.s32 $0xFFFFEC00, v9  }
0xce: {  	v61 =	vld [tilespmem:s26+$0x2850];
	[tilespmem:s28+$0x5060] =	vst v2;
	v2 =	vadd.s32 $0xFFFFEC00, v60;
	v62 =	vmin.u32 v9, $0x1400  }
0xcf: {  	v63 =	vld [tilespmem:s26+$0x2860];
	v2 =	vmin.u32 v2, $0x1400;
	v7 =	vadd.s32 $0xFFFFEC00, v7;
	[tilespmem:s26+$0x5070] =	vst v62  }
0xd0: {  	[tilespmem:s26+$0x5000] =	vst v2;
	v2 =	vmin.u32 v7, $0x1400;
	v6 =	vadd.s32 $0xFFFFEC00, v6  }
0xd1: {  	[tilespmem:s26+$0x5010] =	vst v2;
	v2 =	vmin.u32 v6, $0x1400;
	v5 =	vadd.s32 $0xFFFFEC00, v5  }
0xd2: {  	[tilespmem:s26+$0x5020] =	vst v2;
	v2 =	vmin.u32 v5, $0x1400;
	v3 =	vadd.s32 $0xFFFFEC00, v3  }
0xd3: {  	[tilespmem:s26+$0x5030] =	vst v2;
	v2 =	vmin.u32 v3, $0x1400;
	v3 =	vadd.s32 $0xFFFFEC00, v61  }
0xd4: {  	[tilespmem:s26+$0x5040] =	vst v2;
	v2 =	vmin.u32 v3, $0x1400;
	v3 =	vadd.s32 $0xFFFFEC00, v63  }
0xd5: {  	[tilespmem:s26+$0x5050] =	vst v2;
	v2 =	vmin.u32 v3, $0x1400  }
0xd6: {  	[tilespmem:s26+$0x5060] =	vst v2  }
0xd7: {  	[spmem:s5] =	stream.linear.scatter [tilespmem:s15], [sflag:$0x3], $0x4000, $0x38;
	[tilespmem:$0x19C00] =	vst v63  }
0xd8: {  	_ =	swait.ge [sflag:s13], $0x4000  }
0xd9: {  	[sflag:s13] =	ssyncset.done $0x0  }
0xda: {  	[sflag:s13] =	ssyncadd.s32 $0xFFFFC000  }
0xdb: {  	[spmem:s8] =	stream.linear.scatter [tilespmem:s15], [sflag:$0x3], $0x4000, $0x38;
	[tilespmem:$0x19C00] =	vst v63  }
0xdc: {  	_ =	swait.ge [sflag:s13], $0x4000  }
0xdd: {  	[sflag:s13] =	ssyncset.done $0x0  }
0xde: {  	[sflag:s13] =	ssyncadd.s32 $0xFFFFC000  }
0xdf: {  	[spmem:s9] =	stream.linear.scatter [tilespmem:s15], [sflag:$0x3], $0x2400, $0x38;
	[tilespmem:$0x19C00] =	vst v63  }
0xe0: {  	_ =	swait.ge [sflag:s13], $0x2400  }
0xe1: {  	[sflag:s13] =	ssyncset.done $0x0  }
0xe2: {  	[sflag:s13] =	ssyncadd.s32 $0xFFFFDC00  }
0xe3: {  	s31 =	simm.s32 $0x0;
	[bflag:$0x0] =	sbarrier.arrive $0xFFFF  }
0xe4: {  	[tilespmem:s15], [sflag:$0x1] =	stream.indirect.gather [hbm4b:s4+s16], $0x80, s31, s16, $0xb8;
	[tilespmem:$0x19C00] =	vst v63  }
0xe5: {  	_ =	swait.ge [sflag:s17], $0x4000  }
0xe6: {  	[sflag:s17] =	ssyncset.done $0x0  }
0xe7: {  	s28 =	simm.s32 $0x80;
	[sflag:s17] =	ssyncadd.s32 $0xFFFFC000  }
0xe8: {  	[tilespmem:s18], [sflag:$0x2] =	stream.indirect.gather [hbm4b:s4+s16], $0x80, s28, s16, $0xb8;
	[tilespmem:$0x19C00] =	vst v63  }
0xe9: {  	s29 =	simm.s32 $0x5000  }
0xea: {  	[spmem:s2] =	stream.indirect.scatter.add.f32 [tilespmem:s15], [sflag:$0x3], $0x80, s29, s16, $0xb8;
	[tilespmem:$0x19C00] =	vst v63  }
0xeb: {  	_ =	swait.ge [sflag:s13], $0x4000  }
0xec: {  	[sflag:s13] =	ssyncset.done $0x0  }
0xed: {  	s30 =	simm.s32 $0x100;
	[sflag:s13] =	ssyncadd.s32 $0xFFFFC000  }
0xee: {  	[tilespmem:s15], [sflag:$0x1] =	stream.indirect.gather [hbm4b:s4+s16], $0x80, s30, s16, $0xb8;
	[tilespmem:$0x19C00] =	vst v63  }
0xef: {  	_ =	swait.ge [sflag:s19], $0x4000  }
0xf0: {  	[sflag:s19] =	ssyncset.done $0x0  }
0xf1: {  	s31 =	simm.s32 $0x5080;
	[sflag:s19] =	ssyncadd.s32 $0xFFFFC000  }
0xf2: {  	[spmem:s2] =	stream.indirect.scatter.add.f32 [tilespmem:s18], [sflag:$0x3], $0x80, s31, s16, $0xb8;
	[tilespmem:$0x19C00] =	vst v63  }
0xf3: {  	_ =	swait.ge [sflag:s13], $0x4000  }
0xf4: {  	s26 =	simm.s32 $0x400;
	[sflag:s13] =	ssyncset.done $0x0  }
.LBB2_14:
0xf5: {  	p0 =	sne.s32 s26, $0x9800  }
0xf6: {  	[sflag:s13] =	ssyncadd.s32 $0xFFFFC000;
	s28 =	smov.u32 s26;
	s26 =	sadd.s32 $0x400, s26  }
0xf7: {  	_ =	swait.ge [sflag:s17], $0x4000  }
0xf8: {  	s28 =	sshra.s32 s28, $0x2;
	[sflag:s17] =	ssyncset.done $0x0  }
0xf9: {  	s29 =	sadd.s32 $0x80, s28;
	[sflag:s17] =	ssyncadd.s32 $0xFFFFC000  }
0xfa: {  	[tilespmem:s18], [sflag:$0x2] =	stream.indirect.gather [hbm4b:s4+s16], $0x80, s29, s16, $0xb8;
	[tilespmem:$0x19C00] =	vst v63  }
0xfb: {  	s29 =	sadd.s32 $0x5000, s28  }
0xfc: {  	[spmem:s2] =	stream.indirect.scatter.add.f32 [tilespmem:s15], [sflag:$0x3], $0x80, s29, s16, $0xb8;
	[tilespmem:$0x19C00] =	vst v63  }
0xfd: {  	_ =	swait.ge [sflag:s13], $0x4000  }
0xfe: {  	[sflag:s13] =	ssyncset.done $0x0  }
0xff: {  	s29 =	sadd.s32 $0x100, s28;
	[sflag:s13] =	ssyncadd.s32 $0xFFFFC000  }
0x100: {  	[tilespmem:s15], [sflag:$0x1] =	stream.indirect.gather [hbm4b:s4+s16], $0x80, s29, s16, $0xb8;
	[tilespmem:$0x19C00] =	vst v63  }
0x101: {  	_ =	swait.ge [sflag:s19], $0x4000  }
.Ltmp6:
0x102: {  	[sflag:s19] =	ssyncset.done $0x0;
	(pc) =	sbr.rel @p0 .LBB2_14-.Ltmp6, $4  }
0x103: {  	s28 =	sadd.s32 $0x5080, s28;
	[sflag:s19] =	ssyncadd.s32 $0xFFFFC000  }
0x104: {  	[spmem:s2] =	stream.indirect.scatter.add.f32 [tilespmem:s18], [sflag:$0x3], $0x80, s28, s16, $0xb8;
	[tilespmem:$0x19C00] =	vst v63  }
0x105: {  	_ =	swait.ge [sflag:s13], $0x4000  }
0x106: {  	[sflag:s13] =	ssyncset.done $0x0  }
0x107: {  	[sflag:s13] =	ssyncadd.s32 $0xFFFFC000  }
0x108: {  	_ =	swait.ge [sflag:s17], $0x4000  }
0x109: {  	[sflag:s17] =	ssyncset.done $0x0  }
0x10a: {  	[sflag:s17] =	ssyncadd.s32 $0xFFFFC000  }
0x10b: {  	[tilespmem:s18], [sflag:$0x2] =	stream.indirect.gather [hbm4b:s4+s16], $0x80, s20, s16, $0xb8;
	[tilespmem:$0x19C00] =	vst v63  }
0x10c: {  	_ = 	snop  }
0x10d: {  	[spmem:s2] =	stream.indirect.scatter.add.f32 [tilespmem:s15], [sflag:$0x3], $0x80, s21, s16, $0xb8;
	[tilespmem:$0x19C00] =	vst v63  }
0x10e: {  	_ =	swait.ge [sflag:s13], $0x4000  }
0x10f: {  	[sflag:s13] =	ssyncset.done $0x0  }
0x110: {  	[sflag:s13] =	ssyncadd.s32 $0xFFFFC000  }
0x111: {  	[tilespmem:s15], [sflag:$0x1] =	stream.indirect.gather [hbm4b:s4+s16], $0x80, s20, s16, $0xb8;
	[tilespmem:$0x19C00] =	vst v63  }
0x112: {  	_ =	swait.ge [sflag:s19], $0x4000  }
0x113: {  	[sflag:s19] =	ssyncset.done $0x0  }
0x114: {  	[sflag:s19] =	ssyncadd.s32 $0xFFFFC000  }
0x115: {  	[spmem:s2] =	stream.indirect.scatter.add.f32 [tilespmem:s18], [sflag:$0x3], $0x80, s22, s16, $0xb8;
	[tilespmem:$0x19C00] =	vst v63  }
0x116: {  	_ =	swait.ge [sflag:s13], $0x4000  }
0x117: {  	[sflag:s13] =	ssyncset.done $0x0  }
0x118: {  	[sflag:s13] =	ssyncadd.s32 $0xFFFFC000  }
0x119: {  	_ =	swait.ge [sflag:s17], $0x4000  }
0x11a: {  	s23 =	sadd.s32 $0x1, s23;
	[sflag:s17] =	ssyncset.done $0x0  }
0x11b: {  	p0 =	sne.s32 s23, s12;
	[sflag:s17] =	ssyncadd.s32 $0xFFFFC000  }
.Ltmp7:
0x11c: {  	[bflag:$0x0] =	sbarrier.arrive $0xFFFF;
	(pc) =	sbr.rel @p0 .LBB2_1-.Ltmp7, $4  }
0x11d: {  	[hbm:s11], [sflag:s24] =	dma.local [spmem:s25], $0x1480  }
0x11e: {  	_ =	swait.ge [sflag:s13], $0x1480  }
0x11f: {  	[sflag:s13] =	ssyncset.done $0x0  }
0x120: {  	[sflag:s13] =	ssyncadd.s32 $0xFFFFEB80  }
0x121: {  	_ =	sfence.sel $0x180000  }
0x122: {  	[bflag:$0x0] =	sbarrier.arrive $0xFFFF  }
0x123: {  	p0 =	sne.s32 s0, $0x0;
	_ =	strace $0x9000004A  }
0x124: {  	s0 =	sadd.s32 @!p0 $0x100000, s1;
	[bflag:$0x2] =	sbarrier.arrive $0xFFFF  }
0x125: {  	[sflag:s0] =	ssyncadd.tile.s32 @!p0 $0x1;
	_ =	shalt  }
.Lfunc_end2:
_tile_overlayer_lowered:
.L_overlay_start_2:
0x126: {  	(tag) =	ssettag $0x2  }
0x127: {  	s0 =	rddreg [dreg:$0x0];
	s2 =	stileid.u32  }
0x128: {  	s1 =	rddreg [dreg:$0x1];
	p0 =	sne.s32 s2, $0x0  }
0x129: {  	s3 =	rddreg [dreg:$0x2];
	[bflag:$0x3] =	sbarrier.arrive $0xFFFF;
	s2 =	simm.s32 @!p0 $0x1C03  }
0x12a: {  	[timem:s3], [sflag:s2] =	dma.local @!p0 [hbm:s0], s1  }
0x12b: {  	s0 =	simm.s32 @!p0 $0x3  }
0x12c: {  	_ =	swait.ge @!p0 [sflag:s0], s1  }
0x12d: {  	s1 =	ssub.s32 @!p0 $0x0, s1;
	[sflag:s0] =	ssyncset.done @!p0 $0x0  }
0x12e: {  	[sflag:s0] =	ssyncadd.s32 @!p0 s1  }
0x12f: {  	[bflag:$0x3] =	sbarrier.arrive $0xFFFF  }
0x130: {  	_ =	shalt  }

// kernel: kernel.14.cloned.1.call-start
scs
__scs_entry_jumppad:
0x0: {  	(pc) =	sbr.rel $0x88, $3  }
0x1: {  	(tag) =	ssettag $0x0;
	lr =	simm.s32 $0x1  }
0x2: {  	[smem:$0x3F95] =	sst lr;
	_ =	strace $0xD0000000  }
0x3: {  	_ = 	snop  }
0x4: {  	_ = 	snop  }
0x5: {  	_ = 	snop  }
0x6: {  	_ = 	snop  }
0x7: {  	_ = 	snop  }
__scs_overlays_trampoline_lowered:
0x8: {  	[smem:$0x3FA4] =	sst s0  }
0x9: {  	[smem:$0x3FA5] =	sst s1  }
0xa: {  	[smem:$0x3FA6] =	sst s2  }
0xb: {  	[smem:$0x3FA7] =	sst s3  }
0xc: {  	[smem:$0x3FA8] =	sst s4  }
0xd: {  	[smem:$0x3FA9] =	sst s5  }
0xe: {  	[smem:$0x3FAA] =	sst s6  }
0xf: {  	[smem:$0x3FAB] =	sst s7  }
0x10: {  	[smem:$0x3FAC] =	sst s8  }
0x11: {  	[smem:$0x3FAD] =	sst s9;
	s0 =	simm.s32 @!p0 $0x0  }
0x12: {  	s1 =	sld [smem:$0x3F93];
	s0 =	simm.s32 @p0 $0x1  }
0x13: {  	[smem:$0x3FAE] =	sst s0;
	s0 =	simm.s32 @!p1 $0x0  }
0x14: {  	s2 =	sld [smem:$0x3F92];
	s0 =	simm.s32 @p1 $0x1  }
0x15: {  	[smem:$0x3FAF] =	sst s0;
	s0 =	simm.s32 @!p2 $0x0  }
0x16: {  	s3 =	sld [smem:$0x3FDB];
	s0 =	simm.s32 @p2 $0x1  }
0x17: {  	s4 =	simm.s32 $0x1BF5;
	[smem:$0x3FB1] =	sst s0  }
0x18: {  	s0 =	sld [smem:$0x3F94];
	_ =	swait.ge [sflag:s4], $0x0  }
0x19: {  	s7 =	sld [smem:$0x3F95]  }
0x1a: {  	s8 =	sadd.s32 $0xFFFFE003, lr  }
0x1b: {  	s9 =	sadd.s32 $0xFFFFFEF7, lr;
	s5 =	simm.s32 $0xFFFFFFFF;
	p2 =	slt.u32 s8, $0xFFFFF086  }
0x1c: {  	p1 =	slt.u32 s9, $0xF7A;
	s5 =	simm.s32 @!p2 $0x0  }
0x1d: {  	s5 =	simm.s32 @p1 $0x1;
	p0 =	seq.s32 s7, s2  }
0x1e: {  	s7 =	smul.u32 @!p0 $0xF7A, s2;
	p2 =	seq.s32 @!p0 s5, $0x0  }
0x1f: {  	s9 =	smul.u32 $0xF7A, s1;
	s8 =	simm.s32 @!p0 $0x1BF5;
	p2 =	por !p2, p0  }
0x20: {  	[sflag:s8] =	ssyncset.s32 @!p0 $0xFFFFF086;
	s6 =	sadd.s32 @!p0 s3, s7;
	s7 =	simm.s32 @!p0 $0x108  }
0x21: {  	s3 =	sadd.s32 s3, s9;
	s6 =	sadd.s32 @!p0 $0x88, s6;
	s7 =	simm.s32 @p2 $0x1082  }
0x22: {  	[simem:s7], [sflag:s8] =	dma.local @!p0 [hbm:s6], $0xF7A  }
0x23: {  	s9 =	sor.u32 $0xD0000000, s2;
	s6 =	simm.s32 $0x108;
	_ =	swait.ge @!p0 [sflag:s8], $0x0  }
0x24: {  	s3 =	sadd.s32 $0x88, s3;
	s6 =	simm.s32 @!p1 $0x1082;
	[sflag:s4] =	ssyncset.s32 $0xFFFFF086  }
0x25: {  	[simem:s6], [sflag:s4] =	dma.local [hbm:s3], $0xF7A  }
0x26: {  	[smem:$0x3F95] =	sst s1;
	(tag) =	ssettag s2;
	_ =	strace s9  }
0x27: {  	s1 =	sld [smem:$0x3FA5]  }
0x28: {  	s2 =	sld [smem:$0x3FA6]  }
0x29: {  	s4 =	sld [smem:$0x3FA8]  }
0x2a: {  	p0 =	seq.s32 s5, $0x0;
	s5 =	sld [smem:$0x3FA9]  }
0x2b: {  	s6 =	sld [smem:$0x3FAA]  }
0x2c: {  	s7 =	sld [smem:$0x3FAB]  }
0x2d: {  	s3 =	simm.s32 $0x108;
	s8 =	sld [smem:$0x3FAC]  }
0x2e: {  	s3 =	simm.s32 @!p0 $0x1082;
	s9 =	sld [smem:$0x3FAD]  }
0x2f: {  	lr =	sadd.s32 s0, s3;
	s0 =	sld [smem:$0x3FA4]  }
0x30: {  	s3 =	sld [smem:$0x3FA7]  }
0x31: {  	[smem:$0x3FB0] =	sst s10  }
0x32: {  	s10 =	sld [smem:$0x3FAE];
	_ =	sdelay $0x3  }
0x33: {  	p0 =	seq.s32 s10, $0x1;
	s10 =	sld [smem:$0x3FB0];
	_ =	sdelay $0x3  }
0x34: {  	[smem:$0x3FB0] =	sst s10  }
0x35: {  	s10 =	sld [smem:$0x3FAF];
	_ =	sdelay $0x3  }
0x36: {  	p1 =	seq.s32 s10, $0x1;
	s10 =	sld [smem:$0x3FB0];
	_ =	sdelay $0x3  }
0x37: {  	[smem:$0x3FB0] =	sst s10  }
0x38: {  	s10 =	sld [smem:$0x3FB1]  }
0x39: {  	_ = 	snop;
	(pc) =	sbr.ind lr, $3  }
0x3a: {  	_ = 	snop  }
0x3b: {  	_ = 	snop  }
0x3c: {  	p2 =	seq.s32 s10, $0x1;
	s10 =	sld [smem:$0x3FB0]  }
0x3d: {  	_ =	shalt  }
0x3e: {  	_ =	shalt  }
0x3f: {  	_ =	shalt  }
0x40: {  	_ =	shalt  }
0x41: {  	_ =	shalt  }
0x42: {  	_ =	shalt  }
0x43: {  	_ =	shalt  }
0x44: {  	_ =	shalt  }
0x45: {  	_ =	shalt  }
0x46: {  	_ =	shalt  }
0x47: {  	_ =	shalt  }
0x48: {  	_ =	shalt  }
0x49: {  	_ =	shalt  }
0x4a: {  	_ =	shalt  }
0x4b: {  	_ =	shalt  }
0x4c: {  	_ =	shalt  }
0x4d: {  	_ =	shalt  }
0x4e: {  	_ =	shalt  }
0x4f: {  	_ =	shalt  }
0x50: {  	_ =	shalt  }
0x51: {  	_ =	shalt  }
0x52: {  	_ =	shalt  }
0x53: {  	_ =	shalt  }
0x54: {  	_ =	shalt  }
0x55: {  	_ =	shalt  }
0x56: {  	_ =	shalt  }
0x57: {  	_ =	shalt  }
0x58: {  	_ =	shalt  }
0x59: {  	_ =	shalt  }
0x5a: {  	_ =	shalt  }
0x5b: {  	_ =	shalt  }
0x5c: {  	_ =	shalt  }
0x5d: {  	_ =	shalt  }
0x5e: {  	_ =	shalt  }
0x5f: {  	_ =	shalt  }
0x60: {  	_ =	shalt  }
0x61: {  	_ =	shalt  }
0x62: {  	_ =	shalt  }
0x63: {  	_ =	shalt  }
0x64: {  	_ =	shalt  }
0x65: {  	_ =	shalt  }
0x66: {  	_ =	shalt  }
0x67: {  	_ =	shalt  }
0x68: {  	_ =	shalt  }
0x69: {  	_ =	shalt  }
0x6a: {  	_ =	shalt  }
0x6b: {  	_ =	shalt  }
0x6c: {  	_ =	shalt  }
0x6d: {  	_ =	shalt  }
0x6e: {  	_ =	shalt  }
0x6f: {  	_ =	shalt  }
0x70: {  	_ =	shalt  }
0x71: {  	_ =	shalt  }
0x72: {  	_ =	shalt  }
0x73: {  	_ =	shalt  }
0x74: {  	_ =	shalt  }
0x75: {  	_ =	shalt  }
0x76: {  	_ =	shalt  }
0x77: {  	_ =	shalt  }
0x78: {  	_ =	shalt  }
0x79: {  	_ =	shalt  }
0x7a: {  	_ =	shalt  }
0x7b: {  	_ =	shalt  }
0x7c: {  	_ =	shalt  }
0x7d: {  	_ =	shalt  }
0x7e: {  	_ =	shalt  }
0x7f: {  	_ =	shalt  }
0x80: {  	_ =	shalt  }
0x81: {  	_ =	shalt  }
0x82: {  	_ =	shalt  }
0x83: {  	_ =	shalt  }
0x84: {  	_ =	shalt  }
0x85: {  	_ =	shalt  }
0x86: {  	_ =	shalt  }
0x87: {  	_ =	shalt  }
.Lfunc_end0:
.L_simem_size_0:
called_computation.2_lowered:
.L_overlay_start_0:
0x88: {  	s2 =	sld [smem:$0x3FD9]  }
0x89: {  	s3 =	sld [smem:$0x3FFE];
	_ =	sdelay $0x1  }
0x8a: {  	s1 =	srdreg.scid  }
0x8b: {  	s0 =	sand.u32 $0x1, s1  }
0x8c: {  	s17 =	sshll.u32 s0, $0xA;
	s2 =	sadd.s32 s3, s2  }
0x8d: {  	s2 =	sadd.s32 s2, s17  }
0x8e: {  	[smem:$0x3FBC] =	sst s2  }
0x8f: {  	_ = 	snop  }
0x90: {  	s2 =	sld [smem:$0x3FD0];
	(tm) =	ssettm $0x1  }
0x91: {  	s18 =	sld [smem:$0x3FFB];
	_ =	sdelay $0x3  }
0x92: {  	_ =	strace s18  }
0x93: {  	s3 =	sld [smem:$0x3FFC];
	_ =	sdelay $0x3  }
0x94: {  	_ =	strace s3  }
0x95: {  	s3 =	sld [smem:$0x3FFD];
	_ =	sdelay $0x3  }
0x96: {  	_ =	strace s3  }
0x97: {  	_ =	strace $0x8FFFFFFF  }
0x98: {  	s19 =	sld [smem:$0x3FDB];
	_ =	sdelay $0x1  }
0x99: {  	s4 =	simm.s32 $_scs_section_size  }
0x9a: {  	s5 =	simm.s32 $_size__tile_overlayer_lowered;
	s6 =	simm.s32 $_tile_overlayer_lowered  }
0x9b: {  	s22 =	simm.s32 $0x1BFF;
	s21 =	sshll.u32 s6, $0x1;
	s3 =	sadd.s32 s4, s19  }
0x9c: {  	s7 =	simm.s32 $0x0;
	s20 =	sshll.u32 s5, $0x1;
	s5 =	sadd.s32 s21, s3  }
0x9d: {  	[timem:s7], [sflag:s22] =	dma.local [hbm:s5], s20  }
0x9e: {  	_ =	swait.ge [sflag:s22], s20  }
0x9f: {  	s4 =	ssub.s32 $0x0, s20;
	[sflag:s22] =	ssyncset.done $0x0  }
0xa0: {  	[sflag:s22] =	ssyncadd.s32 s4;
	_ =	sdelay $0x1  }
0xa1: {  	s23 =	simm.s32 $0x1B8B  }
0xa2: {  	_ =	swait.ge [sflag:s23], $0x1  }
0xa3: {  	[sflag:s23] =	ssyncset.done $0x0  }
0xa4: {  	s25 =	simm.s32 $0x1B8E;
	s24 =	sld [smem:$0x3FFE];
	[sflag:s23] =	ssyncadd.s32 $0xFFFFFFFF  }
0xa5: {  	s26 =	simm.s32 $execute0_lowered;
	[smem:$0x3FD2] =	sst s25  }
0xa6: {  	s5 =	sshll.u32 s26, $0x1;
	_ =	strace $0x8000004C;
	[dreg:$0x1] =	wrdreg $0xFFFFFFFF  }
0xa7: {  	s28 =	simm.s32 $_size_execute0_lowered;
	s3 =	sadd.s32 s3, s5;
	[dreg:$0x0] =	wrdreg $0x0  }
0xa8: {  	s5 =	sshll.u32 s28, $0x1;
	[dreg:$0x2] =	wrdreg s3  }
0xa9: {  	[dreg:$0x3] =	wrdreg s5  }
0xaa: {  	[dreg:$0x4] =	wrdreg $0xC0  }
0xab: {  	_ =	task [dreg:s7], $0x5FFFF  }
0xac: {  	[dreg:$0x1] =	wrdreg $0xFFFFFFFF  }
0xad: {  	[dreg:$0x0] =	wrdreg $0x60  }
0xae: {  	[dreg:$0x2] =	wrdreg s24  }
0xaf: {  	[dreg:$0x3] =	wrdreg s2  }
0xb0: {  	[dreg:$0x4] =	wrdreg $0xF8000  }
0xb1: {  	[dreg:$0x5] =	wrdreg $0x9  }
0xb2: {  	_ =	task.clear_ibuf [dreg:s7], $0x6FFFF;
	_ =	strace $0x9000004C  }
0xb3: {  	s29 =	simm.s32 $0x9;
	_ =	strace $0x8000004E  }
0xb4: {  	_ =	swait.ge [sflag:s29], $0x1  }
0xb5: {  	[sflag:s29] =	ssyncadd.s32 $0xFFFFFFFF  }
0xb6: {  	_ =	strace $0x9000004E  }
0xb7: {  	_ =	sfence  }
0xb8: {  	s30 =	sld [smem:$0x0];
	_ =	sdelay $0x2  }
0xb9: {  	s31 =	sshll.u32 s1, $0xD;
	s1 =	sshrl.u32 s1, $0x2  }
0xba: {  	s3 =	sand.u32 $0x4000, s31;
	s1 =	sadd.s32 s1, s30  }
0xbb: {  	s0 =	sor.u32 s3, s0;
	s1 =	sshll.u32 s1, $0x11  }
0xbc: {  	s0 =	sor.u32 s1, s0  }
0xbd: {  	s0 =	sadd.s32 $0x8F2B, s0  }
0xbe: {  	[sflag:s0] =	ssyncadd.remote.s32 $0x1  }
0xbf: {  	_ =	sfence.sel $0xFFFF  }
0xc0: {  	[dreg:$0x0] =	wrdreg $0xFFFFFFFF;
	(pc) =	sbr.abs _section_cstart, $3  }
0xc1: {  	[dreg:$0x1] =	wrdreg $0xFFFFFFFF  }
0xc2: {  	_ =	task.clear_ibuf [dreg:s7], $0x2FFFF;
	_ =	strace $0x9FFFFFFF  }
0xc3: {  	(tm) =	ssettm $0x7FFFFFFF  }
tec
execute0_lowered:
.L_overlay_start_1:
0x0: {  	(tag) =	ssettag $0x1  }
0x1: {  	s5 =	rddreg [dreg:$0x0]  }
0x2: {  	s6 =	rddreg [dreg:$0x1];
	s0 =	stileid.u32  }
0x3: {  	s1 =	srdreg.scid;
	s2 =	rddreg [dreg:$0x2];
	s3 =	simm.s32 $0x0  }
0x4: {  	s14 =	simm.s32 $0x2800;
	s15 =	simm.s32 $0x7800;
	s16 =	simm.s32 $0x80  }
0x5: {  	s17 =	simm.s32 $0x1;
	s18 =	simm.s32 $0xB800;
	s19 =	simm.s32 $0x2  }
0x6: {  	s20 =	simm.s32 $0x2780;
	s22 =	simm.s32 $0x7780;
	s7 =	smul.u32 $0x500, s0  }
0x7: {  	s21 =	sand.u32 $0x1, s1;
	s1 =	rddreg [dreg:$0x3];
	s9 =	smul.u32 $0xA400, s0  }
0x8: {  	s23 =	simm.s32 $0x0;
	[smem:$0x7FF] =	sst s3;
	s10 =	smul.u32 $0x29000, s0  }
0x9: {  	s4 =	sadd.s32 $0xABC00, s5;
	s8 =	smul.u32 $0x148000, s21;
	_ =	strace $0x8000004D  }
0xa: {  	s31 =	ssub.s32 $0x2, s21;
	v0 =	vmov s21;
	s21 =	simm.s32 $0x7700;
	s11 =	sadd.s32 s7, s5  }
0xb: {  	s12 =	sshrl.u32 s31, $0x1;
	s10 =	sshrl.u32 s10, $0x2;
	s8 =	sadd.s32 s9, s8  }
0xc: {  	s6 =	sadd.s32 s6, s7;
	s12 =	ssub.s32 s31, s12;
	s8 =	sshrl.u32 s8, $0x3  }
0xd: {  	s7 =	sadd.s32 $0x6C00, s11;
	s13 =	sadd.s32 s8, s5;
	s5 =	sadd.s32 s10, s2  }
0xe: {  	s12 =	smax.u32 s12, $0x1;
	s8 =	sadd.s32 $0x4000, s5;
	s9 =	sadd.s32 $0x8000, s5  }
0xf: {  	v1 =	vimm.f32 $0.0e+00;
	s10 =	sadd.s32 $0xFBC00, s13;
	s11 =	sadd.s32 $0x110400, s13;
	s13 =	simm.s32 $0x3  }
.LBB2_1:
0x10: {  	[tilespmem:s3], [sflag:$0x3] =	stream.linear.gather [hbm4b:s6+s3], $0x2800, $0x38;
	[tilespmem:$0x19C00] =	vst v63  }
0x11: {  	_ =	swait.ge [sflag:s13], $0x2800  }
0x12: {  	[sflag:s13] =	ssyncset.done $0x0  }
0x13: {  	[sflag:s13] =	ssyncadd.s32 $0xFFFFD800  }
0x14: {  	[tilespmem:s14], [sflag:$0x3] =	stream.linear.gather [hbm4b:s7+s3], $0x2800, $0x38;
	[tilespmem:$0x19C00] =	vst v63  }
0x15: {  	_ =	swait.ge [sflag:s13], $0x2800  }
0x16: {  	[sflag:s13] =	ssyncset.done $0x0  }
0x17: {  	s24 =	simm.s32 $0x0;
	s25 =	simm.s32 $0x200;
	[sflag:s13] =	ssyncadd.s32 $0xFFFFD800  }
.LBB2_2:
0x18: {  	p0 =	sne.s32 s25, $0xFE00;
	[tilespmem:s24+$0x7870] =	vst v1  }
0x19: {  	[tilespmem:s24+$0x7800] =	vst v1  }
0x1a: {  	[tilespmem:s24+$0x7810] =	vst v1  }
.Ltmp0:
0x1b: {  	[tilespmem:s24+$0x7820] =	vst v1;
	(pc) =	sbr.rel @p0 .LBB2_2-.Ltmp0, $4  }
0x1c: {  	[tilespmem:s24+$0x7830] =	vst v1  }
0x1d: {  	[tilespmem:s24+$0x7840] =	vst v1  }
0x1e: {  	[tilespmem:s24+$0x7850] =	vst v1  }
0x1f: {  	[tilespmem:s24+$0x7860] =	vst v1;
	s24 =	sshra.s32 s25, $0x2;
	s25 =	sadd.s32 $0x200, s25  }
0x20: {  	[tilespmem:s24+$0x7870] =	vst v1  }
0x21: {  	[tilespmem:s24+$0x7800] =	vst v1  }
0x22: {  	[tilespmem:s24+$0x7810] =	vst v1  }
0x23: {  	[tilespmem:s24+$0x7820] =	vst v1  }
0x24: {  	[tilespmem:s24+$0x7830] =	vst v1  }
0x25: {  	[tilespmem:s24+$0x7840] =	vst v1  }
0x26: {  	[tilespmem:s24+$0x7850] =	vst v1  }
0x27: {  	[tilespmem:s24+$0x7860] =	vst v1;
	s24 =	simm.s32 $0x0  }
0x28: {  	v3 =	vld [tilespmem:s24+$0x0]  }
0x29: {  	v4 =	vld [tilespmem:s24+$0x10]  }
0x2a: {  	v6 =	vld [tilespmem:s24+$0x20]  }
0x2b: {  	v5 =	vld [tilespmem:s24+$0x30]  }
0x2c: {  	v2 =	vld [tilespmem:s24+$0x40]  }
0x2d: {  	v7 =	vshll.u32 v3, $0x1;
	v3 =	vld [tilespmem:s24+$0x50]  }
0x2e: {  	s26 =	simm.s32 $0x200;
	s25 =	simm.s32 $0x0;
	v8 =	vshll.u32 v4, $0x1;
	v4 =	vld [tilespmem:s24+$0x60];
	v7 =	vor.u32 v0, v7  }
.LBB2_4:
0x2f: {  	s28 =	sshra.s32 s26, $0x2;
	p0 =	sne.s32 s26, $0x9E00;
	[tilespmem:s25+$0x0] =	vst v7;
	v7 =	vor.u32 v0, v8;
	v6 =	vshll.u32 v6, $0x1;
	v8 =	vld [tilespmem:s25+$0x70]  }
0x30: {  	v9 =	vld [tilespmem:s28+$0x0];
	[tilespmem:s25+$0x10] =	vst v7;
	v6 =	vor.u32 v0, v6;
	v5 =	vshll.u32 v5, $0x1  }
0x31: {  	v10 =	vld [tilespmem:s28+$0x10];
	[tilespmem:s25+$0x20] =	vst v6;
	v5 =	vor.u32 v0, v5;
	v2 =	vshll.u32 v2, $0x1  }
.Ltmp1:
0x32: {  	v6 =	vld [tilespmem:s28+$0x20];
	[tilespmem:s25+$0x30] =	vst v5;
	v2 =	vor.u32 v0, v2;
	v3 =	vshll.u32 v3, $0x1;
	(pc) =	sbr.rel @p0 .LBB2_4-.Ltmp1, $4  }
0x33: {  	v5 =	vld [tilespmem:s28+$0x30];
	[tilespmem:s25+$0x40] =	vst v2;
	v3 =	vor.u32 v0, v3;
	v4 =	vshll.u32 v4, $0x1  }
0x34: {  	v2 =	vld [tilespmem:s28+$0x40];
	[tilespmem:s25+$0x50] =	vst v3;
	v4 =	vor.u32 v0, v4;
	v7 =	vshll.u32 v8, $0x1  }
0x35: {  	v8 =	vshll.u32 v9, $0x1;
	v3 =	vld [tilespmem:s28+$0x50];
	[tilespmem:s25+$0x60] =	vst v4;
	v9 =	vor.u32 v0, v7  }
0x36: {  	s26 =	sadd.s32 $0x200, s26;
	v7 =	vor.u32 v0, v8;
	v8 =	vshll.u32 v10, $0x1;
	v4 =	vld [tilespmem:s28+$0x60];
	[tilespmem:s25+$0x70] =	vst v9;
	s25 =	smov.u32 s28  }
0x37: {  	[tilespmem:s25+$0x0] =	vst v7;
	v7 =	vor.u32 v0, v8;
	v6 =	vshll.u32 v6, $0x1;
	v8 =	vld [tilespmem:s25+$0x70]  }
0x38: {  	[tilespmem:s25+$0x10] =	vst v7;
	v6 =	vor.u32 v0, v6;
	v5 =	vshll.u32 v5, $0x1  }
0x39: {  	[tilespmem:s25+$0x20] =	vst v6;
	v5 =	vor.u32 v0, v5;
	v2 =	vshll.u32 v2, $0x1  }
0x3a: {  	[tilespmem:s25+$0x30] =	vst v5;
	v2 =	vor.u32 v0, v2;
	v3 =	vshll.u32 v3, $0x1  }
0x3b: {  	[tilespmem:s25+$0x40] =	vst v2;
	v2 =	vor.u32 v0, v3;
	v3 =	vshll.u32 v4, $0x1  }
0x3c: {  	[tilespmem:s25+$0x50] =	vst v2;
	v2 =	vor.u32 v0, v3;
	v3 =	vshll.u32 v8, $0x1  }
0x3d: {  	[tilespmem:s25+$0x60] =	vst v2;
	v2 =	vor.u32 v0, v3  }
0x3e: {  	[tilespmem:s25+$0x70] =	vst v2  }
0x3f: {  	v3 =	vld [tilespmem:s24+$0x2870]  }
0x40: {  	v6 =	vld [tilespmem:s24+$0x2800]  }
0x41: {  	v7 =	vld [tilespmem:s24+$0x2810]  }
0x42: {  	v5 =	vld [tilespmem:s24+$0x2820]  }
0x43: {  	v4 =	vld [tilespmem:s24+$0x2830]  }
0x44: {  	v2 =	vld [tilespmem:s24+$0x2840];
	v8 =	vmin.u32 v3, $0x1400  }
0x45: {  	v3 =	vld [tilespmem:s24+$0x2850];
	v6 =	vmin.u32 v6, $0x1400;
	[tilespmem:s24+$0x5070] =	vst v8  }
0x46: {  	s26 =	simm.s32 $0x400;
	s25 =	simm.s32 $0x80;
	v7 =	vmin.u32 v7, $0x1400;
	[tilespmem:s24+$0x5000] =	vst v6;
	v6 =	vld [tilespmem:s24+$0x2860]  }
.LBB2_6:
0x47: {  	p0 =	sne.s32 s26, $0x9E00;
	v8 =	vld [tilespmem:s25+$0x2870];
	[tilespmem:s24+$0x5010] =	vst v7;
	v5 =	vmin.u32 v5, $0x1400  }
0x48: {  	v7 =	vld [tilespmem:s25+$0x2800];
	[tilespmem:s24+$0x5020] =	vst v5;
	v4 =	vmin.u32 v4, $0x1400  }
0x49: {  	v9 =	vld [tilespmem:s25+$0x2810];
	[tilespmem:s24+$0x5030] =	vst v4;
	v2 =	vmin.u32 v2, $0x1400  }
.Ltmp2:
0x4a: {  	v5 =	vld [tilespmem:s25+$0x2820];
	[tilespmem:s24+$0x5040] =	vst v2;
	v2 =	vmin.u32 v3, $0x1400;
	(pc) =	sbr.rel @p0 .LBB2_6-.Ltmp2, $4  }
0x4b: {  	v4 =	vld [tilespmem:s25+$0x2830];
	[tilespmem:s24+$0x5050] =	vst v2;
	v3 =	vmin.u32 v6, $0x1400  }
0x4c: {  	v2 =	vld [tilespmem:s25+$0x2840];
	v6 =	vmin.u32 v8, $0x1400;
	[tilespmem:s24+$0x5060] =	vst v3;
	s24 =	smov.u32 s25  }
0x4d: {  	v7 =	vmin.u32 v7, $0x1400;
	v3 =	vld [tilespmem:s24+$0x2850];
	[tilespmem:s24+$0x5070] =	vst v6  }
0x4e: {  	s25 =	sshra.s32 s26, $0x2;
	s26 =	sadd.s32 $0x200, s26;
	[tilespmem:s24+$0x5000] =	vst v7;
	v7 =	vmin.u32 v9, $0x1400;
	v6 =	vld [tilespmem:s24+$0x2860]  }
0x4f: {  	v8 =	vld [tilespmem:s25+$0x2870];
	[tilespmem:s24+$0x5010] =	vst v7;
	v5 =	vmin.u32 v5, $0x1400  }
0x50: {  	v7 =	vld [tilespmem:s25+$0x2800];
	[tilespmem:s24+$0x5020] =	vst v5;
	v4 =	vmin.u32 v4, $0x1400  }
0x51: {  	v5 =	vld [tilespmem:s25+$0x2810];
	[tilespmem:s24+$0x5030] =	vst v4;
	v2 =	vmin.u32 v2, $0x1400  }
0x52: {  	v4 =	vld [tilespmem:s25+$0x2820];
	[tilespmem:s24+$0x5040] =	vst v2;
	v2 =	vmin.u32 v3, $0x1400  }
0x53: {  	v3 =	vld [tilespmem:s25+$0x2830];
	[tilespmem:s24+$0x5050] =	vst v2;
	v2 =	vmin.u32 v6, $0x1400  }
0x54: {  	v61 =	vld [tilespmem:s25+$0x2840];
	[tilespmem:s24+$0x5060] =	vst v2;
	v2 =	vmin.u32 v8, $0x1400  }
0x55: {  	v62 =	vld [tilespmem:s25+$0x2850];
	v7 =	vmin.u32 v7, $0x1400;
	[tilespmem:s25+$0x5070] =	vst v2  }
0x56: {  	v63 =	vld [tilespmem:s25+$0x2860];
	[tilespmem:s25+$0x5000] =	vst v7;
	v2 =	vmin.u32 v5, $0x1400  }
0x57: {  	[tilespmem:s25+$0x5010] =	vst v2;
	v2 =	vmin.u32 v4, $0x1400  }
0x58: {  	[tilespmem:s25+$0x5020] =	vst v2;
	v2 =	vmin.u32 v3, $0x1400  }
0x59: {  	[tilespmem:s25+$0x5030] =	vst v2;
	v2 =	vmin.u32 v61, $0x1400  }
0x5a: {  	[tilespmem:s25+$0x5040] =	vst v2;
	v2 =	vmin.u32 v62, $0x1400  }
0x5b: {  	[tilespmem:s25+$0x5050] =	vst v2;
	v2 =	vmin.u32 v63, $0x1400  }
0x5c: {  	[tilespmem:s25+$0x5060] =	vst v2  }
0x5d: {  	[spmem:s5] =	stream.linear.scatter [tilespmem:s15], [sflag:$0x3], $0x4000, $0x38;
	[tilespmem:$0x19C00] =	vst v63  }
0x5e: {  	_ =	swait.ge [sflag:s13], $0x4000  }
0x5f: {  	[sflag:s13] =	ssyncset.done $0x0  }
0x60: {  	[sflag:s13] =	ssyncadd.s32 $0xFFFFC000  }
0x61: {  	[spmem:s8] =	stream.linear.scatter [tilespmem:s15], [sflag:$0x3], $0x4000, $0x38;
	[tilespmem:$0x19C00] =	vst v63  }
0x62: {  	_ =	swait.ge [sflag:s13], $0x4000  }
0x63: {  	[sflag:s13] =	ssyncset.done $0x0  }
0x64: {  	[sflag:s13] =	ssyncadd.s32 $0xFFFFC000  }
0x65: {  	[spmem:s9] =	stream.linear.scatter [tilespmem:s15], [sflag:$0x3], $0x2400, $0x38;
	[tilespmem:$0x19C00] =	vst v63  }
0x66: {  	_ =	swait.ge [sflag:s13], $0x2400  }
0x67: {  	[sflag:s13] =	ssyncset.done $0x0  }
0x68: {  	[sflag:s13] =	ssyncadd.s32 $0xFFFFDC00  }
0x69: {  	s26 =	simm.s32 $0x0;
	[bflag:$0x0] =	sbarrier.arrive $0xFFFF  }
0x6a: {  	[tilespmem:s15], [sflag:$0x1] =	stream.indirect.gather [hbm4b:s4+s16], $0x80, s26, s16, $0xb8;
	[tilespmem:$0x19C00] =	vst v63  }
0x6b: {  	_ =	swait.ge [sflag:s17], $0x4000  }
0x6c: {  	[sflag:s17] =	ssyncset.done $0x0  }
0x6d: {  	s28 =	simm.s32 $0x80;
	[sflag:s17] =	ssyncadd.s32 $0xFFFFC000  }
0x6e: {  	[tilespmem:s18], [sflag:$0x2] =	stream.indirect.gather [hbm4b:s4+s16], $0x80, s28, s16, $0xb8;
	[tilespmem:$0x19C00] =	vst v63  }
0x6f: {  	s29 =	simm.s32 $0x5000  }
0x70: {  	[spmem:s2] =	stream.indirect.scatter.add.f32 [tilespmem:s15], [sflag:$0x3], $0x80, s29, s16, $0xb8;
	[tilespmem:$0x19C00] =	vst v63  }
0x71: {  	_ =	swait.ge [sflag:s13], $0x4000  }
0x72: {  	[sflag:s13] =	ssyncset.done $0x0  }
0x73: {  	s30 =	simm.s32 $0x100;
	[sflag:s13] =	ssyncadd.s32 $0xFFFFC000  }
0x74: {  	[tilespmem:s15], [sflag:$0x1] =	stream.indirect.gather [hbm4b:s4+s16], $0x80, s30, s16, $0xb8;
	[tilespmem:$0x19C00] =	vst v63  }
0x75: {  	_ =	swait.ge [sflag:s19], $0x4000  }
0x76: {  	[sflag:s19] =	ssyncset.done $0x0  }
0x77: {  	s31 =	simm.s32 $0x5080;
	[sflag:s19] =	ssyncadd.s32 $0xFFFFC000  }
0x78: {  	[spmem:s2] =	stream.indirect.scatter.add.f32 [tilespmem:s18], [sflag:$0x3], $0x80, s31, s16, $0xb8;
	[tilespmem:$0x19C00] =	vst v63  }
0x79: {  	_ =	swait.ge [sflag:s13], $0x4000  }
0x7a: {  	s24 =	simm.s32 $0x400;
	[sflag:s13] =	ssyncset.done $0x0  }
.LBB2_8:
0x7b: {  	p0 =	sne.s32 s24, $0x9800  }
0x7c: {  	[sflag:s13] =	ssyncadd.s32 $0xFFFFC000;
	s25 =	smov.u32 s24;
	s24 =	sadd.s32 $0x400, s24  }
0x7d: {  	_ =	swait.ge [sflag:s17], $0x4000  }
0x7e: {  	s25 =	sshra.s32 s25, $0x2;
	[sflag:s17] =	ssyncset.done $0x0  }
0x7f: {  	s26 =	sadd.s32 $0x80, s25;
	[sflag:s17] =	ssyncadd.s32 $0xFFFFC000  }
0x80: {  	[tilespmem:s18], [sflag:$0x2] =	stream.indirect.gather [hbm4b:s4+s16], $0x80, s26, s16, $0xb8;
	[tilespmem:$0x19C00] =	vst v63  }
0x81: {  	s26 =	sadd.s32 $0x5000, s25  }
0x82: {  	[spmem:s2] =	stream.indirect.scatter.add.f32 [tilespmem:s15], [sflag:$0x3], $0x80, s26, s16, $0xb8;
	[tilespmem:$0x19C00] =	vst v63  }
0x83: {  	_ =	swait.ge [sflag:s13], $0x4000  }
0x84: {  	[sflag:s13] =	ssyncset.done $0x0  }
0x85: {  	s26 =	sadd.s32 $0x100, s25;
	[sflag:s13] =	ssyncadd.s32 $0xFFFFC000  }
0x86: {  	[tilespmem:s15], [sflag:$0x1] =	stream.indirect.gather [hbm4b:s4+s16], $0x80, s26, s16, $0xb8;
	[tilespmem:$0x19C00] =	vst v63  }
0x87: {  	_ =	swait.ge [sflag:s19], $0x4000  }
.Ltmp3:
0x88: {  	[sflag:s19] =	ssyncset.done $0x0;
	(pc) =	sbr.rel @p0 .LBB2_8-.Ltmp3, $4  }
0x89: {  	s25 =	sadd.s32 $0x5080, s25;
	[sflag:s19] =	ssyncadd.s32 $0xFFFFC000  }
0x8a: {  	[spmem:s2] =	stream.indirect.scatter.add.f32 [tilespmem:s18], [sflag:$0x3], $0x80, s25, s16, $0xb8;
	[tilespmem:$0x19C00] =	vst v63  }
0x8b: {  	_ =	swait.ge [sflag:s13], $0x4000  }
0x8c: {  	[sflag:s13] =	ssyncset.done $0x0  }
0x8d: {  	[sflag:s13] =	ssyncadd.s32 $0xFFFFC000  }
0x8e: {  	_ =	swait.ge [sflag:s17], $0x4000  }
0x8f: {  	[sflag:s17] =	ssyncset.done $0x0  }
0x90: {  	[sflag:s17] =	ssyncadd.s32 $0xFFFFC000  }
0x91: {  	[tilespmem:s18], [sflag:$0x2] =	stream.indirect.gather [hbm4b:s4+s16], $0x80, s20, s16, $0xb8;
	[tilespmem:$0x19C00] =	vst v63  }
0x92: {  	_ = 	snop  }
0x93: {  	[spmem:s2] =	stream.indirect.scatter.add.f32 [tilespmem:s15], [sflag:$0x3], $0x80, s21, s16, $0xb8;
	[tilespmem:$0x19C00] =	vst v63  }
0x94: {  	_ =	swait.ge [sflag:s13], $0x4000  }
0x95: {  	[sflag:s13] =	ssyncset.done $0x0  }
0x96: {  	[sflag:s13] =	ssyncadd.s32 $0xFFFFC000  }
0x97: {  	[tilespmem:s15], [sflag:$0x1] =	stream.indirect.gather [hbm4b:s4+s16], $0x80, s20, s16, $0xb8;
	[tilespmem:$0x19C00] =	vst v63  }
0x98: {  	_ =	swait.ge [sflag:s19], $0x4000  }
0x99: {  	[sflag:s19] =	ssyncset.done $0x0  }
0x9a: {  	[sflag:s19] =	ssyncadd.s32 $0xFFFFC000  }
0x9b: {  	[spmem:s2] =	stream.indirect.scatter.add.f32 [tilespmem:s18], [sflag:$0x3], $0x80, s22, s16, $0xb8;
	[tilespmem:$0x19C00] =	vst v63  }
0x9c: {  	_ =	swait.ge [sflag:s13], $0x4000  }
0x9d: {  	[sflag:s13] =	ssyncset.done $0x0  }
0x9e: {  	[sflag:s13] =	ssyncadd.s32 $0xFFFFC000  }
0x9f: {  	_ =	swait.ge [sflag:s17], $0x4000  }
0xa0: {  	[sflag:s17] =	ssyncset.done $0x0  }
0xa1: {  	s24 =	sshll.u32 s0, $0x6;
	[sflag:s17] =	ssyncadd.s32 $0xFFFFC000  }
0xa2: {  	s25 =	sshrl.u32 s5, $0x3;
	s24 =	sor.u32 $0x1C03, s24;
	[bflag:$0x0] =	sbarrier.arrive $0xFFFF  }
0xa3: {  	[hbm:s10], [sflag:s24] =	dma.local [spmem:s25], $0x1480  }
0xa4: {  	_ =	swait.ge [sflag:s13], $0x1480  }
0xa5: {  	[sflag:s13] =	ssyncset.done $0x0  }
0xa6: {  	[sflag:s13] =	ssyncadd.s32 $0xFFFFEB80  }
0xa7: {  	s26 =	simm.s32 $0x0;
	s28 =	simm.s32 $0x200;
	[bflag:$0x0] =	sbarrier.arrive $0xFFFF  }
.LBB2_10:
0xa8: {  	p0 =	sne.s32 s28, $0xFE00;
	[tilespmem:s26+$0x7870] =	vst v1  }
0xa9: {  	[tilespmem:s26+$0x7800] =	vst v1  }
0xaa: {  	[tilespmem:s26+$0x7810] =	vst v1  }
.Ltmp4:
0xab: {  	[tilespmem:s26+$0x7820] =	vst v1;
	(pc) =	sbr.rel @p0 .LBB2_10-.Ltmp4, $4  }
0xac: {  	[tilespmem:s26+$0x7830] =	vst v1  }
0xad: {  	[tilespmem:s26+$0x7840] =	vst v1  }
0xae: {  	[tilespmem:s26+$0x7850] =	vst v1  }
0xaf: {  	[tilespmem:s26+$0x7860] =	vst v1;
	s26 =	sshra.s32 s28, $0x2;
	s28 =	sadd.s32 $0x200, s28  }
0xb0: {  	[tilespmem:s26+$0x7870] =	vst v1  }
0xb1: {  	[tilespmem:s26+$0x7800] =	vst v1  }
0xb2: {  	[tilespmem:s26+$0x7810] =	vst v1  }
0xb3: {  	[tilespmem:s26+$0x7820] =	vst v1  }
0xb4: {  	[tilespmem:s26+$0x7830] =	vst v1  }
0xb5: {  	[tilespmem:s26+$0x7840] =	vst v1  }
0xb6: {  	[tilespmem:s26+$0x7850] =	vst v1  }
0xb7: {  	[tilespmem:s26+$0x7860] =	vst v1;
	s28 =	simm.s32 $0x0  }
0xb8: {  	v2 =	vld [tilespmem:s28+$0x2870]  }
0xb9: {  	v4 =	vld [tilespmem:s28+$0x2800]  }
0xba: {  	v8 =	vld [tilespmem:s28+$0x2810]  }
0xbb: {  	v6 =	vld [tilespmem:s28+$0x2820]  }
0xbc: {  	v5 =	vld [tilespmem:s28+$0x2830]  }
0xbd: {  	v3 =	vld [tilespmem:s28+$0x2840];
	v7 =	vadd.s32 $0xFFFFEC00, v2  }
0xbe: {  	v2 =	vld [tilespmem:s28+$0x2850];
	v9 =	vadd.s32 $0xFFFFEC00, v4;
	v10 =	vmin.u32 v7, $0x1400  }
0xbf: {  	s26 =	simm.s32 $0x80;
	s29 =	simm.s32 $0x400;
	v4 =	vld [tilespmem:s28+$0x2860];
	v8 =	vadd.s32 $0xFFFFEC00, v8;
	v7 =	vmin.u32 v9, $0x1400;
	[tilespmem:s28+$0x5070] =	vst v10  }
.LBB2_12:
0xc0: {  	p0 =	sne.s32 s29, $0x9E00;
	v9 =	vld [tilespmem:s26+$0x2870];
	[tilespmem:s28+$0x5000] =	vst v7;
	v7 =	vmin.u32 v8, $0x1400;
	v6 =	vadd.s32 $0xFFFFEC00, v6  }
0xc1: {  	v8 =	vld [tilespmem:s26+$0x2800];
	[tilespmem:s28+$0x5010] =	vst v7;
	v6 =	vmin.u32 v6, $0x1400;
	v5 =	vadd.s32 $0xFFFFEC00, v5  }
0xc2: {  	v10 =	vld [tilespmem:s26+$0x2810];
	[tilespmem:s28+$0x5020] =	vst v6;
	v5 =	vmin.u32 v5, $0x1400;
	v3 =	vadd.s32 $0xFFFFEC00, v3  }
.Ltmp5:
0xc3: {  	v6 =	vld [tilespmem:s26+$0x2820];
	[tilespmem:s28+$0x5030] =	vst v5;
	v3 =	vmin.u32 v3, $0x1400;
	v2 =	vadd.s32 $0xFFFFEC00, v2;
	(pc) =	sbr.rel @p0 .LBB2_12-.Ltmp5, $4  }
0xc4: {  	v5 =	vld [tilespmem:s26+$0x2830];
	[tilespmem:s28+$0x5040] =	vst v3;
	v2 =	vmin.u32 v2, $0x1400;
	v4 =	vadd.s32 $0xFFFFEC00, v4  }
0xc5: {  	v3 =	vld [tilespmem:s26+$0x2840];
	v7 =	vadd.s32 $0xFFFFEC00, v9;
	[tilespmem:s28+$0x5050] =	vst v2;
	v4 =	vmin.u32 v4, $0x1400  }
0xc6: {  	v8 =	vadd.s32 $0xFFFFEC00, v8;
	v2 =	vld [tilespmem:s26+$0x2850];
	v9 =	vmin.u32 v7, $0x1400;
	[tilespmem:s28+$0x5060] =	vst v4;
	s28 =	smov.u32 s26  }
0xc7: {  	s26 =	sshra.s32 s29, $0x2;
	s29 =	sadd.s32 $0x200, s29;
	v7 =	vmin.u32 v8, $0x1400;
	v8 =	vadd.s32 $0xFFFFEC00, v10;
	v4 =	vld [tilespmem:s28+$0x2860];
	[tilespmem:s28+$0x5070] =	vst v9  }
0xc8: {  	v9 =	vld [tilespmem:s26+$0x2870];
	[tilespmem:s28+$0x5000] =	vst v7;
	v59 =	vmin.u32 v8, $0x1400;
	v6 =	vadd.s32 $0xFFFFEC00, v6  }
0xc9: {  	v60 =	vld [tilespmem:s26+$0x2800];
	[tilespmem:s28+$0x5010] =	vst v59;
	v6 =	vmin.u32 v6, $0x1400;
	v5 =	vadd.s32 $0xFFFFEC00, v5  }
0xca: {  	v7 =	vld [tilespmem:s26+$0x2810];
	[tilespmem:s28+$0x5020] =	vst v6;
	v5 =	vmin.u32 v5, $0x1400;
	v3 =	vadd.s32 $0xFFFFEC00, v3  }
0xcb: {  	v6 =	vld [tilespmem:s26+$0x2820];
	[tilespmem:s28+$0x5030] =	vst v5;
	v3 =	vmin.u32 v3, $0x1400;
	v2 =	vadd.s32 $0xFFFFEC00, v2  }
0xcc: {  	v5 =	vld [tilespmem:s26+$0x2830];
	[tilespmem:s28+$0x5040] =	vst v3;
	v2 =	vmin.u32 v2, $0x1400;
	v4 =	vadd.s32 $0xFFFFEC00, v4  }
0xcd: {  	v3 =	vld [tilespmem:s26+$0x2840];
	[tilespmem:s28+$0x5050] =	vst v2;
	v2 =	vmin.u32 v4, $0x1400;
	v9 =	vadd.s32 $0xFFFFEC00, v9  }
0xce: {  	v61 =	vld [tilespmem:s26+$0x2850];
	[tilespmem:s28+$0x5060] =	vst v2;
	v2 =	vadd.s32 $0xFFFFEC00, v60;
	v62 =	vmin.u32 v9, $0x1400  }
0xcf: {  	v63 =	vld [tilespmem:s26+$0x2860];
	v2 =	vmin.u32 v2, $0x1400;
	v7 =	vadd.s32 $0xFFFFEC00, v7;
	[tilespmem:s26+$0x5070] =	vst v62  }
0xd0: {  	[tilespmem:s26+$0x5000] =	vst v2;
	v2 =	vmin.u32 v7, $0x1400;
	v6 =	vadd.s32 $0xFFFFEC00, v6  }
0xd1: {  	[tilespmem:s26+$0x5010] =	vst v2;
	v2 =	vmin.u32 v6, $0x1400;
	v5 =	vadd.s32 $0xFFFFEC00, v5  }
0xd2: {  	[tilespmem:s26+$0x5020] =	vst v2;
	v2 =	vmin.u32 v5, $0x1400;
	v3 =	vadd.s32 $0xFFFFEC00, v3  }
0xd3: {  	[tilespmem:s26+$0x5030] =	vst v2;
	v2 =	vmin.u32 v3, $0x1400;
	v3 =	vadd.s32 $0xFFFFEC00, v61  }
0xd4: {  	[tilespmem:s26+$0x5040] =	vst v2;
	v2 =	vmin.u32 v3, $0x1400;
	v3 =	vadd.s32 $0xFFFFEC00, v63  }
0xd5: {  	[tilespmem:s26+$0x5050] =	vst v2;
	v2 =	vmin.u32 v3, $0x1400  }
0xd6: {  	[tilespmem:s26+$0x5060] =	vst v2  }
0xd7: {  	[spmem:s5] =	stream.linear.scatter [tilespmem:s15], [sflag:$0x3], $0x4000, $0x38;
	[tilespmem:$0x19C00] =	vst v63  }
0xd8: {  	_ =	swait.ge [sflag:s13], $0x4000  }
0xd9: {  	[sflag:s13] =	ssyncset.done $0x0  }
0xda: {  	[sflag:s13] =	ssyncadd.s32 $0xFFFFC000  }
0xdb: {  	[spmem:s8] =	stream.linear.scatter [tilespmem:s15], [sflag:$0x3], $0x4000, $0x38;
	[tilespmem:$0x19C00] =	vst v63  }
0xdc: {  	_ =	swait.ge [sflag:s13], $0x4000  }
0xdd: {  	[sflag:s13] =	ssyncset.done $0x0  }
0xde: {  	[sflag:s13] =	ssyncadd.s32 $0xFFFFC000  }
0xdf: {  	[spmem:s9] =	stream.linear.scatter [tilespmem:s15], [sflag:$0x3], $0x2400, $0x38;
	[tilespmem:$0x19C00] =	vst v63  }
0xe0: {  	_ =	swait.ge [sflag:s13], $0x2400  }
0xe1: {  	[sflag:s13] =	ssyncset.done $0x0  }
0xe2: {  	[sflag:s13] =	ssyncadd.s32 $0xFFFFDC00  }
0xe3: {  	s31 =	simm.s32 $0x0;
	[bflag:$0x0] =	sbarrier.arrive $0xFFFF  }
0xe4: {  	[tilespmem:s15], [sflag:$0x1] =	stream.indirect.gather [hbm4b:s4+s16], $0x80, s31, s16, $0xb8;
	[tilespmem:$0x19C00] =	vst v63  }
0xe5: {  	_ =	swait.ge [sflag:s17], $0x4000  }
0xe6: {  	[sflag:s17] =	ssyncset.done $0x0  }
0xe7: {  	s28 =	simm.s32 $0x80;
	[sflag:s17] =	ssyncadd.s32 $0xFFFFC000  }
0xe8: {  	[tilespmem:s18], [sflag:$0x2] =	stream.indirect.gather [hbm4b:s4+s16], $0x80, s28, s16, $0xb8;
	[tilespmem:$0x19C00] =	vst v63  }
0xe9: {  	s29 =	simm.s32 $0x5000  }
0xea: {  	[spmem:s2] =	stream.indirect.scatter.add.f32 [tilespmem:s15], [sflag:$0x3], $0x80, s29, s16, $0xb8;
	[tilespmem:$0x19C00] =	vst v63  }
0xeb: {  	_ =	swait.ge [sflag:s13], $0x4000  }
0xec: {  	[sflag:s13] =	ssyncset.done $0x0  }
0xed: {  	s30 =	simm.s32 $0x100;
	[sflag:s13] =	ssyncadd.s32 $0xFFFFC000  }
0xee: {  	[tilespmem:s15], [sflag:$0x1] =	stream.indirect.gather [hbm4b:s4+s16], $0x80, s30, s16, $0xb8;
	[tilespmem:$0x19C00] =	vst v63  }
0xef: {  	_ =	swait.ge [sflag:s19], $0x4000  }
0xf0: {  	[sflag:s19] =	ssyncset.done $0x0  }
0xf1: {  	s31 =	simm.s32 $0x5080;
	[sflag:s19] =	ssyncadd.s32 $0xFFFFC000  }
0xf2: {  	[spmem:s2] =	stream.indirect.scatter.add.f32 [tilespmem:s18], [sflag:$0x3], $0x80, s31, s16, $0xb8;
	[tilespmem:$0x19C00] =	vst v63  }
0xf3: {  	_ =	swait.ge [sflag:s13], $0x4000  }
0xf4: {  	s26 =	simm.s32 $0x400;
	[sflag:s13] =	ssyncset.done $0x0  }
.LBB2_14:
0xf5: {  	p0 =	sne.s32 s26, $0x9800  }
0xf6: {  	[sflag:s13] =	ssyncadd.s32 $0xFFFFC000;
	s28 =	smov.u32 s26;
	s26 =	sadd.s32 $0x400, s26  }
0xf7: {  	_ =	swait.ge [sflag:s17], $0x4000  }
0xf8: {  	s28 =	sshra.s32 s28, $0x2;
	[sflag:s17] =	ssyncset.done $0x0  }
0xf9: {  	s29 =	sadd.s32 $0x80, s28;
	[sflag:s17] =	ssyncadd.s32 $0xFFFFC000  }
0xfa: {  	[tilespmem:s18], [sflag:$0x2] =	stream.indirect.gather [hbm4b:s4+s16], $0x80, s29, s16, $0xb8;
	[tilespmem:$0x19C00] =	vst v63  }
0xfb: {  	s29 =	sadd.s32 $0x5000, s28  }
0xfc: {  	[spmem:s2] =	stream.indirect.scatter.add.f32 [tilespmem:s15], [sflag:$0x3], $0x80, s29, s16, $0xb8;
	[tilespmem:$0x19C00] =	vst v63  }
0xfd: {  	_ =	swait.ge [sflag:s13], $0x4000  }
0xfe: {  	[sflag:s13] =	ssyncset.done $0x0  }
0xff: {  	s29 =	sadd.s32 $0x100, s28;
	[sflag:s13] =	ssyncadd.s32 $0xFFFFC000  }
0x100: {  	[tilespmem:s15], [sflag:$0x1] =	stream.indirect.gather [hbm4b:s4+s16], $0x80, s29, s16, $0xb8;
	[tilespmem:$0x19C00] =	vst v63  }
0x101: {  	_ =	swait.ge [sflag:s19], $0x4000  }
.Ltmp6:
0x102: {  	[sflag:s19] =	ssyncset.done $0x0;
	(pc) =	sbr.rel @p0 .LBB2_14-.Ltmp6, $4  }
0x103: {  	s28 =	sadd.s32 $0x5080, s28;
	[sflag:s19] =	ssyncadd.s32 $0xFFFFC000  }
0x104: {  	[spmem:s2] =	stream.indirect.scatter.add.f32 [tilespmem:s18], [sflag:$0x3], $0x80, s28, s16, $0xb8;
	[tilespmem:$0x19C00] =	vst v63  }
0x105: {  	_ =	swait.ge [sflag:s13], $0x4000  }
0x106: {  	[sflag:s13] =	ssyncset.done $0x0  }
0x107: {  	[sflag:s13] =	ssyncadd.s32 $0xFFFFC000  }
0x108: {  	_ =	swait.ge [sflag:s17], $0x4000  }
0x109: {  	[sflag:s17] =	ssyncset.done $0x0  }
0x10a: {  	[sflag:s17] =	ssyncadd.s32 $0xFFFFC000  }
0x10b: {  	[tilespmem:s18], [sflag:$0x2] =	stream.indirect.gather [hbm4b:s4+s16], $0x80, s20, s16, $0xb8;
	[tilespmem:$0x19C00] =	vst v63  }
0x10c: {  	_ = 	snop  }
0x10d: {  	[spmem:s2] =	stream.indirect.scatter.add.f32 [tilespmem:s15], [sflag:$0x3], $0x80, s21, s16, $0xb8;
	[tilespmem:$0x19C00] =	vst v63  }
0x10e: {  	_ =	swait.ge [sflag:s13], $0x4000  }
0x10f: {  	[sflag:s13] =	ssyncset.done $0x0  }
0x110: {  	[sflag:s13] =	ssyncadd.s32 $0xFFFFC000  }
0x111: {  	[tilespmem:s15], [sflag:$0x1] =	stream.indirect.gather [hbm4b:s4+s16], $0x80, s20, s16, $0xb8;
	[tilespmem:$0x19C00] =	vst v63  }
0x112: {  	_ =	swait.ge [sflag:s19], $0x4000  }
0x113: {  	[sflag:s19] =	ssyncset.done $0x0  }
0x114: {  	[sflag:s19] =	ssyncadd.s32 $0xFFFFC000  }
0x115: {  	[spmem:s2] =	stream.indirect.scatter.add.f32 [tilespmem:s18], [sflag:$0x3], $0x80, s22, s16, $0xb8;
	[tilespmem:$0x19C00] =	vst v63  }
0x116: {  	_ =	swait.ge [sflag:s13], $0x4000  }
0x117: {  	[sflag:s13] =	ssyncset.done $0x0  }
0x118: {  	[sflag:s13] =	ssyncadd.s32 $0xFFFFC000  }
0x119: {  	_ =	swait.ge [sflag:s17], $0x4000  }
0x11a: {  	s23 =	sadd.s32 $0x1, s23;
	[sflag:s17] =	ssyncset.done $0x0  }
0x11b: {  	p0 =	sne.s32 s23, s12;
	[sflag:s17] =	ssyncadd.s32 $0xFFFFC000  }
.Ltmp7:
0x11c: {  	[bflag:$0x0] =	sbarrier.arrive $0xFFFF;
	(pc) =	sbr.rel @p0 .LBB2_1-.Ltmp7, $4  }
0x11d: {  	[hbm:s11], [sflag:s24] =	dma.local [spmem:s25], $0x1480  }
0x11e: {  	_ =	swait.ge [sflag:s13], $0x1480  }
0x11f: {  	[sflag:s13] =	ssyncset.done $0x0  }
0x120: {  	[sflag:s13] =	ssyncadd.s32 $0xFFFFEB80  }
0x121: {  	_ =	sfence.sel $0x180000  }
0x122: {  	[bflag:$0x0] =	sbarrier.arrive $0xFFFF  }
0x123: {  	p0 =	sne.s32 s0, $0x0;
	_ =	strace $0x9000004D  }
0x124: {  	s0 =	sadd.s32 @!p0 $0x100000, s1;
	[bflag:$0x2] =	sbarrier.arrive $0xFFFF  }
0x125: {  	[sflag:s0] =	ssyncadd.tile.s32 @!p0 $0x1;
	_ =	shalt  }
.Lfunc_end2:
_tile_overlayer_lowered:
.L_overlay_start_2:
0x126: {  	(tag) =	ssettag $0x2  }
0x127: {  	s0 =	rddreg [dreg:$0x0];
	s2 =	stileid.u32  }
0x128: {  	s1 =	rddreg [dreg:$0x1];
	p0 =	sne.s32 s2, $0x0  }
0x129: {  	s3 =	rddreg [dreg:$0x2];
	[bflag:$0x3] =	sbarrier.arrive $0xFFFF;
	s2 =	simm.s32 @!p0 $0x1C03  }
0x12a: {  	[timem:s3], [sflag:s2] =	dma.local @!p0 [hbm:s0], s1  }
0x12b: {  	s0 =	simm.s32 @!p0 $0x3  }
0x12c: {  	_ =	swait.ge @!p0 [sflag:s0], s1  }
0x12d: {  	s1 =	ssub.s32 @!p0 $0x0, s1;
	[sflag:s0] =	ssyncset.done @!p0 $0x0  }
0x12e: {  	[sflag:s0] =	ssyncadd.s32 @!p0 s1  }
0x12f: {  	[bflag:$0x3] =	sbarrier.arrive $0xFFFF  }
0x130: {  	_ =	shalt  }

// kernel: kernel.8.cloned.1.call-start
scs
__scs_entry_jumppad:
0x0: {  	(pc) =	sbr.rel $0x88, $3  }
0x1: {  	(tag) =	ssettag $0x0;
	lr =	simm.s32 $0x1  }
0x2: {  	[smem:$0x3F95] =	sst lr;
	_ =	strace $0xD0000000  }
0x3: {  	_ = 	snop  }
0x4: {  	_ = 	snop  }
0x5: {  	_ = 	snop  }
0x6: {  	_ = 	snop  }
0x7: {  	_ = 	snop  }
__scs_overlays_trampoline_lowered:
0x8: {  	[smem:$0x3FA4] =	sst s0  }
0x9: {  	[smem:$0x3FA5] =	sst s1  }
0xa: {  	[smem:$0x3FA6] =	sst s2  }
0xb: {  	[smem:$0x3FA7] =	sst s3  }
0xc: {  	[smem:$0x3FA8] =	sst s4  }
0xd: {  	[smem:$0x3FA9] =	sst s5  }
0xe: {  	[smem:$0x3FAA] =	sst s6  }
0xf: {  	[smem:$0x3FAB] =	sst s7  }
0x10: {  	[smem:$0x3FAC] =	sst s8  }
0x11: {  	[smem:$0x3FAD] =	sst s9;
	s0 =	simm.s32 @!p0 $0x0  }
0x12: {  	s1 =	sld [smem:$0x3F93];
	s0 =	simm.s32 @p0 $0x1  }
0x13: {  	[smem:$0x3FAE] =	sst s0;
	s0 =	simm.s32 @!p1 $0x0  }
0x14: {  	s2 =	sld [smem:$0x3F92];
	s0 =	simm.s32 @p1 $0x1  }
0x15: {  	[smem:$0x3FAF] =	sst s0;
	s0 =	simm.s32 @!p2 $0x0  }
0x16: {  	s3 =	sld [smem:$0x3FDB];
	s0 =	simm.s32 @p2 $0x1  }
0x17: {  	s4 =	simm.s32 $0x1BF5;
	[smem:$0x3FB1] =	sst s0  }
0x18: {  	s0 =	sld [smem:$0x3F94];
	_ =	swait.ge [sflag:s4], $0x0  }
0x19: {  	s7 =	sld [smem:$0x3F95]  }
0x1a: {  	s8 =	sadd.s32 $0xFFFFE003, lr  }
0x1b: {  	s9 =	sadd.s32 $0xFFFFFEF7, lr;
	s5 =	simm.s32 $0xFFFFFFFF;
	p2 =	slt.u32 s8, $0xFFFFF086  }
0x1c: {  	p1 =	slt.u32 s9, $0xF7A;
	s5 =	simm.s32 @!p2 $0x0  }
0x1d: {  	s5 =	simm.s32 @p1 $0x1;
	p0 =	seq.s32 s7, s2  }
0x1e: {  	s7 =	smul.u32 @!p0 $0xF7A, s2;
	p2 =	seq.s32 @!p0 s5, $0x0  }
0x1f: {  	s9 =	smul.u32 $0xF7A, s1;
	s8 =	simm.s32 @!p0 $0x1BF5;
	p2 =	por !p2, p0  }
0x20: {  	[sflag:s8] =	ssyncset.s32 @!p0 $0xFFFFF086;
	s6 =	sadd.s32 @!p0 s3, s7;
	s7 =	simm.s32 @!p0 $0x108  }
0x21: {  	s3 =	sadd.s32 s3, s9;
	s6 =	sadd.s32 @!p0 $0x88, s6;
	s7 =	simm.s32 @p2 $0x1082  }
0x22: {  	[simem:s7], [sflag:s8] =	dma.local @!p0 [hbm:s6], $0xF7A  }
0x23: {  	s9 =	sor.u32 $0xD0000000, s2;
	s6 =	simm.s32 $0x108;
	_ =	swait.ge @!p0 [sflag:s8], $0x0  }
0x24: {  	s3 =	sadd.s32 $0x88, s3;
	s6 =	simm.s32 @!p1 $0x1082;
	[sflag:s4] =	ssyncset.s32 $0xFFFFF086  }
0x25: {  	[simem:s6], [sflag:s4] =	dma.local [hbm:s3], $0xF7A  }
0x26: {  	[smem:$0x3F95] =	sst s1;
	(tag) =	ssettag s2;
	_ =	strace s9  }
0x27: {  	s1 =	sld [smem:$0x3FA5]  }
0x28: {  	s2 =	sld [smem:$0x3FA6]  }
0x29: {  	s4 =	sld [smem:$0x3FA8]  }
0x2a: {  	p0 =	seq.s32 s5, $0x0;
	s5 =	sld [smem:$0x3FA9]  }
0x2b: {  	s6 =	sld [smem:$0x3FAA]  }
0x2c: {  	s7 =	sld [smem:$0x3FAB]  }
0x2d: {  	s3 =	simm.s32 $0x108;
	s8 =	sld [smem:$0x3FAC]  }
0x2e: {  	s3 =	simm.s32 @!p0 $0x1082;
	s9 =	sld [smem:$0x3FAD]  }
0x2f: {  	lr =	sadd.s32 s0, s3;
	s0 =	sld [smem:$0x3FA4]  }
0x30: {  	s3 =	sld [smem:$0x3FA7]  }
0x31: {  	[smem:$0x3FB0] =	sst s10  }
0x32: {  	s10 =	sld [smem:$0x3FAE];
	_ =	sdelay $0x3  }
0x33: {  	p0 =	seq.s32 s10, $0x1;
	s10 =	sld [smem:$0x3FB0];
	_ =	sdelay $0x3  }
0x34: {  	[smem:$0x3FB0] =	sst s10  }
0x35: {  	s10 =	sld [smem:$0x3FAF];
	_ =	sdelay $0x3  }
0x36: {  	p1 =	seq.s32 s10, $0x1;
	s10 =	sld [smem:$0x3FB0];
	_ =	sdelay $0x3  }
0x37: {  	[smem:$0x3FB0] =	sst s10  }
0x38: {  	s10 =	sld [smem:$0x3FB1]  }
0x39: {  	_ = 	snop;
	(pc) =	sbr.ind lr, $3  }
0x3a: {  	_ = 	snop  }
0x3b: {  	_ = 	snop  }
0x3c: {  	p2 =	seq.s32 s10, $0x1;
	s10 =	sld [smem:$0x3FB0]  }
0x3d: {  	_ =	shalt  }
0x3e: {  	_ =	shalt  }
0x3f: {  	_ =	shalt  }
0x40: {  	_ =	shalt  }
0x41: {  	_ =	shalt  }
0x42: {  	_ =	shalt  }
0x43: {  	_ =	shalt  }
0x44: {  	_ =	shalt  }
0x45: {  	_ =	shalt  }
0x46: {  	_ =	shalt  }
0x47: {  	_ =	shalt  }
0x48: {  	_ =	shalt  }
0x49: {  	_ =	shalt  }
0x4a: {  	_ =	shalt  }
0x4b: {  	_ =	shalt  }
0x4c: {  	_ =	shalt  }
0x4d: {  	_ =	shalt  }
0x4e: {  	_ =	shalt  }
0x4f: {  	_ =	shalt  }
0x50: {  	_ =	shalt  }
0x51: {  	_ =	shalt  }
0x52: {  	_ =	shalt  }
0x53: {  	_ =	shalt  }
0x54: {  	_ =	shalt  }
0x55: {  	_ =	shalt  }
0x56: {  	_ =	shalt  }
0x57: {  	_ =	shalt  }
0x58: {  	_ =	shalt  }
0x59: {  	_ =	shalt  }
0x5a: {  	_ =	shalt  }
0x5b: {  	_ =	shalt  }
0x5c: {  	_ =	shalt  }
0x5d: {  	_ =	shalt  }
0x5e: {  	_ =	shalt  }
0x5f: {  	_ =	shalt  }
0x60: {  	_ =	shalt  }
0x61: {  	_ =	shalt  }
0x62: {  	_ =	shalt  }
0x63: {  	_ =	shalt  }
0x64: {  	_ =	shalt  }
0x65: {  	_ =	shalt  }
0x66: {  	_ =	shalt  }
0x67: {  	_ =	shalt  }
0x68: {  	_ =	shalt  }
0x69: {  	_ =	shalt  }
0x6a: {  	_ =	shalt  }
0x6b: {  	_ =	shalt  }
0x6c: {  	_ =	shalt  }
0x6d: {  	_ =	shalt  }
0x6e: {  	_ =	shalt  }
0x6f: {  	_ =	shalt  }
0x70: {  	_ =	shalt  }
0x71: {  	_ =	shalt  }
0x72: {  	_ =	shalt  }
0x73: {  	_ =	shalt  }
0x74: {  	_ =	shalt  }
0x75: {  	_ =	shalt  }
0x76: {  	_ =	shalt  }
0x77: {  	_ =	shalt  }
0x78: {  	_ =	shalt  }
0x79: {  	_ =	shalt  }
0x7a: {  	_ =	shalt  }
0x7b: {  	_ =	shalt  }
0x7c: {  	_ =	shalt  }
0x7d: {  	_ =	shalt  }
0x7e: {  	_ =	shalt  }
0x7f: {  	_ =	shalt  }
0x80: {  	_ =	shalt  }
0x81: {  	_ =	shalt  }
0x82: {  	_ =	shalt  }
0x83: {  	_ =	shalt  }
0x84: {  	_ =	shalt  }
0x85: {  	_ =	shalt  }
0x86: {  	_ =	shalt  }
0x87: {  	_ =	shalt  }
.Lfunc_end0:
.L_simem_size_0:
called_computation_lowered:
.L_overlay_start_0:
0x88: {  	s2 =	sld [smem:$0x3FD9]  }
0x89: {  	s3 =	sld [smem:$0x3FFE];
	_ =	sdelay $0x1  }
0x8a: {  	s1 =	srdreg.scid  }
0x8b: {  	s0 =	sand.u32 $0x1, s1  }
0x8c: {  	s16 =	sshll.u32 s0, $0xA;
	s2 =	sadd.s32 s3, s2  }
0x8d: {  	s2 =	sadd.s32 s2, s16  }
0x8e: {  	[smem:$0x3FBC] =	sst s2  }
0x8f: {  	_ = 	snop  }
0x90: {  	(tm) =	ssettm $0x1  }
0x91: {  	s17 =	sld [smem:$0x3FFB];
	_ =	sdelay $0x3  }
0x92: {  	_ =	strace s17  }
0x93: {  	s2 =	sld [smem:$0x3FFC];
	_ =	sdelay $0x3  }
0x94: {  	_ =	strace s2  }
0x95: {  	s2 =	sld [smem:$0x3FFD];
	_ =	sdelay $0x3  }
0x96: {  	_ =	strace s2  }
0x97: {  	_ =	strace $0x8FFFFFFF  }
0x98: {  	s18 =	sld [smem:$0x3FDB];
	_ =	sdelay $0x1  }
0x99: {  	s19 =	simm.s32 $_scs_section_size  }
0x9a: {  	s4 =	simm.s32 $_size__tile_overlayer_lowered;
	s5 =	simm.s32 $_tile_overlayer_lowered  }
0x9b: {  	s22 =	simm.s32 $0x1BFF;
	s21 =	sshll.u32 s5, $0x1;
	s2 =	sadd.s32 s19, s18  }
0x9c: {  	s6 =	simm.s32 $0x0;
	s20 =	sshll.u32 s4, $0x1;
	s4 =	sadd.s32 s21, s2  }
0x9d: {  	[timem:s6], [sflag:s22] =	dma.local [hbm:s4], s20  }
0x9e: {  	_ =	swait.ge [sflag:s22], s20  }
0x9f: {  	s3 =	ssub.s32 $0x0, s20;
	[sflag:s22] =	ssyncset.done $0x0  }
0xa0: {  	[sflag:s22] =	ssyncadd.s32 s3;
	_ =	sdelay $0x1  }
0xa1: {  	s23 =	simm.s32 $0x1B8B  }
0xa2: {  	_ =	swait.ge [sflag:s23], $0x1  }
0xa3: {  	[sflag:s23] =	ssyncset.done $0x0  }
0xa4: {  	s25 =	simm.s32 $0x1B8E;
	s24 =	sld [smem:$0x3FFE];
	[sflag:s23] =	ssyncadd.s32 $0xFFFFFFFF  }
0xa5: {  	s26 =	simm.s32 $execute0_lowered;
	[smem:$0x3FD2] =	sst s25  }
0xa6: {  	s4 =	sshll.u32 s26, $0x1;
	_ =	strace $0x80000046;
	[dreg:$0x1] =	wrdreg $0xFFFFFFFF  }
0xa7: {  	s28 =	simm.s32 $_size_execute0_lowered;
	s2 =	sadd.s32 s2, s4;
	[dreg:$0x0] =	wrdreg $0x0  }
0xa8: {  	s4 =	sshll.u32 s28, $0x1;
	[dreg:$0x2] =	wrdreg s2  }
0xa9: {  	[dreg:$0x3] =	wrdreg s4  }
0xaa: {  	[dreg:$0x4] =	wrdreg $0xC0  }
0xab: {  	_ =	task [dreg:s6], $0x5FFFF  }
0xac: {  	[dreg:$0x1] =	wrdreg $0xFFFFFFFF  }
0xad: {  	[dreg:$0x0] =	wrdreg $0x60  }
0xae: {  	[dreg:$0x2] =	wrdreg s24  }
0xaf: {  	[dreg:$0x3] =	wrdreg $0xF8000  }
0xb0: {  	[dreg:$0x4] =	wrdreg $0x9  }
0xb1: {  	_ =	task.clear_ibuf [dreg:s6], $0x5FFFF;
	_ =	strace $0x90000046  }
0xb2: {  	s29 =	simm.s32 $0x9;
	_ =	strace $0x80000048  }
0xb3: {  	_ =	swait.ge [sflag:s29], $0x1  }
0xb4: {  	[sflag:s29] =	ssyncadd.s32 $0xFFFFFFFF  }
0xb5: {  	_ =	strace $0x90000048  }
0xb6: {  	_ =	sfence  }
0xb7: {  	s30 =	sld [smem:$0x0];
	_ =	sdelay $0x2  }
0xb8: {  	s31 =	sshll.u32 s1, $0xD;
	s1 =	sshrl.u32 s1, $0x2  }
0xb9: {  	s3 =	sand.u32 $0x4000, s31;
	s1 =	sadd.s32 s1, s30  }
0xba: {  	s0 =	sor.u32 s3, s0;
	s1 =	sshll.u32 s1, $0x11  }
0xbb: {  	s0 =	sor.u32 s1, s0  }
0xbc: {  	s0 =	sadd.s32 $0x8F2B, s0  }
0xbd: {  	[sflag:s0] =	ssyncadd.remote.s32 $0x1  }
0xbe: {  	_ =	sfence.sel $0xFFFF  }
0xbf: {  	[dreg:$0x0] =	wrdreg $0xFFFFFFFF;
	(pc) =	sbr.abs _section_cstart, $3  }
0xc0: {  	[dreg:$0x1] =	wrdreg $0xFFFFFFFF  }
0xc1: {  	_ =	task.clear_ibuf [dreg:s6], $0x2FFFF;
	_ =	strace $0x9FFFFFFF  }
0xc2: {  	(tm) =	ssettm $0x7FFFFFFF  }
0xc3: {  	_ =	shalt  }
tec
execute0_lowered:
.L_overlay_start_1:
0x0: {  	(tag) =	ssettag $0x1  }
0x1: {  	s4 =	rddreg [dreg:$0x0]  }
0x2: {  	s1 =	rddreg [dreg:$0x1];
	s2 =	srdreg.scid  }
0x3: {  	s0 =	rddreg [dreg:$0x2];
	s3 =	simm.s32 $0x0;
	s12 =	simm.s32 $0x1  }
0x4: {  	s13 =	simm.s32 $0x2800;
	s15 =	simm.s32 $0x80;
	s14 =	sand.u32 $0x1, s2  }
0x5: {  	s16 =	simm.s32 $0x7800;
	s2 =	stileid.u32;
	s5 =	smul.u32 $0x148000, s14  }
0x6: {  	s19 =	simm.s32 $0x0;
	[smem:$0x7FF] =	sst s3;
	s6 =	smul.u32 $0xA400, s2  }
0x7: {  	_ =	strace $0x80000047;
	s7 =	smul.u32 $0x500, s2;
	s30 =	ssub.s32 $0x2, s14  }
0x8: {  	s8 =	smul.u32 $0x29000, s2;
	p0 =	seq.s32 s14, $0x0;
	s17 =	sshll.u32 s2, $0x6  }
0x9: {  	s14 =	simm.s32 $0xB800;
	s9 =	sshrl.u32 s30, $0x1;
	s17 =	sor.u32 $0x1C01, s17  }
0xa: {  	s5 =	sadd.s32 s6, s5;
	s7 =	sadd.s32 s7, s4;
	s31 =	sshrl.u32 s8, $0x2  }
0xb: {  	s11 =	ssub.s32 s30, s9;
	s5 =	sshrl.u32 s5, $0x3;
	s6 =	sadd.s32 s31, s1  }
0xc: {  	s11 =	smax.u32 s11, $0x1;
	s10 =	sadd.s32 s5, s4;
	s4 =	sadd.s32 $0x1C00, s7  }
0xd: {  	s5 =	sadd.s32 $0x6C00, s7;
	s7 =	sadd.s32 $0x4000, s6;
	s8 =	sadd.s32 $0x8000, s6  }
0xe: {  	v0 =	vimm.f32 $1.000000000e+00;
	v1 =	vimm.f32 $0.0e+00;
	s18 =	sshrl.u32 s6, $0x3;
	s9 =	sadd.s32 $0xBC00, s10;
	s10 =	sadd.s32 $0x20400, s10  }
.LBB2_1:
0xf: {  	[tilespmem:s3], [sflag:$0x1] =	stream.linear.gather [hbm4b:s4+s3], $0x2800, $0x38;
	[tilespmem:$0x19C00] =	vst v63  }
0x10: {  	_ =	swait.ge [sflag:s12], $0x2800  }
0x11: {  	[sflag:s12] =	ssyncset.done $0x0  }
0x12: {  	[sflag:s12] =	ssyncadd.s32 $0xFFFFD800  }
0x13: {  	[tilespmem:s13], [sflag:$0x1] =	stream.linear.gather [hbm4b:s5+s3], $0x2800, $0x38;
	[tilespmem:$0x19C00] =	vst v63  }
0x14: {  	_ =	swait.ge [sflag:s12], $0x2800  }
0x15: {  	[sflag:s12] =	ssyncset.done $0x0  }
0x16: {  	s20 =	simm.s32 $0x0;
	s21 =	simm.s32 $0x200;
	[sflag:s12] =	ssyncadd.s32 $0xFFFFD800  }
.LBB2_2:
0x17: {  	p1 =	sne.s32 s21, $0xFE00;
	[tilespmem:s20+$0xB870] =	vst v1  }
0x18: {  	[tilespmem:s20+$0x7800] =	vst v0  }
0x19: {  	[tilespmem:s20+$0xB800] =	vst v1  }
0x1a: {  	[tilespmem:s20+$0x7810] =	vst v0  }
0x1b: {  	[tilespmem:s20+$0xB810] =	vst v1  }
0x1c: {  	[tilespmem:s20+$0x7820] =	vst v0  }
0x1d: {  	[tilespmem:s20+$0xB820] =	vst v1  }
0x1e: {  	[tilespmem:s20+$0x7830] =	vst v0  }
0x1f: {  	[tilespmem:s20+$0xB830] =	vst v1  }
0x20: {  	[tilespmem:s20+$0x7840] =	vst v0  }
0x21: {  	[tilespmem:s20+$0xB840] =	vst v1  }
.Ltmp0:
0x22: {  	[tilespmem:s20+$0x7850] =	vst v0;
	(pc) =	sbr.rel @p1 .LBB2_2-.Ltmp0, $4  }
0x23: {  	[tilespmem:s20+$0xB850] =	vst v1  }
0x24: {  	[tilespmem:s20+$0x7860] =	vst v0  }
0x25: {  	[tilespmem:s20+$0xB860] =	vst v1  }
0x26: {  	[tilespmem:s20+$0x7870] =	vst v0;
	s20 =	sshra.s32 s21, $0x2;
	s21 =	sadd.s32 $0x200, s21  }
0x27: {  	[tilespmem:s20+$0xB870] =	vst v1  }
0x28: {  	[tilespmem:s20+$0x7800] =	vst v0  }
0x29: {  	[tilespmem:s20+$0xB800] =	vst v1  }
0x2a: {  	[tilespmem:s20+$0x7810] =	vst v0  }
0x2b: {  	[tilespmem:s20+$0xB810] =	vst v1  }
0x2c: {  	[tilespmem:s20+$0x7820] =	vst v0  }
0x2d: {  	[tilespmem:s20+$0xB820] =	vst v1  }
0x2e: {  	[tilespmem:s20+$0x7830] =	vst v0  }
0x2f: {  	[tilespmem:s20+$0xB830] =	vst v1  }
0x30: {  	[tilespmem:s20+$0x7840] =	vst v0  }
0x31: {  	[tilespmem:s20+$0xB840] =	vst v1  }
0x32: {  	[tilespmem:s20+$0x7850] =	vst v0  }
0x33: {  	[tilespmem:s20+$0xB850] =	vst v1  }
0x34: {  	[tilespmem:s20+$0x7860] =	vst v0  }
0x35: {  	[tilespmem:s20+$0xB860] =	vst v1;
	s21 =	simm.s32 $0x2800;
	s22 =	simm.s32 $0x0  }
0x36: {  	[tilespmem:s20+$0x7870] =	vst v0;
	s22 =	smov.u32 @p0 s21  }
0x37: {  	v2 =	vld [tilespmem:s22+$0x0];
	_ =	sdelay $0x4  }
0x38: {  	s20 =	simm.s32 $0x0;
	s21 =	simm.s32 $0x2810;
	s22 =	simm.s32 $0x10;
	v2 =	vmin.u32 v2, $0x1400  }
0x39: {  	s22 =	smov.u32 @p0 s21;
	[tilespmem:s20+$0x5000] =	vst v2  }
0x3a: {  	v2 =	vld [tilespmem:s22+$0x0];
	_ =	sdelay $0x4  }
0x3b: {  	s21 =	simm.s32 $0x2820;
	s22 =	simm.s32 $0x20;
	v2 =	vmin.u32 v2, $0x1400  }
0x3c: {  	s22 =	smov.u32 @p0 s21;
	[tilespmem:s20+$0x5010] =	vst v2  }
0x3d: {  	v2 =	vld [tilespmem:s22+$0x0];
	_ =	sdelay $0x4  }
0x3e: {  	s21 =	simm.s32 $0x2830;
	s22 =	simm.s32 $0x30;
	v2 =	vmin.u32 v2, $0x1400  }
0x3f: {  	s22 =	smov.u32 @p0 s21;
	[tilespmem:s20+$0x5020] =	vst v2  }
0x40: {  	v2 =	vld [tilespmem:s22+$0x0];
	_ =	sdelay $0x4  }
0x41: {  	s21 =	simm.s32 $0x2840;
	s22 =	simm.s32 $0x40;
	v2 =	vmin.u32 v2, $0x1400  }
0x42: {  	s22 =	smov.u32 @p0 s21;
	[tilespmem:s20+$0x5030] =	vst v2  }
0x43: {  	v2 =	vld [tilespmem:s22+$0x0];
	_ =	sdelay $0x4  }
0x44: {  	s21 =	simm.s32 $0x2850;
	s22 =	simm.s32 $0x50;
	v2 =	vmin.u32 v2, $0x1400  }
0x45: {  	s22 =	smov.u32 @p0 s21;
	[tilespmem:s20+$0x5040] =	vst v2  }
0x46: {  	v2 =	vld [tilespmem:s22+$0x0];
	_ =	sdelay $0x4  }
0x47: {  	s21 =	simm.s32 $0x2860;
	s22 =	simm.s32 $0x60;
	v2 =	vmin.u32 v2, $0x1400  }
0x48: {  	s22 =	smov.u32 @p0 s21;
	[tilespmem:s20+$0x5050] =	vst v2  }
0x49: {  	v2 =	vld [tilespmem:s22+$0x0];
	_ =	sdelay $0x4  }
0x4a: {  	s21 =	simm.s32 $0x70;
	s22 =	simm.s32 $0x2870;
	v2 =	vmin.u32 v2, $0x1400  }
0x4b: {  	s21 =	smov.u32 @p0 s22;
	[tilespmem:s20+$0x5060] =	vst v2  }
0x4c: {  	v2 =	vld [tilespmem:s21+$0x0];
	_ =	sdelay $0x3  }
0x4d: {  	s22 =	simm.s32 $0x80;
	s21 =	simm.s32 $0x400  }
.LBB2_4:
0x4e: {  	p1 =	sne.s32 s21, $0x9E00;
	s23 =	sadd.s32 $0x2800, s22;
	v2 =	vmin.u32 v2, $0x1400;
	s24 =	smov.u32 s22  }
0x4f: {  	s24 =	smov.u32 @p0 s23;
	[tilespmem:s20+$0x5070] =	vst v2;
	s20 =	smov.u32 s22  }
0x50: {  	v2 =	vld [tilespmem:s24+$0x0];
	_ =	sdelay $0x4  }
0x51: {  	s22 =	sadd.s32 $0x2810, s20;
	s23 =	sadd.s32 $0x10, s20;
	v2 =	vmin.u32 v2, $0x1400  }
0x52: {  	s23 =	smov.u32 @p0 s22;
	[tilespmem:s20+$0x5000] =	vst v2  }
0x53: {  	v2 =	vld [tilespmem:s23+$0x0];
	_ =	sdelay $0x4  }
0x54: {  	s22 =	sadd.s32 $0x2820, s20;
	s23 =	sadd.s32 $0x20, s20;
	v2 =	vmin.u32 v2, $0x1400  }
0x55: {  	s23 =	smov.u32 @p0 s22;
	[tilespmem:s20+$0x5010] =	vst v2  }
0x56: {  	v2 =	vld [tilespmem:s23+$0x0];
	_ =	sdelay $0x4  }
0x57: {  	s22 =	sadd.s32 $0x2830, s20;
	s23 =	sadd.s32 $0x30, s20;
	v2 =	vmin.u32 v2, $0x1400  }
0x58: {  	s23 =	smov.u32 @p0 s22;
	[tilespmem:s20+$0x5020] =	vst v2  }
0x59: {  	v2 =	vld [tilespmem:s23+$0x0];
	_ =	sdelay $0x4  }
0x5a: {  	s22 =	sadd.s32 $0x2840, s20;
	s23 =	sadd.s32 $0x40, s20;
	v2 =	vmin.u32 v2, $0x1400  }
0x5b: {  	s23 =	smov.u32 @p0 s22;
	[tilespmem:s20+$0x5030] =	vst v2  }
0x5c: {  	v2 =	vld [tilespmem:s23+$0x0];
	_ =	sdelay $0x4  }
0x5d: {  	s22 =	sadd.s32 $0x2850, s20;
	s23 =	sadd.s32 $0x50, s20;
	v2 =	vmin.u32 v2, $0x1400  }
0x5e: {  	s23 =	smov.u32 @p0 s22;
	[tilespmem:s20+$0x5040] =	vst v2  }
0x5f: {  	v2 =	vld [tilespmem:s23+$0x0];
	_ =	sdelay $0x4  }
0x60: {  	s22 =	sadd.s32 $0x2860, s20;
	s23 =	sadd.s32 $0x60, s20;
	v2 =	vmin.u32 v2, $0x1400  }
0x61: {  	s23 =	smov.u32 @p0 s22;
	[tilespmem:s20+$0x5050] =	vst v2  }
0x62: {  	v2 =	vld [tilespmem:s23+$0x0];
	_ =	sdelay $0x4  }
0x63: {  	s22 =	sadd.s32 $0x70, s20;
	s23 =	sadd.s32 $0x2870, s20;
	v2 =	vmin.u32 v2, $0x1400  }
0x64: {  	s22 =	smov.u32 @p0 s23;
	[tilespmem:s20+$0x5060] =	vst v2  }
.Ltmp1:
0x65: {  	v2 =	vld [tilespmem:s22+$0x0];
	(pc) =	sbr.rel @p1 .LBB2_4-.Ltmp1, $2  }
0x66: {  	_ =	sdelay $0x2  }
0x67: {  	s22 =	sshra.s32 s21, $0x2;
	s21 =	sadd.s32 $0x200, s21  }
0x68: {  	s21 =	sadd.s32 $0x2800, s22;
	v2 =	vmin.u32 v2, $0x1400;
	s23 =	smov.u32 s22  }
0x69: {  	s23 =	smov.u32 @p0 s21;
	[tilespmem:s20+$0x5070] =	vst v2  }
0x6a: {  	v2 =	vld [tilespmem:s23+$0x0];
	_ =	sdelay $0x4  }
0x6b: {  	s20 =	sadd.s32 $0x2810, s22;
	s21 =	sadd.s32 $0x10, s22;
	v2 =	vmin.u32 v2, $0x1400  }
0x6c: {  	s21 =	smov.u32 @p0 s20;
	[tilespmem:s22+$0x5000] =	vst v2  }
0x6d: {  	v2 =	vld [tilespmem:s21+$0x0];
	_ =	sdelay $0x4  }
0x6e: {  	s20 =	sadd.s32 $0x2820, s22;
	s21 =	sadd.s32 $0x20, s22;
	v2 =	vmin.u32 v2, $0x1400  }
0x6f: {  	s21 =	smov.u32 @p0 s20;
	[tilespmem:s22+$0x5010] =	vst v2  }
0x70: {  	v2 =	vld [tilespmem:s21+$0x0];
	_ =	sdelay $0x4  }
0x71: {  	s20 =	sadd.s32 $0x2830, s22;
	s21 =	sadd.s32 $0x30, s22;
	v2 =	vmin.u32 v2, $0x1400  }
0x72: {  	s21 =	smov.u32 @p0 s20;
	[tilespmem:s22+$0x5020] =	vst v2  }
0x73: {  	v2 =	vld [tilespmem:s21+$0x0];
	_ =	sdelay $0x4  }
0x74: {  	s20 =	sadd.s32 $0x2840, s22;
	s21 =	sadd.s32 $0x40, s22;
	v2 =	vmin.u32 v2, $0x1400  }
0x75: {  	s21 =	smov.u32 @p0 s20;
	[tilespmem:s22+$0x5030] =	vst v2  }
0x76: {  	v2 =	vld [tilespmem:s21+$0x0];
	_ =	sdelay $0x4  }
0x77: {  	s20 =	sadd.s32 $0x2850, s22;
	s21 =	sadd.s32 $0x50, s22;
	v2 =	vmin.u32 v2, $0x1400  }
0x78: {  	s21 =	smov.u32 @p0 s20;
	[tilespmem:s22+$0x5040] =	vst v2  }
0x79: {  	v2 =	vld [tilespmem:s21+$0x0];
	_ =	sdelay $0x4  }
0x7a: {  	s20 =	sadd.s32 $0x2860, s22;
	s21 =	sadd.s32 $0x60, s22;
	v2 =	vmin.u32 v2, $0x1400  }
0x7b: {  	s21 =	smov.u32 @p0 s20;
	[tilespmem:s22+$0x5050] =	vst v2  }
0x7c: {  	v2 =	vld [tilespmem:s21+$0x0];
	_ =	sdelay $0x4  }
0x7d: {  	s20 =	sadd.s32 $0x70, s22;
	s21 =	sadd.s32 $0x2870, s22;
	v2 =	vmin.u32 v2, $0x1400  }
0x7e: {  	s20 =	smov.u32 @p0 s21;
	[tilespmem:s22+$0x5060] =	vst v2  }
0x7f: {  	v2 =	vld [tilespmem:s20+$0x0];
	_ =	sdelay $0x4  }
0x80: {  	v2 =	vmin.u32 v2, $0x1400  }
0x81: {  	[tilespmem:s22+$0x5070] =	vst v2  }
0x82: {  	[spmem:s6] =	stream.linear.scatter [tilespmem:s14], [sflag:$0x1], $0x4000, $0x38;
	[tilespmem:$0x19C00] =	vst v63  }
0x83: {  	_ =	swait.ge [sflag:s12], $0x4000  }
0x84: {  	[sflag:s12] =	ssyncset.done $0x0  }
0x85: {  	[sflag:s12] =	ssyncadd.s32 $0xFFFFC000  }
0x86: {  	[spmem:s7] =	stream.linear.scatter [tilespmem:s14], [sflag:$0x1], $0x4000, $0x38;
	[tilespmem:$0x19C00] =	vst v63  }
0x87: {  	_ =	swait.ge [sflag:s12], $0x4000  }
0x88: {  	[sflag:s12] =	ssyncset.done $0x0  }
0x89: {  	[sflag:s12] =	ssyncadd.s32 $0xFFFFC000  }
0x8a: {  	[spmem:s8] =	stream.linear.scatter [tilespmem:s14], [sflag:$0x1], $0x2400, $0x38;
	[tilespmem:$0x19C00] =	vst v63  }
0x8b: {  	_ =	swait.ge [sflag:s12], $0x2400  }
0x8c: {  	[sflag:s12] =	ssyncset.done $0x0  }
0x8d: {  	[sflag:s12] =	ssyncadd.s32 $0xFFFFDC00  }
0x8e: {  	s31 =	simm.s32 $0x5000;
	[bflag:$0x0] =	sbarrier.arrive $0xFFFF  }
0x8f: {  	[spmem:s1] =	stream.indirect.scatter.add.f32 [tilespmem:s16], [sflag:$0x1], $0x80, s31, s15, $0xb8;
	[tilespmem:$0x19C00] =	vst v63  }
0x90: {  	s20 =	simm.s32 $0x200;
	_ =	swait.ge [sflag:s12], $0x4000  }
.LBB2_6:
0x91: {  	s21 =	sshra.s32 s20, $0x2;
	[sflag:s12] =	ssyncset.done $0x0;
	p1 =	sne.s32 s20, $0x9E00  }
.Ltmp2:
0x92: {  	s21 =	sadd.s32 $0x5000, s21;
	[sflag:s12] =	ssyncadd.s32 $0xFFFFC000;
	(pc) =	sbr.rel @p1 .LBB2_6-.Ltmp2, $3  }
0x93: {  	[spmem:s1] =	stream.indirect.scatter.add.f32 [tilespmem:s16], [sflag:$0x1], $0x80, s21, s15, $0xb8;
	[tilespmem:$0x19C00] =	vst v63  }
0x94: {  	s20 =	sadd.s32 $0x200, s20;
	_ =	sdelay $0x1  }
0x95: {  	_ =	swait.ge [sflag:s12], $0x4000  }
0x96: {  	[sflag:s12] =	ssyncset.done $0x0  }
0x97: {  	[sflag:s12] =	ssyncadd.s32 $0xFFFFC000  }
0x98: {  	[bflag:$0x0] =	sbarrier.arrive $0xFFFF  }
0x99: {  	[hbm:s9], [sflag:s17] =	dma.local [spmem:s18], $0x1480  }
0x9a: {  	_ =	swait.ge [sflag:s12], $0x1480  }
0x9b: {  	[sflag:s12] =	ssyncset.done $0x0  }
0x9c: {  	s20 =	simm.s32 $0x2800;
	s21 =	simm.s32 $0x0;
	[sflag:s12] =	ssyncadd.s32 $0xFFFFEB80  }
0x9d: {  	s21 =	smov.u32 @p0 s20;
	[bflag:$0x0] =	sbarrier.arrive $0xFFFF  }
0x9e: {  	v2 =	vld [tilespmem:s21+$0x0];
	_ =	sdelay $0x4  }
0x9f: {  	v2 =	vadd.s32 $0xFFFFEC00, v2  }
0xa0: {  	s22 =	simm.s32 $0x10;
	s20 =	simm.s32 $0x0;
	s21 =	simm.s32 $0x2810;
	v2 =	vmin.u32 v2, $0x1400  }
0xa1: {  	s22 =	smov.u32 @p0 s21;
	[tilespmem:s20+$0x5000] =	vst v2  }
0xa2: {  	v2 =	vld [tilespmem:s22+$0x0];
	_ =	sdelay $0x4  }
0xa3: {  	v2 =	vadd.s32 $0xFFFFEC00, v2  }
0xa4: {  	s21 =	simm.s32 $0x2820;
	s22 =	simm.s32 $0x20;
	v2 =	vmin.u32 v2, $0x1400  }
0xa5: {  	s22 =	smov.u32 @p0 s21;
	[tilespmem:s20+$0x5010] =	vst v2  }
0xa6: {  	v2 =	vld [tilespmem:s22+$0x0];
	_ =	sdelay $0x4  }
0xa7: {  	v2 =	vadd.s32 $0xFFFFEC00, v2  }
0xa8: {  	s21 =	simm.s32 $0x2830;
	s22 =	simm.s32 $0x30;
	v2 =	vmin.u32 v2, $0x1400  }
0xa9: {  	s22 =	smov.u32 @p0 s21;
	[tilespmem:s20+$0x5020] =	vst v2  }
0xaa: {  	v2 =	vld [tilespmem:s22+$0x0];
	_ =	sdelay $0x4  }
0xab: {  	v2 =	vadd.s32 $0xFFFFEC00, v2  }
0xac: {  	s21 =	simm.s32 $0x2840;
	s22 =	simm.s32 $0x40;
	v2 =	vmin.u32 v2, $0x1400  }
0xad: {  	s22 =	smov.u32 @p0 s21;
	[tilespmem:s20+$0x5030] =	vst v2  }
0xae: {  	v2 =	vld [tilespmem:s22+$0x0];
	_ =	sdelay $0x4  }
0xaf: {  	v2 =	vadd.s32 $0xFFFFEC00, v2  }
0xb0: {  	s21 =	simm.s32 $0x2850;
	s22 =	simm.s32 $0x50;
	v2 =	vmin.u32 v2, $0x1400  }
0xb1: {  	s22 =	smov.u32 @p0 s21;
	[tilespmem:s20+$0x5040] =	vst v2  }
0xb2: {  	v2 =	vld [tilespmem:s22+$0x0];
	_ =	sdelay $0x4  }
0xb3: {  	v2 =	vadd.s32 $0xFFFFEC00, v2  }
0xb4: {  	s21 =	simm.s32 $0x2860;
	s22 =	simm.s32 $0x60;
	v2 =	vmin.u32 v2, $0x1400  }
0xb5: {  	s22 =	smov.u32 @p0 s21;
	[tilespmem:s20+$0x5050] =	vst v2  }
0xb6: {  	v2 =	vld [tilespmem:s22+$0x0];
	_ =	sdelay $0x4  }
0xb7: {  	v2 =	vadd.s32 $0xFFFFEC00, v2  }
0xb8: {  	s21 =	simm.s32 $0x70;
	s22 =	simm.s32 $0x2870;
	v2 =	vmin.u32 v2, $0x1400  }
0xb9: {  	s21 =	smov.u32 @p0 s22;
	[tilespmem:s20+$0x5060] =	vst v2  }
0xba: {  	v2 =	vld [tilespmem:s21+$0x0];
	_ =	sdelay $0x4  }
0xbb: {  	s22 =	simm.s32 $0x80;
	s21 =	simm.s32 $0x400;
	v2 =	vadd.s32 $0xFFFFEC00, v2  }
.LBB2_8:
0xbc: {  	p1 =	sne.s32 s21, $0x9E00;
	s23 =	sadd.s32 $0x2800, s22;
	v2 =	vmin.u32 v2, $0x1400;
	s24 =	smov.u32 s22  }
0xbd: {  	s24 =	smov.u32 @p0 s23;
	[tilespmem:s20+$0x5070] =	vst v2;
	s20 =	smov.u32 s22  }
0xbe: {  	v2 =	vld [tilespmem:s24+$0x0];
	_ =	sdelay $0x4  }
0xbf: {  	v2 =	vadd.s32 $0xFFFFEC00, v2  }
0xc0: {  	s22 =	sadd.s32 $0x2810, s20;
	s23 =	sadd.s32 $0x10, s20;
	v2 =	vmin.u32 v2, $0x1400  }
0xc1: {  	s23 =	smov.u32 @p0 s22;
	[tilespmem:s20+$0x5000] =	vst v2  }
0xc2: {  	v2 =	vld [tilespmem:s23+$0x0];
	_ =	sdelay $0x4  }
0xc3: {  	v2 =	vadd.s32 $0xFFFFEC00, v2  }
0xc4: {  	s22 =	sadd.s32 $0x2820, s20;
	s23 =	sadd.s32 $0x20, s20;
	v2 =	vmin.u32 v2, $0x1400  }
0xc5: {  	s23 =	smov.u32 @p0 s22;
	[tilespmem:s20+$0x5010] =	vst v2  }
0xc6: {  	v2 =	vld [tilespmem:s23+$0x0];
	_ =	sdelay $0x4  }
0xc7: {  	v2 =	vadd.s32 $0xFFFFEC00, v2  }
0xc8: {  	s22 =	sadd.s32 $0x2830, s20;
	s23 =	sadd.s32 $0x30, s20;
	v2 =	vmin.u32 v2, $0x1400  }
0xc9: {  	s23 =	smov.u32 @p0 s22;
	[tilespmem:s20+$0x5020] =	vst v2  }
0xca: {  	v2 =	vld [tilespmem:s23+$0x0];
	_ =	sdelay $0x4  }
0xcb: {  	v2 =	vadd.s32 $0xFFFFEC00, v2  }
0xcc: {  	s22 =	sadd.s32 $0x2840, s20;
	s23 =	sadd.s32 $0x40, s20;
	v2 =	vmin.u32 v2, $0x1400  }
0xcd: {  	s23 =	smov.u32 @p0 s22;
	[tilespmem:s20+$0x5030] =	vst v2  }
0xce: {  	v2 =	vld [tilespmem:s23+$0x0];
	_ =	sdelay $0x4  }
0xcf: {  	v2 =	vadd.s32 $0xFFFFEC00, v2  }
0xd0: {  	s22 =	sadd.s32 $0x2850, s20;
	s23 =	sadd.s32 $0x50, s20;
	v2 =	vmin.u32 v2, $0x1400  }
0xd1: {  	s23 =	smov.u32 @p0 s22;
	[tilespmem:s20+$0x5040] =	vst v2  }
0xd2: {  	v2 =	vld [tilespmem:s23+$0x0];
	_ =	sdelay $0x4  }
0xd3: {  	v2 =	vadd.s32 $0xFFFFEC00, v2  }
0xd4: {  	s22 =	sadd.s32 $0x2860, s20;
	s23 =	sadd.s32 $0x60, s20;
	v2 =	vmin.u32 v2, $0x1400  }
0xd5: {  	s23 =	smov.u32 @p0 s22;
	[tilespmem:s20+$0x5050] =	vst v2  }
0xd6: {  	v2 =	vld [tilespmem:s23+$0x0];
	_ =	sdelay $0x4  }
0xd7: {  	v2 =	vadd.s32 $0xFFFFEC00, v2  }
0xd8: {  	s22 =	sadd.s32 $0x70, s20;
	s23 =	sadd.s32 $0x2870, s20;
	v2 =	vmin.u32 v2, $0x1400  }
0xd9: {  	s22 =	smov.u32 @p0 s23;
	[tilespmem:s20+$0x5060] =	vst v2  }
0xda: {  	v2 =	vld [tilespmem:s22+$0x0]  }
.Ltmp3:
0xdb: {  	(pc) =	sbr.rel @p1 .LBB2_8-.Ltmp3, $2  }
0xdc: {  	_ =	sdelay $0x2  }
0xdd: {  	s22 =	sshra.s32 s21, $0x2;
	s21 =	sadd.s32 $0x200, s21;
	v2 =	vadd.s32 $0xFFFFEC00, v2  }
0xde: {  	s21 =	sadd.s32 $0x2800, s22;
	v2 =	vmin.u32 v2, $0x1400;
	s23 =	smov.u32 s22  }
0xdf: {  	s23 =	smov.u32 @p0 s21;
	[tilespmem:s20+$0x5070] =	vst v2  }
0xe0: {  	v2 =	vld [tilespmem:s23+$0x0];
	_ =	sdelay $0x4  }
0xe1: {  	v2 =	vadd.s32 $0xFFFFEC00, v2  }
0xe2: {  	s20 =	sadd.s32 $0x2810, s22;
	s21 =	sadd.s32 $0x10, s22;
	v2 =	vmin.u32 v2, $0x1400  }
0xe3: {  	s21 =	smov.u32 @p0 s20;
	[tilespmem:s22+$0x5000] =	vst v2  }
0xe4: {  	v2 =	vld [tilespmem:s21+$0x0];
	_ =	sdelay $0x4  }
0xe5: {  	v2 =	vadd.s32 $0xFFFFEC00, v2  }
0xe6: {  	s20 =	sadd.s32 $0x2820, s22;
	s21 =	sadd.s32 $0x20, s22;
	v2 =	vmin.u32 v2, $0x1400  }
0xe7: {  	s21 =	smov.u32 @p0 s20;
	[tilespmem:s22+$0x5010] =	vst v2  }
0xe8: {  	v2 =	vld [tilespmem:s21+$0x0];
	_ =	sdelay $0x4  }
0xe9: {  	v2 =	vadd.s32 $0xFFFFEC00, v2  }
0xea: {  	s20 =	sadd.s32 $0x2830, s22;
	s21 =	sadd.s32 $0x30, s22;
	v2 =	vmin.u32 v2, $0x1400  }
0xeb: {  	s21 =	smov.u32 @p0 s20;
	[tilespmem:s22+$0x5020] =	vst v2  }
0xec: {  	v2 =	vld [tilespmem:s21+$0x0];
	_ =	sdelay $0x4  }
0xed: {  	v2 =	vadd.s32 $0xFFFFEC00, v2  }
0xee: {  	s20 =	sadd.s32 $0x2840, s22;
	s21 =	sadd.s32 $0x40, s22;
	v2 =	vmin.u32 v2, $0x1400  }
0xef: {  	s21 =	smov.u32 @p0 s20;
	[tilespmem:s22+$0x5030] =	vst v2  }
0xf0: {  	v2 =	vld [tilespmem:s21+$0x0];
	_ =	sdelay $0x4  }
0xf1: {  	v2 =	vadd.s32 $0xFFFFEC00, v2  }
0xf2: {  	s20 =	sadd.s32 $0x2850, s22;
	s21 =	sadd.s32 $0x50, s22;
	v2 =	vmin.u32 v2, $0x1400  }
0xf3: {  	s21 =	smov.u32 @p0 s20;
	[tilespmem:s22+$0x5040] =	vst v2  }
0xf4: {  	v2 =	vld [tilespmem:s21+$0x0];
	_ =	sdelay $0x4  }
0xf5: {  	v2 =	vadd.s32 $0xFFFFEC00, v2  }
0xf6: {  	s20 =	sadd.s32 $0x2860, s22;
	s21 =	sadd.s32 $0x60, s22;
	v2 =	vmin.u32 v2, $0x1400  }
0xf7: {  	s21 =	smov.u32 @p0 s20;
	[tilespmem:s22+$0x5050] =	vst v2  }
0xf8: {  	v2 =	vld [tilespmem:s21+$0x0];
	_ =	sdelay $0x4  }
0xf9: {  	v2 =	vadd.s32 $0xFFFFEC00, v2  }
0xfa: {  	s20 =	sadd.s32 $0x70, s22;
	s21 =	sadd.s32 $0x2870, s22;
	v2 =	vmin.u32 v2, $0x1400  }
0xfb: {  	s20 =	smov.u32 @p0 s21;
	[tilespmem:s22+$0x5060] =	vst v2  }
0xfc: {  	v2 =	vld [tilespmem:s20+$0x0];
	_ =	sdelay $0x4  }
0xfd: {  	v2 =	vadd.s32 $0xFFFFEC00, v2  }
0xfe: {  	v2 =	vmin.u32 v2, $0x1400  }
0xff: {  	[tilespmem:s22+$0x5070] =	vst v2  }
0x100: {  	[spmem:s6] =	stream.linear.scatter [tilespmem:s14], [sflag:$0x1], $0x4000, $0x38;
	[tilespmem:$0x19C00] =	vst v63  }
0x101: {  	_ =	swait.ge [sflag:s12], $0x4000  }
0x102: {  	[sflag:s12] =	ssyncset.done $0x0  }
0x103: {  	[sflag:s12] =	ssyncadd.s32 $0xFFFFC000  }
0x104: {  	[spmem:s7] =	stream.linear.scatter [tilespmem:s14], [sflag:$0x1], $0x4000, $0x38;
	[tilespmem:$0x19C00] =	vst v63  }
0x105: {  	_ =	swait.ge [sflag:s12], $0x4000  }
0x106: {  	[sflag:s12] =	ssyncset.done $0x0  }
0x107: {  	[sflag:s12] =	ssyncadd.s32 $0xFFFFC000  }
0x108: {  	[spmem:s8] =	stream.linear.scatter [tilespmem:s14], [sflag:$0x1], $0x2400, $0x38;
	[tilespmem:$0x19C00] =	vst v63  }
0x109: {  	_ =	swait.ge [sflag:s12], $0x2400  }
0x10a: {  	[sflag:s12] =	ssyncset.done $0x0  }
0x10b: {  	[sflag:s12] =	ssyncadd.s32 $0xFFFFDC00  }
0x10c: {  	s31 =	simm.s32 $0x5000;
	[bflag:$0x0] =	sbarrier.arrive $0xFFFF  }
0x10d: {  	[spmem:s1] =	stream.indirect.scatter.add.f32 [tilespmem:s16], [sflag:$0x1], $0x80, s31, s15, $0xb8;
	[tilespmem:$0x19C00] =	vst v63  }
0x10e: {  	s20 =	simm.s32 $0x200;
	_ =	swait.ge [sflag:s12], $0x4000  }
.LBB2_10:
0x10f: {  	s21 =	sshra.s32 s20, $0x2;
	[sflag:s12] =	ssyncset.done $0x0;
	p1 =	sne.s32 s20, $0x9E00  }
.Ltmp4:
0x110: {  	s21 =	sadd.s32 $0x5000, s21;
	[sflag:s12] =	ssyncadd.s32 $0xFFFFC000;
	(pc) =	sbr.rel @p1 .LBB2_10-.Ltmp4, $3  }
0x111: {  	[spmem:s1] =	stream.indirect.scatter.add.f32 [tilespmem:s16], [sflag:$0x1], $0x80, s21, s15, $0xb8;
	[tilespmem:$0x19C00] =	vst v63  }
0x112: {  	s20 =	sadd.s32 $0x200, s20;
	_ =	sdelay $0x1  }
0x113: {  	_ =	swait.ge [sflag:s12], $0x4000  }
0x114: {  	[sflag:s12] =	ssyncset.done $0x0;
	s19 =	sadd.s32 $0x1, s19  }
0x115: {  	[sflag:s12] =	ssyncadd.s32 $0xFFFFC000;
	p1 =	sne.s32 s19, s11  }
.Ltmp5:
0x116: {  	[bflag:$0x0] =	sbarrier.arrive $0xFFFF;
	(pc) =	sbr.rel @p1 .LBB2_1-.Ltmp5, $4  }
0x117: {  	[hbm:s10], [sflag:s17] =	dma.local [spmem:s18], $0x1480  }
0x118: {  	_ =	swait.ge [sflag:s12], $0x1480  }
0x119: {  	[sflag:s12] =	ssyncset.done $0x0  }
0x11a: {  	[sflag:s12] =	ssyncadd.s32 $0xFFFFEB80  }
0x11b: {  	_ =	sfence.sel $0x180000  }
0x11c: {  	[bflag:$0x0] =	sbarrier.arrive $0xFFFF  }
0x11d: {  	p0 =	sne.s32 s2, $0x0;
	_ =	strace $0x90000047  }
0x11e: {  	s0 =	sadd.s32 @!p0 $0x100000, s0;
	[bflag:$0x2] =	sbarrier.arrive $0xFFFF  }
0x11f: {  	[sflag:s0] =	ssyncadd.tile.s32 @!p0 $0x1;
	_ =	shalt  }
.Lfunc_end2:
_tile_overlayer_lowered:
.L_overlay_start_2:
0x120: {  	(tag) =	ssettag $0x2  }
0x121: {  	s0 =	rddreg [dreg:$0x0];
	s2 =	stileid.u32  }
0x122: {  	s1 =	rddreg [dreg:$0x1];
	p0 =	sne.s32 s2, $0x0  }
0x123: {  	s3 =	rddreg [dreg:$0x2];
	[bflag:$0x3] =	sbarrier.arrive $0xFFFF;
	s2 =	simm.s32 @!p0 $0x1C01  }
0x124: {  	[timem:s3], [sflag:s2] =	dma.local @!p0 [hbm:s0], s1  }
0x125: {  	s0 =	simm.s32 @!p0 $0x1  }
0x126: {  	_ =	swait.ge @!p0 [sflag:s0], s1  }
0x127: {  	s1 =	ssub.s32 @!p0 $0x0, s1;
	[sflag:s0] =	ssyncset.done @!p0 $0x0  }
0x128: {  	[sflag:s0] =	ssyncadd.s32 @!p0 s1  }
0x129: {  	[bflag:$0x3] =	sbarrier.arrive $0xFFFF  }
0x12a: {  	_ =	shalt  }

</sc_bundles>
